<compile_context>
chip_gen: v7x
topology: tpu7x:2x2x1
jax: 0.10.2.dev20260603
libtpu: 0.0.44.dev20260713+nightly
codegen_flags: <defaults>
</compile_context>

<pallas_src>
import functools

import jax
import jax.numpy as jnp
from jax import lax
from jax.experimental import pallas as pl
from jax.experimental.pallas import tpu as pltpu
from jax.experimental.pallas import tpu_sc as plsc

USER_N = 2000
NODE_N = 10000
CH = 128
HCH = 64
LAYERS = 3
E = 320000
BATCHU = 1024

NT = 16
NPAD = 10240
RPT = NPAD // NT
SUBR = 64
NSUB = RPT // SUBR
EBATCH = 64
SBB = 32
NSB = 10
EB = SBB * NSB
EP = EB * EBATCH * NT
TRASH = NPAD - 1


def _rsqrt16(d):
    u = lax.bitcast_convert_type(d, jnp.int32)
    magic = jnp.full((16,), 0x5F3759DF, jnp.int32)
    h = lax.bitcast_convert_type(magic - lax.shift_right_logical(u, 1), jnp.float32)
    half = d * 0.5
    for _ in range(3):
        h = h * (1.5 - half * h * h)
    return jnp.where(d > 0.5, h, jnp.zeros((16,), jnp.float32))


def _sc_body(srcp, dstp, xh, uidx, zeros_hbm, fin, uemb,
             y_sh, acc_sh, f_hbm, dis_hbm,
             sb_src, sb_dst, ebuf0, ebuf1, ebuf2, ebuf3,
             sem_s0, sem_s1, sem_s2, sem_s3,
             dbuf16):
    rowbuf = ebuf1
    fbuf = ebuf0
    ci = lax.axis_index("c")
    t = lax.axis_index("s")
    row0 = t * RPT
    ones16 = jnp.ones((16,), jnp.float32)

    def fill(ref, nrows, val16):
        def body(r, _):
            for c in range(4):
                ref[r, pl.ds(c * 16, 16)] = val16
            return 0
        lax.fori_loop(0, nrows, body, 0)

    with jax.named_scope("p0_zero"):
        pltpu.sync_copy(zeros_hbm, acc_sh.at[pl.ds(row0, RPT)])
        fill(ebuf0, EBATCH, ones16)
        plsc.subcore_barrier()

    def deg_super(sb, _):
        pltpu.sync_copy(dstp.at[t, pl.ds(sb * SBB, SBB)], sb_dst)

        def deg_fire(j, _):
            pltpu.async_copy(ebuf0, acc_sh.at[sb_dst.at[j]], sem_s0, add=True)
            return 0
        lax.fori_loop(0, SBB, deg_fire, 0)

        def deg_drain(j, _):
            pltpu.make_async_copy(ebuf0, acc_sh.at[sb_dst.at[j]], sem_s0).wait()
            return 0
        lax.fori_loop(0, SBB, deg_drain, 0)
        return 0
    with jax.named_scope("p0_deg"):
        lax.fori_loop(0, NSB, deg_super, 0)
        plsc.subcore_barrier()

    def phase0_sub(sub, _):
        r0 = row0 + sub * SUBR
        pltpu.sync_copy(acc_sh.at[pl.ds(r0, SUBR)], rowbuf)

        def dis_step(r2, _):
            for r in (2 * r2, 2 * r2 + 1):
                dbuf16[r, pl.ds(0, 16)] = _rsqrt16(rowbuf[r, pl.ds(0, 16)])
            return 0
        lax.fori_loop(0, SUBR // 2, dis_step, 0)
        pltpu.sync_copy(dbuf16, dis_hbm.at[ci, pl.ds(r0, SUBR)])

        pltpu.sync_copy(xh.at[ci, pl.ds(r0, SUBR)], rowbuf)

        def scale0(r2, _):
            for r in (2 * r2, 2 * r2 + 1):
                dv = dbuf16[r, pl.ds(0, 16)]
                for c in range(4):
                    cs = pl.ds(c * 16, 16)
                    rowbuf[r, cs] = rowbuf[r, cs] * dv
            return 0
        lax.fori_loop(0, SUBR // 2, scale0, 0)
        pltpu.sync_copy(rowbuf, y_sh.at[pl.ds(r0, SUBR)])
        return 0
    with jax.named_scope("p0_y0"):
        lax.fori_loop(0, NSUB, phase0_sub, 0)
        pltpu.sync_copy(zeros_hbm, acc_sh.at[pl.ds(row0, RPT)])
        plsc.subcore_barrier()

    def edge_phase():
        def edge_super(sb, _):
            pltpu.sync_copy(srcp.at[t, pl.ds(sb * SBB, SBB)], sb_src)
            pltpu.sync_copy(dstp.at[t, pl.ds(sb * SBB, SBB)], sb_dst)

            bufs = (ebuf0, ebuf1, ebuf2, ebuf3)
            sems = (sem_s0, sem_s1, sem_s2, sem_s3)

            def edge_quad(q, _):
                for k in range(4):
                    j = 4 * q + k

                    @pl.when(q > 0)
                    def _(k=k, j=j):
                        pltpu.make_async_copy(
                            bufs[k], acc_sh.at[sb_dst.at[j - 4]],
                            sems[k]).wait()
                    pltpu.sync_copy(y_sh.at[sb_src.at[j]], bufs[k])
                    pltpu.async_copy(bufs[k], acc_sh.at[sb_dst.at[j]],
                                     sems[k], add=True)
                return 0
            lax.fori_loop(0, SBB // 4, edge_quad, 0)
            for k in range(4):
                pltpu.make_async_copy(
                    bufs[k], acc_sh.at[sb_dst.at[SBB - 4 + k]],
                    sems[k]).wait()
            return 0
        lax.fori_loop(0, NSB, edge_super, 0)

    for l in range(LAYERS):
        with jax.named_scope(f"edges{l}"):
            edge_phase()
            plsc.subcore_barrier()

        last = l == LAYERS - 1

        def row_pass(sub, _):
            r0 = row0 + sub * SUBR
            pltpu.sync_copy(acc_sh.at[pl.ds(r0, SUBR)], rowbuf)
            pltpu.sync_copy(dis_hbm.at[ci, pl.ds(r0, SUBR)], dbuf16)
            if l == 0:
                pltpu.sync_copy(rowbuf, f_hbm.at[ci, pl.ds(r0, SUBR)])

                def upd(r2, _):
                    for r in (2 * r2, 2 * r2 + 1):
                        dv = dbuf16[r, pl.ds(0, 16)]
                        dv = dv * dv
                        for c in range(4):
                            cs = pl.ds(c * 16, 16)
                            rowbuf[r, cs] = rowbuf[r, cs] * dv
                    return 0
                lax.fori_loop(0, SUBR // 2, upd, 0)
                pltpu.sync_copy(rowbuf, y_sh.at[pl.ds(r0, SUBR)])
            elif l == 1:
                pltpu.sync_copy(f_hbm.at[ci, pl.ds(r0, SUBR)], fbuf)

                def upd1(r2, _):
                    for r in (2 * r2, 2 * r2 + 1):
                        dv = dbuf16[r, pl.ds(0, 16)]
                        dv = dv * dv
                        for c in range(4):
                            cs = pl.ds(c * 16, 16)
                            fbuf[r, cs] = (rowbuf[r, cs] - fbuf[r, cs]) * dv
                    return 0
                lax.fori_loop(0, SUBR // 2, upd1, 0)
                pltpu.sync_copy(fbuf, y_sh.at[pl.ds(r0, SUBR)])
                pltpu.sync_copy(rowbuf, f_hbm.at[ci, pl.ds(r0, SUBR)])
            else:
                pltpu.sync_copy(xh.at[ci, pl.ds(r0, SUBR)], fbuf)

                def finish(r2, _):
                    for r in (2 * r2, 2 * r2 + 1):
                        dv = dbuf16[r, pl.ds(0, 16)]
                        for c in range(4):
                            cs = pl.ds(c * 16, 16)
                            rowbuf[r, cs] = fbuf[r, cs] + rowbuf[r, cs] * dv
                    return 0
                lax.fori_loop(0, SUBR // 2, finish, 0)
                pltpu.sync_copy(rowbuf, fin.at[ci, pl.ds(r0, SUBR)])
                pltpu.sync_copy(rowbuf, y_sh.at[pl.ds(r0, SUBR)])
            return 0
        with jax.named_scope(f"rows{l}"):
            lax.fori_loop(0, NSUB, row_pass, 0)
            plsc.subcore_barrier()

    pltpu.sync_copy(uidx.at[pl.ds(t * 64, 64)], sb_src.at[0])
    pltpu.sync_copy(y_sh.at[sb_src.at[0]], rowbuf)
    pltpu.sync_copy(rowbuf, uemb.at[ci, pl.ds(t * 64, 64)])


_sc_prop = functools.partial(
    pl.kernel,
    out_type=(
        jax.ShapeDtypeStruct((2, NPAD, HCH), jnp.float32),
        jax.ShapeDtypeStruct((2, BATCHU, HCH), jnp.float32),
    ),
    mesh=plsc.VectorSubcoreMesh(core_axis_name="c", subcore_axis_name="s"),
    scratch_types=[
        pltpu.VMEM_SHARED((NPAD, HCH), jnp.float32),
        pltpu.VMEM_SHARED((NPAD, HCH), jnp.float32),
        pltpu.HBM((2, NPAD, HCH), jnp.float32),
        pltpu.HBM((2, NPAD, 16), jnp.float32),
        pltpu.VMEM((SBB, EBATCH), jnp.int32),
        pltpu.VMEM((SBB, EBATCH), jnp.int32),
        pltpu.VMEM((EBATCH, HCH), jnp.float32),
        pltpu.VMEM((EBATCH, HCH), jnp.float32),
        pltpu.VMEM((EBATCH, HCH), jnp.float32),
        pltpu.VMEM((EBATCH, HCH), jnp.float32),
        pltpu.SemaphoreType.DMA,
        pltpu.SemaphoreType.DMA,
        pltpu.SemaphoreType.DMA,
        pltpu.SemaphoreType.DMA,
        pltpu.VMEM((SUBR, 16), jnp.float32),
    ],
)(_sc_body)


ITEM_N = NODE_N - USER_N
UB = 128


def _mm_body(c0, c1, u0, u1, o):
    dn = (((1,), (1,)), ((), ()))
    o[...] = (
        lax.dot_general(u0[0], c0[0], dn, preferred_element_type=jnp.float32)
        + lax.dot_general(u1[0], c1[0], dn, preferred_element_type=jnp.float32))


def _tc_logits(cand, uemb):
    return pl.pallas_call(
        _mm_body,
        grid=(BATCHU // UB,),
        in_specs=[
            pl.BlockSpec((1, ITEM_N, HCH), lambda i: (0, 0, 0)),
            pl.BlockSpec((1, ITEM_N, HCH), lambda i: (1, 0, 0)),
            pl.BlockSpec((1, UB, HCH), lambda i: (0, i, 0)),
            pl.BlockSpec((1, UB, HCH), lambda i: (1, i, 0)),
        ],
        out_specs=pl.BlockSpec((UB, ITEM_N), lambda i: (i, 0)),
        out_shape=jax.ShapeDtypeStruct((BATCHU, ITEM_N), jnp.float32),
    )(cand, cand, uemb, uemb)


def kernel(edge_index, user_idx, seq, id_emb):
    del seq
    edge_index = edge_index.astype(jnp.int32)
    pad = jnp.full((EP - E,), TRASH, jnp.int32)
    srcp = jnp.concatenate([edge_index[0], pad]).reshape(NT, EB, EBATCH)
    dstp = jnp.concatenate([edge_index[1], pad]).reshape(NT, EB, EBATCH)
    x0 = jnp.pad(id_emb, ((0, NPAD - NODE_N), (0, 0)))
    xh = jnp.stack([x0[:, :HCH], x0[:, HCH:]])
    zeros_blk = jnp.zeros((RPT, HCH), jnp.float32)
    fin, uemb = _sc_prop(srcp, dstp, xh, user_idx.astype(jnp.int32), zeros_blk)
    return _tc_logits(fin[:, USER_N:NODE_N], uemb)

# --- scband reference (transcript-rebuilt; emitter-appended) ---
"""Pipeline reference for scband-light-gcn-9612136808811 (READ-ONLY COPY).

The authoritative reference and input builder live on the scoring server;
editing this copy changes nothing except your own understanding.
"""

import jax, jax.numpy as jnp
import numpy as np

USER_NUM = 2000
ITEM_NUM = 8000
NUM_NODES = USER_NUM + ITEM_NUM
NUM_LAYER = 3
IN_CHANNEL = 128
NUM_EDGES = 320000
BATCH = 1024
HIST = 20


def setup_inputs(seed: int = 0) -> dict:
    key = jax.random.key(seed)
    k1, k2, k3, k4 = jax.random.split(key, 4)
    edge_index = jax.random.randint(k1, (2, NUM_EDGES), 0, NUM_NODES)
    user_idx = jax.random.randint(k2, (BATCH,), 0, USER_NUM)
    seq = jax.random.randint(k3, (BATCH, HIST), 0, ITEM_NUM)
    # glorot init for the id embedding table (fan_in = fan_out treatment as in PyG glorot)
    std = float(np.sqrt(6.0 / (NUM_NODES + IN_CHANNEL)))
    id_emb = jax.random.uniform(k4, (NUM_NODES, IN_CHANNEL), dtype=jnp.float32, minval=-std, maxval=std)
    return {"edge_index": edge_index, "user_idx": user_idx, "seq": seq, "id_emb": id_emb}


def _lgc_conv(x, edge_index):
    # LightGCN propagation: x' = D^{-1/2} A D^{-1/2} x (no weights, no bias)
    src = edge_index[0]
    dst = edge_index[1]
    deg = jax.ops.segment_sum(jnp.ones_like(dst, dtype=x.dtype), dst, num_segments=NUM_NODES)
    deg_inv_sqrt = jnp.where(deg > 0, 1.0 / jnp.sqrt(deg), 0.0)
    norm = deg_inv_sqrt[src] * deg_inv_sqrt[dst]
    msgs = jnp.take(x, src, axis=0) * norm[:, None]
    return jax.ops.segment_sum(msgs, dst, num_segments=NUM_NODES)


def reference(edge_index, user_idx, seq, id_emb):
    # eval-mode forward: layer-averaged embeddings, then user->item logits
    x = id_emb
    final_x = x
    for _ in range(NUM_LAYER):
        x = _lgc_conv(x, edge_index)
        final_x = final_x + x
    final_x = final_x / (NUM_LAYER + 1)
    target_u = jnp.take(final_x, user_idx, axis=0)
    cand_poi = final_x[USER_NUM:]
    logits = target_u @ cand_poi.T
    return logits

if __name__ == "__main__":
    import jax
    _d = setup_inputs()
    print(jax.jit(kernel)(*tuple(_d.values())))

</pallas_src>

<mosaic_0001>
#map = affine_map<(d0, d1) -> (0, 0, 0)>
#map1 = affine_map<(d0, d1) -> (0)>
#map2 = affine_map<(d0, d1) -> (0, 0)>
module attributes {stable_mosaic.version = 14 : i64} {
  func.func @_sc_body(%arg0: i32, %arg1: i32, %arg2: memref<16x320x64xi32, #tpu.memory_space<hbm>>, %arg3: memref<16x320x64xi32, #tpu.memory_space<hbm>>, %arg4: memref<2x10240x64xf32, #tpu.memory_space<hbm>>, %arg5: memref<1024xi32, #tpu.memory_space<hbm>>, %arg6: memref<640x64xf32, #tpu.memory_space<hbm>>, %arg7: memref<2x10240x64xf32, #tpu.memory_space<hbm>>, %arg8: memref<2x1024x64xf32, #tpu.memory_space<hbm>>, %arg9: memref<10240x64xf32, #tpu.memory_space<vmem_shared>>, %arg10: memref<10240x64xf32, #tpu.memory_space<vmem_shared>>, %arg11: memref<2x10240x64xf32, #tpu.memory_space<hbm>>, %arg12: memref<2x10240x16xf32, #tpu.memory_space<hbm>>, %arg13: memref<32x64xi32, #tpu.memory_space<vmem>>, %arg14: memref<32x64xi32, #tpu.memory_space<vmem>>, %arg15: memref<64x64xf32, #tpu.memory_space<vmem>>, %arg16: memref<64x64xf32, #tpu.memory_space<vmem>>, %arg17: memref<64x64xf32, #tpu.memory_space<vmem>>, %arg18: memref<64x64xf32, #tpu.memory_space<vmem>>, %arg19: memref<!tpu.dma_semaphore, #tpu.memory_space<semaphore_mem>>, %arg20: memref<!tpu.dma_semaphore, #tpu.memory_space<semaphore_mem>>, %arg21: memref<!tpu.dma_semaphore, #tpu.memory_space<semaphore_mem>>, %arg22: memref<!tpu.dma_semaphore, #tpu.memory_space<semaphore_mem>>, %arg23: memref<64x16xf32, #tpu.memory_space<vmem>>) attributes {dimension_semantics = [#tpu.dimension_semantics<core_parallel>, #tpu.dimension_semantics<subcore_parallel>], iteration_bounds = array<i64: 2, 16>, scalar_prefetch = 0 : i64, scratch_operands = 15 : i64, tpu.core_type = #tpu.core_type<sc_vector_subcore>, window_params = [{transform_indices = #map}, {transform_indices = #map}, {transform_indices = #map}, {transform_indices = #map1}, {transform_indices = #map2}, {transform_indices = #map}, {transform_indices = #map}]} {
    %mul3A = arith.constant 640 : i32
    %mul3A_0 = arith.muli %arg1, %mul3A : i32
    %broadcast_in_dim3A = arith.constant 1.000000e+00 : f32
    %broadcast_in_dim3A_1 = vector.broadcast %broadcast_in_dim3A : f32 to vector<16xf32>
    "tpu.trace_start"() <{level = 10 : i32, message = "p0_zero"}> : () -> ()
    "tpu.region"() ({
      %run_scoped3A_77 = tpu.sem_alloc : memref<!tpu.dma_semaphore, #tpu.memory_space<semaphore_mem>>
      %dma_start3A = arith.constant 0 : i32
      %dma_start3A_78 = tpu.memref_slice %arg10[%mul3A_0, %dma_start3A] : memref<10240x64xf32, #tpu.memory_space<vmem_shared>> -> memref<640x64xf32, #tpu.memory_space<vmem_shared>>
      tpu.enqueue_dma source(%arg6 : memref<640x64xf32, #tpu.memory_space<hbm>>) target(%dma_start3A_78 : memref<640x64xf32, #tpu.memory_space<vmem_shared>>) target_semaphore(%run_scoped3A_77 : memref<!tpu.dma_semaphore, #tpu.memory_space<semaphore_mem>>)
      %dma_wait3A = arith.constant 0 : i32
      %dma_wait3A_79 = tpu.memref_slice %arg10[%mul3A_0, %dma_wait3A] : memref<10240x64xf32, #tpu.memory_space<vmem_shared>> -> memref<640x64xf32, #tpu.memory_space<vmem_shared>>
      tpu.wait_dma2 semaphore(%run_scoped3A_77 : memref<!tpu.dma_semaphore, #tpu.memory_space<semaphore_mem>>) src(%arg6 : memref<640x64xf32, #tpu.memory_space<hbm>>) dst(%dma_wait3A_79 : memref<640x64xf32, #tpu.memory_space<vmem_shared>>)
      tpu.yield
    }) : () -> ()
    %scan3A = arith.constant 0 : i32
    %scan3A_2 = arith.constant 0 : i32
    %scan3A_3 = arith.constant 64 : i32
    %scan3A_4 = arith.addi %scan3A_2, %scan3A_3 : i32
    %scan3A_5 = arith.constant 1 : i32
    %scan3A_6 = scf.for %scan3A_77 = %scan3A_2 to %scan3A_4 step %scan3A_5 iter_args(%scan3A_78 = %scan3A) -> (i32)  : i32 {
      %swap3A = arith.index_cast %scan3A_77 : i32 to index
      %swap3A_79 = arith.constant 0 : index
      %swap3A_80 = tpu.vector_load %arg15[%swap3A, %swap3A_79] {strides = array<i32>} : memref<64x64xf32, #tpu.memory_space<vmem>>, vector<1x16xf32>,
      %swap3A_81 = vector.shape_cast %swap3A_80 : vector<1x16xf32> to vector<16xf32>
      %swap3A_82 = vector.shape_cast %broadcast_in_dim3A_1 : vector<16xf32> to vector<1x16xf32>
      tpu.vector_store %arg15[%swap3A, %swap3A_79], %swap3A_82 {strides = array<i32>} : memref<64x64xf32, #tpu.memory_space<vmem>>, vector<1x16xf32>,
      %swap3A_83 = arith.index_cast %scan3A_77 : i32 to index
      %swap3A_84 = arith.constant 16 : index
      %swap3A_85 = tpu.vector_load %arg15[%swap3A_83, %swap3A_84] {strides = array<i32>} : memref<64x64xf32, #tpu.memory_space<vmem>>, vector<1x16xf32>,
      %swap3A_86 = vector.shape_cast %swap3A_85 : vector<1x16xf32> to vector<16xf32>
      %swap3A_87 = vector.shape_cast %broadcast_in_dim3A_1 : vector<16xf32> to vector<1x16xf32>
      tpu.vector_store %arg15[%swap3A_83, %swap3A_84], %swap3A_87 {strides = array<i32>} : memref<64x64xf32, #tpu.memory_space<vmem>>, vector<1x16xf32>,
      %swap3A_88 = arith.index_cast %scan3A_77 : i32 to index
      %swap3A_89 = arith.constant 32 : index
      %swap3A_90 = tpu.vector_load %arg15[%swap3A_88, %swap3A_89] {strides = array<i32>} : memref<64x64xf32, #tpu.memory_space<vmem>>, vector<1x16xf32>,
      %swap3A_91 = vector.shape_cast %swap3A_90 : vector<1x16xf32> to vector<16xf32>
      %swap3A_92 = vector.shape_cast %broadcast_in_dim3A_1 : vector<16xf32> to vector<1x16xf32>
      tpu.vector_store %arg15[%swap3A_88, %swap3A_89], %swap3A_92 {strides = array<i32>} : memref<64x64xf32, #tpu.memory_space<vmem>>, vector<1x16xf32>,
      %swap3A_93 = arith.index_cast %scan3A_77 : i32 to index
      %swap3A_94 = arith.constant 48 : index
      %swap3A_95 = tpu.vector_load %arg15[%swap3A_93, %swap3A_94] {strides = array<i32>} : memref<64x64xf32, #tpu.memory_space<vmem>>, vector<1x16xf32>,
      %swap3A_96 = vector.shape_cast %swap3A_95 : vector<1x16xf32> to vector<16xf32>
      %swap3A_97 = vector.shape_cast %broadcast_in_dim3A_1 : vector<16xf32> to vector<1x16xf32>
      tpu.vector_store %arg15[%swap3A_93, %swap3A_94], %swap3A_97 {strides = array<i32>} : memref<64x64xf32, #tpu.memory_space<vmem>>, vector<1x16xf32>,
      %scan3A_98 = arith.constant 0 : i32
      scf.yield %scan3A_98 : i32
    }
    %scan3A_7 = arith.constant 64 : i32
    %barrier3A = arith.constant 0 : index
    tpu.barrier barrier_id(%barrier3A)
    "tpu.trace_stop"() : () -> ()
    "tpu.trace_start"() <{level = 10 : i32, message = "p0_deg"}> : () -> ()
    %scan3A_8 = arith.constant 0 : i32
    %scan3A_9 = arith.constant 0 : i32
    %scan3A_10 = arith.constant 10 : i32
    %scan3A_11 = arith.addi %scan3A_9, %scan3A_10 : i32
    %scan3A_12 = arith.constant 1 : i32
    %scan3A_13 = scf.for %scan3A_77 = %scan3A_9 to %scan3A_11 step %scan3A_12 iter_args(%scan3A_78 = %scan3A_8) -> (i32)  : i32 {
      %mul3A_79 = arith.constant 32 : i32
      %mul3A_80 = arith.muli %scan3A_77, %mul3A_79 : i32
      "tpu.region"() ({
        %run_scoped3A_96 = tpu.sem_alloc : memref<!tpu.dma_semaphore, #tpu.memory_space<semaphore_mem>>
        %dma_start3A = arith.constant 0 : i32
        %dma_start3A_97 = tpu.memref_slice %arg3[%arg1, %mul3A_80, %dma_start3A] : memref<16x320x64xi32, #tpu.memory_space<hbm>> -> memref<1x32x64xi32, #tpu.memory_space<hbm>>
        %dma_start3A_98 = tpu.memref_squeeze %dma_start3A_97 : memref<1x32x64xi32, #tpu.memory_space<hbm>> -> memref<32x64xi32, #tpu.memory_space<hbm>>
        %dma_start3A_99 = arith.constant 0 : i32
        %dma_start3A_100 = tpu.memref_slice %arg3[%arg1, %mul3A_80, %dma_start3A_99] : memref<16x320x64xi32, #tpu.memory_space<hbm>> -> memref<1x32x64xi32, #tpu.memory_space<hbm>>
        %dma_start3A_101 = tpu.memref_squeeze %dma_start3A_100 : memref<1x32x64xi32, #tpu.memory_space<hbm>> -> memref<32x64xi32, #tpu.memory_space<hbm>>
        tpu.enqueue_dma source(%dma_start3A_101 : memref<32x64xi32, #tpu.memory_space<hbm>>) target(%arg14 : memref<32x64xi32, #tpu.memory_space<vmem>>) target_semaphore(%run_scoped3A_96 : memref<!tpu.dma_semaphore, #tpu.memory_space<semaphore_mem>>)
        %dma_wait3A = arith.constant 0 : i32
        %dma_wait3A_102 = tpu.memref_slice %arg3[%arg1, %mul3A_80, %dma_wait3A] : memref<16x320x64xi32, #tpu.memory_space<hbm>> -> memref<1x32x64xi32, #tpu.memory_space<hbm>>
        %dma_wait3A_103 = tpu.memref_squeeze %dma_wait3A_102 : memref<1x32x64xi32, #tpu.memory_space<hbm>> -> memref<32x64xi32, #tpu.memory_space<hbm>>
        %dma_wait3A_104 = arith.constant 0 : i32
        %dma_wait3A_105 = tpu.memref_slice %arg3[%arg1, %mul3A_80, %dma_wait3A_104] : memref<16x320x64xi32, #tpu.memory_space<hbm>> -> memref<1x32x64xi32, #tpu.memory_space<hbm>>
        %dma_wait3A_106 = tpu.memref_squeeze %dma_wait3A_105 : memref<1x32x64xi32, #tpu.memory_space<hbm>> -> memref<32x64xi32, #tpu.memory_space<hbm>>
        tpu.wait_dma2 semaphore(%run_scoped3A_96 : memref<!tpu.dma_semaphore, #tpu.memory_space<semaphore_mem>>) src(%dma_wait3A_106 : memref<32x64xi32, #tpu.memory_space<hbm>>) dst(%arg14 : memref<32x64xi32, #tpu.memory_space<vmem>>)
        tpu.yield
      }) : () -> ()
      %scan3A_81 = arith.constant 0 : i32
      %scan3A_82 = arith.constant 0 : i32
      %scan3A_83 = arith.constant 32 : i32
      %scan3A_84 = arith.addi %scan3A_82, %scan3A_83 : i32
      %scan3A_85 = arith.constant 1 : i32
      %scan3A_86 = scf.for %scan3A_96 = %scan3A_82 to %scan3A_84 step %scan3A_85 iter_args(%scan3A_97 = %scan3A_81) -> (i32)  : i32 {
        %dma_start3A = arith.constant 0 : i32
        %dma_start3A_98 = tpu.memref_slice %arg14[%scan3A_96, %dma_start3A] : memref<32x64xi32, #tpu.memory_space<vmem>> -> memref<1x64xi32, #tpu.memory_space<vmem>>
        %dma_start3A_99 = tpu.memref_squeeze %dma_start3A_98 : memref<1x64xi32, #tpu.memory_space<vmem>> -> memref<64xi32, #tpu.memory_space<vmem>>
        %dma_start3A_100 = arith.constant 0 : i32
        %dma_start3A_101 = arith.constant 0 : i32
        %dma_start3A_102 = tpu.memref_slice %arg10[%dma_start3A_100, %dma_start3A_101] : memref<10240x64xf32, #tpu.memory_space<vmem_shared>> -> memref<10240x64xf32, #tpu.memory_space<vmem_shared>>
        tpu.enqueue_indirect_dma source(%arg15 : memref<64x64xf32, #tpu.memory_space<vmem>>) target(%dma_start3A_102 : memref<10240x64xf32, #tpu.memory_space<vmem_shared>>) offsets(%dma_start3A_99 : memref<64xi32, #tpu.memory_space<vmem>>) semaphore(%arg19 : memref<!tpu.dma_semaphore, #tpu.memory_space<semaphore_mem>>) {add = true}
        %scan3A_103 = arith.constant 0 : i32
        scf.yield %scan3A_103 : i32
      }
      %scan3A_87 = arith.constant 32 : i32
      %scan3A_88 = arith.constant 0 : i32
      %scan3A_89 = arith.constant 0 : i32
      %scan3A_90 = arith.constant 32 : i32
      %scan3A_91 = arith.addi %scan3A_89, %scan3A_90 : i32
      %scan3A_92 = arith.constant 1 : i32
      %scan3A_93 = scf.for %scan3A_96 = %scan3A_89 to %scan3A_91 step %scan3A_92 iter_args(%scan3A_97 = %scan3A_88) -> (i32)  : i32 {
        %dma_wait3A = arith.constant 0 : i32
        %dma_wait3A_98 = tpu.memref_slice %arg14[%scan3A_96, %dma_wait3A] : memref<32x64xi32, #tpu.memory_space<vmem>> -> memref<1x64xi32, #tpu.memory_space<vmem>>
        %dma_wait3A_99 = tpu.memref_squeeze %dma_wait3A_98 : memref<1x64xi32, #tpu.memory_space<vmem>> -> memref<64xi32, #tpu.memory_space<vmem>>
        %dma_wait3A_100 = arith.constant 0 : i32
        %dma_wait3A_101 = arith.constant 0 : i32
        %dma_wait3A_102 = tpu.memref_slice %arg10[%dma_wait3A_100, %dma_wait3A_101] : memref<10240x64xf32, #tpu.memory_space<vmem_shared>> -> memref<10240x64xf32, #tpu.memory_space<vmem_shared>>
        tpu.wait_indirect_dma semaphore(%arg19 : memref<!tpu.dma_semaphore, #tpu.memory_space<semaphore_mem>>) src(%arg15 : memref<64x64xf32, #tpu.memory_space<vmem>>) dst(%dma_wait3A_102 : memref<10240x64xf32, #tpu.memory_space<vmem_shared>>)
        %scan3A_103 = arith.constant 0 : i32
        scf.yield %scan3A_103 : i32
      }
      %scan3A_94 = arith.constant 32 : i32
      %scan3A_95 = arith.constant 0 : i32
      scf.yield %scan3A_95 : i32
    }
    %scan3A_14 = arith.constant 10 : i32
    %barrier3A_15 = arith.constant 0 : index
    tpu.barrier barrier_id(%barrier3A_15)
    "tpu.trace_stop"() : () -> ()
    "tpu.trace_start"() <{level = 10 : i32, message = "p0_y0"}> : () -> ()
    %scan3A_16 = arith.constant 0 : i32
    %scan3A_17 = arith.constant 0 : i32
    %scan3A_18 = arith.constant 10 : i32
    %scan3A_19 = arith.addi %scan3A_17, %scan3A_18 : i32
    %scan3A_20 = arith.constant 1 : i32
    %scan3A_21 = scf.for %scan3A_77 = %scan3A_17 to %scan3A_19 step %scan3A_20 iter_args(%scan3A_78 = %scan3A_16) -> (i32)  : i32 {
      %mul3A_79 = arith.constant 64 : i32
      %mul3A_80 = arith.muli %scan3A_77, %mul3A_79 : i32
      %add3A = arith.addi %mul3A_0, %mul3A_80 : i32
      "tpu.region"() ({
        %run_scoped3A_96 = tpu.sem_alloc : memref<!tpu.dma_semaphore, #tpu.memory_space<semaphore_mem>>
        %dma_start3A = arith.constant 0 : i32
        %dma_start3A_97 = tpu.memref_slice %arg10[%add3A, %dma_start3A] : memref<10240x64xf32, #tpu.memory_space<vmem_shared>> -> memref<64x64xf32, #tpu.memory_space<vmem_shared>>
        %dma_start3A_98 = arith.constant 0 : i32
        %dma_start3A_99 = tpu.memref_slice %arg10[%add3A, %dma_start3A_98] : memref<10240x64xf32, #tpu.memory_space<vmem_shared>> -> memref<64x64xf32, #tpu.memory_space<vmem_shared>>
        tpu.enqueue_dma source(%dma_start3A_99 : memref<64x64xf32, #tpu.memory_space<vmem_shared>>) target(%arg16 : memref<64x64xf32, #tpu.memory_space<vmem>>) target_semaphore(%run_scoped3A_96 : memref<!tpu.dma_semaphore, #tpu.memory_space<semaphore_mem>>)
        %dma_wait3A = arith.constant 0 : i32
        %dma_wait3A_100 = tpu.memref_slice %arg10[%add3A, %dma_wait3A] : memref<10240x64xf32, #tpu.memory_space<vmem_shared>> -> memref<64x64xf32, #tpu.memory_space<vmem_shared>>
        %dma_wait3A_101 = arith.constant 0 : i32
        %dma_wait3A_102 = tpu.memref_slice %arg10[%add3A, %dma_wait3A_101] : memref<10240x64xf32, #tpu.memory_space<vmem_shared>> -> memref<64x64xf32, #tpu.memory_space<vmem_shared>>
        tpu.wait_dma2 semaphore(%run_scoped3A_96 : memref<!tpu.dma_semaphore, #tpu.memory_space<semaphore_mem>>) src(%dma_wait3A_102 : memref<64x64xf32, #tpu.memory_space<vmem_shared>>) dst(%arg16 : memref<64x64xf32, #tpu.memory_space<vmem>>)
        tpu.yield
      }) : () -> ()
      %scan3A_81 = arith.constant 0 : i32
      %scan3A_82 = arith.constant 0 : i32
      %scan3A_83 = arith.constant 32 : i32
      %scan3A_84 = arith.addi %scan3A_82, %scan3A_83 : i32
      %scan3A_85 = arith.constant 1 : i32
      %scan3A_86 = scf.for %scan3A_96 = %scan3A_82 to %scan3A_84 step %scan3A_85 iter_args(%scan3A_97 = %scan3A_81) -> (i32)  : i32 {
        %mul3A_98 = arith.constant 2 : i32
        %mul3A_99 = arith.muli %mul3A_98, %scan3A_96 : i32
        %mul3A_100 = arith.constant 2 : i32
        %mul3A_101 = arith.muli %mul3A_100, %scan3A_96 : i32
        %add3A_102 = arith.constant 1 : i32
        %add3A_103 = arith.addi %mul3A_101, %add3A_102 : i32
        %get3A = arith.index_cast %mul3A_99 : i32 to index
        %get3A_104 = arith.constant 0 : index
        %get3A_105 = tpu.vector_load %arg16[%get3A, %get3A_104] {strides = array<i32>} : memref<64x64xf32, #tpu.memory_space<vmem>>, vector<1x16xf32>,
        %get3A_106 = vector.shape_cast %get3A_105 : vector<1x16xf32> to vector<16xf32>
        %bitcast_convert_type3A = tpu.bitcast %get3A_106 : vector<16xf32> -> vector<16xi32>
        %broadcast_in_dim3A_107 = arith.constant 1597463007 : i32
        %broadcast_in_dim3A_108 = vector.broadcast %broadcast_in_dim3A_107 : i32 to vector<16xi32>
        %shift_right_logical3A = arith.constant 1 : i32
        %shift_right_logical3A_109 = vector.broadcast %shift_right_logical3A : i32 to vector<16xi32>
        %shift_right_logical3A_110 = arith.shrui %bitcast_convert_type3A, %shift_right_logical3A_109 : vector<16xi32>
        %sub3A = arith.subi %broadcast_in_dim3A_108, %shift_right_logical3A_110 : vector<16xi32>
        %bitcast_convert_type3A_111 = tpu.bitcast %sub3A : vector<16xi32> -> vector<16xf32>
        %mul3A_112 = arith.constant 5.000000e-01 : f32
        %mul3A_113 = vector.broadcast %mul3A_112 : f32 to vector<16xf32>
        %mul3A_114 = arith.mulf %get3A_106, %mul3A_113 : vector<16xf32>
        %mul3A_115 = arith.mulf %mul3A_114, %bitcast_convert_type3A_111 : vector<16xf32>
        %mul3A_116 = arith.mulf %mul3A_115, %bitcast_convert_type3A_111 : vector<16xf32>
        %sub3A_117 = arith.constant 1.500000e+00 : f32
        %sub3A_118 = vector.broadcast %sub3A_117 : f32 to vector<16xf32>
        %sub3A_119 = arith.subf %sub3A_118, %mul3A_116 : vector<16xf32>
        %mul3A_120 = arith.mulf %bitcast_convert_type3A_111, %sub3A_119 : vector<16xf32>
        %mul3A_121 = arith.mulf %mul3A_114, %mul3A_120 : vector<16xf32>
        %mul3A_122 = arith.mulf %mul3A_121, %mul3A_120 : vector<16xf32>
        %sub3A_123 = arith.constant 1.500000e+00 : f32
        %sub3A_124 = vector.broadcast %sub3A_123 : f32 to vector<16xf32>
        %sub3A_125 = arith.subf %sub3A_124, %mul3A_122 : vector<16xf32>
        %mul3A_126 = arith.mulf %mul3A_120, %sub3A_125 : vector<16xf32>
        %mul3A_127 = arith.mulf %mul3A_114, %mul3A_126 : vector<16xf32>
        %mul3A_128 = arith.mulf %mul3A_127, %mul3A_126 : vector<16xf32>
        %sub3A_129 = arith.constant 1.500000e+00 : f32
        %sub3A_130 = vector.broadcast %sub3A_129 : f32 to vector<16xf32>
        %sub3A_131 = arith.subf %sub3A_130, %mul3A_128 : vector<16xf32>
        %mul3A_132 = arith.mulf %mul3A_126, %sub3A_131 : vector<16xf32>
        %gt3A = arith.constant 5.000000e-01 : f32
        %gt3A_133 = vector.broadcast %gt3A : f32 to vector<16xf32>
        %gt3A_134 = arith.cmpf ogt, %get3A_106, %gt3A_133 : vector<16xf32>
        %broadcast_in_dim3A_135 = arith.constant 0.000000e+00 : f32
        %broadcast_in_dim3A_136 = vector.broadcast %broadcast_in_dim3A_135 : f32 to vector<16xf32>
        %select_n3A = arith.select %gt3A_134, %mul3A_132, %broadcast_in_dim3A_136 : vector<16xi1>, vector<16xf32>
        %swap3A = arith.index_cast %mul3A_99 : i32 to index
        %swap3A_137 = arith.constant 0 : index
        %swap3A_138 = tpu.vector_load %arg23[%swap3A, %swap3A_137] {strides = array<i32>} : memref<64x16xf32, #tpu.memory_space<vmem>>, vector<1x16xf32>,
        %swap3A_139 = vector.shape_cast %swap3A_138 : vector<1x16xf32> to vector<16xf32>
        %swap3A_140 = vector.shape_cast %select_n3A : vector<16xf32> to vector<1x16xf32>
        tpu.vector_store %arg23[%swap3A, %swap3A_137], %swap3A_140 {strides = array<i32>} : memref<64x16xf32, #tpu.memory_space<vmem>>, vector<1x16xf32>,
        %get3A_141 = arith.index_cast %add3A_103 : i32 to index
        %get3A_142 = arith.constant 0 : index
        %get3A_143 = tpu.vector_load %arg16[%get3A_141, %get3A_142] {strides = array<i32>} : memref<64x64xf32, #tpu.memory_space<vmem>>, vector<1x16xf32>,
        %get3A_144 = vector.shape_cast %get3A_143 : vector<1x16xf32> to vector<16xf32>
        %bitcast_convert_type3A_145 = tpu.bitcast %get3A_144 : vector<16xf32> -> vector<16xi32>
        %broadcast_in_dim3A_146 = arith.constant 1597463007 : i32
        %broadcast_in_dim3A_147 = vector.broadcast %broadcast_in_dim3A_146 : i32 to vector<16xi32>
        %shift_right_logical3A_148 = arith.constant 1 : i32
        %shift_right_logical3A_149 = vector.broadcast %shift_right_logical3A_148 : i32 to vector<16xi32>
        %shift_right_logical3A_150 = arith.shrui %bitcast_convert_type3A_145, %shift_right_logical3A_149 : vector<16xi32>
        %sub3A_151 = arith.subi %broadcast_in_dim3A_147, %shift_right_logical3A_150 : vector<16xi32>
        %bitcast_convert_type3A_152 = tpu.bitcast %sub3A_151 : vector<16xi32> -> vector<16xf32>
        %mul3A_153 = arith.constant 5.000000e-01 : f32
        %mul3A_154 = vector.broadcast %mul3A_153 : f32 to vector<16xf32>
        %mul3A_155 = arith.mulf %get3A_144, %mul3A_154 : vector<16xf32>
        %mul3A_156 = arith.mulf %mul3A_155, %bitcast_convert_type3A_152 : vector<16xf32>
        %mul3A_157 = arith.mulf %mul3A_156, %bitcast_convert_type3A_152 : vector<16xf32>
        %sub3A_158 = arith.constant 1.500000e+00 : f32
        %sub3A_159 = vector.broadcast %sub3A_158 : f32 to vector<16xf32>
        %sub3A_160 = arith.subf %sub3A_159, %mul3A_157 : vector<16xf32>
        %mul3A_161 = arith.mulf %bitcast_convert_type3A_152, %sub3A_160 : vector<16xf32>
        %mul3A_162 = arith.mulf %mul3A_155, %mul3A_161 : vector<16xf32>
        %mul3A_163 = arith.mulf %mul3A_162, %mul3A_161 : vector<16xf32>
        %sub3A_164 = arith.constant 1.500000e+00 : f32
        %sub3A_165 = vector.broadcast %sub3A_164 : f32 to vector<16xf32>
        %sub3A_166 = arith.subf %sub3A_165, %mul3A_163 : vector<16xf32>
        %mul3A_167 = arith.mulf %mul3A_161, %sub3A_166 : vector<16xf32>
        %mul3A_168 = arith.mulf %mul3A_155, %mul3A_167 : vector<16xf32>
        %mul3A_169 = arith.mulf %mul3A_168, %mul3A_167 : vector<16xf32>
        %sub3A_170 = arith.constant 1.500000e+00 : f32
        %sub3A_171 = vector.broadcast %sub3A_170 : f32 to vector<16xf32>
        %sub3A_172 = arith.subf %sub3A_171, %mul3A_169 : vector<16xf32>
        %mul3A_173 = arith.mulf %mul3A_167, %sub3A_172 : vector<16xf32>
        %gt3A_174 = arith.constant 5.000000e-01 : f32
        %gt3A_175 = vector.broadcast %gt3A_174 : f32 to vector<16xf32>
        %gt3A_176 = arith.cmpf ogt, %get3A_144, %gt3A_175 : vector<16xf32>
        %broadcast_in_dim3A_177 = arith.constant 0.000000e+00 : f32
        %broadcast_in_dim3A_178 = vector.broadcast %broadcast_in_dim3A_177 : f32 to vector<16xf32>
        %select_n3A_179 = arith.select %gt3A_176, %mul3A_173, %broadcast_in_dim3A_178 : vector<16xi1>, vector<16xf32>
        %swap3A_180 = arith.index_cast %add3A_103 : i32 to index
        %swap3A_181 = arith.constant 0 : index
        %swap3A_182 = tpu.vector_load %arg23[%swap3A_180, %swap3A_181] {strides = array<i32>} : memref<64x16xf32, #tpu.memory_space<vmem>>, vector<1x16xf32>,
        %swap3A_183 = vector.shape_cast %swap3A_182 : vector<1x16xf32> to vector<16xf32>
        %swap3A_184 = vector.shape_cast %select_n3A_179 : vector<16xf32> to vector<1x16xf32>
        tpu.vector_store %arg23[%swap3A_180, %swap3A_181], %swap3A_184 {strides = array<i32>} : memref<64x16xf32, #tpu.memory_space<vmem>>, vector<1x16xf32>,
        %scan3A_185 = arith.constant 0 : i32
        scf.yield %scan3A_185 : i32
      }
      %scan3A_87 = arith.constant 32 : i32
      "tpu.region"() ({
        %run_scoped3A_96 = tpu.sem_alloc : memref<!tpu.dma_semaphore, #tpu.memory_space<semaphore_mem>>
        %dma_start3A = arith.constant 0 : i32
        %dma_start3A_97 = tpu.memref_slice %arg12[%arg0, %add3A, %dma_start3A] : memref<2x10240x16xf32, #tpu.memory_space<hbm>> -> memref<1x64x16xf32, #tpu.memory_space<hbm>>
        %dma_start3A_98 = tpu.memref_squeeze %dma_start3A_97 : memref<1x64x16xf32, #tpu.memory_space<hbm>> -> memref<64x16xf32, #tpu.memory_space<hbm>>
        %dma_start3A_99 = arith.constant 0 : i32
        %dma_start3A_100 = tpu.memref_slice %arg12[%arg0, %add3A, %dma_start3A_99] : memref<2x10240x16xf32, #tpu.memory_space<hbm>> -> memref<1x64x16xf32, #tpu.memory_space<hbm>>
        %dma_start3A_101 = tpu.memref_squeeze %dma_start3A_100 : memref<1x64x16xf32, #tpu.memory_space<hbm>> -> memref<64x16xf32, #tpu.memory_space<hbm>>
        tpu.enqueue_dma source(%arg23 : memref<64x16xf32, #tpu.memory_space<vmem>>) target(%dma_start3A_101 : memref<64x16xf32, #tpu.memory_space<hbm>>) target_semaphore(%run_scoped3A_96 : memref<!tpu.dma_semaphore, #tpu.memory_space<semaphore_mem>>)
        %dma_wait3A = arith.constant 0 : i32
        %dma_wait3A_102 = tpu.memref_slice %arg12[%arg0, %add3A, %dma_wait3A] : memref<2x10240x16xf32, #tpu.memory_space<hbm>> -> memref<1x64x16xf32, #tpu.memory_space<hbm>>
        %dma_wait3A_103 = tpu.memref_squeeze %dma_wait3A_102 : memref<1x64x16xf32, #tpu.memory_space<hbm>> -> memref<64x16xf32, #tpu.memory_space<hbm>>
        %dma_wait3A_104 = arith.constant 0 : i32
        %dma_wait3A_105 = tpu.memref_slice %arg12[%arg0, %add3A, %dma_wait3A_104] : memref<2x10240x16xf32, #tpu.memory_space<hbm>> -> memref<1x64x16xf32, #tpu.memory_space<hbm>>
        %dma_wait3A_106 = tpu.memref_squeeze %dma_wait3A_105 : memref<1x64x16xf32, #tpu.memory_space<hbm>> -> memref<64x16xf32, #tpu.memory_space<hbm>>
        tpu.wait_dma2 semaphore(%run_scoped3A_96 : memref<!tpu.dma_semaphore, #tpu.memory_space<semaphore_mem>>) src(%arg23 : memref<64x16xf32, #tpu.memory_space<vmem>>) dst(%dma_wait3A_106 : memref<64x16xf32, #tpu.memory_space<hbm>>)
        tpu.yield
      }) : () -> ()
      "tpu.region"() ({
        %run_scoped3A_96 = tpu.sem_alloc : memref<!tpu.dma_semaphore, #tpu.memory_space<semaphore_mem>>
        %dma_start3A = arith.constant 0 : i32
        %dma_start3A_97 = tpu.memref_slice %arg4[%arg0, %add3A, %dma_start3A] : memref<2x10240x64xf32, #tpu.memory_space<hbm>> -> memref<1x64x64xf32, #tpu.memory_space<hbm>>
        %dma_start3A_98 = tpu.memref_squeeze %dma_start3A_97 : memref<1x64x64xf32, #tpu.memory_space<hbm>> -> memref<64x64xf32, #tpu.memory_space<hbm>>
        %dma_start3A_99 = arith.constant 0 : i32
        %dma_start3A_100 = tpu.memref_slice %arg4[%arg0, %add3A, %dma_start3A_99] : memref<2x10240x64xf32, #tpu.memory_space<hbm>> -> memref<1x64x64xf32, #tpu.memory_space<hbm>>
        %dma_start3A_101 = tpu.memref_squeeze %dma_start3A_100 : memref<1x64x64xf32, #tpu.memory_space<hbm>> -> memref<64x64xf32, #tpu.memory_space<hbm>>
        tpu.enqueue_dma source(%dma_start3A_101 : memref<64x64xf32, #tpu.memory_space<hbm>>) target(%arg16 : memref<64x64xf32, #tpu.memory_space<vmem>>) target_semaphore(%run_scoped3A_96 : memref<!tpu.dma_semaphore, #tpu.memory_space<semaphore_mem>>)
        %dma_wait3A = arith.constant 0 : i32
        %dma_wait3A_102 = tpu.memref_slice %arg4[%arg0, %add3A, %dma_wait3A] : memref<2x10240x64xf32, #tpu.memory_space<hbm>> -> memref<1x64x64xf32, #tpu.memory_space<hbm>>
        %dma_wait3A_103 = tpu.memref_squeeze %dma_wait3A_102 : memref<1x64x64xf32, #tpu.memory_space<hbm>> -> memref<64x64xf32, #tpu.memory_space<hbm>>
        %dma_wait3A_104 = arith.constant 0 : i32
        %dma_wait3A_105 = tpu.memref_slice %arg4[%arg0, %add3A, %dma_wait3A_104] : memref<2x10240x64xf32, #tpu.memory_space<hbm>> -> memref<1x64x64xf32, #tpu.memory_space<hbm>>
        %dma_wait3A_106 = tpu.memref_squeeze %dma_wait3A_105 : memref<1x64x64xf32, #tpu.memory_space<hbm>> -> memref<64x64xf32, #tpu.memory_space<hbm>>
        tpu.wait_dma2 semaphore(%run_scoped3A_96 : memref<!tpu.dma_semaphore, #tpu.memory_space<semaphore_mem>>) src(%dma_wait3A_106 : memref<64x64xf32, #tpu.memory_space<hbm>>) dst(%arg16 : memref<64x64xf32, #tpu.memory_space<vmem>>)
        tpu.yield
      }) : () -> ()
      %scan3A_88 = arith.constant 0 : i32
      %scan3A_89 = arith.constant 0 : i32
      %scan3A_90 = arith.constant 32 : i32
      %scan3A_91 = arith.addi %scan3A_89, %scan3A_90 : i32
      %scan3A_92 = arith.constant 1 : i32
      %scan3A_93 = scf.for %scan3A_96 = %scan3A_89 to %scan3A_91 step %scan3A_92 iter_args(%scan3A_97 = %scan3A_88) -> (i32)  : i32 {
        %mul3A_98 = arith.constant 2 : i32
        %mul3A_99 = arith.muli %mul3A_98, %scan3A_96 : i32
        %mul3A_100 = arith.constant 2 : i32
        %mul3A_101 = arith.muli %mul3A_100, %scan3A_96 : i32
        %add3A_102 = arith.constant 1 : i32
        %add3A_103 = arith.addi %mul3A_101, %add3A_102 : i32
        %get3A = arith.index_cast %mul3A_99 : i32 to index
        %get3A_104 = arith.constant 0 : index
        %get3A_105 = tpu.vector_load %arg23[%get3A, %get3A_104] {strides = array<i32>} : memref<64x16xf32, #tpu.memory_space<vmem>>, vector<1x16xf32>,
        %get3A_106 = vector.shape_cast %get3A_105 : vector<1x16xf32> to vector<16xf32>
        %get3A_107 = arith.index_cast %mul3A_99 : i32 to index
        %get3A_108 = arith.constant 0 : index
        %get3A_109 = tpu.vector_load %arg16[%get3A_107, %get3A_108] {strides = array<i32>} : memref<64x64xf32, #tpu.memory_space<vmem>>, vector<1x16xf32>,
        %get3A_110 = vector.shape_cast %get3A_109 : vector<1x16xf32> to vector<16xf32>
        %mul3A_111 = arith.mulf %get3A_110, %get3A_106 : vector<16xf32>
        %swap3A = arith.index_cast %mul3A_99 : i32 to index
        %swap3A_112 = arith.constant 0 : index
        %swap3A_113 = tpu.vector_load %arg16[%swap3A, %swap3A_112] {strides = array<i32>} : memref<64x64xf32, #tpu.memory_space<vmem>>, vector<1x16xf32>,
        %swap3A_114 = vector.shape_cast %swap3A_113 : vector<1x16xf32> to vector<16xf32>
        %swap3A_115 = vector.shape_cast %mul3A_111 : vector<16xf32> to vector<1x16xf32>
        tpu.vector_store %arg16[%swap3A, %swap3A_112], %swap3A_115 {strides = array<i32>} : memref<64x64xf32, #tpu.memory_space<vmem>>, vector<1x16xf32>,
        %get3A_116 = arith.index_cast %mul3A_99 : i32 to index
        %get3A_117 = arith.constant 16 : index
        %get3A_118 = tpu.vector_load %arg16[%get3A_116, %get3A_117] {strides = array<i32>} : memref<64x64xf32, #tpu.memory_space<vmem>>, vector<1x16xf32>,
        %get3A_119 = vector.shape_cast %get3A_118 : vector<1x16xf32> to vector<16xf32>
        %mul3A_120 = arith.mulf %get3A_119, %get3A_106 : vector<16xf32>
        %swap3A_121 = arith.index_cast %mul3A_99 : i32 to index
        %swap3A_122 = arith.constant 16 : index
        %swap3A_123 = tpu.vector_load %arg16[%swap3A_121, %swap3A_122] {strides = array<i32>} : memref<64x64xf32, #tpu.memory_space<vmem>>, vector<1x16xf32>,
        %swap3A_124 = vector.shape_cast %swap3A_123 : vector<1x16xf32> to vector<16xf32>
        %swap3A_125 = vector.shape_cast %mul3A_120 : vector<16xf32> to vector<1x16xf32>
        tpu.vector_store %arg16[%swap3A_121, %swap3A_122], %swap3A_125 {strides = array<i32>} : memref<64x64xf32, #tpu.memory_space<vmem>>, vector<1x16xf32>,
        %get3A_126 = arith.index_cast %mul3A_99 : i32 to index
        %get3A_127 = arith.constant 32 : index
        %get3A_128 = tpu.vector_load %arg16[%get3A_126, %get3A_127] {strides = array<i32>} : memref<64x64xf32, #tpu.memory_space<vmem>>, vector<1x16xf32>,
        %get3A_129 = vector.shape_cast %get3A_128 : vector<1x16xf32> to vector<16xf32>
        %mul3A_130 = arith.mulf %get3A_129, %get3A_106 : vector<16xf32>
        %swap3A_131 = arith.index_cast %mul3A_99 : i32 to index
        %swap3A_132 = arith.constant 32 : index
        %swap3A_133 = tpu.vector_load %arg16[%swap3A_131, %swap3A_132] {strides = array<i32>} : memref<64x64xf32, #tpu.memory_space<vmem>>, vector<1x16xf32>,
        %swap3A_134 = vector.shape_cast %swap3A_133 : vector<1x16xf32> to vector<16xf32>
        %swap3A_135 = vector.shape_cast %mul3A_130 : vector<16xf32> to vector<1x16xf32>
        tpu.vector_store %arg16[%swap3A_131, %swap3A_132], %swap3A_135 {strides = array<i32>} : memref<64x64xf32, #tpu.memory_space<vmem>>, vector<1x16xf32>,
        %get3A_136 = arith.index_cast %mul3A_99 : i32 to index
        %get3A_137 = arith.constant 48 : index
        %get3A_138 = tpu.vector_load %arg16[%get3A_136, %get3A_137] {strides = array<i32>} : memref<64x64xf32, #tpu.memory_space<vmem>>, vector<1x16xf32>,
        %get3A_139 = vector.shape_cast %get3A_138 : vector<1x16xf32> to vector<16xf32>
        %mul3A_140 = arith.mulf %get3A_139, %get3A_106 : vector<16xf32>
        %swap3A_141 = arith.index_cast %mul3A_99 : i32 to index
        %swap3A_142 = arith.constant 48 : index
        %swap3A_143 = tpu.vector_load %arg16[%swap3A_141, %swap3A_142] {strides = array<i32>} : memref<64x64xf32, #tpu.memory_space<vmem>>, vector<1x16xf32>,
        %swap3A_144 = vector.shape_cast %swap3A_143 : vector<1x16xf32> to vector<16xf32>
        %swap3A_145 = vector.shape_cast %mul3A_140 : vector<16xf32> to vector<1x16xf32>
        tpu.vector_store %arg16[%swap3A_141, %swap3A_142], %swap3A_145 {strides = array<i32>} : memref<64x64xf32, #tpu.memory_space<vmem>>, vector<1x16xf32>,
        %get3A_146 = arith.index_cast %add3A_103 : i32 to index
        %get3A_147 = arith.constant 0 : index
        %get3A_148 = tpu.vector_load %arg23[%get3A_146, %get3A_147] {strides = array<i32>} : memref<64x16xf32, #tpu.memory_space<vmem>>, vector<1x16xf32>,
        %get3A_149 = vector.shape_cast %get3A_148 : vector<1x16xf32> to vector<16xf32>
        %get3A_150 = arith.index_cast %add3A_103 : i32 to index
        %get3A_151 = arith.constant 0 : index
        %get3A_152 = tpu.vector_load %arg16[%get3A_150, %get3A_151] {strides = array<i32>} : memref<64x64xf32, #tpu.memory_space<vmem>>, vector<1x16xf32>,
        %get3A_153 = vector.shape_cast %get3A_152 : vector<1x16xf32> to vector<16xf32>
        %mul3A_154 = arith.mulf %get3A_153, %get3A_149 : vector<16xf32>
        %swap3A_155 = arith.index_cast %add3A_103 : i32 to index
        %swap3A_156 = arith.constant 0 : index
        %swap3A_157 = tpu.vector_load %arg16[%swap3A_155, %swap3A_156] {strides = array<i32>} : memref<64x64xf32, #tpu.memory_space<vmem>>, vector<1x16xf32>,
        %swap3A_158 = vector.shape_cast %swap3A_157 : vector<1x16xf32> to vector<16xf32>
        %swap3A_159 = vector.shape_cast %mul3A_154 : vector<16xf32> to vector<1x16xf32>
        tpu.vector_store %arg16[%swap3A_155, %swap3A_156], %swap3A_159 {strides = array<i32>} : memref<64x64xf32, #tpu.memory_space<vmem>>, vector<1x16xf32>,
        %get3A_160 = arith.index_cast %add3A_103 : i32 to index
        %get3A_161 = arith.constant 16 : index
        %get3A_162 = tpu.vector_load %arg16[%get3A_160, %get3A_161] {strides = array<i32>} : memref<64x64xf32, #tpu.memory_space<vmem>>, vector<1x16xf32>,
        %get3A_163 = vector.shape_cast %get3A_162 : vector<1x16xf32> to vector<16xf32>
        %mul3A_164 = arith.mulf %get3A_163, %get3A_149 : vector<16xf32>
        %swap3A_165 = arith.index_cast %add3A_103 : i32 to index
        %swap3A_166 = arith.constant 16 : index
        %swap3A_167 = tpu.vector_load %arg16[%swap3A_165, %swap3A_166] {strides = array<i32>} : memref<64x64xf32, #tpu.memory_space<vmem>>, vector<1x16xf32>,
        %swap3A_168 = vector.shape_cast %swap3A_167 : vector<1x16xf32> to vector<16xf32>
        %swap3A_169 = vector.shape_cast %mul3A_164 : vector<16xf32> to vector<1x16xf32>
        tpu.vector_store %arg16[%swap3A_165, %swap3A_166], %swap3A_169 {strides = array<i32>} : memref<64x64xf32, #tpu.memory_space<vmem>>, vector<1x16xf32>,
        %get3A_170 = arith.index_cast %add3A_103 : i32 to index
        %get3A_171 = arith.constant 32 : index
        %get3A_172 = tpu.vector_load %arg16[%get3A_170, %get3A_171] {strides = array<i32>} : memref<64x64xf32, #tpu.memory_space<vmem>>, vector<1x16xf32>,
        %get3A_173 = vector.shape_cast %get3A_172 : vector<1x16xf32> to vector<16xf32>
        %mul3A_174 = arith.mulf %get3A_173, %get3A_149 : vector<16xf32>
        %swap3A_175 = arith.index_cast %add3A_103 : i32 to index
        %swap3A_176 = arith.constant 32 : index
        %swap3A_177 = tpu.vector_load %arg16[%swap3A_175, %swap3A_176] {strides = array<i32>} : memref<64x64xf32, #tpu.memory_space<vmem>>, vector<1x16xf32>,
        %swap3A_178 = vector.shape_cast %swap3A_177 : vector<1x16xf32> to vector<16xf32>
        %swap3A_179 = vector.shape_cast %mul3A_174 : vector<16xf32> to vector<1x16xf32>
        tpu.vector_store %arg16[%swap3A_175, %swap3A_176], %swap3A_179 {strides = array<i32>} : memref<64x64xf32, #tpu.memory_space<vmem>>, vector<1x16xf32>,
        %get3A_180 = arith.index_cast %add3A_103 : i32 to index
        %get3A_181 = arith.constant 48 : index
        %get3A_182 = tpu.vector_load %arg16[%get3A_180, %get3A_181] {strides = array<i32>} : memref<64x64xf32, #tpu.memory_space<vmem>>, vector<1x16xf32>,
        %get3A_183 = vector.shape_cast %get3A_182 : vector<1x16xf32> to vector<16xf32>
        %mul3A_184 = arith.mulf %get3A_183, %get3A_149 : vector<16xf32>
        %swap3A_185 = arith.index_cast %add3A_103 : i32 to index
        %swap3A_186 = arith.constant 48 : index
        %swap3A_187 = tpu.vector_load %arg16[%swap3A_185, %swap3A_186] {strides = array<i32>} : memref<64x64xf32, #tpu.memory_space<vmem>>, vector<1x16xf32>,
        %swap3A_188 = vector.shape_cast %swap3A_187 : vector<1x16xf32> to vector<16xf32>
        %swap3A_189 = vector.shape_cast %mul3A_184 : vector<16xf32> to vector<1x16xf32>
        tpu.vector_store %arg16[%swap3A_185, %swap3A_186], %swap3A_189 {strides = array<i32>} : memref<64x64xf32, #tpu.memory_space<vmem>>, vector<1x16xf32>,
        %scan3A_190 = arith.constant 0 : i32
        scf.yield %scan3A_190 : i32
      }
      %scan3A_94 = arith.constant 32 : i32
      "tpu.region"() ({
        %run_scoped3A_96 = tpu.sem_alloc : memref<!tpu.dma_semaphore, #tpu.memory_space<semaphore_mem>>
        %dma_start3A = arith.constant 0 : i32
        %dma_start3A_97 = tpu.memref_slice %arg9[%add3A, %dma_start3A] : memref<10240x64xf32, #tpu.memory_space<vmem_shared>> -> memref<64x64xf32, #tpu.memory_space<vmem_shared>>
        %dma_start3A_98 = arith.constant 0 : i32
        %dma_start3A_99 = tpu.memref_slice %arg9[%add3A, %dma_start3A_98] : memref<10240x64xf32, #tpu.memory_space<vmem_shared>> -> memref<64x64xf32, #tpu.memory_space<vmem_shared>>
        tpu.enqueue_dma source(%arg16 : memref<64x64xf32, #tpu.memory_space<vmem>>) target(%dma_start3A_99 : memref<64x64xf32, #tpu.memory_space<vmem_shared>>) target_semaphore(%run_scoped3A_96 : memref<!tpu.dma_semaphore, #tpu.memory_space<semaphore_mem>>)
        %dma_wait3A = arith.constant 0 : i32
        %dma_wait3A_100 = tpu.memref_slice %arg9[%add3A, %dma_wait3A] : memref<10240x64xf32, #tpu.memory_space<vmem_shared>> -> memref<64x64xf32, #tpu.memory_space<vmem_shared>>
        %dma_wait3A_101 = arith.constant 0 : i32
        %dma_wait3A_102 = tpu.memref_slice %arg9[%add3A, %dma_wait3A_101] : memref<10240x64xf32, #tpu.memory_space<vmem_shared>> -> memref<64x64xf32, #tpu.memory_space<vmem_shared>>
        tpu.wait_dma2 semaphore(%run_scoped3A_96 : memref<!tpu.dma_semaphore, #tpu.memory_space<semaphore_mem>>) src(%arg16 : memref<64x64xf32, #tpu.memory_space<vmem>>) dst(%dma_wait3A_102 : memref<64x64xf32, #tpu.memory_space<vmem_shared>>)
        tpu.yield
      }) : () -> ()
      %scan3A_95 = arith.constant 0 : i32
      scf.yield %scan3A_95 : i32
    }
    %scan3A_22 = arith.constant 10 : i32
    "tpu.region"() ({
      %run_scoped3A_77 = tpu.sem_alloc : memref<!tpu.dma_semaphore, #tpu.memory_space<semaphore_mem>>
      %dma_start3A = arith.constant 0 : i32
      %dma_start3A_78 = tpu.memref_slice %arg10[%mul3A_0, %dma_start3A] : memref<10240x64xf32, #tpu.memory_space<vmem_shared>> -> memref<640x64xf32, #tpu.memory_space<vmem_shared>>
      tpu.enqueue_dma source(%arg6 : memref<640x64xf32, #tpu.memory_space<hbm>>) target(%dma_start3A_78 : memref<640x64xf32, #tpu.memory_space<vmem_shared>>) target_semaphore(%run_scoped3A_77 : memref<!tpu.dma_semaphore, #tpu.memory_space<semaphore_mem>>)
      %dma_wait3A = arith.constant 0 : i32
      %dma_wait3A_79 = tpu.memref_slice %arg10[%mul3A_0, %dma_wait3A] : memref<10240x64xf32, #tpu.memory_space<vmem_shared>> -> memref<640x64xf32, #tpu.memory_space<vmem_shared>>
      tpu.wait_dma2 semaphore(%run_scoped3A_77 : memref<!tpu.dma_semaphore, #tpu.memory_space<semaphore_mem>>) src(%arg6 : memref<640x64xf32, #tpu.memory_space<hbm>>) dst(%dma_wait3A_79 : memref<640x64xf32, #tpu.memory_space<vmem_shared>>)
      tpu.yield
    }) : () -> ()
    %barrier3A_23 = arith.constant 0 : index
    tpu.barrier barrier_id(%barrier3A_23)
    "tpu.trace_stop"() : () -> ()
    "tpu.trace_start"() <{level = 10 : i32, message = "edges0"}> : () -> ()
    %scan3A_24 = arith.constant 0 : i32
    %scan3A_25 = arith.constant 0 : i32
    %scan3A_26 = arith.constant 10 : i32
    %scan3A_27 = arith.addi %scan3A_25, %scan3A_26 : i32
    %scan3A_28 = arith.constant 1 : i32
    %scan3A_29 = scf.for %scan3A_77 = %scan3A_25 to %scan3A_27 step %scan3A_28 iter_args(%scan3A_78 = %scan3A_24) -> (i32)  : i32 {
      %mul3A_79 = arith.constant 32 : i32
      %mul3A_80 = arith.muli %scan3A_77, %mul3A_79 : i32
      "tpu.region"() ({
        %run_scoped3A_118 = tpu.sem_alloc : memref<!tpu.dma_semaphore, #tpu.memory_space<semaphore_mem>>
        %dma_start3A = arith.constant 0 : i32
        %dma_start3A_119 = tpu.memref_slice %arg2[%arg1, %mul3A_80, %dma_start3A] : memref<16x320x64xi32, #tpu.memory_space<hbm>> -> memref<1x32x64xi32, #tpu.memory_space<hbm>>
        %dma_start3A_120 = tpu.memref_squeeze %dma_start3A_119 : memref<1x32x64xi32, #tpu.memory_space<hbm>> -> memref<32x64xi32, #tpu.memory_space<hbm>>
        %dma_start3A_121 = arith.constant 0 : i32
        %dma_start3A_122 = tpu.memref_slice %arg2[%arg1, %mul3A_80, %dma_start3A_121] : memref<16x320x64xi32, #tpu.memory_space<hbm>> -> memref<1x32x64xi32, #tpu.memory_space<hbm>>
        %dma_start3A_123 = tpu.memref_squeeze %dma_start3A_122 : memref<1x32x64xi32, #tpu.memory_space<hbm>> -> memref<32x64xi32, #tpu.memory_space<hbm>>
        tpu.enqueue_dma source(%dma_start3A_123 : memref<32x64xi32, #tpu.memory_space<hbm>>) target(%arg13 : memref<32x64xi32, #tpu.memory_space<vmem>>) target_semaphore(%run_scoped3A_118 : memref<!tpu.dma_semaphore, #tpu.memory_space<semaphore_mem>>)
        %dma_wait3A_124 = arith.constant 0 : i32
        %dma_wait3A_125 = tpu.memref_slice %arg2[%arg1, %mul3A_80, %dma_wait3A_124] : memref<16x320x64xi32, #tpu.memory_space<hbm>> -> memref<1x32x64xi32, #tpu.memory_space<hbm>>
        %dma_wait3A_126 = tpu.memref_squeeze %dma_wait3A_125 : memref<1x32x64xi32, #tpu.memory_space<hbm>> -> memref<32x64xi32, #tpu.memory_space<hbm>>
        %dma_wait3A_127 = arith.constant 0 : i32
        %dma_wait3A_128 = tpu.memref_slice %arg2[%arg1, %mul3A_80, %dma_wait3A_127] : memref<16x320x64xi32, #tpu.memory_space<hbm>> -> memref<1x32x64xi32, #tpu.memory_space<hbm>>
        %dma_wait3A_129 = tpu.memref_squeeze %dma_wait3A_128 : memref<1x32x64xi32, #tpu.memory_space<hbm>> -> memref<32x64xi32, #tpu.memory_space<hbm>>
        tpu.wait_dma2 semaphore(%run_scoped3A_118 : memref<!tpu.dma_semaphore, #tpu.memory_space<semaphore_mem>>) src(%dma_wait3A_129 : memref<32x64xi32, #tpu.memory_space<hbm>>) dst(%arg13 : memref<32x64xi32, #tpu.memory_space<vmem>>)
        tpu.yield
      }) : () -> ()
      %mul3A_81 = arith.constant 32 : i32
      %mul3A_82 = arith.muli %scan3A_77, %mul3A_81 : i32
      "tpu.region"() ({
        %run_scoped3A_118 = tpu.sem_alloc : memref<!tpu.dma_semaphore, #tpu.memory_space<semaphore_mem>>
        %dma_start3A = arith.constant 0 : i32
        %dma_start3A_119 = tpu.memref_slice %arg3[%arg1, %mul3A_82, %dma_start3A] : memref<16x320x64xi32, #tpu.memory_space<hbm>> -> memref<1x32x64xi32, #tpu.memory_space<hbm>>
        %dma_start3A_120 = tpu.memref_squeeze %dma_start3A_119 : memref<1x32x64xi32, #tpu.memory_space<hbm>> -> memref<32x64xi32, #tpu.memory_space<hbm>>
        %dma_start3A_121 = arith.constant 0 : i32
        %dma_start3A_122 = tpu.memref_slice %arg3[%arg1, %mul3A_82, %dma_start3A_121] : memref<16x320x64xi32, #tpu.memory_space<hbm>> -> memref<1x32x64xi32, #tpu.memory_space<hbm>>
        %dma_start3A_123 = tpu.memref_squeeze %dma_start3A_122 : memref<1x32x64xi32, #tpu.memory_space<hbm>> -> memref<32x64xi32, #tpu.memory_space<hbm>>
        tpu.enqueue_dma source(%dma_start3A_123 : memref<32x64xi32, #tpu.memory_space<hbm>>) target(%arg14 : memref<32x64xi32, #tpu.memory_space<vmem>>) target_semaphore(%run_scoped3A_118 : memref<!tpu.dma_semaphore, #tpu.memory_space<semaphore_mem>>)
        %dma_wait3A_124 = arith.constant 0 : i32
        %dma_wait3A_125 = tpu.memref_slice %arg3[%arg1, %mul3A_82, %dma_wait3A_124] : memref<16x320x64xi32, #tpu.memory_space<hbm>> -> memref<1x32x64xi32, #tpu.memory_space<hbm>>
        %dma_wait3A_126 = tpu.memref_squeeze %dma_wait3A_125 : memref<1x32x64xi32, #tpu.memory_space<hbm>> -> memref<32x64xi32, #tpu.memory_space<hbm>>
        %dma_wait3A_127 = arith.constant 0 : i32
        %dma_wait3A_128 = tpu.memref_slice %arg3[%arg1, %mul3A_82, %dma_wait3A_127] : memref<16x320x64xi32, #tpu.memory_space<hbm>> -> memref<1x32x64xi32, #tpu.memory_space<hbm>>
        %dma_wait3A_129 = tpu.memref_squeeze %dma_wait3A_128 : memref<1x32x64xi32, #tpu.memory_space<hbm>> -> memref<32x64xi32, #tpu.memory_space<hbm>>
        tpu.wait_dma2 semaphore(%run_scoped3A_118 : memref<!tpu.dma_semaphore, #tpu.memory_space<semaphore_mem>>) src(%dma_wait3A_129 : memref<32x64xi32, #tpu.memory_space<hbm>>) dst(%arg14 : memref<32x64xi32, #tpu.memory_space<vmem>>)
        tpu.yield
      }) : () -> ()
      %scan3A_83 = arith.constant 0 : i32
      %scan3A_84 = arith.constant 0 : i32
      %scan3A_85 = arith.constant 8 : i32
      %scan3A_86 = arith.addi %scan3A_84, %scan3A_85 : i32
      %scan3A_87 = arith.constant 1 : i32
      %scan3A_88 = scf.for %scan3A_118 = %scan3A_84 to %scan3A_86 step %scan3A_87 iter_args(%scan3A_119 = %scan3A_83) -> (i32)  : i32 {
        %mul3A_120 = arith.constant 4 : i32
        %mul3A_121 = arith.muli %mul3A_120, %scan3A_118 : i32
        %add3A = arith.constant 0 : i32
        %add3A_122 = arith.addi %mul3A_121, %add3A : i32
        %gt3A = arith.constant 0 : i32
        %gt3A_123 = arith.cmpi sgt, %scan3A_118, %gt3A : i32
        %convert_element_type3A = arith.extui %gt3A_123 : i1 to i32
        %cond3A = arith.constant 0 : i32
        %cond3A_124 = arith.cmpi ne, %convert_element_type3A, %cond3A : i32
        scf.if %cond3A_124 {
          %sub3A = arith.constant 4 : i32
          %sub3A_176 = arith.subi %add3A_122, %sub3A : i32
          %dma_wait3A_177 = arith.constant 0 : i32
          %dma_wait3A_178 = tpu.memref_slice %arg14[%sub3A_176, %dma_wait3A_177] : memref<32x64xi32, #tpu.memory_space<vmem>> -> memref<1x64xi32, #tpu.memory_space<vmem>>
          %dma_wait3A_179 = tpu.memref_squeeze %dma_wait3A_178 : memref<1x64xi32, #tpu.memory_space<vmem>> -> memref<64xi32, #tpu.memory_space<vmem>>
          %dma_wait3A_180 = arith.constant 0 : i32
          %dma_wait3A_181 = arith.constant 0 : i32
          %dma_wait3A_182 = tpu.memref_slice %arg10[%dma_wait3A_180, %dma_wait3A_181] : memref<10240x64xf32, #tpu.memory_space<vmem_shared>> -> memref<10240x64xf32, #tpu.memory_space<vmem_shared>>
          tpu.wait_indirect_dma semaphore(%arg19 : memref<!tpu.dma_semaphore, #tpu.memory_space<semaphore_mem>>) src(%arg15 : memref<64x64xf32, #tpu.memory_space<vmem>>) dst(%dma_wait3A_182 : memref<10240x64xf32, #tpu.memory_space<vmem_shared>>)
        } else {
        }
        "tpu.region"() ({
          %run_scoped3A_176 = tpu.sem_alloc : memref<!tpu.dma_semaphore, #tpu.memory_space<semaphore_mem>>
          %dma_start3A_177 = arith.constant 0 : i32
          %dma_start3A_178 = tpu.memref_slice %arg13[%add3A_122, %dma_start3A_177] : memref<32x64xi32, #tpu.memory_space<vmem>> -> memref<1x64xi32, #tpu.memory_space<vmem>>
          %dma_start3A_179 = tpu.memref_squeeze %dma_start3A_178 : memref<1x64xi32, #tpu.memory_space<vmem>> -> memref<64xi32, #tpu.memory_space<vmem>>
          %dma_start3A_180 = arith.constant 0 : i32
          %dma_start3A_181 = arith.constant 0 : i32
          %dma_start3A_182 = tpu.memref_slice %arg9[%dma_start3A_180, %dma_start3A_181] : memref<10240x64xf32, #tpu.memory_space<vmem_shared>> -> memref<10240x64xf32, #tpu.memory_space<vmem_shared>>
          tpu.enqueue_indirect_dma source(%dma_start3A_182 : memref<10240x64xf32, #tpu.memory_space<vmem_shared>>) target(%arg15 : memref<64x64xf32, #tpu.memory_space<vmem>>) offsets(%dma_start3A_179 : memref<64xi32, #tpu.memory_space<vmem>>) semaphore(%run_scoped3A_176 : memref<!tpu.dma_semaphore, #tpu.memory_space<semaphore_mem>>)
          %dma_wait3A_183 = arith.constant 0 : i32
          %dma_wait3A_184 = tpu.memref_slice %arg13[%add3A_122, %dma_wait3A_183] : memref<32x64xi32, #tpu.memory_space<vmem>> -> memref<1x64xi32, #tpu.memory_space<vmem>>
          %dma_wait3A_185 = tpu.memref_squeeze %dma_wait3A_184 : memref<1x64xi32, #tpu.memory_space<vmem>> -> memref<64xi32, #tpu.memory_space<vmem>>
          %dma_wait3A_186 = arith.constant 0 : i32
          %dma_wait3A_187 = arith.constant 0 : i32
          %dma_wait3A_188 = tpu.memref_slice %arg9[%dma_wait3A_186, %dma_wait3A_187] : memref<10240x64xf32, #tpu.memory_space<vmem_shared>> -> memref<10240x64xf32, #tpu.memory_space<vmem_shared>>
          tpu.wait_indirect_dma semaphore(%run_scoped3A_176 : memref<!tpu.dma_semaphore, #tpu.memory_space<semaphore_mem>>) src(%dma_wait3A_188 : memref<10240x64xf32, #tpu.memory_space<vmem_shared>>) dst(%arg15 : memref<64x64xf32, #tpu.memory_space<vmem>>)
          tpu.yield
        }) : () -> ()
        %dma_start3A = arith.constant 0 : i32
        %dma_start3A_125 = tpu.memref_slice %arg14[%add3A_122, %dma_start3A] : memref<32x64xi32, #tpu.memory_space<vmem>> -> memref<1x64xi32, #tpu.memory_space<vmem>>
        %dma_start3A_126 = tpu.memref_squeeze %dma_start3A_125 : memref<1x64xi32, #tpu.memory_space<vmem>> -> memref<64xi32, #tpu.memory_space<vmem>>
        %dma_start3A_127 = arith.constant 0 : i32
        %dma_start3A_128 = arith.constant 0 : i32
        %dma_start3A_129 = tpu.memref_slice %arg10[%dma_start3A_127, %dma_start3A_128] : memref<10240x64xf32, #tpu.memory_space<vmem_shared>> -> memref<10240x64xf32, #tpu.memory_space<vmem_shared>>
        tpu.enqueue_indirect_dma source(%arg15 : memref<64x64xf32, #tpu.memory_space<vmem>>) target(%dma_start3A_129 : memref<10240x64xf32, #tpu.memory_space<vmem_shared>>) offsets(%dma_start3A_126 : memref<64xi32, #tpu.memory_space<vmem>>) semaphore(%arg19 : memref<!tpu.dma_semaphore, #tpu.memory_space<semaphore_mem>>) {add = true}
        %mul3A_130 = arith.constant 4 : i32
        %mul3A_131 = arith.muli %mul3A_130, %scan3A_118 : i32
        %add3A_132 = arith.constant 1 : i32
        %add3A_133 = arith.addi %mul3A_131, %add3A_132 : i32
        %gt3A_134 = arith.constant 0 : i32
        %gt3A_135 = arith.cmpi sgt, %scan3A_118, %gt3A_134 : i32
        %convert_element_type3A_136 = arith.extui %gt3A_135 : i1 to i32
        %cond3A_137 = arith.constant 0 : i32
        %cond3A_138 = arith.cmpi ne, %convert_element_type3A_136, %cond3A_137 : i32
        scf.if %cond3A_138 {
          %sub3A = arith.constant 4 : i32
          %sub3A_176 = arith.subi %add3A_133, %sub3A : i32
          %dma_wait3A_177 = arith.constant 0 : i32
          %dma_wait3A_178 = tpu.memref_slice %arg14[%sub3A_176, %dma_wait3A_177] : memref<32x64xi32, #tpu.memory_space<vmem>> -> memref<1x64xi32, #tpu.memory_space<vmem>>
          %dma_wait3A_179 = tpu.memref_squeeze %dma_wait3A_178 : memref<1x64xi32, #tpu.memory_space<vmem>> -> memref<64xi32, #tpu.memory_space<vmem>>
          %dma_wait3A_180 = arith.constant 0 : i32
          %dma_wait3A_181 = arith.constant 0 : i32
          %dma_wait3A_182 = tpu.memref_slice %arg10[%dma_wait3A_180, %dma_wait3A_181] : memref<10240x64xf32, #tpu.memory_space<vmem_shared>> -> memref<10240x64xf32, #tpu.memory_space<vmem_shared>>
          tpu.wait_indirect_dma semaphore(%arg20 : memref<!tpu.dma_semaphore, #tpu.memory_space<semaphore_mem>>) src(%arg16 : memref<64x64xf32, #tpu.memory_space<vmem>>) dst(%dma_wait3A_182 : memref<10240x64xf32, #tpu.memory_space<vmem_shared>>)
        } else {
        }
        "tpu.region"() ({
          %run_scoped3A_176 = tpu.sem_alloc : memref<!tpu.dma_semaphore, #tpu.memory_space<semaphore_mem>>
          %dma_start3A_177 = arith.constant 0 : i32
          %dma_start3A_178 = tpu.memref_slice %arg13[%add3A_133, %dma_start3A_177] : memref<32x64xi32, #tpu.memory_space<vmem>> -> memref<1x64xi32, #tpu.memory_space<vmem>>
          %dma_start3A_179 = tpu.memref_squeeze %dma_start3A_178 : memref<1x64xi32, #tpu.memory_space<vmem>> -> memref<64xi32, #tpu.memory_space<vmem>>
          %dma_start3A_180 = arith.constant 0 : i32
          %dma_start3A_181 = arith.constant 0 : i32
          %dma_start3A_182 = tpu.memref_slice %arg9[%dma_start3A_180, %dma_start3A_181] : memref<10240x64xf32, #tpu.memory_space<vmem_shared>> -> memref<10240x64xf32, #tpu.memory_space<vmem_shared>>
          tpu.enqueue_indirect_dma source(%dma_start3A_182 : memref<10240x64xf32, #tpu.memory_space<vmem_shared>>) target(%arg16 : memref<64x64xf32, #tpu.memory_space<vmem>>) offsets(%dma_start3A_179 : memref<64xi32, #tpu.memory_space<vmem>>) semaphore(%run_scoped3A_176 : memref<!tpu.dma_semaphore, #tpu.memory_space<semaphore_mem>>)
          %dma_wait3A_183 = arith.constant 0 : i32
          %dma_wait3A_184 = tpu.memref_slice %arg13[%add3A_133, %dma_wait3A_183] : memref<32x64xi32, #tpu.memory_space<vmem>> -> memref<1x64xi32, #tpu.memory_space<vmem>>
          %dma_wait3A_185 = tpu.memref_squeeze %dma_wait3A_184 : memref<1x64xi32, #tpu.memory_space<vmem>> -> memref<64xi32, #tpu.memory_space<vmem>>
          %dma_wait3A_186 = arith.constant 0 : i32
          %dma_wait3A_187 = arith.constant 0 : i32
          %dma_wait3A_188 = tpu.memref_slice %arg9[%dma_wait3A_186, %dma_wait3A_187] : memref<10240x64xf32, #tpu.memory_space<vmem_shared>> -> memref<10240x64xf32, #tpu.memory_space<vmem_shared>>
          tpu.wait_indirect_dma semaphore(%run_scoped3A_176 : memref<!tpu.dma_semaphore, #tpu.memory_space<semaphore_mem>>) src(%dma_wait3A_188 : memref<10240x64xf32, #tpu.memory_space<vmem_shared>>) dst(%arg16 : memref<64x64xf32, #tpu.memory_space<vmem>>)
          tpu.yield
        }) : () -> ()
        %dma_start3A_139 = arith.constant 0 : i32
        %dma_start3A_140 = tpu.memref_slice %arg14[%add3A_133, %dma_start3A_139] : memref<32x64xi32, #tpu.memory_space<vmem>> -> memref<1x64xi32, #tpu.memory_space<vmem>>
        %dma_start3A_141 = tpu.memref_squeeze %dma_start3A_140 : memref<1x64xi32, #tpu.memory_space<vmem>> -> memref<64xi32, #tpu.memory_space<vmem>>
        %dma_start3A_142 = arith.constant 0 : i32
        %dma_start3A_143 = arith.constant 0 : i32
        %dma_start3A_144 = tpu.memref_slice %arg10[%dma_start3A_142, %dma_start3A_143] : memref<10240x64xf32, #tpu.memory_space<vmem_shared>> -> memref<10240x64xf32, #tpu.memory_space<vmem_shared>>
        tpu.enqueue_indirect_dma source(%arg16 : memref<64x64xf32, #tpu.memory_space<vmem>>) target(%dma_start3A_144 : memref<10240x64xf32, #tpu.memory_space<vmem_shared>>) offsets(%dma_start3A_141 : memref<64xi32, #tpu.memory_space<vmem>>) semaphore(%arg20 : memref<!tpu.dma_semaphore, #tpu.memory_space<semaphore_mem>>) {add = true}
        %mul3A_145 = arith.constant 4 : i32
        %mul3A_146 = arith.muli %mul3A_145, %scan3A_118 : i32
        %add3A_147 = arith.constant 2 : i32
        %add3A_148 = arith.addi %mul3A_146, %add3A_147 : i32
        %gt3A_149 = arith.constant 0 : i32
        %gt3A_150 = arith.cmpi sgt, %scan3A_118, %gt3A_149 : i32
        %convert_element_type3A_151 = arith.extui %gt3A_150 : i1 to i32
        %cond3A_152 = arith.constant 0 : i32
        %cond3A_153 = arith.cmpi ne, %convert_element_type3A_151, %cond3A_152 : i32
        scf.if %cond3A_153 {
          %sub3A = arith.constant 4 : i32
          %sub3A_176 = arith.subi %add3A_148, %sub3A : i32
          %dma_wait3A_177 = arith.constant 0 : i32
          %dma_wait3A_178 = tpu.memref_slice %arg14[%sub3A_176, %dma_wait3A_177] : memref<32x64xi32, #tpu.memory_space<vmem>> -> memref<1x64xi32, #tpu.memory_space<vmem>>
          %dma_wait3A_179 = tpu.memref_squeeze %dma_wait3A_178 : memref<1x64xi32, #tpu.memory_space<vmem>> -> memref<64xi32, #tpu.memory_space<vmem>>
          %dma_wait3A_180 = arith.constant 0 : i32
          %dma_wait3A_181 = arith.constant 0 : i32
          %dma_wait3A_182 = tpu.memref_slice %arg10[%dma_wait3A_180, %dma_wait3A_181] : memref<10240x64xf32, #tpu.memory_space<vmem_shared>> -> memref<10240x64xf32, #tpu.memory_space<vmem_shared>>
          tpu.wait_indirect_dma semaphore(%arg21 : memref<!tpu.dma_semaphore, #tpu.memory_space<semaphore_mem>>) src(%arg17 : memref<64x64xf32, #tpu.memory_space<vmem>>) dst(%dma_wait3A_182 : memref<10240x64xf32, #tpu.memory_space<vmem_shared>>)
        } else {
        }
        "tpu.region"() ({
          %run_scoped3A_176 = tpu.sem_alloc : memref<!tpu.dma_semaphore, #tpu.memory_space<semaphore_mem>>
          %dma_start3A_177 = arith.constant 0 : i32
          %dma_start3A_178 = tpu.memref_slice %arg13[%add3A_148, %dma_start3A_177] : memref<32x64xi32, #tpu.memory_space<vmem>> -> memref<1x64xi32, #tpu.memory_space<vmem>>
          %dma_start3A_179 = tpu.memref_squeeze %dma_start3A_178 : memref<1x64xi32, #tpu.memory_space<vmem>> -> memref<64xi32, #tpu.memory_space<vmem>>
          %dma_start3A_180 = arith.constant 0 : i32
          %dma_start3A_181 = arith.constant 0 : i32
          %dma_start3A_182 = tpu.memref_slice %arg9[%dma_start3A_180, %dma_start3A_181] : memref<10240x64xf32, #tpu.memory_space<vmem_shared>> -> memref<10240x64xf32, #tpu.memory_space<vmem_shared>>
          tpu.enqueue_indirect_dma source(%dma_start3A_182 : memref<10240x64xf32, #tpu.memory_space<vmem_shared>>) target(%arg17 : memref<64x64xf32, #tpu.memory_space<vmem>>) offsets(%dma_start3A_179 : memref<64xi32, #tpu.memory_space<vmem>>) semaphore(%run_scoped3A_176 : memref<!tpu.dma_semaphore, #tpu.memory_space<semaphore_mem>>)
          %dma_wait3A_183 = arith.constant 0 : i32
          %dma_wait3A_184 = tpu.memref_slice %arg13[%add3A_148, %dma_wait3A_183] : memref<32x64xi32, #tpu.memory_space<vmem>> -> memref<1x64xi32, #tpu.memory_space<vmem>>
          %dma_wait3A_185 = tpu.memref_squeeze %dma_wait3A_184 : memref<1x64xi32, #tpu.memory_space<vmem>> -> memref<64xi32, #tpu.memory_space<vmem>>
          %dma_wait3A_186 = arith.constant 0 : i32
          %dma_wait3A_187 = arith.constant 0 : i32
          %dma_wait3A_188 = tpu.memref_slice %arg9[%dma_wait3A_186, %dma_wait3A_187] : memref<10240x64xf32, #tpu.memory_space<vmem_shared>> -> memref<10240x64xf32, #tpu.memory_space<vmem_shared>>
          tpu.wait_indirect_dma semaphore(%run_scoped3A_176 : memref<!tpu.dma_semaphore, #tpu.memory_space<semaphore_mem>>) src(%dma_wait3A_188 : memref<10240x64xf32, #tpu.memory_space<vmem_shared>>) dst(%arg17 : memref<64x64xf32, #tpu.memory_space<vmem>>)
          tpu.yield
        }) : () -> ()
        %dma_start3A_154 = arith.constant 0 : i32
        %dma_start3A_155 = tpu.memref_slice %arg14[%add3A_148, %dma_start3A_154] : memref<32x64xi32, #tpu.memory_space<vmem>> -> memref<1x64xi32, #tpu.memory_space<vmem>>
        %dma_start3A_156 = tpu.memref_squeeze %dma_start3A_155 : memref<1x64xi32, #tpu.memory_space<vmem>> -> memref<64xi32, #tpu.memory_space<vmem>>
        %dma_start3A_157 = arith.constant 0 : i32
        %dma_start3A_158 = arith.constant 0 : i32
        %dma_start3A_159 = tpu.memref_slice %arg10[%dma_start3A_157, %dma_start3A_158] : memref<10240x64xf32, #tpu.memory_space<vmem_shared>> -> memref<10240x64xf32, #tpu.memory_space<vmem_shared>>
        tpu.enqueue_indirect_dma source(%arg17 : memref<64x64xf32, #tpu.memory_space<vmem>>) target(%dma_start3A_159 : memref<10240x64xf32, #tpu.memory_space<vmem_shared>>) offsets(%dma_start3A_156 : memref<64xi32, #tpu.memory_space<vmem>>) semaphore(%arg21 : memref<!tpu.dma_semaphore, #tpu.memory_space<semaphore_mem>>) {add = true}
        %mul3A_160 = arith.constant 4 : i32
        %mul3A_161 = arith.muli %mul3A_160, %scan3A_118 : i32
        %add3A_162 = arith.constant 3 : i32
        %add3A_163 = arith.addi %mul3A_161, %add3A_162 : i32
        %gt3A_164 = arith.constant 0 : i32
        %gt3A_165 = arith.cmpi sgt, %scan3A_118, %gt3A_164 : i32
        %convert_element_type3A_166 = arith.extui %gt3A_165 : i1 to i32
        %cond3A_167 = arith.constant 0 : i32
        %cond3A_168 = arith.cmpi ne, %convert_element_type3A_166, %cond3A_167 : i32
        scf.if %cond3A_168 {
          %sub3A = arith.constant 4 : i32
          %sub3A_176 = arith.subi %add3A_163, %sub3A : i32
          %dma_wait3A_177 = arith.constant 0 : i32
          %dma_wait3A_178 = tpu.memref_slice %arg14[%sub3A_176, %dma_wait3A_177] : memref<32x64xi32, #tpu.memory_space<vmem>> -> memref<1x64xi32, #tpu.memory_space<vmem>>
          %dma_wait3A_179 = tpu.memref_squeeze %dma_wait3A_178 : memref<1x64xi32, #tpu.memory_space<vmem>> -> memref<64xi32, #tpu.memory_space<vmem>>
          %dma_wait3A_180 = arith.constant 0 : i32
          %dma_wait3A_181 = arith.constant 0 : i32
          %dma_wait3A_182 = tpu.memref_slice %arg10[%dma_wait3A_180, %dma_wait3A_181] : memref<10240x64xf32, #tpu.memory_space<vmem_shared>> -> memref<10240x64xf32, #tpu.memory_space<vmem_shared>>
          tpu.wait_indirect_dma semaphore(%arg22 : memref<!tpu.dma_semaphore, #tpu.memory_space<semaphore_mem>>) src(%arg18 : memref<64x64xf32, #tpu.memory_space<vmem>>) dst(%dma_wait3A_182 : memref<10240x64xf32, #tpu.memory_space<vmem_shared>>)
        } else {
        }
        "tpu.region"() ({
          %run_scoped3A_176 = tpu.sem_alloc : memref<!tpu.dma_semaphore, #tpu.memory_space<semaphore_mem>>
          %dma_start3A_177 = arith.constant 0 : i32
          %dma_start3A_178 = tpu.memref_slice %arg13[%add3A_163, %dma_start3A_177] : memref<32x64xi32, #tpu.memory_space<vmem>> -> memref<1x64xi32, #tpu.memory_space<vmem>>
          %dma_start3A_179 = tpu.memref_squeeze %dma_start3A_178 : memref<1x64xi32, #tpu.memory_space<vmem>> -> memref<64xi32, #tpu.memory_space<vmem>>
          %dma_start3A_180 = arith.constant 0 : i32
          %dma_start3A_181 = arith.constant 0 : i32
          %dma_start3A_182 = tpu.memref_slice %arg9[%dma_start3A_180, %dma_start3A_181] : memref<10240x64xf32, #tpu.memory_space<vmem_shared>> -> memref<10240x64xf32, #tpu.memory_space<vmem_shared>>
          tpu.enqueue_indirect_dma source(%dma_start3A_182 : memref<10240x64xf32, #tpu.memory_space<vmem_shared>>) target(%arg18 : memref<64x64xf32, #tpu.memory_space<vmem>>) offsets(%dma_start3A_179 : memref<64xi32, #tpu.memory_space<vmem>>) semaphore(%run_scoped3A_176 : memref<!tpu.dma_semaphore, #tpu.memory_space<semaphore_mem>>)
          %dma_wait3A_183 = arith.constant 0 : i32
          %dma_wait3A_184 = tpu.memref_slice %arg13[%add3A_163, %dma_wait3A_183] : memref<32x64xi32, #tpu.memory_space<vmem>> -> memref<1x64xi32, #tpu.memory_space<vmem>>
          %dma_wait3A_185 = tpu.memref_squeeze %dma_wait3A_184 : memref<1x64xi32, #tpu.memory_space<vmem>> -> memref<64xi32, #tpu.memory_space<vmem>>
          %dma_wait3A_186 = arith.constant 0 : i32
          %dma_wait3A_187 = arith.constant 0 : i32
          %dma_wait3A_188 = tpu.memref_slice %arg9[%dma_wait3A_186, %dma_wait3A_187] : memref<10240x64xf32, #tpu.memory_space<vmem_shared>> -> memref<10240x64xf32, #tpu.memory_space<vmem_shared>>
          tpu.wait_indirect_dma semaphore(%run_scoped3A_176 : memref<!tpu.dma_semaphore, #tpu.memory_space<semaphore_mem>>) src(%dma_wait3A_188 : memref<10240x64xf32, #tpu.memory_space<vmem_shared>>) dst(%arg18 : memref<64x64xf32, #tpu.memory_space<vmem>>)
          tpu.yield
        }) : () -> ()
        %dma_start3A_169 = arith.constant 0 : i32
        %dma_start3A_170 = tpu.memref_slice %arg14[%add3A_163, %dma_start3A_169] : memref<32x64xi32, #tpu.memory_space<vmem>> -> memref<1x64xi32, #tpu.memory_space<vmem>>
        %dma_start3A_171 = tpu.memref_squeeze %dma_start3A_170 : memref<1x64xi32, #tpu.memory_space<vmem>> -> memref<64xi32, #tpu.memory_space<vmem>>
        %dma_start3A_172 = arith.constant 0 : i32
        %dma_start3A_173 = arith.constant 0 : i32
        %dma_start3A_174 = tpu.memref_slice %arg10[%dma_start3A_172, %dma_start3A_173] : memref<10240x64xf32, #tpu.memory_space<vmem_shared>> -> memref<10240x64xf32, #tpu.memory_space<vmem_shared>>
        tpu.enqueue_indirect_dma source(%arg18 : memref<64x64xf32, #tpu.memory_space<vmem>>) target(%dma_start3A_174 : memref<10240x64xf32, #tpu.memory_space<vmem_shared>>) offsets(%dma_start3A_171 : memref<64xi32, #tpu.memory_space<vmem>>) semaphore(%arg22 : memref<!tpu.dma_semaphore, #tpu.memory_space<semaphore_mem>>) {add = true}
        %scan3A_175 = arith.constant 0 : i32
        scf.yield %scan3A_175 : i32
      }
      %scan3A_89 = arith.constant 8 : i32
      %dma_wait3A = arith.constant 28 : i32
      %dma_wait3A_90 = arith.constant 0 : i32
      %dma_wait3A_91 = tpu.memref_slice %arg14[%dma_wait3A, %dma_wait3A_90] : memref<32x64xi32, #tpu.memory_space<vmem>> -> memref<1x64xi32, #tpu.memory_space<vmem>>
      %dma_wait3A_92 = tpu.memref_squeeze %dma_wait3A_91 : memref<1x64xi32, #tpu.memory_space<vmem>> -> memref<64xi32, #tpu.memory_space<vmem>>
      %dma_wait3A_93 = arith.constant 0 : i32
      %dma_wait3A_94 = arith.constant 0 : i32
      %dma_wait3A_95 = tpu.memref_slice %arg10[%dma_wait3A_93, %dma_wait3A_94] : memref<10240x64xf32, #tpu.memory_space<vmem_shared>> -> memref<10240x64xf32, #tpu.memory_space<vmem_shared>>
      tpu.wait_indirect_dma semaphore(%arg19 : memref<!tpu.dma_semaphore, #tpu.memory_space<semaphore_mem>>) src(%arg15 : memref<64x64xf32, #tpu.memory_space<vmem>>) dst(%dma_wait3A_95 : memref<10240x64xf32, #tpu.memory_space<vmem_shared>>)
      %dma_wait3A_96 = arith.constant 29 : i32
      %dma_wait3A_97 = arith.constant 0 : i32
      %dma_wait3A_98 = tpu.memref_slice %arg14[%dma_wait3A_96, %dma_wait3A_97] : memref<32x64xi32, #tpu.memory_space<vmem>> -> memref<1x64xi32, #tpu.memory_space<vmem>>
      %dma_wait3A_99 = tpu.memref_squeeze %dma_wait3A_98 : memref<1x64xi32, #tpu.memory_space<vmem>> -> memref<64xi32, #tpu.memory_space<vmem>>
      %dma_wait3A_100 = arith.constant 0 : i32
      %dma_wait3A_101 = arith.constant 0 : i32
      %dma_wait3A_102 = tpu.memref_slice %arg10[%dma_wait3A_100, %dma_wait3A_101] : memref<10240x64xf32, #tpu.memory_space<vmem_shared>> -> memref<10240x64xf32, #tpu.memory_space<vmem_shared>>
      tpu.wait_indirect_dma semaphore(%arg20 : memref<!tpu.dma_semaphore, #tpu.memory_space<semaphore_mem>>) src(%arg16 : memref<64x64xf32, #tpu.memory_space<vmem>>) dst(%dma_wait3A_102 : memref<10240x64xf32, #tpu.memory_space<vmem_shared>>)
      %dma_wait3A_103 = arith.constant 30 : i32
      %dma_wait3A_104 = arith.constant 0 : i32
      %dma_wait3A_105 = tpu.memref_slice %arg14[%dma_wait3A_103, %dma_wait3A_104] : memref<32x64xi32, #tpu.memory_space<vmem>> -> memref<1x64xi32, #tpu.memory_space<vmem>>
      %dma_wait3A_106 = tpu.memref_squeeze %dma_wait3A_105 : memref<1x64xi32, #tpu.memory_space<vmem>> -> memref<64xi32, #tpu.memory_space<vmem>>
      %dma_wait3A_107 = arith.constant 0 : i32
      %dma_wait3A_108 = arith.constant 0 : i32
      %dma_wait3A_109 = tpu.memref_slice %arg10[%dma_wait3A_107, %dma_wait3A_108] : memref<10240x64xf32, #tpu.memory_space<vmem_shared>> -> memref<10240x64xf32, #tpu.memory_space<vmem_shared>>
      tpu.wait_indirect_dma semaphore(%arg21 : memref<!tpu.dma_semaphore, #tpu.memory_space<semaphore_mem>>) src(%arg17 : memref<64x64xf32, #tpu.memory_space<vmem>>) dst(%dma_wait3A_109 : memref<10240x64xf32, #tpu.memory_space<vmem_shared>>)
      %dma_wait3A_110 = arith.constant 31 : i32
      %dma_wait3A_111 = arith.constant 0 : i32
      %dma_wait3A_112 = tpu.memref_slice %arg14[%dma_wait3A_110, %dma_wait3A_111] : memref<32x64xi32, #tpu.memory_space<vmem>> -> memref<1x64xi32, #tpu.memory_space<vmem>>
      %dma_wait3A_113 = tpu.memref_squeeze %dma_wait3A_112 : memref<1x64xi32, #tpu.memory_space<vmem>> -> memref<64xi32, #tpu.memory_space<vmem>>
      %dma_wait3A_114 = arith.constant 0 : i32
      %dma_wait3A_115 = arith.constant 0 : i32
      %dma_wait3A_116 = tpu.memref_slice %arg10[%dma_wait3A_114, %dma_wait3A_115] : memref<10240x64xf32, #tpu.memory_space<vmem_shared>> -> memref<10240x64xf32, #tpu.memory_space<vmem_shared>>
      tpu.wait_indirect_dma semaphore(%arg22 : memref<!tpu.dma_semaphore, #tpu.memory_space<semaphore_mem>>) src(%arg18 : memref<64x64xf32, #tpu.memory_space<vmem>>) dst(%dma_wait3A_116 : memref<10240x64xf32, #tpu.memory_space<vmem_shared>>)
      %scan3A_117 = arith.constant 0 : i32
      scf.yield %scan3A_117 : i32
    }
    %scan3A_30 = arith.constant 10 : i32
    %barrier3A_31 = arith.constant 0 : index
    tpu.barrier barrier_id(%barrier3A_31)
    "tpu.trace_stop"() : () -> ()
    "tpu.trace_start"() <{level = 10 : i32, message = "rows0"}> : () -> ()
    %scan3A_32 = arith.constant 0 : i32
    %scan3A_33 = arith.constant 0 : i32
    %scan3A_34 = arith.constant 10 : i32
    %scan3A_35 = arith.addi %scan3A_33, %scan3A_34 : i32
    %scan3A_36 = arith.constant 1 : i32
    %scan3A_37 = scf.for %scan3A_77 = %scan3A_33 to %scan3A_35 step %scan3A_36 iter_args(%scan3A_78 = %scan3A_32) -> (i32)  : i32 {
      %mul3A_79 = arith.constant 64 : i32
      %mul3A_80 = arith.muli %scan3A_77, %mul3A_79 : i32
      %add3A = arith.addi %mul3A_0, %mul3A_80 : i32
      "tpu.region"() ({
        %run_scoped3A_89 = tpu.sem_alloc : memref<!tpu.dma_semaphore, #tpu.memory_space<semaphore_mem>>
        %dma_start3A = arith.constant 0 : i32
        %dma_start3A_90 = tpu.memref_slice %arg10[%add3A, %dma_start3A] : memref<10240x64xf32, #tpu.memory_space<vmem_shared>> -> memref<64x64xf32, #tpu.memory_space<vmem_shared>>
        %dma_start3A_91 = arith.constant 0 : i32
        %dma_start3A_92 = tpu.memref_slice %arg10[%add3A, %dma_start3A_91] : memref<10240x64xf32, #tpu.memory_space<vmem_shared>> -> memref<64x64xf32, #tpu.memory_space<vmem_shared>>
        tpu.enqueue_dma source(%dma_start3A_92 : memref<64x64xf32, #tpu.memory_space<vmem_shared>>) target(%arg16 : memref<64x64xf32, #tpu.memory_space<vmem>>) target_semaphore(%run_scoped3A_89 : memref<!tpu.dma_semaphore, #tpu.memory_space<semaphore_mem>>)
        %dma_wait3A = arith.constant 0 : i32
        %dma_wait3A_93 = tpu.memref_slice %arg10[%add3A, %dma_wait3A] : memref<10240x64xf32, #tpu.memory_space<vmem_shared>> -> memref<64x64xf32, #tpu.memory_space<vmem_shared>>
        %dma_wait3A_94 = arith.constant 0 : i32
        %dma_wait3A_95 = tpu.memref_slice %arg10[%add3A, %dma_wait3A_94] : memref<10240x64xf32, #tpu.memory_space<vmem_shared>> -> memref<64x64xf32, #tpu.memory_space<vmem_shared>>
        tpu.wait_dma2 semaphore(%run_scoped3A_89 : memref<!tpu.dma_semaphore, #tpu.memory_space<semaphore_mem>>) src(%dma_wait3A_95 : memref<64x64xf32, #tpu.memory_space<vmem_shared>>) dst(%arg16 : memref<64x64xf32, #tpu.memory_space<vmem>>)
        tpu.yield
      }) : () -> ()
      "tpu.region"() ({
        %run_scoped3A_89 = tpu.sem_alloc : memref<!tpu.dma_semaphore, #tpu.memory_space<semaphore_mem>>
        %dma_start3A = arith.constant 0 : i32
        %dma_start3A_90 = tpu.memref_slice %arg12[%arg0, %add3A, %dma_start3A] : memref<2x10240x16xf32, #tpu.memory_space<hbm>> -> memref<1x64x16xf32, #tpu.memory_space<hbm>>
        %dma_start3A_91 = tpu.memref_squeeze %dma_start3A_90 : memref<1x64x16xf32, #tpu.memory_space<hbm>> -> memref<64x16xf32, #tpu.memory_space<hbm>>
        %dma_start3A_92 = arith.constant 0 : i32
        %dma_start3A_93 = tpu.memref_slice %arg12[%arg0, %add3A, %dma_start3A_92] : memref<2x10240x16xf32, #tpu.memory_space<hbm>> -> memref<1x64x16xf32, #tpu.memory_space<hbm>>
        %dma_start3A_94 = tpu.memref_squeeze %dma_start3A_93 : memref<1x64x16xf32, #tpu.memory_space<hbm>> -> memref<64x16xf32, #tpu.memory_space<hbm>>
        tpu.enqueue_dma source(%dma_start3A_94 : memref<64x16xf32, #tpu.memory_space<hbm>>) target(%arg23 : memref<64x16xf32, #tpu.memory_space<vmem>>) target_semaphore(%run_scoped3A_89 : memref<!tpu.dma_semaphore, #tpu.memory_space<semaphore_mem>>)
        %dma_wait3A = arith.constant 0 : i32
        %dma_wait3A_95 = tpu.memref_slice %arg12[%arg0, %add3A, %dma_wait3A] : memref<2x10240x16xf32, #tpu.memory_space<hbm>> -> memref<1x64x16xf32, #tpu.memory_space<hbm>>
        %dma_wait3A_96 = tpu.memref_squeeze %dma_wait3A_95 : memref<1x64x16xf32, #tpu.memory_space<hbm>> -> memref<64x16xf32, #tpu.memory_space<hbm>>
        %dma_wait3A_97 = arith.constant 0 : i32
        %dma_wait3A_98 = tpu.memref_slice %arg12[%arg0, %add3A, %dma_wait3A_97] : memref<2x10240x16xf32, #tpu.memory_space<hbm>> -> memref<1x64x16xf32, #tpu.memory_space<hbm>>
        %dma_wait3A_99 = tpu.memref_squeeze %dma_wait3A_98 : memref<1x64x16xf32, #tpu.memory_space<hbm>> -> memref<64x16xf32, #tpu.memory_space<hbm>>
        tpu.wait_dma2 semaphore(%run_scoped3A_89 : memref<!tpu.dma_semaphore, #tpu.memory_space<semaphore_mem>>) src(%dma_wait3A_99 : memref<64x16xf32, #tpu.memory_space<hbm>>) dst(%arg23 : memref<64x16xf32, #tpu.memory_space<vmem>>)
        tpu.yield
      }) : () -> ()
      "tpu.region"() ({
        %run_scoped3A_89 = tpu.sem_alloc : memref<!tpu.dma_semaphore, #tpu.memory_space<semaphore_mem>>
        %dma_start3A = arith.constant 0 : i32
        %dma_start3A_90 = tpu.memref_slice %arg11[%arg0, %add3A, %dma_start3A] : memref<2x10240x64xf32, #tpu.memory_space<hbm>> -> memref<1x64x64xf32, #tpu.memory_space<hbm>>
        %dma_start3A_91 = tpu.memref_squeeze %dma_start3A_90 : memref<1x64x64xf32, #tpu.memory_space<hbm>> -> memref<64x64xf32, #tpu.memory_space<hbm>>
        %dma_start3A_92 = arith.constant 0 : i32
        %dma_start3A_93 = tpu.memref_slice %arg11[%arg0, %add3A, %dma_start3A_92] : memref<2x10240x64xf32, #tpu.memory_space<hbm>> -> memref<1x64x64xf32, #tpu.memory_space<hbm>>
        %dma_start3A_94 = tpu.memref_squeeze %dma_start3A_93 : memref<1x64x64xf32, #tpu.memory_space<hbm>> -> memref<64x64xf32, #tpu.memory_space<hbm>>
        tpu.enqueue_dma source(%arg16 : memref<64x64xf32, #tpu.memory_space<vmem>>) target(%dma_start3A_94 : memref<64x64xf32, #tpu.memory_space<hbm>>) target_semaphore(%run_scoped3A_89 : memref<!tpu.dma_semaphore, #tpu.memory_space<semaphore_mem>>)
        %dma_wait3A = arith.constant 0 : i32
        %dma_wait3A_95 = tpu.memref_slice %arg11[%arg0, %add3A, %dma_wait3A] : memref<2x10240x64xf32, #tpu.memory_space<hbm>> -> memref<1x64x64xf32, #tpu.memory_space<hbm>>
        %dma_wait3A_96 = tpu.memref_squeeze %dma_wait3A_95 : memref<1x64x64xf32, #tpu.memory_space<hbm>> -> memref<64x64xf32, #tpu.memory_space<hbm>>
        %dma_wait3A_97 = arith.constant 0 : i32
        %dma_wait3A_98 = tpu.memref_slice %arg11[%arg0, %add3A, %dma_wait3A_97] : memref<2x10240x64xf32, #tpu.memory_space<hbm>> -> memref<1x64x64xf32, #tpu.memory_space<hbm>>
        %dma_wait3A_99 = tpu.memref_squeeze %dma_wait3A_98 : memref<1x64x64xf32, #tpu.memory_space<hbm>> -> memref<64x64xf32, #tpu.memory_space<hbm>>
        tpu.wait_dma2 semaphore(%run_scoped3A_89 : memref<!tpu.dma_semaphore, #tpu.memory_space<semaphore_mem>>) src(%arg16 : memref<64x64xf32, #tpu.memory_space<vmem>>) dst(%dma_wait3A_99 : memref<64x64xf32, #tpu.memory_space<hbm>>)
        tpu.yield
      }) : () -> ()
      %scan3A_81 = arith.constant 0 : i32
      %scan3A_82 = arith.constant 0 : i32
      %scan3A_83 = arith.constant 32 : i32
      %scan3A_84 = arith.addi %scan3A_82, %scan3A_83 : i32
      %scan3A_85 = arith.constant 1 : i32
      %scan3A_86 = scf.for %scan3A_89 = %scan3A_82 to %scan3A_84 step %scan3A_85 iter_args(%scan3A_90 = %scan3A_81) -> (i32)  : i32 {
        %mul3A_91 = arith.constant 2 : i32
        %mul3A_92 = arith.muli %mul3A_91, %scan3A_89 : i32
        %mul3A_93 = arith.constant 2 : i32
        %mul3A_94 = arith.muli %mul3A_93, %scan3A_89 : i32
        %add3A_95 = arith.constant 1 : i32
        %add3A_96 = arith.addi %mul3A_94, %add3A_95 : i32
        %get3A = arith.index_cast %mul3A_92 : i32 to index
        %get3A_97 = arith.constant 0 : index
        %get3A_98 = tpu.vector_load %arg23[%get3A, %get3A_97] {strides = array<i32>} : memref<64x16xf32, #tpu.memory_space<vmem>>, vector<1x16xf32>,
        %get3A_99 = vector.shape_cast %get3A_98 : vector<1x16xf32> to vector<16xf32>
        %mul3A_100 = arith.mulf %get3A_99, %get3A_99 : vector<16xf32>
        %get3A_101 = arith.index_cast %mul3A_92 : i32 to index
        %get3A_102 = arith.constant 0 : index
        %get3A_103 = tpu.vector_load %arg16[%get3A_101, %get3A_102] {strides = array<i32>} : memref<64x64xf32, #tpu.memory_space<vmem>>, vector<1x16xf32>,
        %get3A_104 = vector.shape_cast %get3A_103 : vector<1x16xf32> to vector<16xf32>
        %mul3A_105 = arith.mulf %get3A_104, %mul3A_100 : vector<16xf32>
        %swap3A = arith.index_cast %mul3A_92 : i32 to index
        %swap3A_106 = arith.constant 0 : index
        %swap3A_107 = tpu.vector_load %arg16[%swap3A, %swap3A_106] {strides = array<i32>} : memref<64x64xf32, #tpu.memory_space<vmem>>, vector<1x16xf32>,
        %swap3A_108 = vector.shape_cast %swap3A_107 : vector<1x16xf32> to vector<16xf32>
        %swap3A_109 = vector.shape_cast %mul3A_105 : vector<16xf32> to vector<1x16xf32>
        tpu.vector_store %arg16[%swap3A, %swap3A_106], %swap3A_109 {strides = array<i32>} : memref<64x64xf32, #tpu.memory_space<vmem>>, vector<1x16xf32>,
        %get3A_110 = arith.index_cast %mul3A_92 : i32 to index
        %get3A_111 = arith.constant 16 : index
        %get3A_112 = tpu.vector_load %arg16[%get3A_110, %get3A_111] {strides = array<i32>} : memref<64x64xf32, #tpu.memory_space<vmem>>, vector<1x16xf32>,
        %get3A_113 = vector.shape_cast %get3A_112 : vector<1x16xf32> to vector<16xf32>
        %mul3A_114 = arith.mulf %get3A_113, %mul3A_100 : vector<16xf32>
        %swap3A_115 = arith.index_cast %mul3A_92 : i32 to index
        %swap3A_116 = arith.constant 16 : index
        %swap3A_117 = tpu.vector_load %arg16[%swap3A_115, %swap3A_116] {strides = array<i32>} : memref<64x64xf32, #tpu.memory_space<vmem>>, vector<1x16xf32>,
        %swap3A_118 = vector.shape_cast %swap3A_117 : vector<1x16xf32> to vector<16xf32>
        %swap3A_119 = vector.shape_cast %mul3A_114 : vector<16xf32> to vector<1x16xf32>
        tpu.vector_store %arg16[%swap3A_115, %swap3A_116], %swap3A_119 {strides = array<i32>} : memref<64x64xf32, #tpu.memory_space<vmem>>, vector<1x16xf32>,
        %get3A_120 = arith.index_cast %mul3A_92 : i32 to index
        %get3A_121 = arith.constant 32 : index
        %get3A_122 = tpu.vector_load %arg16[%get3A_120, %get3A_121] {strides = array<i32>} : memref<64x64xf32, #tpu.memory_space<vmem>>, vector<1x16xf32>,
        %get3A_123 = vector.shape_cast %get3A_122 : vector<1x16xf32> to vector<16xf32>
        %mul3A_124 = arith.mulf %get3A_123, %mul3A_100 : vector<16xf32>
        %swap3A_125 = arith.index_cast %mul3A_92 : i32 to index
        %swap3A_126 = arith.constant 32 : index
        %swap3A_127 = tpu.vector_load %arg16[%swap3A_125, %swap3A_126] {strides = array<i32>} : memref<64x64xf32, #tpu.memory_space<vmem>>, vector<1x16xf32>,
        %swap3A_128 = vector.shape_cast %swap3A_127 : vector<1x16xf32> to vector<16xf32>
        %swap3A_129 = vector.shape_cast %mul3A_124 : vector<16xf32> to vector<1x16xf32>
        tpu.vector_store %arg16[%swap3A_125, %swap3A_126], %swap3A_129 {strides = array<i32>} : memref<64x64xf32, #tpu.memory_space<vmem>>, vector<1x16xf32>,
        %get3A_130 = arith.index_cast %mul3A_92 : i32 to index
        %get3A_131 = arith.constant 48 : index
        %get3A_132 = tpu.vector_load %arg16[%get3A_130, %get3A_131] {strides = array<i32>} : memref<64x64xf32, #tpu.memory_space<vmem>>, vector<1x16xf32>,
        %get3A_133 = vector.shape_cast %get3A_132 : vector<1x16xf32> to vector<16xf32>
        %mul3A_134 = arith.mulf %get3A_133, %mul3A_100 : vector<16xf32>
        %swap3A_135 = arith.index_cast %mul3A_92 : i32 to index
        %swap3A_136 = arith.constant 48 : index
        %swap3A_137 = tpu.vector_load %arg16[%swap3A_135, %swap3A_136] {strides = array<i32>} : memref<64x64xf32, #tpu.memory_space<vmem>>, vector<1x16xf32>,
        %swap3A_138 = vector.shape_cast %swap3A_137 : vector<1x16xf32> to vector<16xf32>
        %swap3A_139 = vector.shape_cast %mul3A_134 : vector<16xf32> to vector<1x16xf32>
        tpu.vector_store %arg16[%swap3A_135, %swap3A_136], %swap3A_139 {strides = array<i32>} : memref<64x64xf32, #tpu.memory_space<vmem>>, vector<1x16xf32>,
        %get3A_140 = arith.index_cast %add3A_96 : i32 to index
        %get3A_141 = arith.constant 0 : index
        %get3A_142 = tpu.vector_load %arg23[%get3A_140, %get3A_141] {strides = array<i32>} : memref<64x16xf32, #tpu.memory_space<vmem>>, vector<1x16xf32>,
        %get3A_143 = vector.shape_cast %get3A_142 : vector<1x16xf32> to vector<16xf32>
        %mul3A_144 = arith.mulf %get3A_143, %get3A_143 : vector<16xf32>
        %get3A_145 = arith.index_cast %add3A_96 : i32 to index
        %get3A_146 = arith.constant 0 : index
        %get3A_147 = tpu.vector_load %arg16[%get3A_145, %get3A_146] {strides = array<i32>} : memref<64x64xf32, #tpu.memory_space<vmem>>, vector<1x16xf32>,
        %get3A_148 = vector.shape_cast %get3A_147 : vector<1x16xf32> to vector<16xf32>
        %mul3A_149 = arith.mulf %get3A_148, %mul3A_144 : vector<16xf32>
        %swap3A_150 = arith.index_cast %add3A_96 : i32 to index
        %swap3A_151 = arith.constant 0 : index
        %swap3A_152 = tpu.vector_load %arg16[%swap3A_150, %swap3A_151] {strides = array<i32>} : memref<64x64xf32, #tpu.memory_space<vmem>>, vector<1x16xf32>,
        %swap3A_153 = vector.shape_cast %swap3A_152 : vector<1x16xf32> to vector<16xf32>
        %swap3A_154 = vector.shape_cast %mul3A_149 : vector<16xf32> to vector<1x16xf32>
        tpu.vector_store %arg16[%swap3A_150, %swap3A_151], %swap3A_154 {strides = array<i32>} : memref<64x64xf32, #tpu.memory_space<vmem>>, vector<1x16xf32>,
        %get3A_155 = arith.index_cast %add3A_96 : i32 to index
        %get3A_156 = arith.constant 16 : index
        %get3A_157 = tpu.vector_load %arg16[%get3A_155, %get3A_156] {strides = array<i32>} : memref<64x64xf32, #tpu.memory_space<vmem>>, vector<1x16xf32>,
        %get3A_158 = vector.shape_cast %get3A_157 : vector<1x16xf32> to vector<16xf32>
        %mul3A_159 = arith.mulf %get3A_158, %mul3A_144 : vector<16xf32>
        %swap3A_160 = arith.index_cast %add3A_96 : i32 to index
        %swap3A_161 = arith.constant 16 : index
        %swap3A_162 = tpu.vector_load %arg16[%swap3A_160, %swap3A_161] {strides = array<i32>} : memref<64x64xf32, #tpu.memory_space<vmem>>, vector<1x16xf32>,
        %swap3A_163 = vector.shape_cast %swap3A_162 : vector<1x16xf32> to vector<16xf32>
        %swap3A_164 = vector.shape_cast %mul3A_159 : vector<16xf32> to vector<1x16xf32>
        tpu.vector_store %arg16[%swap3A_160, %swap3A_161], %swap3A_164 {strides = array<i32>} : memref<64x64xf32, #tpu.memory_space<vmem>>, vector<1x16xf32>,
        %get3A_165 = arith.index_cast %add3A_96 : i32 to index
        %get3A_166 = arith.constant 32 : index
        %get3A_167 = tpu.vector_load %arg16[%get3A_165, %get3A_166] {strides = array<i32>} : memref<64x64xf32, #tpu.memory_space<vmem>>, vector<1x16xf32>,
        %get3A_168 = vector.shape_cast %get3A_167 : vector<1x16xf32> to vector<16xf32>
        %mul3A_169 = arith.mulf %get3A_168, %mul3A_144 : vector<16xf32>
        %swap3A_170 = arith.index_cast %add3A_96 : i32 to index
        %swap3A_171 = arith.constant 32 : index
        %swap3A_172 = tpu.vector_load %arg16[%swap3A_170, %swap3A_171] {strides = array<i32>} : memref<64x64xf32, #tpu.memory_space<vmem>>, vector<1x16xf32>,
        %swap3A_173 = vector.shape_cast %swap3A_172 : vector<1x16xf32> to vector<16xf32>
        %swap3A_174 = vector.shape_cast %mul3A_169 : vector<16xf32> to vector<1x16xf32>
        tpu.vector_store %arg16[%swap3A_170, %swap3A_171], %swap3A_174 {strides = array<i32>} : memref<64x64xf32, #tpu.memory_space<vmem>>, vector<1x16xf32>,
        %get3A_175 = arith.index_cast %add3A_96 : i32 to index
        %get3A_176 = arith.constant 48 : index
        %get3A_177 = tpu.vector_load %arg16[%get3A_175, %get3A_176] {strides = array<i32>} : memref<64x64xf32, #tpu.memory_space<vmem>>, vector<1x16xf32>,
        %get3A_178 = vector.shape_cast %get3A_177 : vector<1x16xf32> to vector<16xf32>
        %mul3A_179 = arith.mulf %get3A_178, %mul3A_144 : vector<16xf32>
        %swap3A_180 = arith.index_cast %add3A_96 : i32 to index
        %swap3A_181 = arith.constant 48 : index
        %swap3A_182 = tpu.vector_load %arg16[%swap3A_180, %swap3A_181] {strides = array<i32>} : memref<64x64xf32, #tpu.memory_space<vmem>>, vector<1x16xf32>,
        %swap3A_183 = vector.shape_cast %swap3A_182 : vector<1x16xf32> to vector<16xf32>
        %swap3A_184 = vector.shape_cast %mul3A_179 : vector<16xf32> to vector<1x16xf32>
        tpu.vector_store %arg16[%swap3A_180, %swap3A_181], %swap3A_184 {strides = array<i32>} : memref<64x64xf32, #tpu.memory_space<vmem>>, vector<1x16xf32>,
        %scan3A_185 = arith.constant 0 : i32
        scf.yield %scan3A_185 : i32
      }
      %scan3A_87 = arith.constant 32 : i32
      "tpu.region"() ({
        %run_scoped3A_89 = tpu.sem_alloc : memref<!tpu.dma_semaphore, #tpu.memory_space<semaphore_mem>>
        %dma_start3A = arith.constant 0 : i32
        %dma_start3A_90 = tpu.memref_slice %arg9[%add3A, %dma_start3A] : memref<10240x64xf32, #tpu.memory_space<vmem_shared>> -> memref<64x64xf32, #tpu.memory_space<vmem_shared>>
        %dma_start3A_91 = arith.constant 0 : i32
        %dma_start3A_92 = tpu.memref_slice %arg9[%add3A, %dma_start3A_91] : memref<10240x64xf32, #tpu.memory_space<vmem_shared>> -> memref<64x64xf32, #tpu.memory_space<vmem_shared>>
        tpu.enqueue_dma source(%arg16 : memref<64x64xf32, #tpu.memory_space<vmem>>) target(%dma_start3A_92 : memref<64x64xf32, #tpu.memory_space<vmem_shared>>) target_semaphore(%run_scoped3A_89 : memref<!tpu.dma_semaphore, #tpu.memory_space<semaphore_mem>>)
        %dma_wait3A = arith.constant 0 : i32
        %dma_wait3A_93 = tpu.memref_slice %arg9[%add3A, %dma_wait3A] : memref<10240x64xf32, #tpu.memory_space<vmem_shared>> -> memref<64x64xf32, #tpu.memory_space<vmem_shared>>
        %dma_wait3A_94 = arith.constant 0 : i32
        %dma_wait3A_95 = tpu.memref_slice %arg9[%add3A, %dma_wait3A_94] : memref<10240x64xf32, #tpu.memory_space<vmem_shared>> -> memref<64x64xf32, #tpu.memory_space<vmem_shared>>
        tpu.wait_dma2 semaphore(%run_scoped3A_89 : memref<!tpu.dma_semaphore, #tpu.memory_space<semaphore_mem>>) src(%arg16 : memref<64x64xf32, #tpu.memory_space<vmem>>) dst(%dma_wait3A_95 : memref<64x64xf32, #tpu.memory_space<vmem_shared>>)
        tpu.yield
      }) : () -> ()
      %scan3A_88 = arith.constant 0 : i32
      scf.yield %scan3A_88 : i32
    }
    %scan3A_38 = arith.constant 10 : i32
    %barrier3A_39 = arith.constant 0 : index
    tpu.barrier barrier_id(%barrier3A_39)
    "tpu.trace_stop"() : () -> ()
    "tpu.trace_start"() <{level = 10 : i32, message = "edges1"}> : () -> ()
    %scan3A_40 = arith.constant 0 : i32
    %scan3A_41 = arith.constant 0 : i32
    %scan3A_42 = arith.constant 10 : i32
    %scan3A_43 = arith.addi %scan3A_41, %scan3A_42 : i32
    %scan3A_44 = arith.constant 1 : i32
    %scan3A_45 = scf.for %scan3A_77 = %scan3A_41 to %scan3A_43 step %scan3A_44 iter_args(%scan3A_78 = %scan3A_40) -> (i32)  : i32 {
      %mul3A_79 = arith.constant 32 : i32
      %mul3A_80 = arith.muli %scan3A_77, %mul3A_79 : i32
      "tpu.region"() ({
        %run_scoped3A_118 = tpu.sem_alloc : memref<!tpu.dma_semaphore, #tpu.memory_space<semaphore_mem>>
        %dma_start3A = arith.constant 0 : i32
        %dma_start3A_119 = tpu.memref_slice %arg2[%arg1, %mul3A_80, %dma_start3A] : memref<16x320x64xi32, #tpu.memory_space<hbm>> -> memref<1x32x64xi32, #tpu.memory_space<hbm>>
        %dma_start3A_120 = tpu.memref_squeeze %dma_start3A_119 : memref<1x32x64xi32, #tpu.memory_space<hbm>> -> memref<32x64xi32, #tpu.memory_space<hbm>>
        %dma_start3A_121 = arith.constant 0 : i32
        %dma_start3A_122 = tpu.memref_slice %arg2[%arg1, %mul3A_80, %dma_start3A_121] : memref<16x320x64xi32, #tpu.memory_space<hbm>> -> memref<1x32x64xi32, #tpu.memory_space<hbm>>
        %dma_start3A_123 = tpu.memref_squeeze %dma_start3A_122 : memref<1x32x64xi32, #tpu.memory_space<hbm>> -> memref<32x64xi32, #tpu.memory_space<hbm>>
        tpu.enqueue_dma source(%dma_start3A_123 : memref<32x64xi32, #tpu.memory_space<hbm>>) target(%arg13 : memref<32x64xi32, #tpu.memory_space<vmem>>) target_semaphore(%run_scoped3A_118 : memref<!tpu.dma_semaphore, #tpu.memory_space<semaphore_mem>>)
        %dma_wait3A_124 = arith.constant 0 : i32
        %dma_wait3A_125 = tpu.memref_slice %arg2[%arg1, %mul3A_80, %dma_wait3A_124] : memref<16x320x64xi32, #tpu.memory_space<hbm>> -> memref<1x32x64xi32, #tpu.memory_space<hbm>>
        %dma_wait3A_126 = tpu.memref_squeeze %dma_wait3A_125 : memref<1x32x64xi32, #tpu.memory_space<hbm>> -> memref<32x64xi32, #tpu.memory_space<hbm>>
        %dma_wait3A_127 = arith.constant 0 : i32
        %dma_wait3A_128 = tpu.memref_slice %arg2[%arg1, %mul3A_80, %dma_wait3A_127] : memref<16x320x64xi32, #tpu.memory_space<hbm>> -> memref<1x32x64xi32, #tpu.memory_space<hbm>>
        %dma_wait3A_129 = tpu.memref_squeeze %dma_wait3A_128 : memref<1x32x64xi32, #tpu.memory_space<hbm>> -> memref<32x64xi32, #tpu.memory_space<hbm>>
        tpu.wait_dma2 semaphore(%run_scoped3A_118 : memref<!tpu.dma_semaphore, #tpu.memory_space<semaphore_mem>>) src(%dma_wait3A_129 : memref<32x64xi32, #tpu.memory_space<hbm>>) dst(%arg13 : memref<32x64xi32, #tpu.memory_space<vmem>>)
        tpu.yield
      }) : () -> ()
      %mul3A_81 = arith.constant 32 : i32
      %mul3A_82 = arith.muli %scan3A_77, %mul3A_81 : i32
      "tpu.region"() ({
        %run_scoped3A_118 = tpu.sem_alloc : memref<!tpu.dma_semaphore, #tpu.memory_space<semaphore_mem>>
        %dma_start3A = arith.constant 0 : i32
        %dma_start3A_119 = tpu.memref_slice %arg3[%arg1, %mul3A_82, %dma_start3A] : memref<16x320x64xi32, #tpu.memory_space<hbm>> -> memref<1x32x64xi32, #tpu.memory_space<hbm>>
        %dma_start3A_120 = tpu.memref_squeeze %dma_start3A_119 : memref<1x32x64xi32, #tpu.memory_space<hbm>> -> memref<32x64xi32, #tpu.memory_space<hbm>>
        %dma_start3A_121 = arith.constant 0 : i32
        %dma_start3A_122 = tpu.memref_slice %arg3[%arg1, %mul3A_82, %dma_start3A_121] : memref<16x320x64xi32, #tpu.memory_space<hbm>> -> memref<1x32x64xi32, #tpu.memory_space<hbm>>
        %dma_start3A_123 = tpu.memref_squeeze %dma_start3A_122 : memref<1x32x64xi32, #tpu.memory_space<hbm>> -> memref<32x64xi32, #tpu.memory_space<hbm>>
        tpu.enqueue_dma source(%dma_start3A_123 : memref<32x64xi32, #tpu.memory_space<hbm>>) target(%arg14 : memref<32x64xi32, #tpu.memory_space<vmem>>) target_semaphore(%run_scoped3A_118 : memref<!tpu.dma_semaphore, #tpu.memory_space<semaphore_mem>>)
        %dma_wait3A_124 = arith.constant 0 : i32
        %dma_wait3A_125 = tpu.memref_slice %arg3[%arg1, %mul3A_82, %dma_wait3A_124] : memref<16x320x64xi32, #tpu.memory_space<hbm>> -> memref<1x32x64xi32, #tpu.memory_space<hbm>>
        %dma_wait3A_126 = tpu.memref_squeeze %dma_wait3A_125 : memref<1x32x64xi32, #tpu.memory_space<hbm>> -> memref<32x64xi32, #tpu.memory_space<hbm>>
        %dma_wait3A_127 = arith.constant 0 : i32
        %dma_wait3A_128 = tpu.memref_slice %arg3[%arg1, %mul3A_82, %dma_wait3A_127] : memref<16x320x64xi32, #tpu.memory_space<hbm>> -> memref<1x32x64xi32, #tpu.memory_space<hbm>>
        %dma_wait3A_129 = tpu.memref_squeeze %dma_wait3A_128 : memref<1x32x64xi32, #tpu.memory_space<hbm>> -> memref<32x64xi32, #tpu.memory_space<hbm>>
        tpu.wait_dma2 semaphore(%run_scoped3A_118 : memref<!tpu.dma_semaphore, #tpu.memory_space<semaphore_mem>>) src(%dma_wait3A_129 : memref<32x64xi32, #tpu.memory_space<hbm>>) dst(%arg14 : memref<32x64xi32, #tpu.memory_space<vmem>>)
        tpu.yield
      }) : () -> ()
      %scan3A_83 = arith.constant 0 : i32
      %scan3A_84 = arith.constant 0 : i32
      %scan3A_85 = arith.constant 8 : i32
      %scan3A_86 = arith.addi %scan3A_84, %scan3A_85 : i32
      %scan3A_87 = arith.constant 1 : i32
      %scan3A_88 = scf.for %scan3A_118 = %scan3A_84 to %scan3A_86 step %scan3A_87 iter_args(%scan3A_119 = %scan3A_83) -> (i32)  : i32 {
        %mul3A_120 = arith.constant 4 : i32
        %mul3A_121 = arith.muli %mul3A_120, %scan3A_118 : i32
        %add3A = arith.constant 0 : i32
        %add3A_122 = arith.addi %mul3A_121, %add3A : i32
        %gt3A = arith.constant 0 : i32
        %gt3A_123 = arith.cmpi sgt, %scan3A_118, %gt3A : i32
        %convert_element_type3A = arith.extui %gt3A_123 : i1 to i32
        %cond3A = arith.constant 0 : i32
        %cond3A_124 = arith.cmpi ne, %convert_element_type3A, %cond3A : i32
        scf.if %cond3A_124 {
          %sub3A = arith.constant 4 : i32
          %sub3A_176 = arith.subi %add3A_122, %sub3A : i32
          %dma_wait3A_177 = arith.constant 0 : i32
          %dma_wait3A_178 = tpu.memref_slice %arg14[%sub3A_176, %dma_wait3A_177] : memref<32x64xi32, #tpu.memory_space<vmem>> -> memref<1x64xi32, #tpu.memory_space<vmem>>
          %dma_wait3A_179 = tpu.memref_squeeze %dma_wait3A_178 : memref<1x64xi32, #tpu.memory_space<vmem>> -> memref<64xi32, #tpu.memory_space<vmem>>
          %dma_wait3A_180 = arith.constant 0 : i32
          %dma_wait3A_181 = arith.constant 0 : i32
          %dma_wait3A_182 = tpu.memref_slice %arg10[%dma_wait3A_180, %dma_wait3A_181] : memref<10240x64xf32, #tpu.memory_space<vmem_shared>> -> memref<10240x64xf32, #tpu.memory_space<vmem_shared>>
          tpu.wait_indirect_dma semaphore(%arg19 : memref<!tpu.dma_semaphore, #tpu.memory_space<semaphore_mem>>) src(%arg15 : memref<64x64xf32, #tpu.memory_space<vmem>>) dst(%dma_wait3A_182 : memref<10240x64xf32, #tpu.memory_space<vmem_shared>>)
        } else {
        }
        "tpu.region"() ({
          %run_scoped3A_176 = tpu.sem_alloc : memref<!tpu.dma_semaphore, #tpu.memory_space<semaphore_mem>>
          %dma_start3A_177 = arith.constant 0 : i32
          %dma_start3A_178 = tpu.memref_slice %arg13[%add3A_122, %dma_start3A_177] : memref<32x64xi32, #tpu.memory_space<vmem>> -> memref<1x64xi32, #tpu.memory_space<vmem>>
          %dma_start3A_179 = tpu.memref_squeeze %dma_start3A_178 : memref<1x64xi32, #tpu.memory_space<vmem>> -> memref<64xi32, #tpu.memory_space<vmem>>
          %dma_start3A_180 = arith.constant 0 : i32
          %dma_start3A_181 = arith.constant 0 : i32
          %dma_start3A_182 = tpu.memref_slice %arg9[%dma_start3A_180, %dma_start3A_181] : memref<10240x64xf32, #tpu.memory_space<vmem_shared>> -> memref<10240x64xf32, #tpu.memory_space<vmem_shared>>
          tpu.enqueue_indirect_dma source(%dma_start3A_182 : memref<10240x64xf32, #tpu.memory_space<vmem_shared>>) target(%arg15 : memref<64x64xf32, #tpu.memory_space<vmem>>) offsets(%dma_start3A_179 : memref<64xi32, #tpu.memory_space<vmem>>) semaphore(%run_scoped3A_176 : memref<!tpu.dma_semaphore, #tpu.memory_space<semaphore_mem>>)
          %dma_wait3A_183 = arith.constant 0 : i32
          %dma_wait3A_184 = tpu.memref_slice %arg13[%add3A_122, %dma_wait3A_183] : memref<32x64xi32, #tpu.memory_space<vmem>> -> memref<1x64xi32, #tpu.memory_space<vmem>>
          %dma_wait3A_185 = tpu.memref_squeeze %dma_wait3A_184 : memref<1x64xi32, #tpu.memory_space<vmem>> -> memref<64xi32, #tpu.memory_space<vmem>>
          %dma_wait3A_186 = arith.constant 0 : i32
          %dma_wait3A_187 = arith.constant 0 : i32
          %dma_wait3A_188 = tpu.memref_slice %arg9[%dma_wait3A_186, %dma_wait3A_187] : memref<10240x64xf32, #tpu.memory_space<vmem_shared>> -> memref<10240x64xf32, #tpu.memory_space<vmem_shared>>
          tpu.wait_indirect_dma semaphore(%run_scoped3A_176 : memref<!tpu.dma_semaphore, #tpu.memory_space<semaphore_mem>>) src(%dma_wait3A_188 : memref<10240x64xf32, #tpu.memory_space<vmem_shared>>) dst(%arg15 : memref<64x64xf32, #tpu.memory_space<vmem>>)
          tpu.yield
        }) : () -> ()
        %dma_start3A = arith.constant 0 : i32
        %dma_start3A_125 = tpu.memref_slice %arg14[%add3A_122, %dma_start3A] : memref<32x64xi32, #tpu.memory_space<vmem>> -> memref<1x64xi32, #tpu.memory_space<vmem>>
        %dma_start3A_126 = tpu.memref_squeeze %dma_start3A_125 : memref<1x64xi32, #tpu.memory_space<vmem>> -> memref<64xi32, #tpu.memory_space<vmem>>
        %dma_start3A_127 = arith.constant 0 : i32
        %dma_start3A_128 = arith.constant 0 : i32
        %dma_start3A_129 = tpu.memref_slice %arg10[%dma_start3A_127, %dma_start3A_128] : memref<10240x64xf32, #tpu.memory_space<vmem_shared>> -> memref<10240x64xf32, #tpu.memory_space<vmem_shared>>
        tpu.enqueue_indirect_dma source(%arg15 : memref<64x64xf32, #tpu.memory_space<vmem>>) target(%dma_start3A_129 : memref<10240x64xf32, #tpu.memory_space<vmem_shared>>) offsets(%dma_start3A_126 : memref<64xi32, #tpu.memory_space<vmem>>) semaphore(%arg19 : memref<!tpu.dma_semaphore, #tpu.memory_space<semaphore_mem>>) {add = true}
        %mul3A_130 = arith.constant 4 : i32
        %mul3A_131 = arith.muli %mul3A_130, %scan3A_118 : i32
        %add3A_132 = arith.constant 1 : i32
        %add3A_133 = arith.addi %mul3A_131, %add3A_132 : i32
        %gt3A_134 = arith.constant 0 : i32
        %gt3A_135 = arith.cmpi sgt, %scan3A_118, %gt3A_134 : i32
        %convert_element_type3A_136 = arith.extui %gt3A_135 : i1 to i32
        %cond3A_137 = arith.constant 0 : i32
        %cond3A_138 = arith.cmpi ne, %convert_element_type3A_136, %cond3A_137 : i32
        scf.if %cond3A_138 {
          %sub3A = arith.constant 4 : i32
          %sub3A_176 = arith.subi %add3A_133, %sub3A : i32
          %dma_wait3A_177 = arith.constant 0 : i32
          %dma_wait3A_178 = tpu.memref_slice %arg14[%sub3A_176, %dma_wait3A_177] : memref<32x64xi32, #tpu.memory_space<vmem>> -> memref<1x64xi32, #tpu.memory_space<vmem>>
          %dma_wait3A_179 = tpu.memref_squeeze %dma_wait3A_178 : memref<1x64xi32, #tpu.memory_space<vmem>> -> memref<64xi32, #tpu.memory_space<vmem>>
          %dma_wait3A_180 = arith.constant 0 : i32
          %dma_wait3A_181 = arith.constant 0 : i32
          %dma_wait3A_182 = tpu.memref_slice %arg10[%dma_wait3A_180, %dma_wait3A_181] : memref<10240x64xf32, #tpu.memory_space<vmem_shared>> -> memref<10240x64xf32, #tpu.memory_space<vmem_shared>>
          tpu.wait_indirect_dma semaphore(%arg20 : memref<!tpu.dma_semaphore, #tpu.memory_space<semaphore_mem>>) src(%arg16 : memref<64x64xf32, #tpu.memory_space<vmem>>) dst(%dma_wait3A_182 : memref<10240x64xf32, #tpu.memory_space<vmem_shared>>)
        } else {
        }
        "tpu.region"() ({
          %run_scoped3A_176 = tpu.sem_alloc : memref<!tpu.dma_semaphore, #tpu.memory_space<semaphore_mem>>
          %dma_start3A_177 = arith.constant 0 : i32
          %dma_start3A_178 = tpu.memref_slice %arg13[%add3A_133, %dma_start3A_177] : memref<32x64xi32, #tpu.memory_space<vmem>> -> memref<1x64xi32, #tpu.memory_space<vmem>>
          %dma_start3A_179 = tpu.memref_squeeze %dma_start3A_178 : memref<1x64xi32, #tpu.memory_space<vmem>> -> memref<64xi32, #tpu.memory_space<vmem>>
          %dma_start3A_180 = arith.constant 0 : i32
          %dma_start3A_181 = arith.constant 0 : i32
          %dma_start3A_182 = tpu.memref_slice %arg9[%dma_start3A_180, %dma_start3A_181] : memref<10240x64xf32, #tpu.memory_space<vmem_shared>> -> memref<10240x64xf32, #tpu.memory_space<vmem_shared>>
          tpu.enqueue_indirect_dma source(%dma_start3A_182 : memref<10240x64xf32, #tpu.memory_space<vmem_shared>>) target(%arg16 : memref<64x64xf32, #tpu.memory_space<vmem>>) offsets(%dma_start3A_179 : memref<64xi32, #tpu.memory_space<vmem>>) semaphore(%run_scoped3A_176 : memref<!tpu.dma_semaphore, #tpu.memory_space<semaphore_mem>>)
          %dma_wait3A_183 = arith.constant 0 : i32
          %dma_wait3A_184 = tpu.memref_slice %arg13[%add3A_133, %dma_wait3A_183] : memref<32x64xi32, #tpu.memory_space<vmem>> -> memref<1x64xi32, #tpu.memory_space<vmem>>
          %dma_wait3A_185 = tpu.memref_squeeze %dma_wait3A_184 : memref<1x64xi32, #tpu.memory_space<vmem>> -> memref<64xi32, #tpu.memory_space<vmem>>
          %dma_wait3A_186 = arith.constant 0 : i32
          %dma_wait3A_187 = arith.constant 0 : i32
          %dma_wait3A_188 = tpu.memref_slice %arg9[%dma_wait3A_186, %dma_wait3A_187] : memref<10240x64xf32, #tpu.memory_space<vmem_shared>> -> memref<10240x64xf32, #tpu.memory_space<vmem_shared>>
          tpu.wait_indirect_dma semaphore(%run_scoped3A_176 : memref<!tpu.dma_semaphore, #tpu.memory_space<semaphore_mem>>) src(%dma_wait3A_188 : memref<10240x64xf32, #tpu.memory_space<vmem_shared>>) dst(%arg16 : memref<64x64xf32, #tpu.memory_space<vmem>>)
          tpu.yield
        }) : () -> ()
        %dma_start3A_139 = arith.constant 0 : i32
        %dma_start3A_140 = tpu.memref_slice %arg14[%add3A_133, %dma_start3A_139] : memref<32x64xi32, #tpu.memory_space<vmem>> -> memref<1x64xi32, #tpu.memory_space<vmem>>
        %dma_start3A_141 = tpu.memref_squeeze %dma_start3A_140 : memref<1x64xi32, #tpu.memory_space<vmem>> -> memref<64xi32, #tpu.memory_space<vmem>>
        %dma_start3A_142 = arith.constant 0 : i32
        %dma_start3A_143 = arith.constant 0 : i32
        %dma_start3A_144 = tpu.memref_slice %arg10[%dma_start3A_142, %dma_start3A_143] : memref<10240x64xf32, #tpu.memory_space<vmem_shared>> -> memref<10240x64xf32, #tpu.memory_space<vmem_shared>>
        tpu.enqueue_indirect_dma source(%arg16 : memref<64x64xf32, #tpu.memory_space<vmem>>) target(%dma_start3A_144 : memref<10240x64xf32, #tpu.memory_space<vmem_shared>>) offsets(%dma_start3A_141 : memref<64xi32, #tpu.memory_space<vmem>>) semaphore(%arg20 : memref<!tpu.dma_semaphore, #tpu.memory_space<semaphore_mem>>) {add = true}
        %mul3A_145 = arith.constant 4 : i32
        %mul3A_146 = arith.muli %mul3A_145, %scan3A_118 : i32
        %add3A_147 = arith.constant 2 : i32
        %add3A_148 = arith.addi %mul3A_146, %add3A_147 : i32
        %gt3A_149 = arith.constant 0 : i32
        %gt3A_150 = arith.cmpi sgt, %scan3A_118, %gt3A_149 : i32
        %convert_element_type3A_151 = arith.extui %gt3A_150 : i1 to i32
        %cond3A_152 = arith.constant 0 : i32
        %cond3A_153 = arith.cmpi ne, %convert_element_type3A_151, %cond3A_152 : i32
        scf.if %cond3A_153 {
          %sub3A = arith.constant 4 : i32
          %sub3A_176 = arith.subi %add3A_148, %sub3A : i32
          %dma_wait3A_177 = arith.constant 0 : i32
          %dma_wait3A_178 = tpu.memref_slice %arg14[%sub3A_176, %dma_wait3A_177] : memref<32x64xi32, #tpu.memory_space<vmem>> -> memref<1x64xi32, #tpu.memory_space<vmem>>
          %dma_wait3A_179 = tpu.memref_squeeze %dma_wait3A_178 : memref<1x64xi32, #tpu.memory_space<vmem>> -> memref<64xi32, #tpu.memory_space<vmem>>
          %dma_wait3A_180 = arith.constant 0 : i32
          %dma_wait3A_181 = arith.constant 0 : i32
          %dma_wait3A_182 = tpu.memref_slice %arg10[%dma_wait3A_180, %dma_wait3A_181] : memref<10240x64xf32, #tpu.memory_space<vmem_shared>> -> memref<10240x64xf32, #tpu.memory_space<vmem_shared>>
          tpu.wait_indirect_dma semaphore(%arg21 : memref<!tpu.dma_semaphore, #tpu.memory_space<semaphore_mem>>) src(%arg17 : memref<64x64xf32, #tpu.memory_space<vmem>>) dst(%dma_wait3A_182 : memref<10240x64xf32, #tpu.memory_space<vmem_shared>>)
        } else {
        }
        "tpu.region"() ({
          %run_scoped3A_176 = tpu.sem_alloc : memref<!tpu.dma_semaphore, #tpu.memory_space<semaphore_mem>>
          %dma_start3A_177 = arith.constant 0 : i32
          %dma_start3A_178 = tpu.memref_slice %arg13[%add3A_148, %dma_start3A_177] : memref<32x64xi32, #tpu.memory_space<vmem>> -> memref<1x64xi32, #tpu.memory_space<vmem>>
          %dma_start3A_179 = tpu.memref_squeeze %dma_start3A_178 : memref<1x64xi32, #tpu.memory_space<vmem>> -> memref<64xi32, #tpu.memory_space<vmem>>
          %dma_start3A_180 = arith.constant 0 : i32
          %dma_start3A_181 = arith.constant 0 : i32
          %dma_start3A_182 = tpu.memref_slice %arg9[%dma_start3A_180, %dma_start3A_181] : memref<10240x64xf32, #tpu.memory_space<vmem_shared>> -> memref<10240x64xf32, #tpu.memory_space<vmem_shared>>
          tpu.enqueue_indirect_dma source(%dma_start3A_182 : memref<10240x64xf32, #tpu.memory_space<vmem_shared>>) target(%arg17 : memref<64x64xf32, #tpu.memory_space<vmem>>) offsets(%dma_start3A_179 : memref<64xi32, #tpu.memory_space<vmem>>) semaphore(%run_scoped3A_176 : memref<!tpu.dma_semaphore, #tpu.memory_space<semaphore_mem>>)
          %dma_wait3A_183 = arith.constant 0 : i32
          %dma_wait3A_184 = tpu.memref_slice %arg13[%add3A_148, %dma_wait3A_183] : memref<32x64xi32, #tpu.memory_space<vmem>> -> memref<1x64xi32, #tpu.memory_space<vmem>>
          %dma_wait3A_185 = tpu.memref_squeeze %dma_wait3A_184 : memref<1x64xi32, #tpu.memory_space<vmem>> -> memref<64xi32, #tpu.memory_space<vmem>>
          %dma_wait3A_186 = arith.constant 0 : i32
          %dma_wait3A_187 = arith.constant 0 : i32
          %dma_wait3A_188 = tpu.memref_slice %arg9[%dma_wait3A_186, %dma_wait3A_187] : memref<10240x64xf32, #tpu.memory_space<vmem_shared>> -> memref<10240x64xf32, #tpu.memory_space<vmem_shared>>
          tpu.wait_indirect_dma semaphore(%run_scoped3A_176 : memref<!tpu.dma_semaphore, #tpu.memory_space<semaphore_mem>>) src(%dma_wait3A_188 : memref<10240x64xf32, #tpu.memory_space<vmem_shared>>) dst(%arg17 : memref<64x64xf32, #tpu.memory_space<vmem>>)
          tpu.yield
        }) : () -> ()
        %dma_start3A_154 = arith.constant 0 : i32
        %dma_start3A_155 = tpu.memref_slice %arg14[%add3A_148, %dma_start3A_154] : memref<32x64xi32, #tpu.memory_space<vmem>> -> memref<1x64xi32, #tpu.memory_space<vmem>>
        %dma_start3A_156 = tpu.memref_squeeze %dma_start3A_155 : memref<1x64xi32, #tpu.memory_space<vmem>> -> memref<64xi32, #tpu.memory_space<vmem>>
        %dma_start3A_157 = arith.constant 0 : i32
        %dma_start3A_158 = arith.constant 0 : i32
        %dma_start3A_159 = tpu.memref_slice %arg10[%dma_start3A_157, %dma_start3A_158] : memref<10240x64xf32, #tpu.memory_space<vmem_shared>> -> memref<10240x64xf32, #tpu.memory_space<vmem_shared>>
        tpu.enqueue_indirect_dma source(%arg17 : memref<64x64xf32, #tpu.memory_space<vmem>>) target(%dma_start3A_159 : memref<10240x64xf32, #tpu.memory_space<vmem_shared>>) offsets(%dma_start3A_156 : memref<64xi32, #tpu.memory_space<vmem>>) semaphore(%arg21 : memref<!tpu.dma_semaphore, #tpu.memory_space<semaphore_mem>>) {add = true}
        %mul3A_160 = arith.constant 4 : i32
        %mul3A_161 = arith.muli %mul3A_160, %scan3A_118 : i32
        %add3A_162 = arith.constant 3 : i32
        %add3A_163 = arith.addi %mul3A_161, %add3A_162 : i32
        %gt3A_164 = arith.constant 0 : i32
        %gt3A_165 = arith.cmpi sgt, %scan3A_118, %gt3A_164 : i32
        %convert_element_type3A_166 = arith.extui %gt3A_165 : i1 to i32
        %cond3A_167 = arith.constant 0 : i32
        %cond3A_168 = arith.cmpi ne, %convert_element_type3A_166, %cond3A_167 : i32
        scf.if %cond3A_168 {
          %sub3A = arith.constant 4 : i32
          %sub3A_176 = arith.subi %add3A_163, %sub3A : i32
          %dma_wait3A_177 = arith.constant 0 : i32
          %dma_wait3A_178 = tpu.memref_slice %arg14[%sub3A_176, %dma_wait3A_177] : memref<32x64xi32, #tpu.memory_space<vmem>> -> memref<1x64xi32, #tpu.memory_space<vmem>>
          %dma_wait3A_179 = tpu.memref_squeeze %dma_wait3A_178 : memref<1x64xi32, #tpu.memory_space<vmem>> -> memref<64xi32, #tpu.memory_space<vmem>>
          %dma_wait3A_180 = arith.constant 0 : i32
          %dma_wait3A_181 = arith.constant 0 : i32
          %dma_wait3A_182 = tpu.memref_slice %arg10[%dma_wait3A_180, %dma_wait3A_181] : memref<10240x64xf32, #tpu.memory_space<vmem_shared>> -> memref<10240x64xf32, #tpu.memory_space<vmem_shared>>
          tpu.wait_indirect_dma semaphore(%arg22 : memref<!tpu.dma_semaphore, #tpu.memory_space<semaphore_mem>>) src(%arg18 : memref<64x64xf32, #tpu.memory_space<vmem>>) dst(%dma_wait3A_182 : memref<10240x64xf32, #tpu.memory_space<vmem_shared>>)
        } else {
        }
        "tpu.region"() ({
          %run_scoped3A_176 = tpu.sem_alloc : memref<!tpu.dma_semaphore, #tpu.memory_space<semaphore_mem>>
          %dma_start3A_177 = arith.constant 0 : i32
          %dma_start3A_178 = tpu.memref_slice %arg13[%add3A_163, %dma_start3A_177] : memref<32x64xi32, #tpu.memory_space<vmem>> -> memref<1x64xi32, #tpu.memory_space<vmem>>
          %dma_start3A_179 = tpu.memref_squeeze %dma_start3A_178 : memref<1x64xi32, #tpu.memory_space<vmem>> -> memref<64xi32, #tpu.memory_space<vmem>>
          %dma_start3A_180 = arith.constant 0 : i32
          %dma_start3A_181 = arith.constant 0 : i32
          %dma_start3A_182 = tpu.memref_slice %arg9[%dma_start3A_180, %dma_start3A_181] : memref<10240x64xf32, #tpu.memory_space<vmem_shared>> -> memref<10240x64xf32, #tpu.memory_space<vmem_shared>>
          tpu.enqueue_indirect_dma source(%dma_start3A_182 : memref<10240x64xf32, #tpu.memory_space<vmem_shared>>) target(%arg18 : memref<64x64xf32, #tpu.memory_space<vmem>>) offsets(%dma_start3A_179 : memref<64xi32, #tpu.memory_space<vmem>>) semaphore(%run_scoped3A_176 : memref<!tpu.dma_semaphore, #tpu.memory_space<semaphore_mem>>)
          %dma_wait3A_183 = arith.constant 0 : i32
          %dma_wait3A_184 = tpu.memref_slice %arg13[%add3A_163, %dma_wait3A_183] : memref<32x64xi32, #tpu.memory_space<vmem>> -> memref<1x64xi32, #tpu.memory_space<vmem>>
          %dma_wait3A_185 = tpu.memref_squeeze %dma_wait3A_184 : memref<1x64xi32, #tpu.memory_space<vmem>> -> memref<64xi32, #tpu.memory_space<vmem>>
          %dma_wait3A_186 = arith.constant 0 : i32
          %dma_wait3A_187 = arith.constant 0 : i32
          %dma_wait3A_188 = tpu.memref_slice %arg9[%dma_wait3A_186, %dma_wait3A_187] : memref<10240x64xf32, #tpu.memory_space<vmem_shared>> -> memref<10240x64xf32, #tpu.memory_space<vmem_shared>>
          tpu.wait_indirect_dma semaphore(%run_scoped3A_176 : memref<!tpu.dma_semaphore, #tpu.memory_space<semaphore_mem>>) src(%dma_wait3A_188 : memref<10240x64xf32, #tpu.memory_space<vmem_shared>>) dst(%arg18 : memref<64x64xf32, #tpu.memory_space<vmem>>)
          tpu.yield
        }) : () -> ()
        %dma_start3A_169 = arith.constant 0 : i32
        %dma_start3A_170 = tpu.memref_slice %arg14[%add3A_163, %dma_start3A_169] : memref<32x64xi32, #tpu.memory_space<vmem>> -> memref<1x64xi32, #tpu.memory_space<vmem>>
        %dma_start3A_171 = tpu.memref_squeeze %dma_start3A_170 : memref<1x64xi32, #tpu.memory_space<vmem>> -> memref<64xi32, #tpu.memory_space<vmem>>
        %dma_start3A_172 = arith.constant 0 : i32
        %dma_start3A_173 = arith.constant 0 : i32
        %dma_start3A_174 = tpu.memref_slice %arg10[%dma_start3A_172, %dma_start3A_173] : memref<10240x64xf32, #tpu.memory_space<vmem_shared>> -> memref<10240x64xf32, #tpu.memory_space<vmem_shared>>
        tpu.enqueue_indirect_dma source(%arg18 : memref<64x64xf32, #tpu.memory_space<vmem>>) target(%dma_start3A_174 : memref<10240x64xf32, #tpu.memory_space<vmem_shared>>) offsets(%dma_start3A_171 : memref<64xi32, #tpu.memory_space<vmem>>) semaphore(%arg22 : memref<!tpu.dma_semaphore, #tpu.memory_space<semaphore_mem>>) {add = true}
        %scan3A_175 = arith.constant 0 : i32
        scf.yield %scan3A_175 : i32
      }
      %scan3A_89 = arith.constant 8 : i32
      %dma_wait3A = arith.constant 28 : i32
      %dma_wait3A_90 = arith.constant 0 : i32
      %dma_wait3A_91 = tpu.memref_slice %arg14[%dma_wait3A, %dma_wait3A_90] : memref<32x64xi32, #tpu.memory_space<vmem>> -> memref<1x64xi32, #tpu.memory_space<vmem>>
      %dma_wait3A_92 = tpu.memref_squeeze %dma_wait3A_91 : memref<1x64xi32, #tpu.memory_space<vmem>> -> memref<64xi32, #tpu.memory_space<vmem>>
      %dma_wait3A_93 = arith.constant 0 : i32
      %dma_wait3A_94 = arith.constant 0 : i32
      %dma_wait3A_95 = tpu.memref_slice %arg10[%dma_wait3A_93, %dma_wait3A_94] : memref<10240x64xf32, #tpu.memory_space<vmem_shared>> -> memref<10240x64xf32, #tpu.memory_space<vmem_shared>>
      tpu.wait_indirect_dma semaphore(%arg19 : memref<!tpu.dma_semaphore, #tpu.memory_space<semaphore_mem>>) src(%arg15 : memref<64x64xf32, #tpu.memory_space<vmem>>) dst(%dma_wait3A_95 : memref<10240x64xf32, #tpu.memory_space<vmem_shared>>)
      %dma_wait3A_96 = arith.constant 29 : i32
      %dma_wait3A_97 = arith.constant 0 : i32
      %dma_wait3A_98 = tpu.memref_slice %arg14[%dma_wait3A_96, %dma_wait3A_97] : memref<32x64xi32, #tpu.memory_space<vmem>> -> memref<1x64xi32, #tpu.memory_space<vmem>>
      %dma_wait3A_99 = tpu.memref_squeeze %dma_wait3A_98 : memref<1x64xi32, #tpu.memory_space<vmem>> -> memref<64xi32, #tpu.memory_space<vmem>>
      %dma_wait3A_100 = arith.constant 0 : i32
      %dma_wait3A_101 = arith.constant 0 : i32
      %dma_wait3A_102 = tpu.memref_slice %arg10[%dma_wait3A_100, %dma_wait3A_101] : memref<10240x64xf32, #tpu.memory_space<vmem_shared>> -> memref<10240x64xf32, #tpu.memory_space<vmem_shared>>
      tpu.wait_indirect_dma semaphore(%arg20 : memref<!tpu.dma_semaphore, #tpu.memory_space<semaphore_mem>>) src(%arg16 : memref<64x64xf32, #tpu.memory_space<vmem>>) dst(%dma_wait3A_102 : memref<10240x64xf32, #tpu.memory_space<vmem_shared>>)
      %dma_wait3A_103 = arith.constant 30 : i32
      %dma_wait3A_104 = arith.constant 0 : i32
      %dma_wait3A_105 = tpu.memref_slice %arg14[%dma_wait3A_103, %dma_wait3A_104] : memref<32x64xi32, #tpu.memory_space<vmem>> -> memref<1x64xi32, #tpu.memory_space<vmem>>
      %dma_wait3A_106 = tpu.memref_squeeze %dma_wait3A_105 : memref<1x64xi32, #tpu.memory_space<vmem>> -> memref<64xi32, #tpu.memory_space<vmem>>
      %dma_wait3A_107 = arith.constant 0 : i32
      %dma_wait3A_108 = arith.constant 0 : i32
      %dma_wait3A_109 = tpu.memref_slice %arg10[%dma_wait3A_107, %dma_wait3A_108] : memref<10240x64xf32, #tpu.memory_space<vmem_shared>> -> memref<10240x64xf32, #tpu.memory_space<vmem_shared>>
      tpu.wait_indirect_dma semaphore(%arg21 : memref<!tpu.dma_semaphore, #tpu.memory_space<semaphore_mem>>) src(%arg17 : memref<64x64xf32, #tpu.memory_space<vmem>>) dst(%dma_wait3A_109 : memref<10240x64xf32, #tpu.memory_space<vmem_shared>>)
      %dma_wait3A_110 = arith.constant 31 : i32
      %dma_wait3A_111 = arith.constant 0 : i32
      %dma_wait3A_112 = tpu.memref_slice %arg14[%dma_wait3A_110, %dma_wait3A_111] : memref<32x64xi32, #tpu.memory_space<vmem>> -> memref<1x64xi32, #tpu.memory_space<vmem>>
      %dma_wait3A_113 = tpu.memref_squeeze %dma_wait3A_112 : memref<1x64xi32, #tpu.memory_space<vmem>> -> memref<64xi32, #tpu.memory_space<vmem>>
      %dma_wait3A_114 = arith.constant 0 : i32
      %dma_wait3A_115 = arith.constant 0 : i32
      %dma_wait3A_116 = tpu.memref_slice %arg10[%dma_wait3A_114, %dma_wait3A_115] : memref<10240x64xf32, #tpu.memory_space<vmem_shared>> -> memref<10240x64xf32, #tpu.memory_space<vmem_shared>>
      tpu.wait_indirect_dma semaphore(%arg22 : memref<!tpu.dma_semaphore, #tpu.memory_space<semaphore_mem>>) src(%arg18 : memref<64x64xf32, #tpu.memory_space<vmem>>) dst(%dma_wait3A_116 : memref<10240x64xf32, #tpu.memory_space<vmem_shared>>)
      %scan3A_117 = arith.constant 0 : i32
      scf.yield %scan3A_117 : i32
    }
    %scan3A_46 = arith.constant 10 : i32
    %barrier3A_47 = arith.constant 0 : index
    tpu.barrier barrier_id(%barrier3A_47)
    "tpu.trace_stop"() : () -> ()
    "tpu.trace_start"() <{level = 10 : i32, message = "rows1"}> : () -> ()
    %scan3A_48 = arith.constant 0 : i32
    %scan3A_49 = arith.constant 0 : i32
    %scan3A_50 = arith.constant 10 : i32
    %scan3A_51 = arith.addi %scan3A_49, %scan3A_50 : i32
    %scan3A_52 = arith.constant 1 : i32
    %scan3A_53 = scf.for %scan3A_77 = %scan3A_49 to %scan3A_51 step %scan3A_52 iter_args(%scan3A_78 = %scan3A_48) -> (i32)  : i32 {
      %mul3A_79 = arith.constant 64 : i32
      %mul3A_80 = arith.muli %scan3A_77, %mul3A_79 : i32
      %add3A = arith.addi %mul3A_0, %mul3A_80 : i32
      "tpu.region"() ({
        %run_scoped3A_89 = tpu.sem_alloc : memref<!tpu.dma_semaphore, #tpu.memory_space<semaphore_mem>>
        %dma_start3A = arith.constant 0 : i32
        %dma_start3A_90 = tpu.memref_slice %arg10[%add3A, %dma_start3A] : memref<10240x64xf32, #tpu.memory_space<vmem_shared>> -> memref<64x64xf32, #tpu.memory_space<vmem_shared>>
        %dma_start3A_91 = arith.constant 0 : i32
        %dma_start3A_92 = tpu.memref_slice %arg10[%add3A, %dma_start3A_91] : memref<10240x64xf32, #tpu.memory_space<vmem_shared>> -> memref<64x64xf32, #tpu.memory_space<vmem_shared>>
        tpu.enqueue_dma source(%dma_start3A_92 : memref<64x64xf32, #tpu.memory_space<vmem_shared>>) target(%arg16 : memref<64x64xf32, #tpu.memory_space<vmem>>) target_semaphore(%run_scoped3A_89 : memref<!tpu.dma_semaphore, #tpu.memory_space<semaphore_mem>>)
        %dma_wait3A = arith.constant 0 : i32
        %dma_wait3A_93 = tpu.memref_slice %arg10[%add3A, %dma_wait3A] : memref<10240x64xf32, #tpu.memory_space<vmem_shared>> -> memref<64x64xf32, #tpu.memory_space<vmem_shared>>
        %dma_wait3A_94 = arith.constant 0 : i32
        %dma_wait3A_95 = tpu.memref_slice %arg10[%add3A, %dma_wait3A_94] : memref<10240x64xf32, #tpu.memory_space<vmem_shared>> -> memref<64x64xf32, #tpu.memory_space<vmem_shared>>
        tpu.wait_dma2 semaphore(%run_scoped3A_89 : memref<!tpu.dma_semaphore, #tpu.memory_space<semaphore_mem>>) src(%dma_wait3A_95 : memref<64x64xf32, #tpu.memory_space<vmem_shared>>) dst(%arg16 : memref<64x64xf32, #tpu.memory_space<vmem>>)
        tpu.yield
      }) : () -> ()
      "tpu.region"() ({
        %run_scoped3A_89 = tpu.sem_alloc : memref<!tpu.dma_semaphore, #tpu.memory_space<semaphore_mem>>
        %dma_start3A = arith.constant 0 : i32
        %dma_start3A_90 = tpu.memref_slice %arg12[%arg0, %add3A, %dma_start3A] : memref<2x10240x16xf32, #tpu.memory_space<hbm>> -> memref<1x64x16xf32, #tpu.memory_space<hbm>>
        %dma_start3A_91 = tpu.memref_squeeze %dma_start3A_90 : memref<1x64x16xf32, #tpu.memory_space<hbm>> -> memref<64x16xf32, #tpu.memory_space<hbm>>
        %dma_start3A_92 = arith.constant 0 : i32
        %dma_start3A_93 = tpu.memref_slice %arg12[%arg0, %add3A, %dma_start3A_92] : memref<2x10240x16xf32, #tpu.memory_space<hbm>> -> memref<1x64x16xf32, #tpu.memory_space<hbm>>
        %dma_start3A_94 = tpu.memref_squeeze %dma_start3A_93 : memref<1x64x16xf32, #tpu.memory_space<hbm>> -> memref<64x16xf32, #tpu.memory_space<hbm>>
        tpu.enqueue_dma source(%dma_start3A_94 : memref<64x16xf32, #tpu.memory_space<hbm>>) target(%arg23 : memref<64x16xf32, #tpu.memory_space<vmem>>) target_semaphore(%run_scoped3A_89 : memref<!tpu.dma_semaphore, #tpu.memory_space<semaphore_mem>>)
        %dma_wait3A = arith.constant 0 : i32
        %dma_wait3A_95 = tpu.memref_slice %arg12[%arg0, %add3A, %dma_wait3A] : memref<2x10240x16xf32, #tpu.memory_space<hbm>> -> memref<1x64x16xf32, #tpu.memory_space<hbm>>
        %dma_wait3A_96 = tpu.memref_squeeze %dma_wait3A_95 : memref<1x64x16xf32, #tpu.memory_space<hbm>> -> memref<64x16xf32, #tpu.memory_space<hbm>>
        %dma_wait3A_97 = arith.constant 0 : i32
        %dma_wait3A_98 = tpu.memref_slice %arg12[%arg0, %add3A, %dma_wait3A_97] : memref<2x10240x16xf32, #tpu.memory_space<hbm>> -> memref<1x64x16xf32, #tpu.memory_space<hbm>>
        %dma_wait3A_99 = tpu.memref_squeeze %dma_wait3A_98 : memref<1x64x16xf32, #tpu.memory_space<hbm>> -> memref<64x16xf32, #tpu.memory_space<hbm>>
        tpu.wait_dma2 semaphore(%run_scoped3A_89 : memref<!tpu.dma_semaphore, #tpu.memory_space<semaphore_mem>>) src(%dma_wait3A_99 : memref<64x16xf32, #tpu.memory_space<hbm>>) dst(%arg23 : memref<64x16xf32, #tpu.memory_space<vmem>>)
        tpu.yield
      }) : () -> ()
      "tpu.region"() ({
        %run_scoped3A_89 = tpu.sem_alloc : memref<!tpu.dma_semaphore, #tpu.memory_space<semaphore_mem>>
        %dma_start3A = arith.constant 0 : i32
        %dma_start3A_90 = tpu.memref_slice %arg11[%arg0, %add3A, %dma_start3A] : memref<2x10240x64xf32, #tpu.memory_space<hbm>> -> memref<1x64x64xf32, #tpu.memory_space<hbm>>
        %dma_start3A_91 = tpu.memref_squeeze %dma_start3A_90 : memref<1x64x64xf32, #tpu.memory_space<hbm>> -> memref<64x64xf32, #tpu.memory_space<hbm>>
        %dma_start3A_92 = arith.constant 0 : i32
        %dma_start3A_93 = tpu.memref_slice %arg11[%arg0, %add3A, %dma_start3A_92] : memref<2x10240x64xf32, #tpu.memory_space<hbm>> -> memref<1x64x64xf32, #tpu.memory_space<hbm>>
        %dma_start3A_94 = tpu.memref_squeeze %dma_start3A_93 : memref<1x64x64xf32, #tpu.memory_space<hbm>> -> memref<64x64xf32, #tpu.memory_space<hbm>>
        tpu.enqueue_dma source(%dma_start3A_94 : memref<64x64xf32, #tpu.memory_space<hbm>>) target(%arg15 : memref<64x64xf32, #tpu.memory_space<vmem>>) target_semaphore(%run_scoped3A_89 : memref<!tpu.dma_semaphore, #tpu.memory_space<semaphore_mem>>)
        %dma_wait3A = arith.constant 0 : i32
        %dma_wait3A_95 = tpu.memref_slice %arg11[%arg0, %add3A, %dma_wait3A] : memref<2x10240x64xf32, #tpu.memory_space<hbm>> -> memref<1x64x64xf32, #tpu.memory_space<hbm>>
        %dma_wait3A_96 = tpu.memref_squeeze %dma_wait3A_95 : memref<1x64x64xf32, #tpu.memory_space<hbm>> -> memref<64x64xf32, #tpu.memory_space<hbm>>
        %dma_wait3A_97 = arith.constant 0 : i32
        %dma_wait3A_98 = tpu.memref_slice %arg11[%arg0, %add3A, %dma_wait3A_97] : memref<2x10240x64xf32, #tpu.memory_space<hbm>> -> memref<1x64x64xf32, #tpu.memory_space<hbm>>
        %dma_wait3A_99 = tpu.memref_squeeze %dma_wait3A_98 : memref<1x64x64xf32, #tpu.memory_space<hbm>> -> memref<64x64xf32, #tpu.memory_space<hbm>>
        tpu.wait_dma2 semaphore(%run_scoped3A_89 : memref<!tpu.dma_semaphore, #tpu.memory_space<semaphore_mem>>) src(%dma_wait3A_99 : memref<64x64xf32, #tpu.memory_space<hbm>>) dst(%arg15 : memref<64x64xf32, #tpu.memory_space<vmem>>)
        tpu.yield
      }) : () -> ()
      %scan3A_81 = arith.constant 0 : i32
      %scan3A_82 = arith.constant 0 : i32
      %scan3A_83 = arith.constant 32 : i32
      %scan3A_84 = arith.addi %scan3A_82, %scan3A_83 : i32
      %scan3A_85 = arith.constant 1 : i32
      %scan3A_86 = scf.for %scan3A_89 = %scan3A_82 to %scan3A_84 step %scan3A_85 iter_args(%scan3A_90 = %scan3A_81) -> (i32)  : i32 {
        %mul3A_91 = arith.constant 2 : i32
        %mul3A_92 = arith.muli %mul3A_91, %scan3A_89 : i32
        %mul3A_93 = arith.constant 2 : i32
        %mul3A_94 = arith.muli %mul3A_93, %scan3A_89 : i32
        %add3A_95 = arith.constant 1 : i32
        %add3A_96 = arith.addi %mul3A_94, %add3A_95 : i32
        %get3A = arith.index_cast %mul3A_92 : i32 to index
        %get3A_97 = arith.constant 0 : index
        %get3A_98 = tpu.vector_load %arg23[%get3A, %get3A_97] {strides = array<i32>} : memref<64x16xf32, #tpu.memory_space<vmem>>, vector<1x16xf32>,
        %get3A_99 = vector.shape_cast %get3A_98 : vector<1x16xf32> to vector<16xf32>
        %mul3A_100 = arith.mulf %get3A_99, %get3A_99 : vector<16xf32>
        %get3A_101 = arith.index_cast %mul3A_92 : i32 to index
        %get3A_102 = arith.constant 0 : index
        %get3A_103 = tpu.vector_load %arg16[%get3A_101, %get3A_102] {strides = array<i32>} : memref<64x64xf32, #tpu.memory_space<vmem>>, vector<1x16xf32>,
        %get3A_104 = vector.shape_cast %get3A_103 : vector<1x16xf32> to vector<16xf32>
        %get3A_105 = arith.index_cast %mul3A_92 : i32 to index
        %get3A_106 = arith.constant 0 : index
        %get3A_107 = tpu.vector_load %arg15[%get3A_105, %get3A_106] {strides = array<i32>} : memref<64x64xf32, #tpu.memory_space<vmem>>, vector<1x16xf32>,
        %get3A_108 = vector.shape_cast %get3A_107 : vector<1x16xf32> to vector<16xf32>
        %sub3A = arith.subf %get3A_104, %get3A_108 : vector<16xf32>
        %mul3A_109 = arith.mulf %sub3A, %mul3A_100 : vector<16xf32>
        %swap3A = arith.index_cast %mul3A_92 : i32 to index
        %swap3A_110 = arith.constant 0 : index
        %swap3A_111 = tpu.vector_load %arg15[%swap3A, %swap3A_110] {strides = array<i32>} : memref<64x64xf32, #tpu.memory_space<vmem>>, vector<1x16xf32>,
        %swap3A_112 = vector.shape_cast %swap3A_111 : vector<1x16xf32> to vector<16xf32>
        %swap3A_113 = vector.shape_cast %mul3A_109 : vector<16xf32> to vector<1x16xf32>
        tpu.vector_store %arg15[%swap3A, %swap3A_110], %swap3A_113 {strides = array<i32>} : memref<64x64xf32, #tpu.memory_space<vmem>>, vector<1x16xf32>,
        %get3A_114 = arith.index_cast %mul3A_92 : i32 to index
        %get3A_115 = arith.constant 16 : index
        %get3A_116 = tpu.vector_load %arg16[%get3A_114, %get3A_115] {strides = array<i32>} : memref<64x64xf32, #tpu.memory_space<vmem>>, vector<1x16xf32>,
        %get3A_117 = vector.shape_cast %get3A_116 : vector<1x16xf32> to vector<16xf32>
        %get3A_118 = arith.index_cast %mul3A_92 : i32 to index
        %get3A_119 = arith.constant 16 : index
        %get3A_120 = tpu.vector_load %arg15[%get3A_118, %get3A_119] {strides = array<i32>} : memref<64x64xf32, #tpu.memory_space<vmem>>, vector<1x16xf32>,
        %get3A_121 = vector.shape_cast %get3A_120 : vector<1x16xf32> to vector<16xf32>
        %sub3A_122 = arith.subf %get3A_117, %get3A_121 : vector<16xf32>
        %mul3A_123 = arith.mulf %sub3A_122, %mul3A_100 : vector<16xf32>
        %swap3A_124 = arith.index_cast %mul3A_92 : i32 to index
        %swap3A_125 = arith.constant 16 : index
        %swap3A_126 = tpu.vector_load %arg15[%swap3A_124, %swap3A_125] {strides = array<i32>} : memref<64x64xf32, #tpu.memory_space<vmem>>, vector<1x16xf32>,
        %swap3A_127 = vector.shape_cast %swap3A_126 : vector<1x16xf32> to vector<16xf32>
        %swap3A_128 = vector.shape_cast %mul3A_123 : vector<16xf32> to vector<1x16xf32>
        tpu.vector_store %arg15[%swap3A_124, %swap3A_125], %swap3A_128 {strides = array<i32>} : memref<64x64xf32, #tpu.memory_space<vmem>>, vector<1x16xf32>,
        %get3A_129 = arith.index_cast %mul3A_92 : i32 to index
        %get3A_130 = arith.constant 32 : index
        %get3A_131 = tpu.vector_load %arg16[%get3A_129, %get3A_130] {strides = array<i32>} : memref<64x64xf32, #tpu.memory_space<vmem>>, vector<1x16xf32>,
        %get3A_132 = vector.shape_cast %get3A_131 : vector<1x16xf32> to vector<16xf32>
        %get3A_133 = arith.index_cast %mul3A_92 : i32 to index
        %get3A_134 = arith.constant 32 : index
        %get3A_135 = tpu.vector_load %arg15[%get3A_133, %get3A_134] {strides = array<i32>} : memref<64x64xf32, #tpu.memory_space<vmem>>, vector<1x16xf32>,
        %get3A_136 = vector.shape_cast %get3A_135 : vector<1x16xf32> to vector<16xf32>
        %sub3A_137 = arith.subf %get3A_132, %get3A_136 : vector<16xf32>
        %mul3A_138 = arith.mulf %sub3A_137, %mul3A_100 : vector<16xf32>
        %swap3A_139 = arith.index_cast %mul3A_92 : i32 to index
        %swap3A_140 = arith.constant 32 : index
        %swap3A_141 = tpu.vector_load %arg15[%swap3A_139, %swap3A_140] {strides = array<i32>} : memref<64x64xf32, #tpu.memory_space<vmem>>, vector<1x16xf32>,
        %swap3A_142 = vector.shape_cast %swap3A_141 : vector<1x16xf32> to vector<16xf32>
        %swap3A_143 = vector.shape_cast %mul3A_138 : vector<16xf32> to vector<1x16xf32>
        tpu.vector_store %arg15[%swap3A_139, %swap3A_140], %swap3A_143 {strides = array<i32>} : memref<64x64xf32, #tpu.memory_space<vmem>>, vector<1x16xf32>,
        %get3A_144 = arith.index_cast %mul3A_92 : i32 to index
        %get3A_145 = arith.constant 48 : index
        %get3A_146 = tpu.vector_load %arg16[%get3A_144, %get3A_145] {strides = array<i32>} : memref<64x64xf32, #tpu.memory_space<vmem>>, vector<1x16xf32>,
        %get3A_147 = vector.shape_cast %get3A_146 : vector<1x16xf32> to vector<16xf32>
        %get3A_148 = arith.index_cast %mul3A_92 : i32 to index
        %get3A_149 = arith.constant 48 : index
        %get3A_150 = tpu.vector_load %arg15[%get3A_148, %get3A_149] {strides = array<i32>} : memref<64x64xf32, #tpu.memory_space<vmem>>, vector<1x16xf32>,
        %get3A_151 = vector.shape_cast %get3A_150 : vector<1x16xf32> to vector<16xf32>
        %sub3A_152 = arith.subf %get3A_147, %get3A_151 : vector<16xf32>
        %mul3A_153 = arith.mulf %sub3A_152, %mul3A_100 : vector<16xf32>
        %swap3A_154 = arith.index_cast %mul3A_92 : i32 to index
        %swap3A_155 = arith.constant 48 : index
        %swap3A_156 = tpu.vector_load %arg15[%swap3A_154, %swap3A_155] {strides = array<i32>} : memref<64x64xf32, #tpu.memory_space<vmem>>, vector<1x16xf32>,
        %swap3A_157 = vector.shape_cast %swap3A_156 : vector<1x16xf32> to vector<16xf32>
        %swap3A_158 = vector.shape_cast %mul3A_153 : vector<16xf32> to vector<1x16xf32>
        tpu.vector_store %arg15[%swap3A_154, %swap3A_155], %swap3A_158 {strides = array<i32>} : memref<64x64xf32, #tpu.memory_space<vmem>>, vector<1x16xf32>,
        %get3A_159 = arith.index_cast %add3A_96 : i32 to index
        %get3A_160 = arith.constant 0 : index
        %get3A_161 = tpu.vector_load %arg23[%get3A_159, %get3A_160] {strides = array<i32>} : memref<64x16xf32, #tpu.memory_space<vmem>>, vector<1x16xf32>,
        %get3A_162 = vector.shape_cast %get3A_161 : vector<1x16xf32> to vector<16xf32>
        %mul3A_163 = arith.mulf %get3A_162, %get3A_162 : vector<16xf32>
        %get3A_164 = arith.index_cast %add3A_96 : i32 to index
        %get3A_165 = arith.constant 0 : index
        %get3A_166 = tpu.vector_load %arg16[%get3A_164, %get3A_165] {strides = array<i32>} : memref<64x64xf32, #tpu.memory_space<vmem>>, vector<1x16xf32>,
        %get3A_167 = vector.shape_cast %get3A_166 : vector<1x16xf32> to vector<16xf32>
        %get3A_168 = arith.index_cast %add3A_96 : i32 to index
        %get3A_169 = arith.constant 0 : index
        %get3A_170 = tpu.vector_load %arg15[%get3A_168, %get3A_169] {strides = array<i32>} : memref<64x64xf32, #tpu.memory_space<vmem>>, vector<1x16xf32>,
        %get3A_171 = vector.shape_cast %get3A_170 : vector<1x16xf32> to vector<16xf32>
        %sub3A_172 = arith.subf %get3A_167, %get3A_171 : vector<16xf32>
        %mul3A_173 = arith.mulf %sub3A_172, %mul3A_163 : vector<16xf32>
        %swap3A_174 = arith.index_cast %add3A_96 : i32 to index
        %swap3A_175 = arith.constant 0 : index
        %swap3A_176 = tpu.vector_load %arg15[%swap3A_174, %swap3A_175] {strides = array<i32>} : memref<64x64xf32, #tpu.memory_space<vmem>>, vector<1x16xf32>,
        %swap3A_177 = vector.shape_cast %swap3A_176 : vector<1x16xf32> to vector<16xf32>
        %swap3A_178 = vector.shape_cast %mul3A_173 : vector<16xf32> to vector<1x16xf32>
        tpu.vector_store %arg15[%swap3A_174, %swap3A_175], %swap3A_178 {strides = array<i32>} : memref<64x64xf32, #tpu.memory_space<vmem>>, vector<1x16xf32>,
        %get3A_179 = arith.index_cast %add3A_96 : i32 to index
        %get3A_180 = arith.constant 16 : index
        %get3A_181 = tpu.vector_load %arg16[%get3A_179, %get3A_180] {strides = array<i32>} : memref<64x64xf32, #tpu.memory_space<vmem>>, vector<1x16xf32>,
        %get3A_182 = vector.shape_cast %get3A_181 : vector<1x16xf32> to vector<16xf32>
        %get3A_183 = arith.index_cast %add3A_96 : i32 to index
        %get3A_184 = arith.constant 16 : index
        %get3A_185 = tpu.vector_load %arg15[%get3A_183, %get3A_184] {strides = array<i32>} : memref<64x64xf32, #tpu.memory_space<vmem>>, vector<1x16xf32>,
        %get3A_186 = vector.shape_cast %get3A_185 : vector<1x16xf32> to vector<16xf32>
        %sub3A_187 = arith.subf %get3A_182, %get3A_186 : vector<16xf32>
        %mul3A_188 = arith.mulf %sub3A_187, %mul3A_163 : vector<16xf32>
        %swap3A_189 = arith.index_cast %add3A_96 : i32 to index
        %swap3A_190 = arith.constant 16 : index
        %swap3A_191 = tpu.vector_load %arg15[%swap3A_189, %swap3A_190] {strides = array<i32>} : memref<64x64xf32, #tpu.memory_space<vmem>>, vector<1x16xf32>,
        %swap3A_192 = vector.shape_cast %swap3A_191 : vector<1x16xf32> to vector<16xf32>
        %swap3A_193 = vector.shape_cast %mul3A_188 : vector<16xf32> to vector<1x16xf32>
        tpu.vector_store %arg15[%swap3A_189, %swap3A_190], %swap3A_193 {strides = array<i32>} : memref<64x64xf32, #tpu.memory_space<vmem>>, vector<1x16xf32>,
        %get3A_194 = arith.index_cast %add3A_96 : i32 to index
        %get3A_195 = arith.constant 32 : index
        %get3A_196 = tpu.vector_load %arg16[%get3A_194, %get3A_195] {strides = array<i32>} : memref<64x64xf32, #tpu.memory_space<vmem>>, vector<1x16xf32>,
        %get3A_197 = vector.shape_cast %get3A_196 : vector<1x16xf32> to vector<16xf32>
        %get3A_198 = arith.index_cast %add3A_96 : i32 to index
        %get3A_199 = arith.constant 32 : index
        %get3A_200 = tpu.vector_load %arg15[%get3A_198, %get3A_199] {strides = array<i32>} : memref<64x64xf32, #tpu.memory_space<vmem>>, vector<1x16xf32>,
        %get3A_201 = vector.shape_cast %get3A_200 : vector<1x16xf32> to vector<16xf32>
        %sub3A_202 = arith.subf %get3A_197, %get3A_201 : vector<16xf32>
        %mul3A_203 = arith.mulf %sub3A_202, %mul3A_163 : vector<16xf32>
        %swap3A_204 = arith.index_cast %add3A_96 : i32 to index
        %swap3A_205 = arith.constant 32 : index
        %swap3A_206 = tpu.vector_load %arg15[%swap3A_204, %swap3A_205] {strides = array<i32>} : memref<64x64xf32, #tpu.memory_space<vmem>>, vector<1x16xf32>,
        %swap3A_207 = vector.shape_cast %swap3A_206 : vector<1x16xf32> to vector<16xf32>
        %swap3A_208 = vector.shape_cast %mul3A_203 : vector<16xf32> to vector<1x16xf32>
        tpu.vector_store %arg15[%swap3A_204, %swap3A_205], %swap3A_208 {strides = array<i32>} : memref<64x64xf32, #tpu.memory_space<vmem>>, vector<1x16xf32>,
        %get3A_209 = arith.index_cast %add3A_96 : i32 to index
        %get3A_210 = arith.constant 48 : index
        %get3A_211 = tpu.vector_load %arg16[%get3A_209, %get3A_210] {strides = array<i32>} : memref<64x64xf32, #tpu.memory_space<vmem>>, vector<1x16xf32>,
        %get3A_212 = vector.shape_cast %get3A_211 : vector<1x16xf32> to vector<16xf32>
        %get3A_213 = arith.index_cast %add3A_96 : i32 to index
        %get3A_214 = arith.constant 48 : index
        %get3A_215 = tpu.vector_load %arg15[%get3A_213, %get3A_214] {strides = array<i32>} : memref<64x64xf32, #tpu.memory_space<vmem>>, vector<1x16xf32>,
        %get3A_216 = vector.shape_cast %get3A_215 : vector<1x16xf32> to vector<16xf32>
        %sub3A_217 = arith.subf %get3A_212, %get3A_216 : vector<16xf32>
        %mul3A_218 = arith.mulf %sub3A_217, %mul3A_163 : vector<16xf32>
        %swap3A_219 = arith.index_cast %add3A_96 : i32 to index
        %swap3A_220 = arith.constant 48 : index
        %swap3A_221 = tpu.vector_load %arg15[%swap3A_219, %swap3A_220] {strides = array<i32>} : memref<64x64xf32, #tpu.memory_space<vmem>>, vector<1x16xf32>,
        %swap3A_222 = vector.shape_cast %swap3A_221 : vector<1x16xf32> to vector<16xf32>
        %swap3A_223 = vector.shape_cast %mul3A_218 : vector<16xf32> to vector<1x16xf32>
        tpu.vector_store %arg15[%swap3A_219, %swap3A_220], %swap3A_223 {strides = array<i32>} : memref<64x64xf32, #tpu.memory_space<vmem>>, vector<1x16xf32>,
        %scan3A_224 = arith.constant 0 : i32
        scf.yield %scan3A_224 : i32
      }
      %scan3A_87 = arith.constant 32 : i32
      "tpu.region"() ({
        %run_scoped3A_89 = tpu.sem_alloc : memref<!tpu.dma_semaphore, #tpu.memory_space<semaphore_mem>>
        %dma_start3A = arith.constant 0 : i32
        %dma_start3A_90 = tpu.memref_slice %arg9[%add3A, %dma_start3A] : memref<10240x64xf32, #tpu.memory_space<vmem_shared>> -> memref<64x64xf32, #tpu.memory_space<vmem_shared>>
        %dma_start3A_91 = arith.constant 0 : i32
        %dma_start3A_92 = tpu.memref_slice %arg9[%add3A, %dma_start3A_91] : memref<10240x64xf32, #tpu.memory_space<vmem_shared>> -> memref<64x64xf32, #tpu.memory_space<vmem_shared>>
        tpu.enqueue_dma source(%arg15 : memref<64x64xf32, #tpu.memory_space<vmem>>) target(%dma_start3A_92 : memref<64x64xf32, #tpu.memory_space<vmem_shared>>) target_semaphore(%run_scoped3A_89 : memref<!tpu.dma_semaphore, #tpu.memory_space<semaphore_mem>>)
        %dma_wait3A = arith.constant 0 : i32
        %dma_wait3A_93 = tpu.memref_slice %arg9[%add3A, %dma_wait3A] : memref<10240x64xf32, #tpu.memory_space<vmem_shared>> -> memref<64x64xf32, #tpu.memory_space<vmem_shared>>
        %dma_wait3A_94 = arith.constant 0 : i32
        %dma_wait3A_95 = tpu.memref_slice %arg9[%add3A, %dma_wait3A_94] : memref<10240x64xf32, #tpu.memory_space<vmem_shared>> -> memref<64x64xf32, #tpu.memory_space<vmem_shared>>
        tpu.wait_dma2 semaphore(%run_scoped3A_89 : memref<!tpu.dma_semaphore, #tpu.memory_space<semaphore_mem>>) src(%arg15 : memref<64x64xf32, #tpu.memory_space<vmem>>) dst(%dma_wait3A_95 : memref<64x64xf32, #tpu.memory_space<vmem_shared>>)
        tpu.yield
      }) : () -> ()
      "tpu.region"() ({
        %run_scoped3A_89 = tpu.sem_alloc : memref<!tpu.dma_semaphore, #tpu.memory_space<semaphore_mem>>
        %dma_start3A = arith.constant 0 : i32
        %dma_start3A_90 = tpu.memref_slice %arg11[%arg0, %add3A, %dma_start3A] : memref<2x10240x64xf32, #tpu.memory_space<hbm>> -> memref<1x64x64xf32, #tpu.memory_space<hbm>>
        %dma_start3A_91 = tpu.memref_squeeze %dma_start3A_90 : memref<1x64x64xf32, #tpu.memory_space<hbm>> -> memref<64x64xf32, #tpu.memory_space<hbm>>
        %dma_start3A_92 = arith.constant 0 : i32
        %dma_start3A_93 = tpu.memref_slice %arg11[%arg0, %add3A, %dma_start3A_92] : memref<2x10240x64xf32, #tpu.memory_space<hbm>> -> memref<1x64x64xf32, #tpu.memory_space<hbm>>
        %dma_start3A_94 = tpu.memref_squeeze %dma_start3A_93 : memref<1x64x64xf32, #tpu.memory_space<hbm>> -> memref<64x64xf32, #tpu.memory_space<hbm>>
        tpu.enqueue_dma source(%arg16 : memref<64x64xf32, #tpu.memory_space<vmem>>) target(%dma_start3A_94 : memref<64x64xf32, #tpu.memory_space<hbm>>) target_semaphore(%run_scoped3A_89 : memref<!tpu.dma_semaphore, #tpu.memory_space<semaphore_mem>>)
        %dma_wait3A = arith.constant 0 : i32
        %dma_wait3A_95 = tpu.memref_slice %arg11[%arg0, %add3A, %dma_wait3A] : memref<2x10240x64xf32, #tpu.memory_space<hbm>> -> memref<1x64x64xf32, #tpu.memory_space<hbm>>
        %dma_wait3A_96 = tpu.memref_squeeze %dma_wait3A_95 : memref<1x64x64xf32, #tpu.memory_space<hbm>> -> memref<64x64xf32, #tpu.memory_space<hbm>>
        %dma_wait3A_97 = arith.constant 0 : i32
        %dma_wait3A_98 = tpu.memref_slice %arg11[%arg0, %add3A, %dma_wait3A_97] : memref<2x10240x64xf32, #tpu.memory_space<hbm>> -> memref<1x64x64xf32, #tpu.memory_space<hbm>>
        %dma_wait3A_99 = tpu.memref_squeeze %dma_wait3A_98 : memref<1x64x64xf32, #tpu.memory_space<hbm>> -> memref<64x64xf32, #tpu.memory_space<hbm>>
        tpu.wait_dma2 semaphore(%run_scoped3A_89 : memref<!tpu.dma_semaphore, #tpu.memory_space<semaphore_mem>>) src(%arg16 : memref<64x64xf32, #tpu.memory_space<vmem>>) dst(%dma_wait3A_99 : memref<64x64xf32, #tpu.memory_space<hbm>>)
        tpu.yield
      }) : () -> ()
      %scan3A_88 = arith.constant 0 : i32
      scf.yield %scan3A_88 : i32
    }
    %scan3A_54 = arith.constant 10 : i32
    %barrier3A_55 = arith.constant 0 : index
    tpu.barrier barrier_id(%barrier3A_55)
    "tpu.trace_stop"() : () -> ()
    "tpu.trace_start"() <{level = 10 : i32, message = "edges2"}> : () -> ()
    %scan3A_56 = arith.constant 0 : i32
    %scan3A_57 = arith.constant 0 : i32
    %scan3A_58 = arith.constant 10 : i32
    %scan3A_59 = arith.addi %scan3A_57, %scan3A_58 : i32
    %scan3A_60 = arith.constant 1 : i32
    %scan3A_61 = scf.for %scan3A_77 = %scan3A_57 to %scan3A_59 step %scan3A_60 iter_args(%scan3A_78 = %scan3A_56) -> (i32)  : i32 {
      %mul3A_79 = arith.constant 32 : i32
      %mul3A_80 = arith.muli %scan3A_77, %mul3A_79 : i32
      "tpu.region"() ({
        %run_scoped3A_118 = tpu.sem_alloc : memref<!tpu.dma_semaphore, #tpu.memory_space<semaphore_mem>>
        %dma_start3A = arith.constant 0 : i32
        %dma_start3A_119 = tpu.memref_slice %arg2[%arg1, %mul3A_80, %dma_start3A] : memref<16x320x64xi32, #tpu.memory_space<hbm>> -> memref<1x32x64xi32, #tpu.memory_space<hbm>>
        %dma_start3A_120 = tpu.memref_squeeze %dma_start3A_119 : memref<1x32x64xi32, #tpu.memory_space<hbm>> -> memref<32x64xi32, #tpu.memory_space<hbm>>
        %dma_start3A_121 = arith.constant 0 : i32
        %dma_start3A_122 = tpu.memref_slice %arg2[%arg1, %mul3A_80, %dma_start3A_121] : memref<16x320x64xi32, #tpu.memory_space<hbm>> -> memref<1x32x64xi32, #tpu.memory_space<hbm>>
        %dma_start3A_123 = tpu.memref_squeeze %dma_start3A_122 : memref<1x32x64xi32, #tpu.memory_space<hbm>> -> memref<32x64xi32, #tpu.memory_space<hbm>>
        tpu.enqueue_dma source(%dma_start3A_123 : memref<32x64xi32, #tpu.memory_space<hbm>>) target(%arg13 : memref<32x64xi32, #tpu.memory_space<vmem>>) target_semaphore(%run_scoped3A_118 : memref<!tpu.dma_semaphore, #tpu.memory_space<semaphore_mem>>)
        %dma_wait3A_124 = arith.constant 0 : i32
        %dma_wait3A_125 = tpu.memref_slice %arg2[%arg1, %mul3A_80, %dma_wait3A_124] : memref<16x320x64xi32, #tpu.memory_space<hbm>> -> memref<1x32x64xi32, #tpu.memory_space<hbm>>
        %dma_wait3A_126 = tpu.memref_squeeze %dma_wait3A_125 : memref<1x32x64xi32, #tpu.memory_space<hbm>> -> memref<32x64xi32, #tpu.memory_space<hbm>>
        %dma_wait3A_127 = arith.constant 0 : i32
        %dma_wait3A_128 = tpu.memref_slice %arg2[%arg1, %mul3A_80, %dma_wait3A_127] : memref<16x320x64xi32, #tpu.memory_space<hbm>> -> memref<1x32x64xi32, #tpu.memory_space<hbm>>
        %dma_wait3A_129 = tpu.memref_squeeze %dma_wait3A_128 : memref<1x32x64xi32, #tpu.memory_space<hbm>> -> memref<32x64xi32, #tpu.memory_space<hbm>>
        tpu.wait_dma2 semaphore(%run_scoped3A_118 : memref<!tpu.dma_semaphore, #tpu.memory_space<semaphore_mem>>) src(%dma_wait3A_129 : memref<32x64xi32, #tpu.memory_space<hbm>>) dst(%arg13 : memref<32x64xi32, #tpu.memory_space<vmem>>)
        tpu.yield
      }) : () -> ()
      %mul3A_81 = arith.constant 32 : i32
      %mul3A_82 = arith.muli %scan3A_77, %mul3A_81 : i32
      "tpu.region"() ({
        %run_scoped3A_118 = tpu.sem_alloc : memref<!tpu.dma_semaphore, #tpu.memory_space<semaphore_mem>>
        %dma_start3A = arith.constant 0 : i32
        %dma_start3A_119 = tpu.memref_slice %arg3[%arg1, %mul3A_82, %dma_start3A] : memref<16x320x64xi32, #tpu.memory_space<hbm>> -> memref<1x32x64xi32, #tpu.memory_space<hbm>>
        %dma_start3A_120 = tpu.memref_squeeze %dma_start3A_119 : memref<1x32x64xi32, #tpu.memory_space<hbm>> -> memref<32x64xi32, #tpu.memory_space<hbm>>
        %dma_start3A_121 = arith.constant 0 : i32
        %dma_start3A_122 = tpu.memref_slice %arg3[%arg1, %mul3A_82, %dma_start3A_121] : memref<16x320x64xi32, #tpu.memory_space<hbm>> -> memref<1x32x64xi32, #tpu.memory_space<hbm>>
        %dma_start3A_123 = tpu.memref_squeeze %dma_start3A_122 : memref<1x32x64xi32, #tpu.memory_space<hbm>> -> memref<32x64xi32, #tpu.memory_space<hbm>>
        tpu.enqueue_dma source(%dma_start3A_123 : memref<32x64xi32, #tpu.memory_space<hbm>>) target(%arg14 : memref<32x64xi32, #tpu.memory_space<vmem>>) target_semaphore(%run_scoped3A_118 : memref<!tpu.dma_semaphore, #tpu.memory_space<semaphore_mem>>)
        %dma_wait3A_124 = arith.constant 0 : i32
        %dma_wait3A_125 = tpu.memref_slice %arg3[%arg1, %mul3A_82, %dma_wait3A_124] : memref<16x320x64xi32, #tpu.memory_space<hbm>> -> memref<1x32x64xi32, #tpu.memory_space<hbm>>
        %dma_wait3A_126 = tpu.memref_squeeze %dma_wait3A_125 : memref<1x32x64xi32, #tpu.memory_space<hbm>> -> memref<32x64xi32, #tpu.memory_space<hbm>>
        %dma_wait3A_127 = arith.constant 0 : i32
        %dma_wait3A_128 = tpu.memref_slice %arg3[%arg1, %mul3A_82, %dma_wait3A_127] : memref<16x320x64xi32, #tpu.memory_space<hbm>> -> memref<1x32x64xi32, #tpu.memory_space<hbm>>
        %dma_wait3A_129 = tpu.memref_squeeze %dma_wait3A_128 : memref<1x32x64xi32, #tpu.memory_space<hbm>> -> memref<32x64xi32, #tpu.memory_space<hbm>>
        tpu.wait_dma2 semaphore(%run_scoped3A_118 : memref<!tpu.dma_semaphore, #tpu.memory_space<semaphore_mem>>) src(%dma_wait3A_129 : memref<32x64xi32, #tpu.memory_space<hbm>>) dst(%arg14 : memref<32x64xi32, #tpu.memory_space<vmem>>)
        tpu.yield
      }) : () -> ()
      %scan3A_83 = arith.constant 0 : i32
      %scan3A_84 = arith.constant 0 : i32
      %scan3A_85 = arith.constant 8 : i32
      %scan3A_86 = arith.addi %scan3A_84, %scan3A_85 : i32
      %scan3A_87 = arith.constant 1 : i32
      %scan3A_88 = scf.for %scan3A_118 = %scan3A_84 to %scan3A_86 step %scan3A_87 iter_args(%scan3A_119 = %scan3A_83) -> (i32)  : i32 {
        %mul3A_120 = arith.constant 4 : i32
        %mul3A_121 = arith.muli %mul3A_120, %scan3A_118 : i32
        %add3A = arith.constant 0 : i32
        %add3A_122 = arith.addi %mul3A_121, %add3A : i32
        %gt3A = arith.constant 0 : i32
        %gt3A_123 = arith.cmpi sgt, %scan3A_118, %gt3A : i32
        %convert_element_type3A = arith.extui %gt3A_123 : i1 to i32
        %cond3A = arith.constant 0 : i32
        %cond3A_124 = arith.cmpi ne, %convert_element_type3A, %cond3A : i32
        scf.if %cond3A_124 {
          %sub3A = arith.constant 4 : i32
          %sub3A_176 = arith.subi %add3A_122, %sub3A : i32
          %dma_wait3A_177 = arith.constant 0 : i32
          %dma_wait3A_178 = tpu.memref_slice %arg14[%sub3A_176, %dma_wait3A_177] : memref<32x64xi32, #tpu.memory_space<vmem>> -> memref<1x64xi32, #tpu.memory_space<vmem>>
          %dma_wait3A_179 = tpu.memref_squeeze %dma_wait3A_178 : memref<1x64xi32, #tpu.memory_space<vmem>> -> memref<64xi32, #tpu.memory_space<vmem>>
          %dma_wait3A_180 = arith.constant 0 : i32
          %dma_wait3A_181 = arith.constant 0 : i32
          %dma_wait3A_182 = tpu.memref_slice %arg10[%dma_wait3A_180, %dma_wait3A_181] : memref<10240x64xf32, #tpu.memory_space<vmem_shared>> -> memref<10240x64xf32, #tpu.memory_space<vmem_shared>>
          tpu.wait_indirect_dma semaphore(%arg19 : memref<!tpu.dma_semaphore, #tpu.memory_space<semaphore_mem>>) src(%arg15 : memref<64x64xf32, #tpu.memory_space<vmem>>) dst(%dma_wait3A_182 : memref<10240x64xf32, #tpu.memory_space<vmem_shared>>)
        } else {
        }
        "tpu.region"() ({
          %run_scoped3A_176 = tpu.sem_alloc : memref<!tpu.dma_semaphore, #tpu.memory_space<semaphore_mem>>
          %dma_start3A_177 = arith.constant 0 : i32
          %dma_start3A_178 = tpu.memref_slice %arg13[%add3A_122, %dma_start3A_177] : memref<32x64xi32, #tpu.memory_space<vmem>> -> memref<1x64xi32, #tpu.memory_space<vmem>>
          %dma_start3A_179 = tpu.memref_squeeze %dma_start3A_178 : memref<1x64xi32, #tpu.memory_space<vmem>> -> memref<64xi32, #tpu.memory_space<vmem>>
          %dma_start3A_180 = arith.constant 0 : i32
          %dma_start3A_181 = arith.constant 0 : i32
          %dma_start3A_182 = tpu.memref_slice %arg9[%dma_start3A_180, %dma_start3A_181] : memref<10240x64xf32, #tpu.memory_space<vmem_shared>> -> memref<10240x64xf32, #tpu.memory_space<vmem_shared>>
          tpu.enqueue_indirect_dma source(%dma_start3A_182 : memref<10240x64xf32, #tpu.memory_space<vmem_shared>>) target(%arg15 : memref<64x64xf32, #tpu.memory_space<vmem>>) offsets(%dma_start3A_179 : memref<64xi32, #tpu.memory_space<vmem>>) semaphore(%run_scoped3A_176 : memref<!tpu.dma_semaphore, #tpu.memory_space<semaphore_mem>>)
          %dma_wait3A_183 = arith.constant 0 : i32
          %dma_wait3A_184 = tpu.memref_slice %arg13[%add3A_122, %dma_wait3A_183] : memref<32x64xi32, #tpu.memory_space<vmem>> -> memref<1x64xi32, #tpu.memory_space<vmem>>
          %dma_wait3A_185 = tpu.memref_squeeze %dma_wait3A_184 : memref<1x64xi32, #tpu.memory_space<vmem>> -> memref<64xi32, #tpu.memory_space<vmem>>
          %dma_wait3A_186 = arith.constant 0 : i32
          %dma_wait3A_187 = arith.constant 0 : i32
          %dma_wait3A_188 = tpu.memref_slice %arg9[%dma_wait3A_186, %dma_wait3A_187] : memref<10240x64xf32, #tpu.memory_space<vmem_shared>> -> memref<10240x64xf32, #tpu.memory_space<vmem_shared>>
          tpu.wait_indirect_dma semaphore(%run_scoped3A_176 : memref<!tpu.dma_semaphore, #tpu.memory_space<semaphore_mem>>) src(%dma_wait3A_188 : memref<10240x64xf32, #tpu.memory_space<vmem_shared>>) dst(%arg15 : memref<64x64xf32, #tpu.memory_space<vmem>>)
          tpu.yield
        }) : () -> ()
        %dma_start3A = arith.constant 0 : i32
        %dma_start3A_125 = tpu.memref_slice %arg14[%add3A_122, %dma_start3A] : memref<32x64xi32, #tpu.memory_space<vmem>> -> memref<1x64xi32, #tpu.memory_space<vmem>>
        %dma_start3A_126 = tpu.memref_squeeze %dma_start3A_125 : memref<1x64xi32, #tpu.memory_space<vmem>> -> memref<64xi32, #tpu.memory_space<vmem>>
        %dma_start3A_127 = arith.constant 0 : i32
        %dma_start3A_128 = arith.constant 0 : i32
        %dma_start3A_129 = tpu.memref_slice %arg10[%dma_start3A_127, %dma_start3A_128] : memref<10240x64xf32, #tpu.memory_space<vmem_shared>> -> memref<10240x64xf32, #tpu.memory_space<vmem_shared>>
        tpu.enqueue_indirect_dma source(%arg15 : memref<64x64xf32, #tpu.memory_space<vmem>>) target(%dma_start3A_129 : memref<10240x64xf32, #tpu.memory_space<vmem_shared>>) offsets(%dma_start3A_126 : memref<64xi32, #tpu.memory_space<vmem>>) semaphore(%arg19 : memref<!tpu.dma_semaphore, #tpu.memory_space<semaphore_mem>>) {add = true}
        %mul3A_130 = arith.constant 4 : i32
        %mul3A_131 = arith.muli %mul3A_130, %scan3A_118 : i32
        %add3A_132 = arith.constant 1 : i32
        %add3A_133 = arith.addi %mul3A_131, %add3A_132 : i32
        %gt3A_134 = arith.constant 0 : i32
        %gt3A_135 = arith.cmpi sgt, %scan3A_118, %gt3A_134 : i32
        %convert_element_type3A_136 = arith.extui %gt3A_135 : i1 to i32
        %cond3A_137 = arith.constant 0 : i32
        %cond3A_138 = arith.cmpi ne, %convert_element_type3A_136, %cond3A_137 : i32
        scf.if %cond3A_138 {
          %sub3A = arith.constant 4 : i32
          %sub3A_176 = arith.subi %add3A_133, %sub3A : i32
          %dma_wait3A_177 = arith.constant 0 : i32
          %dma_wait3A_178 = tpu.memref_slice %arg14[%sub3A_176, %dma_wait3A_177] : memref<32x64xi32, #tpu.memory_space<vmem>> -> memref<1x64xi32, #tpu.memory_space<vmem>>
          %dma_wait3A_179 = tpu.memref_squeeze %dma_wait3A_178 : memref<1x64xi32, #tpu.memory_space<vmem>> -> memref<64xi32, #tpu.memory_space<vmem>>
          %dma_wait3A_180 = arith.constant 0 : i32
          %dma_wait3A_181 = arith.constant 0 : i32
          %dma_wait3A_182 = tpu.memref_slice %arg10[%dma_wait3A_180, %dma_wait3A_181] : memref<10240x64xf32, #tpu.memory_space<vmem_shared>> -> memref<10240x64xf32, #tpu.memory_space<vmem_shared>>
          tpu.wait_indirect_dma semaphore(%arg20 : memref<!tpu.dma_semaphore, #tpu.memory_space<semaphore_mem>>) src(%arg16 : memref<64x64xf32, #tpu.memory_space<vmem>>) dst(%dma_wait3A_182 : memref<10240x64xf32, #tpu.memory_space<vmem_shared>>)
        } else {
        }
        "tpu.region"() ({
          %run_scoped3A_176 = tpu.sem_alloc : memref<!tpu.dma_semaphore, #tpu.memory_space<semaphore_mem>>
          %dma_start3A_177 = arith.constant 0 : i32
          %dma_start3A_178 = tpu.memref_slice %arg13[%add3A_133, %dma_start3A_177] : memref<32x64xi32, #tpu.memory_space<vmem>> -> memref<1x64xi32, #tpu.memory_space<vmem>>
          %dma_start3A_179 = tpu.memref_squeeze %dma_start3A_178 : memref<1x64xi32, #tpu.memory_space<vmem>> -> memref<64xi32, #tpu.memory_space<vmem>>
          %dma_start3A_180 = arith.constant 0 : i32
          %dma_start3A_181 = arith.constant 0 : i32
          %dma_start3A_182 = tpu.memref_slice %arg9[%dma_start3A_180, %dma_start3A_181] : memref<10240x64xf32, #tpu.memory_space<vmem_shared>> -> memref<10240x64xf32, #tpu.memory_space<vmem_shared>>
          tpu.enqueue_indirect_dma source(%dma_start3A_182 : memref<10240x64xf32, #tpu.memory_space<vmem_shared>>) target(%arg16 : memref<64x64xf32, #tpu.memory_space<vmem>>) offsets(%dma_start3A_179 : memref<64xi32, #tpu.memory_space<vmem>>) semaphore(%run_scoped3A_176 : memref<!tpu.dma_semaphore, #tpu.memory_space<semaphore_mem>>)
          %dma_wait3A_183 = arith.constant 0 : i32
          %dma_wait3A_184 = tpu.memref_slice %arg13[%add3A_133, %dma_wait3A_183] : memref<32x64xi32, #tpu.memory_space<vmem>> -> memref<1x64xi32, #tpu.memory_space<vmem>>
          %dma_wait3A_185 = tpu.memref_squeeze %dma_wait3A_184 : memref<1x64xi32, #tpu.memory_space<vmem>> -> memref<64xi32, #tpu.memory_space<vmem>>
          %dma_wait3A_186 = arith.constant 0 : i32
          %dma_wait3A_187 = arith.constant 0 : i32
          %dma_wait3A_188 = tpu.memref_slice %arg9[%dma_wait3A_186, %dma_wait3A_187] : memref<10240x64xf32, #tpu.memory_space<vmem_shared>> -> memref<10240x64xf32, #tpu.memory_space<vmem_shared>>
          tpu.wait_indirect_dma semaphore(%run_scoped3A_176 : memref<!tpu.dma_semaphore, #tpu.memory_space<semaphore_mem>>) src(%dma_wait3A_188 : memref<10240x64xf32, #tpu.memory_space<vmem_shared>>) dst(%arg16 : memref<64x64xf32, #tpu.memory_space<vmem>>)
          tpu.yield
        }) : () -> ()
        %dma_start3A_139 = arith.constant 0 : i32
        %dma_start3A_140 = tpu.memref_slice %arg14[%add3A_133, %dma_start3A_139] : memref<32x64xi32, #tpu.memory_space<vmem>> -> memref<1x64xi32, #tpu.memory_space<vmem>>
        %dma_start3A_141 = tpu.memref_squeeze %dma_start3A_140 : memref<1x64xi32, #tpu.memory_space<vmem>> -> memref<64xi32, #tpu.memory_space<vmem>>
        %dma_start3A_142 = arith.constant 0 : i32
        %dma_start3A_143 = arith.constant 0 : i32
        %dma_start3A_144 = tpu.memref_slice %arg10[%dma_start3A_142, %dma_start3A_143] : memref<10240x64xf32, #tpu.memory_space<vmem_shared>> -> memref<10240x64xf32, #tpu.memory_space<vmem_shared>>
        tpu.enqueue_indirect_dma source(%arg16 : memref<64x64xf32, #tpu.memory_space<vmem>>) target(%dma_start3A_144 : memref<10240x64xf32, #tpu.memory_space<vmem_shared>>) offsets(%dma_start3A_141 : memref<64xi32, #tpu.memory_space<vmem>>) semaphore(%arg20 : memref<!tpu.dma_semaphore, #tpu.memory_space<semaphore_mem>>) {add = true}
        %mul3A_145 = arith.constant 4 : i32
        %mul3A_146 = arith.muli %mul3A_145, %scan3A_118 : i32
        %add3A_147 = arith.constant 2 : i32
        %add3A_148 = arith.addi %mul3A_146, %add3A_147 : i32
        %gt3A_149 = arith.constant 0 : i32
        %gt3A_150 = arith.cmpi sgt, %scan3A_118, %gt3A_149 : i32
        %convert_element_type3A_151 = arith.extui %gt3A_150 : i1 to i32
        %cond3A_152 = arith.constant 0 : i32
        %cond3A_153 = arith.cmpi ne, %convert_element_type3A_151, %cond3A_152 : i32
        scf.if %cond3A_153 {
          %sub3A = arith.constant 4 : i32
          %sub3A_176 = arith.subi %add3A_148, %sub3A : i32
          %dma_wait3A_177 = arith.constant 0 : i32
          %dma_wait3A_178 = tpu.memref_slice %arg14[%sub3A_176, %dma_wait3A_177] : memref<32x64xi32, #tpu.memory_space<vmem>> -> memref<1x64xi32, #tpu.memory_space<vmem>>
          %dma_wait3A_179 = tpu.memref_squeeze %dma_wait3A_178 : memref<1x64xi32, #tpu.memory_space<vmem>> -> memref<64xi32, #tpu.memory_space<vmem>>
          %dma_wait3A_180 = arith.constant 0 : i32
          %dma_wait3A_181 = arith.constant 0 : i32
          %dma_wait3A_182 = tpu.memref_slice %arg10[%dma_wait3A_180, %dma_wait3A_181] : memref<10240x64xf32, #tpu.memory_space<vmem_shared>> -> memref<10240x64xf32, #tpu.memory_space<vmem_shared>>
          tpu.wait_indirect_dma semaphore(%arg21 : memref<!tpu.dma_semaphore, #tpu.memory_space<semaphore_mem>>) src(%arg17 : memref<64x64xf32, #tpu.memory_space<vmem>>) dst(%dma_wait3A_182 : memref<10240x64xf32, #tpu.memory_space<vmem_shared>>)
        } else {
        }
        "tpu.region"() ({
          %run_scoped3A_176 = tpu.sem_alloc : memref<!tpu.dma_semaphore, #tpu.memory_space<semaphore_mem>>
          %dma_start3A_177 = arith.constant 0 : i32
          %dma_start3A_178 = tpu.memref_slice %arg13[%add3A_148, %dma_start3A_177] : memref<32x64xi32, #tpu.memory_space<vmem>> -> memref<1x64xi32, #tpu.memory_space<vmem>>
          %dma_start3A_179 = tpu.memref_squeeze %dma_start3A_178 : memref<1x64xi32, #tpu.memory_space<vmem>> -> memref<64xi32, #tpu.memory_space<vmem>>
          %dma_start3A_180 = arith.constant 0 : i32
          %dma_start3A_181 = arith.constant 0 : i32
          %dma_start3A_182 = tpu.memref_slice %arg9[%dma_start3A_180, %dma_start3A_181] : memref<10240x64xf32, #tpu.memory_space<vmem_shared>> -> memref<10240x64xf32, #tpu.memory_space<vmem_shared>>
          tpu.enqueue_indirect_dma source(%dma_start3A_182 : memref<10240x64xf32, #tpu.memory_space<vmem_shared>>) target(%arg17 : memref<64x64xf32, #tpu.memory_space<vmem>>) offsets(%dma_start3A_179 : memref<64xi32, #tpu.memory_space<vmem>>) semaphore(%run_scoped3A_176 : memref<!tpu.dma_semaphore, #tpu.memory_space<semaphore_mem>>)
          %dma_wait3A_183 = arith.constant 0 : i32
          %dma_wait3A_184 = tpu.memref_slice %arg13[%add3A_148, %dma_wait3A_183] : memref<32x64xi32, #tpu.memory_space<vmem>> -> memref<1x64xi32, #tpu.memory_space<vmem>>
          %dma_wait3A_185 = tpu.memref_squeeze %dma_wait3A_184 : memref<1x64xi32, #tpu.memory_space<vmem>> -> memref<64xi32, #tpu.memory_space<vmem>>
          %dma_wait3A_186 = arith.constant 0 : i32
          %dma_wait3A_187 = arith.constant 0 : i32
          %dma_wait3A_188 = tpu.memref_slice %arg9[%dma_wait3A_186, %dma_wait3A_187] : memref<10240x64xf32, #tpu.memory_space<vmem_shared>> -> memref<10240x64xf32, #tpu.memory_space<vmem_shared>>
          tpu.wait_indirect_dma semaphore(%run_scoped3A_176 : memref<!tpu.dma_semaphore, #tpu.memory_space<semaphore_mem>>) src(%dma_wait3A_188 : memref<10240x64xf32, #tpu.memory_space<vmem_shared>>) dst(%arg17 : memref<64x64xf32, #tpu.memory_space<vmem>>)
          tpu.yield
        }) : () -> ()
        %dma_start3A_154 = arith.constant 0 : i32
        %dma_start3A_155 = tpu.memref_slice %arg14[%add3A_148, %dma_start3A_154] : memref<32x64xi32, #tpu.memory_space<vmem>> -> memref<1x64xi32, #tpu.memory_space<vmem>>
        %dma_start3A_156 = tpu.memref_squeeze %dma_start3A_155 : memref<1x64xi32, #tpu.memory_space<vmem>> -> memref<64xi32, #tpu.memory_space<vmem>>
        %dma_start3A_157 = arith.constant 0 : i32
        %dma_start3A_158 = arith.constant 0 : i32
        %dma_start3A_159 = tpu.memref_slice %arg10[%dma_start3A_157, %dma_start3A_158] : memref<10240x64xf32, #tpu.memory_space<vmem_shared>> -> memref<10240x64xf32, #tpu.memory_space<vmem_shared>>
        tpu.enqueue_indirect_dma source(%arg17 : memref<64x64xf32, #tpu.memory_space<vmem>>) target(%dma_start3A_159 : memref<10240x64xf32, #tpu.memory_space<vmem_shared>>) offsets(%dma_start3A_156 : memref<64xi32, #tpu.memory_space<vmem>>) semaphore(%arg21 : memref<!tpu.dma_semaphore, #tpu.memory_space<semaphore_mem>>) {add = true}
        %mul3A_160 = arith.constant 4 : i32
        %mul3A_161 = arith.muli %mul3A_160, %scan3A_118 : i32
        %add3A_162 = arith.constant 3 : i32
        %add3A_163 = arith.addi %mul3A_161, %add3A_162 : i32
        %gt3A_164 = arith.constant 0 : i32
        %gt3A_165 = arith.cmpi sgt, %scan3A_118, %gt3A_164 : i32
        %convert_element_type3A_166 = arith.extui %gt3A_165 : i1 to i32
        %cond3A_167 = arith.constant 0 : i32
        %cond3A_168 = arith.cmpi ne, %convert_element_type3A_166, %cond3A_167 : i32
        scf.if %cond3A_168 {
          %sub3A = arith.constant 4 : i32
          %sub3A_176 = arith.subi %add3A_163, %sub3A : i32
          %dma_wait3A_177 = arith.constant 0 : i32
          %dma_wait3A_178 = tpu.memref_slice %arg14[%sub3A_176, %dma_wait3A_177] : memref<32x64xi32, #tpu.memory_space<vmem>> -> memref<1x64xi32, #tpu.memory_space<vmem>>
          %dma_wait3A_179 = tpu.memref_squeeze %dma_wait3A_178 : memref<1x64xi32, #tpu.memory_space<vmem>> -> memref<64xi32, #tpu.memory_space<vmem>>
          %dma_wait3A_180 = arith.constant 0 : i32
          %dma_wait3A_181 = arith.constant 0 : i32
          %dma_wait3A_182 = tpu.memref_slice %arg10[%dma_wait3A_180, %dma_wait3A_181] : memref<10240x64xf32, #tpu.memory_space<vmem_shared>> -> memref<10240x64xf32, #tpu.memory_space<vmem_shared>>
          tpu.wait_indirect_dma semaphore(%arg22 : memref<!tpu.dma_semaphore, #tpu.memory_space<semaphore_mem>>) src(%arg18 : memref<64x64xf32, #tpu.memory_space<vmem>>) dst(%dma_wait3A_182 : memref<10240x64xf32, #tpu.memory_space<vmem_shared>>)
        } else {
        }
        "tpu.region"() ({
          %run_scoped3A_176 = tpu.sem_alloc : memref<!tpu.dma_semaphore, #tpu.memory_space<semaphore_mem>>
          %dma_start3A_177 = arith.constant 0 : i32
          %dma_start3A_178 = tpu.memref_slice %arg13[%add3A_163, %dma_start3A_177] : memref<32x64xi32, #tpu.memory_space<vmem>> -> memref<1x64xi32, #tpu.memory_space<vmem>>
          %dma_start3A_179 = tpu.memref_squeeze %dma_start3A_178 : memref<1x64xi32, #tpu.memory_space<vmem>> -> memref<64xi32, #tpu.memory_space<vmem>>
          %dma_start3A_180 = arith.constant 0 : i32
          %dma_start3A_181 = arith.constant 0 : i32
          %dma_start3A_182 = tpu.memref_slice %arg9[%dma_start3A_180, %dma_start3A_181] : memref<10240x64xf32, #tpu.memory_space<vmem_shared>> -> memref<10240x64xf32, #tpu.memory_space<vmem_shared>>
          tpu.enqueue_indirect_dma source(%dma_start3A_182 : memref<10240x64xf32, #tpu.memory_space<vmem_shared>>) target(%arg18 : memref<64x64xf32, #tpu.memory_space<vmem>>) offsets(%dma_start3A_179 : memref<64xi32, #tpu.memory_space<vmem>>) semaphore(%run_scoped3A_176 : memref<!tpu.dma_semaphore, #tpu.memory_space<semaphore_mem>>)
          %dma_wait3A_183 = arith.constant 0 : i32
          %dma_wait3A_184 = tpu.memref_slice %arg13[%add3A_163, %dma_wait3A_183] : memref<32x64xi32, #tpu.memory_space<vmem>> -> memref<1x64xi32, #tpu.memory_space<vmem>>
          %dma_wait3A_185 = tpu.memref_squeeze %dma_wait3A_184 : memref<1x64xi32, #tpu.memory_space<vmem>> -> memref<64xi32, #tpu.memory_space<vmem>>
          %dma_wait3A_186 = arith.constant 0 : i32
          %dma_wait3A_187 = arith.constant 0 : i32
          %dma_wait3A_188 = tpu.memref_slice %arg9[%dma_wait3A_186, %dma_wait3A_187] : memref<10240x64xf32, #tpu.memory_space<vmem_shared>> -> memref<10240x64xf32, #tpu.memory_space<vmem_shared>>
          tpu.wait_indirect_dma semaphore(%run_scoped3A_176 : memref<!tpu.dma_semaphore, #tpu.memory_space<semaphore_mem>>) src(%dma_wait3A_188 : memref<10240x64xf32, #tpu.memory_space<vmem_shared>>) dst(%arg18 : memref<64x64xf32, #tpu.memory_space<vmem>>)
          tpu.yield
        }) : () -> ()
        %dma_start3A_169 = arith.constant 0 : i32
        %dma_start3A_170 = tpu.memref_slice %arg14[%add3A_163, %dma_start3A_169] : memref<32x64xi32, #tpu.memory_space<vmem>> -> memref<1x64xi32, #tpu.memory_space<vmem>>
        %dma_start3A_171 = tpu.memref_squeeze %dma_start3A_170 : memref<1x64xi32, #tpu.memory_space<vmem>> -> memref<64xi32, #tpu.memory_space<vmem>>
        %dma_start3A_172 = arith.constant 0 : i32
        %dma_start3A_173 = arith.constant 0 : i32
        %dma_start3A_174 = tpu.memref_slice %arg10[%dma_start3A_172, %dma_start3A_173] : memref<10240x64xf32, #tpu.memory_space<vmem_shared>> -> memref<10240x64xf32, #tpu.memory_space<vmem_shared>>
        tpu.enqueue_indirect_dma source(%arg18 : memref<64x64xf32, #tpu.memory_space<vmem>>) target(%dma_start3A_174 : memref<10240x64xf32, #tpu.memory_space<vmem_shared>>) offsets(%dma_start3A_171 : memref<64xi32, #tpu.memory_space<vmem>>) semaphore(%arg22 : memref<!tpu.dma_semaphore, #tpu.memory_space<semaphore_mem>>) {add = true}
        %scan3A_175 = arith.constant 0 : i32
        scf.yield %scan3A_175 : i32
      }
      %scan3A_89 = arith.constant 8 : i32
      %dma_wait3A = arith.constant 28 : i32
      %dma_wait3A_90 = arith.constant 0 : i32
      %dma_wait3A_91 = tpu.memref_slice %arg14[%dma_wait3A, %dma_wait3A_90] : memref<32x64xi32, #tpu.memory_space<vmem>> -> memref<1x64xi32, #tpu.memory_space<vmem>>
      %dma_wait3A_92 = tpu.memref_squeeze %dma_wait3A_91 : memref<1x64xi32, #tpu.memory_space<vmem>> -> memref<64xi32, #tpu.memory_space<vmem>>
      %dma_wait3A_93 = arith.constant 0 : i32
      %dma_wait3A_94 = arith.constant 0 : i32
      %dma_wait3A_95 = tpu.memref_slice %arg10[%dma_wait3A_93, %dma_wait3A_94] : memref<10240x64xf32, #tpu.memory_space<vmem_shared>> -> memref<10240x64xf32, #tpu.memory_space<vmem_shared>>
      tpu.wait_indirect_dma semaphore(%arg19 : memref<!tpu.dma_semaphore, #tpu.memory_space<semaphore_mem>>) src(%arg15 : memref<64x64xf32, #tpu.memory_space<vmem>>) dst(%dma_wait3A_95 : memref<10240x64xf32, #tpu.memory_space<vmem_shared>>)
      %dma_wait3A_96 = arith.constant 29 : i32
      %dma_wait3A_97 = arith.constant 0 : i32
      %dma_wait3A_98 = tpu.memref_slice %arg14[%dma_wait3A_96, %dma_wait3A_97] : memref<32x64xi32, #tpu.memory_space<vmem>> -> memref<1x64xi32, #tpu.memory_space<vmem>>
      %dma_wait3A_99 = tpu.memref_squeeze %dma_wait3A_98 : memref<1x64xi32, #tpu.memory_space<vmem>> -> memref<64xi32, #tpu.memory_space<vmem>>
      %dma_wait3A_100 = arith.constant 0 : i32
      %dma_wait3A_101 = arith.constant 0 : i32
      %dma_wait3A_102 = tpu.memref_slice %arg10[%dma_wait3A_100, %dma_wait3A_101] : memref<10240x64xf32, #tpu.memory_space<vmem_shared>> -> memref<10240x64xf32, #tpu.memory_space<vmem_shared>>
      tpu.wait_indirect_dma semaphore(%arg20 : memref<!tpu.dma_semaphore, #tpu.memory_space<semaphore_mem>>) src(%arg16 : memref<64x64xf32, #tpu.memory_space<vmem>>) dst(%dma_wait3A_102 : memref<10240x64xf32, #tpu.memory_space<vmem_shared>>)
      %dma_wait3A_103 = arith.constant 30 : i32
      %dma_wait3A_104 = arith.constant 0 : i32
      %dma_wait3A_105 = tpu.memref_slice %arg14[%dma_wait3A_103, %dma_wait3A_104] : memref<32x64xi32, #tpu.memory_space<vmem>> -> memref<1x64xi32, #tpu.memory_space<vmem>>
      %dma_wait3A_106 = tpu.memref_squeeze %dma_wait3A_105 : memref<1x64xi32, #tpu.memory_space<vmem>> -> memref<64xi32, #tpu.memory_space<vmem>>
      %dma_wait3A_107 = arith.constant 0 : i32
      %dma_wait3A_108 = arith.constant 0 : i32
      %dma_wait3A_109 = tpu.memref_slice %arg10[%dma_wait3A_107, %dma_wait3A_108] : memref<10240x64xf32, #tpu.memory_space<vmem_shared>> -> memref<10240x64xf32, #tpu.memory_space<vmem_shared>>
      tpu.wait_indirect_dma semaphore(%arg21 : memref<!tpu.dma_semaphore, #tpu.memory_space<semaphore_mem>>) src(%arg17 : memref<64x64xf32, #tpu.memory_space<vmem>>) dst(%dma_wait3A_109 : memref<10240x64xf32, #tpu.memory_space<vmem_shared>>)
      %dma_wait3A_110 = arith.constant 31 : i32
      %dma_wait3A_111 = arith.constant 0 : i32
      %dma_wait3A_112 = tpu.memref_slice %arg14[%dma_wait3A_110, %dma_wait3A_111] : memref<32x64xi32, #tpu.memory_space<vmem>> -> memref<1x64xi32, #tpu.memory_space<vmem>>
      %dma_wait3A_113 = tpu.memref_squeeze %dma_wait3A_112 : memref<1x64xi32, #tpu.memory_space<vmem>> -> memref<64xi32, #tpu.memory_space<vmem>>
      %dma_wait3A_114 = arith.constant 0 : i32
      %dma_wait3A_115 = arith.constant 0 : i32
      %dma_wait3A_116 = tpu.memref_slice %arg10[%dma_wait3A_114, %dma_wait3A_115] : memref<10240x64xf32, #tpu.memory_space<vmem_shared>> -> memref<10240x64xf32, #tpu.memory_space<vmem_shared>>
      tpu.wait_indirect_dma semaphore(%arg22 : memref<!tpu.dma_semaphore, #tpu.memory_space<semaphore_mem>>) src(%arg18 : memref<64x64xf32, #tpu.memory_space<vmem>>) dst(%dma_wait3A_116 : memref<10240x64xf32, #tpu.memory_space<vmem_shared>>)
      %scan3A_117 = arith.constant 0 : i32
      scf.yield %scan3A_117 : i32
    }
    %scan3A_62 = arith.constant 10 : i32
    %barrier3A_63 = arith.constant 0 : index
    tpu.barrier barrier_id(%barrier3A_63)
    "tpu.trace_stop"() : () -> ()
    "tpu.trace_start"() <{level = 10 : i32, message = "rows2"}> : () -> ()
    %scan3A_64 = arith.constant 0 : i32
    %scan3A_65 = arith.constant 0 : i32
    %scan3A_66 = arith.constant 10 : i32
    %scan3A_67 = arith.addi %scan3A_65, %scan3A_66 : i32
    %scan3A_68 = arith.constant 1 : i32
    %scan3A_69 = scf.for %scan3A_77 = %scan3A_65 to %scan3A_67 step %scan3A_68 iter_args(%scan3A_78 = %scan3A_64) -> (i32)  : i32 {
      %mul3A_79 = arith.constant 64 : i32
      %mul3A_80 = arith.muli %scan3A_77, %mul3A_79 : i32
      %add3A = arith.addi %mul3A_0, %mul3A_80 : i32
      "tpu.region"() ({
        %run_scoped3A_89 = tpu.sem_alloc : memref<!tpu.dma_semaphore, #tpu.memory_space<semaphore_mem>>
        %dma_start3A = arith.constant 0 : i32
        %dma_start3A_90 = tpu.memref_slice %arg10[%add3A, %dma_start3A] : memref<10240x64xf32, #tpu.memory_space<vmem_shared>> -> memref<64x64xf32, #tpu.memory_space<vmem_shared>>
        %dma_start3A_91 = arith.constant 0 : i32
        %dma_start3A_92 = tpu.memref_slice %arg10[%add3A, %dma_start3A_91] : memref<10240x64xf32, #tpu.memory_space<vmem_shared>> -> memref<64x64xf32, #tpu.memory_space<vmem_shared>>
        tpu.enqueue_dma source(%dma_start3A_92 : memref<64x64xf32, #tpu.memory_space<vmem_shared>>) target(%arg16 : memref<64x64xf32, #tpu.memory_space<vmem>>) target_semaphore(%run_scoped3A_89 : memref<!tpu.dma_semaphore, #tpu.memory_space<semaphore_mem>>)
        %dma_wait3A = arith.constant 0 : i32
        %dma_wait3A_93 = tpu.memref_slice %arg10[%add3A, %dma_wait3A] : memref<10240x64xf32, #tpu.memory_space<vmem_shared>> -> memref<64x64xf32, #tpu.memory_space<vmem_shared>>
        %dma_wait3A_94 = arith.constant 0 : i32
        %dma_wait3A_95 = tpu.memref_slice %arg10[%add3A, %dma_wait3A_94] : memref<10240x64xf32, #tpu.memory_space<vmem_shared>> -> memref<64x64xf32, #tpu.memory_space<vmem_shared>>
        tpu.wait_dma2 semaphore(%run_scoped3A_89 : memref<!tpu.dma_semaphore, #tpu.memory_space<semaphore_mem>>) src(%dma_wait3A_95 : memref<64x64xf32, #tpu.memory_space<vmem_shared>>) dst(%arg16 : memref<64x64xf32, #tpu.memory_space<vmem>>)
        tpu.yield
      }) : () -> ()
      "tpu.region"() ({
        %run_scoped3A_89 = tpu.sem_alloc : memref<!tpu.dma_semaphore, #tpu.memory_space<semaphore_mem>>
        %dma_start3A = arith.constant 0 : i32
        %dma_start3A_90 = tpu.memref_slice %arg12[%arg0, %add3A, %dma_start3A] : memref<2x10240x16xf32, #tpu.memory_space<hbm>> -> memref<1x64x16xf32, #tpu.memory_space<hbm>>
        %dma_start3A_91 = tpu.memref_squeeze %dma_start3A_90 : memref<1x64x16xf32, #tpu.memory_space<hbm>> -> memref<64x16xf32, #tpu.memory_space<hbm>>
        %dma_start3A_92 = arith.constant 0 : i32
        %dma_start3A_93 = tpu.memref_slice %arg12[%arg0, %add3A, %dma_start3A_92] : memref<2x10240x16xf32, #tpu.memory_space<hbm>> -> memref<1x64x16xf32, #tpu.memory_space<hbm>>
        %dma_start3A_94 = tpu.memref_squeeze %dma_start3A_93 : memref<1x64x16xf32, #tpu.memory_space<hbm>> -> memref<64x16xf32, #tpu.memory_space<hbm>>
        tpu.enqueue_dma source(%dma_start3A_94 : memref<64x16xf32, #tpu.memory_space<hbm>>) target(%arg23 : memref<64x16xf32, #tpu.memory_space<vmem>>) target_semaphore(%run_scoped3A_89 : memref<!tpu.dma_semaphore, #tpu.memory_space<semaphore_mem>>)
        %dma_wait3A = arith.constant 0 : i32
        %dma_wait3A_95 = tpu.memref_slice %arg12[%arg0, %add3A, %dma_wait3A] : memref<2x10240x16xf32, #tpu.memory_space<hbm>> -> memref<1x64x16xf32, #tpu.memory_space<hbm>>
        %dma_wait3A_96 = tpu.memref_squeeze %dma_wait3A_95 : memref<1x64x16xf32, #tpu.memory_space<hbm>> -> memref<64x16xf32, #tpu.memory_space<hbm>>
        %dma_wait3A_97 = arith.constant 0 : i32
        %dma_wait3A_98 = tpu.memref_slice %arg12[%arg0, %add3A, %dma_wait3A_97] : memref<2x10240x16xf32, #tpu.memory_space<hbm>> -> memref<1x64x16xf32, #tpu.memory_space<hbm>>
        %dma_wait3A_99 = tpu.memref_squeeze %dma_wait3A_98 : memref<1x64x16xf32, #tpu.memory_space<hbm>> -> memref<64x16xf32, #tpu.memory_space<hbm>>
        tpu.wait_dma2 semaphore(%run_scoped3A_89 : memref<!tpu.dma_semaphore, #tpu.memory_space<semaphore_mem>>) src(%dma_wait3A_99 : memref<64x16xf32, #tpu.memory_space<hbm>>) dst(%arg23 : memref<64x16xf32, #tpu.memory_space<vmem>>)
        tpu.yield
      }) : () -> ()
      "tpu.region"() ({
        %run_scoped3A_89 = tpu.sem_alloc : memref<!tpu.dma_semaphore, #tpu.memory_space<semaphore_mem>>
        %dma_start3A = arith.constant 0 : i32
        %dma_start3A_90 = tpu.memref_slice %arg4[%arg0, %add3A, %dma_start3A] : memref<2x10240x64xf32, #tpu.memory_space<hbm>> -> memref<1x64x64xf32, #tpu.memory_space<hbm>>
        %dma_start3A_91 = tpu.memref_squeeze %dma_start3A_90 : memref<1x64x64xf32, #tpu.memory_space<hbm>> -> memref<64x64xf32, #tpu.memory_space<hbm>>
        %dma_start3A_92 = arith.constant 0 : i32
        %dma_start3A_93 = tpu.memref_slice %arg4[%arg0, %add3A, %dma_start3A_92] : memref<2x10240x64xf32, #tpu.memory_space<hbm>> -> memref<1x64x64xf32, #tpu.memory_space<hbm>>
        %dma_start3A_94 = tpu.memref_squeeze %dma_start3A_93 : memref<1x64x64xf32, #tpu.memory_space<hbm>> -> memref<64x64xf32, #tpu.memory_space<hbm>>
        tpu.enqueue_dma source(%dma_start3A_94 : memref<64x64xf32, #tpu.memory_space<hbm>>) target(%arg15 : memref<64x64xf32, #tpu.memory_space<vmem>>) target_semaphore(%run_scoped3A_89 : memref<!tpu.dma_semaphore, #tpu.memory_space<semaphore_mem>>)
        %dma_wait3A = arith.constant 0 : i32
        %dma_wait3A_95 = tpu.memref_slice %arg4[%arg0, %add3A, %dma_wait3A] : memref<2x10240x64xf32, #tpu.memory_space<hbm>> -> memref<1x64x64xf32, #tpu.memory_space<hbm>>
        %dma_wait3A_96 = tpu.memref_squeeze %dma_wait3A_95 : memref<1x64x64xf32, #tpu.memory_space<hbm>> -> memref<64x64xf32, #tpu.memory_space<hbm>>
        %dma_wait3A_97 = arith.constant 0 : i32
        %dma_wait3A_98 = tpu.memref_slice %arg4[%arg0, %add3A, %dma_wait3A_97] : memref<2x10240x64xf32, #tpu.memory_space<hbm>> -> memref<1x64x64xf32, #tpu.memory_space<hbm>>
        %dma_wait3A_99 = tpu.memref_squeeze %dma_wait3A_98 : memref<1x64x64xf32, #tpu.memory_space<hbm>> -> memref<64x64xf32, #tpu.memory_space<hbm>>
        tpu.wait_dma2 semaphore(%run_scoped3A_89 : memref<!tpu.dma_semaphore, #tpu.memory_space<semaphore_mem>>) src(%dma_wait3A_99 : memref<64x64xf32, #tpu.memory_space<hbm>>) dst(%arg15 : memref<64x64xf32, #tpu.memory_space<vmem>>)
        tpu.yield
      }) : () -> ()
      %scan3A_81 = arith.constant 0 : i32
      %scan3A_82 = arith.constant 0 : i32
      %scan3A_83 = arith.constant 32 : i32
      %scan3A_84 = arith.addi %scan3A_82, %scan3A_83 : i32
      %scan3A_85 = arith.constant 1 : i32
      %scan3A_86 = scf.for %scan3A_89 = %scan3A_82 to %scan3A_84 step %scan3A_85 iter_args(%scan3A_90 = %scan3A_81) -> (i32)  : i32 {
        %mul3A_91 = arith.constant 2 : i32
        %mul3A_92 = arith.muli %mul3A_91, %scan3A_89 : i32
        %mul3A_93 = arith.constant 2 : i32
        %mul3A_94 = arith.muli %mul3A_93, %scan3A_89 : i32
        %add3A_95 = arith.constant 1 : i32
        %add3A_96 = arith.addi %mul3A_94, %add3A_95 : i32
        %get3A = arith.index_cast %mul3A_92 : i32 to index
        %get3A_97 = arith.constant 0 : index
        %get3A_98 = tpu.vector_load %arg23[%get3A, %get3A_97] {strides = array<i32>} : memref<64x16xf32, #tpu.memory_space<vmem>>, vector<1x16xf32>,
        %get3A_99 = vector.shape_cast %get3A_98 : vector<1x16xf32> to vector<16xf32>
        %get3A_100 = arith.index_cast %mul3A_92 : i32 to index
        %get3A_101 = arith.constant 0 : index
        %get3A_102 = tpu.vector_load %arg15[%get3A_100, %get3A_101] {strides = array<i32>} : memref<64x64xf32, #tpu.memory_space<vmem>>, vector<1x16xf32>,
        %get3A_103 = vector.shape_cast %get3A_102 : vector<1x16xf32> to vector<16xf32>
        %get3A_104 = arith.index_cast %mul3A_92 : i32 to index
        %get3A_105 = arith.constant 0 : index
        %get3A_106 = tpu.vector_load %arg16[%get3A_104, %get3A_105] {strides = array<i32>} : memref<64x64xf32, #tpu.memory_space<vmem>>, vector<1x16xf32>,
        %get3A_107 = vector.shape_cast %get3A_106 : vector<1x16xf32> to vector<16xf32>
        %mul3A_108 = arith.mulf %get3A_107, %get3A_99 : vector<16xf32>
        %add3A_109 = arith.addf %get3A_103, %mul3A_108 : vector<16xf32>
        %swap3A = arith.index_cast %mul3A_92 : i32 to index
        %swap3A_110 = arith.constant 0 : index
        %swap3A_111 = tpu.vector_load %arg16[%swap3A, %swap3A_110] {strides = array<i32>} : memref<64x64xf32, #tpu.memory_space<vmem>>, vector<1x16xf32>,
        %swap3A_112 = vector.shape_cast %swap3A_111 : vector<1x16xf32> to vector<16xf32>
        %swap3A_113 = vector.shape_cast %add3A_109 : vector<16xf32> to vector<1x16xf32>
        tpu.vector_store %arg16[%swap3A, %swap3A_110], %swap3A_113 {strides = array<i32>} : memref<64x64xf32, #tpu.memory_space<vmem>>, vector<1x16xf32>,
        %get3A_114 = arith.index_cast %mul3A_92 : i32 to index
        %get3A_115 = arith.constant 16 : index
        %get3A_116 = tpu.vector_load %arg15[%get3A_114, %get3A_115] {strides = array<i32>} : memref<64x64xf32, #tpu.memory_space<vmem>>, vector<1x16xf32>,
        %get3A_117 = vector.shape_cast %get3A_116 : vector<1x16xf32> to vector<16xf32>
        %get3A_118 = arith.index_cast %mul3A_92 : i32 to index
        %get3A_119 = arith.constant 16 : index
        %get3A_120 = tpu.vector_load %arg16[%get3A_118, %get3A_119] {strides = array<i32>} : memref<64x64xf32, #tpu.memory_space<vmem>>, vector<1x16xf32>,
        %get3A_121 = vector.shape_cast %get3A_120 : vector<1x16xf32> to vector<16xf32>
        %mul3A_122 = arith.mulf %get3A_121, %get3A_99 : vector<16xf32>
        %add3A_123 = arith.addf %get3A_117, %mul3A_122 : vector<16xf32>
        %swap3A_124 = arith.index_cast %mul3A_92 : i32 to index
        %swap3A_125 = arith.constant 16 : index
        %swap3A_126 = tpu.vector_load %arg16[%swap3A_124, %swap3A_125] {strides = array<i32>} : memref<64x64xf32, #tpu.memory_space<vmem>>, vector<1x16xf32>,
        %swap3A_127 = vector.shape_cast %swap3A_126 : vector<1x16xf32> to vector<16xf32>
        %swap3A_128 = vector.shape_cast %add3A_123 : vector<16xf32> to vector<1x16xf32>
        tpu.vector_store %arg16[%swap3A_124, %swap3A_125], %swap3A_128 {strides = array<i32>} : memref<64x64xf32, #tpu.memory_space<vmem>>, vector<1x16xf32>,
        %get3A_129 = arith.index_cast %mul3A_92 : i32 to index
        %get3A_130 = arith.constant 32 : index
        %get3A_131 = tpu.vector_load %arg15[%get3A_129, %get3A_130] {strides = array<i32>} : memref<64x64xf32, #tpu.memory_space<vmem>>, vector<1x16xf32>,
        %get3A_132 = vector.shape_cast %get3A_131 : vector<1x16xf32> to vector<16xf32>
        %get3A_133 = arith.index_cast %mul3A_92 : i32 to index
        %get3A_134 = arith.constant 32 : index
        %get3A_135 = tpu.vector_load %arg16[%get3A_133, %get3A_134] {strides = array<i32>} : memref<64x64xf32, #tpu.memory_space<vmem>>, vector<1x16xf32>,
        %get3A_136 = vector.shape_cast %get3A_135 : vector<1x16xf32> to vector<16xf32>
        %mul3A_137 = arith.mulf %get3A_136, %get3A_99 : vector<16xf32>
        %add3A_138 = arith.addf %get3A_132, %mul3A_137 : vector<16xf32>
        %swap3A_139 = arith.index_cast %mul3A_92 : i32 to index
        %swap3A_140 = arith.constant 32 : index
        %swap3A_141 = tpu.vector_load %arg16[%swap3A_139, %swap3A_140] {strides = array<i32>} : memref<64x64xf32, #tpu.memory_space<vmem>>, vector<1x16xf32>,
        %swap3A_142 = vector.shape_cast %swap3A_141 : vector<1x16xf32> to vector<16xf32>
        %swap3A_143 = vector.shape_cast %add3A_138 : vector<16xf32> to vector<1x16xf32>
        tpu.vector_store %arg16[%swap3A_139, %swap3A_140], %swap3A_143 {strides = array<i32>} : memref<64x64xf32, #tpu.memory_space<vmem>>, vector<1x16xf32>,
        %get3A_144 = arith.index_cast %mul3A_92 : i32 to index
        %get3A_145 = arith.constant 48 : index
        %get3A_146 = tpu.vector_load %arg15[%get3A_144, %get3A_145] {strides = array<i32>} : memref<64x64xf32, #tpu.memory_space<vmem>>, vector<1x16xf32>,
        %get3A_147 = vector.shape_cast %get3A_146 : vector<1x16xf32> to vector<16xf32>
        %get3A_148 = arith.index_cast %mul3A_92 : i32 to index
        %get3A_149 = arith.constant 48 : index
        %get3A_150 = tpu.vector_load %arg16[%get3A_148, %get3A_149] {strides = array<i32>} : memref<64x64xf32, #tpu.memory_space<vmem>>, vector<1x16xf32>,
        %get3A_151 = vector.shape_cast %get3A_150 : vector<1x16xf32> to vector<16xf32>
        %mul3A_152 = arith.mulf %get3A_151, %get3A_99 : vector<16xf32>
        %add3A_153 = arith.addf %get3A_147, %mul3A_152 : vector<16xf32>
        %swap3A_154 = arith.index_cast %mul3A_92 : i32 to index
        %swap3A_155 = arith.constant 48 : index
        %swap3A_156 = tpu.vector_load %arg16[%swap3A_154, %swap3A_155] {strides = array<i32>} : memref<64x64xf32, #tpu.memory_space<vmem>>, vector<1x16xf32>,
        %swap3A_157 = vector.shape_cast %swap3A_156 : vector<1x16xf32> to vector<16xf32>
        %swap3A_158 = vector.shape_cast %add3A_153 : vector<16xf32> to vector<1x16xf32>
        tpu.vector_store %arg16[%swap3A_154, %swap3A_155], %swap3A_158 {strides = array<i32>} : memref<64x64xf32, #tpu.memory_space<vmem>>, vector<1x16xf32>,
        %get3A_159 = arith.index_cast %add3A_96 : i32 to index
        %get3A_160 = arith.constant 0 : index
        %get3A_161 = tpu.vector_load %arg23[%get3A_159, %get3A_160] {strides = array<i32>} : memref<64x16xf32, #tpu.memory_space<vmem>>, vector<1x16xf32>,
        %get3A_162 = vector.shape_cast %get3A_161 : vector<1x16xf32> to vector<16xf32>
        %get3A_163 = arith.index_cast %add3A_96 : i32 to index
        %get3A_164 = arith.constant 0 : index
        %get3A_165 = tpu.vector_load %arg15[%get3A_163, %get3A_164] {strides = array<i32>} : memref<64x64xf32, #tpu.memory_space<vmem>>, vector<1x16xf32>,
        %get3A_166 = vector.shape_cast %get3A_165 : vector<1x16xf32> to vector<16xf32>
        %get3A_167 = arith.index_cast %add3A_96 : i32 to index
        %get3A_168 = arith.constant 0 : index
        %get3A_169 = tpu.vector_load %arg16[%get3A_167, %get3A_168] {strides = array<i32>} : memref<64x64xf32, #tpu.memory_space<vmem>>, vector<1x16xf32>,
        %get3A_170 = vector.shape_cast %get3A_169 : vector<1x16xf32> to vector<16xf32>
        %mul3A_171 = arith.mulf %get3A_170, %get3A_162 : vector<16xf32>
        %add3A_172 = arith.addf %get3A_166, %mul3A_171 : vector<16xf32>
        %swap3A_173 = arith.index_cast %add3A_96 : i32 to index
        %swap3A_174 = arith.constant 0 : index
        %swap3A_175 = tpu.vector_load %arg16[%swap3A_173, %swap3A_174] {strides = array<i32>} : memref<64x64xf32, #tpu.memory_space<vmem>>, vector<1x16xf32>,
        %swap3A_176 = vector.shape_cast %swap3A_175 : vector<1x16xf32> to vector<16xf32>
        %swap3A_177 = vector.shape_cast %add3A_172 : vector<16xf32> to vector<1x16xf32>
        tpu.vector_store %arg16[%swap3A_173, %swap3A_174], %swap3A_177 {strides = array<i32>} : memref<64x64xf32, #tpu.memory_space<vmem>>, vector<1x16xf32>,
        %get3A_178 = arith.index_cast %add3A_96 : i32 to index
        %get3A_179 = arith.constant 16 : index
        %get3A_180 = tpu.vector_load %arg15[%get3A_178, %get3A_179] {strides = array<i32>} : memref<64x64xf32, #tpu.memory_space<vmem>>, vector<1x16xf32>,
        %get3A_181 = vector.shape_cast %get3A_180 : vector<1x16xf32> to vector<16xf32>
        %get3A_182 = arith.index_cast %add3A_96 : i32 to index
        %get3A_183 = arith.constant 16 : index
        %get3A_184 = tpu.vector_load %arg16[%get3A_182, %get3A_183] {strides = array<i32>} : memref<64x64xf32, #tpu.memory_space<vmem>>, vector<1x16xf32>,
        %get3A_185 = vector.shape_cast %get3A_184 : vector<1x16xf32> to vector<16xf32>
        %mul3A_186 = arith.mulf %get3A_185, %get3A_162 : vector<16xf32>
        %add3A_187 = arith.addf %get3A_181, %mul3A_186 : vector<16xf32>
        %swap3A_188 = arith.index_cast %add3A_96 : i32 to index
        %swap3A_189 = arith.constant 16 : index
        %swap3A_190 = tpu.vector_load %arg16[%swap3A_188, %swap3A_189] {strides = array<i32>} : memref<64x64xf32, #tpu.memory_space<vmem>>, vector<1x16xf32>,
        %swap3A_191 = vector.shape_cast %swap3A_190 : vector<1x16xf32> to vector<16xf32>
        %swap3A_192 = vector.shape_cast %add3A_187 : vector<16xf32> to vector<1x16xf32>
        tpu.vector_store %arg16[%swap3A_188, %swap3A_189], %swap3A_192 {strides = array<i32>} : memref<64x64xf32, #tpu.memory_space<vmem>>, vector<1x16xf32>,
        %get3A_193 = arith.index_cast %add3A_96 : i32 to index
        %get3A_194 = arith.constant 32 : index
        %get3A_195 = tpu.vector_load %arg15[%get3A_193, %get3A_194] {strides = array<i32>} : memref<64x64xf32, #tpu.memory_space<vmem>>, vector<1x16xf32>,
        %get3A_196 = vector.shape_cast %get3A_195 : vector<1x16xf32> to vector<16xf32>
        %get3A_197 = arith.index_cast %add3A_96 : i32 to index
        %get3A_198 = arith.constant 32 : index
        %get3A_199 = tpu.vector_load %arg16[%get3A_197, %get3A_198] {strides = array<i32>} : memref<64x64xf32, #tpu.memory_space<vmem>>, vector<1x16xf32>,
        %get3A_200 = vector.shape_cast %get3A_199 : vector<1x16xf32> to vector<16xf32>
        %mul3A_201 = arith.mulf %get3A_200, %get3A_162 : vector<16xf32>
        %add3A_202 = arith.addf %get3A_196, %mul3A_201 : vector<16xf32>
        %swap3A_203 = arith.index_cast %add3A_96 : i32 to index
        %swap3A_204 = arith.constant 32 : index
        %swap3A_205 = tpu.vector_load %arg16[%swap3A_203, %swap3A_204] {strides = array<i32>} : memref<64x64xf32, #tpu.memory_space<vmem>>, vector<1x16xf32>,
        %swap3A_206 = vector.shape_cast %swap3A_205 : vector<1x16xf32> to vector<16xf32>
        %swap3A_207 = vector.shape_cast %add3A_202 : vector<16xf32> to vector<1x16xf32>
        tpu.vector_store %arg16[%swap3A_203, %swap3A_204], %swap3A_207 {strides = array<i32>} : memref<64x64xf32, #tpu.memory_space<vmem>>, vector<1x16xf32>,
        %get3A_208 = arith.index_cast %add3A_96 : i32 to index
        %get3A_209 = arith.constant 48 : index
        %get3A_210 = tpu.vector_load %arg15[%get3A_208, %get3A_209] {strides = array<i32>} : memref<64x64xf32, #tpu.memory_space<vmem>>, vector<1x16xf32>,
        %get3A_211 = vector.shape_cast %get3A_210 : vector<1x16xf32> to vector<16xf32>
        %get3A_212 = arith.index_cast %add3A_96 : i32 to index
        %get3A_213 = arith.constant 48 : index
        %get3A_214 = tpu.vector_load %arg16[%get3A_212, %get3A_213] {strides = array<i32>} : memref<64x64xf32, #tpu.memory_space<vmem>>, vector<1x16xf32>,
        %get3A_215 = vector.shape_cast %get3A_214 : vector<1x16xf32> to vector<16xf32>
        %mul3A_216 = arith.mulf %get3A_215, %get3A_162 : vector<16xf32>
        %add3A_217 = arith.addf %get3A_211, %mul3A_216 : vector<16xf32>
        %swap3A_218 = arith.index_cast %add3A_96 : i32 to index
        %swap3A_219 = arith.constant 48 : index
        %swap3A_220 = tpu.vector_load %arg16[%swap3A_218, %swap3A_219] {strides = array<i32>} : memref<64x64xf32, #tpu.memory_space<vmem>>, vector<1x16xf32>,
        %swap3A_221 = vector.shape_cast %swap3A_220 : vector<1x16xf32> to vector<16xf32>
        %swap3A_222 = vector.shape_cast %add3A_217 : vector<16xf32> to vector<1x16xf32>
        tpu.vector_store %arg16[%swap3A_218, %swap3A_219], %swap3A_222 {strides = array<i32>} : memref<64x64xf32, #tpu.memory_space<vmem>>, vector<1x16xf32>,
        %scan3A_223 = arith.constant 0 : i32
        scf.yield %scan3A_223 : i32
      }
      %scan3A_87 = arith.constant 32 : i32
      "tpu.region"() ({
        %run_scoped3A_89 = tpu.sem_alloc : memref<!tpu.dma_semaphore, #tpu.memory_space<semaphore_mem>>
        %dma_start3A = arith.constant 0 : i32
        %dma_start3A_90 = tpu.memref_slice %arg7[%arg0, %add3A, %dma_start3A] : memref<2x10240x64xf32, #tpu.memory_space<hbm>> -> memref<1x64x64xf32, #tpu.memory_space<hbm>>
        %dma_start3A_91 = tpu.memref_squeeze %dma_start3A_90 : memref<1x64x64xf32, #tpu.memory_space<hbm>> -> memref<64x64xf32, #tpu.memory_space<hbm>>
        %dma_start3A_92 = arith.constant 0 : i32
        %dma_start3A_93 = tpu.memref_slice %arg7[%arg0, %add3A, %dma_start3A_92] : memref<2x10240x64xf32, #tpu.memory_space<hbm>> -> memref<1x64x64xf32, #tpu.memory_space<hbm>>
        %dma_start3A_94 = tpu.memref_squeeze %dma_start3A_93 : memref<1x64x64xf32, #tpu.memory_space<hbm>> -> memref<64x64xf32, #tpu.memory_space<hbm>>
        tpu.enqueue_dma source(%arg16 : memref<64x64xf32, #tpu.memory_space<vmem>>) target(%dma_start3A_94 : memref<64x64xf32, #tpu.memory_space<hbm>>) target_semaphore(%run_scoped3A_89 : memref<!tpu.dma_semaphore, #tpu.memory_space<semaphore_mem>>)
        %dma_wait3A = arith.constant 0 : i32
        %dma_wait3A_95 = tpu.memref_slice %arg7[%arg0, %add3A, %dma_wait3A] : memref<2x10240x64xf32, #tpu.memory_space<hbm>> -> memref<1x64x64xf32, #tpu.memory_space<hbm>>
        %dma_wait3A_96 = tpu.memref_squeeze %dma_wait3A_95 : memref<1x64x64xf32, #tpu.memory_space<hbm>> -> memref<64x64xf32, #tpu.memory_space<hbm>>
        %dma_wait3A_97 = arith.constant 0 : i32
        %dma_wait3A_98 = tpu.memref_slice %arg7[%arg0, %add3A, %dma_wait3A_97] : memref<2x10240x64xf32, #tpu.memory_space<hbm>> -> memref<1x64x64xf32, #tpu.memory_space<hbm>>
        %dma_wait3A_99 = tpu.memref_squeeze %dma_wait3A_98 : memref<1x64x64xf32, #tpu.memory_space<hbm>> -> memref<64x64xf32, #tpu.memory_space<hbm>>
        tpu.wait_dma2 semaphore(%run_scoped3A_89 : memref<!tpu.dma_semaphore, #tpu.memory_space<semaphore_mem>>) src(%arg16 : memref<64x64xf32, #tpu.memory_space<vmem>>) dst(%dma_wait3A_99 : memref<64x64xf32, #tpu.memory_space<hbm>>)
        tpu.yield
      }) : () -> ()
      "tpu.region"() ({
        %run_scoped3A_89 = tpu.sem_alloc : memref<!tpu.dma_semaphore, #tpu.memory_space<semaphore_mem>>
        %dma_start3A = arith.constant 0 : i32
        %dma_start3A_90 = tpu.memref_slice %arg9[%add3A, %dma_start3A] : memref<10240x64xf32, #tpu.memory_space<vmem_shared>> -> memref<64x64xf32, #tpu.memory_space<vmem_shared>>
        %dma_start3A_91 = arith.constant 0 : i32
        %dma_start3A_92 = tpu.memref_slice %arg9[%add3A, %dma_start3A_91] : memref<10240x64xf32, #tpu.memory_space<vmem_shared>> -> memref<64x64xf32, #tpu.memory_space<vmem_shared>>
        tpu.enqueue_dma source(%arg16 : memref<64x64xf32, #tpu.memory_space<vmem>>) target(%dma_start3A_92 : memref<64x64xf32, #tpu.memory_space<vmem_shared>>) target_semaphore(%run_scoped3A_89 : memref<!tpu.dma_semaphore, #tpu.memory_space<semaphore_mem>>)
        %dma_wait3A = arith.constant 0 : i32
        %dma_wait3A_93 = tpu.memref_slice %arg9[%add3A, %dma_wait3A] : memref<10240x64xf32, #tpu.memory_space<vmem_shared>> -> memref<64x64xf32, #tpu.memory_space<vmem_shared>>
        %dma_wait3A_94 = arith.constant 0 : i32
        %dma_wait3A_95 = tpu.memref_slice %arg9[%add3A, %dma_wait3A_94] : memref<10240x64xf32, #tpu.memory_space<vmem_shared>> -> memref<64x64xf32, #tpu.memory_space<vmem_shared>>
        tpu.wait_dma2 semaphore(%run_scoped3A_89 : memref<!tpu.dma_semaphore, #tpu.memory_space<semaphore_mem>>) src(%arg16 : memref<64x64xf32, #tpu.memory_space<vmem>>) dst(%dma_wait3A_95 : memref<64x64xf32, #tpu.memory_space<vmem_shared>>)
        tpu.yield
      }) : () -> ()
      %scan3A_88 = arith.constant 0 : i32
      scf.yield %scan3A_88 : i32
    }
    %scan3A_70 = arith.constant 10 : i32
    %barrier3A_71 = arith.constant 0 : index
    tpu.barrier barrier_id(%barrier3A_71)
    "tpu.trace_stop"() : () -> ()
    %mul3A_72 = arith.constant 64 : i32
    %mul3A_73 = arith.muli %arg1, %mul3A_72 : i32
    %run_scoped3A = arith.constant 0 : i32
    "tpu.region"() ({
      %run_scoped3A_77 = tpu.sem_alloc : memref<!tpu.dma_semaphore, #tpu.memory_space<semaphore_mem>>
      %dma_start3A = arith.constant 0 : i32
      %dma_start3A_78 = tpu.memref_slice %arg13[%run_scoped3A, %dma_start3A] : memref<32x64xi32, #tpu.memory_space<vmem>> -> memref<1x64xi32, #tpu.memory_space<vmem>>
      %dma_start3A_79 = tpu.memref_squeeze %dma_start3A_78 : memref<1x64xi32, #tpu.memory_space<vmem>> -> memref<64xi32, #tpu.memory_space<vmem>>
      %dma_start3A_80 = tpu.memref_slice %arg5[%mul3A_73] : memref<1024xi32, #tpu.memory_space<hbm>> -> memref<64xi32, #tpu.memory_space<hbm>>
      %dma_start3A_81 = arith.constant 0 : i32
      %dma_start3A_82 = tpu.memref_slice %arg13[%run_scoped3A, %dma_start3A_81] : memref<32x64xi32, #tpu.memory_space<vmem>> -> memref<1x64xi32, #tpu.memory_space<vmem>>
      %dma_start3A_83 = tpu.memref_squeeze %dma_start3A_82 : memref<1x64xi32, #tpu.memory_space<vmem>> -> memref<64xi32, #tpu.memory_space<vmem>>
      %dma_start3A_84 = tpu.memref_slice %arg5[%mul3A_73] : memref<1024xi32, #tpu.memory_space<hbm>> -> memref<64xi32, #tpu.memory_space<hbm>>
      tpu.enqueue_dma source(%dma_start3A_84 : memref<64xi32, #tpu.memory_space<hbm>>) target(%dma_start3A_83 : memref<64xi32, #tpu.memory_space<vmem>>) target_semaphore(%run_scoped3A_77 : memref<!tpu.dma_semaphore, #tpu.memory_space<semaphore_mem>>)
      %dma_wait3A = arith.constant 0 : i32
      %dma_wait3A_85 = tpu.memref_slice %arg13[%run_scoped3A, %dma_wait3A] : memref<32x64xi32, #tpu.memory_space<vmem>> -> memref<1x64xi32, #tpu.memory_space<vmem>>
      %dma_wait3A_86 = tpu.memref_squeeze %dma_wait3A_85 : memref<1x64xi32, #tpu.memory_space<vmem>> -> memref<64xi32, #tpu.memory_space<vmem>>
      %dma_wait3A_87 = tpu.memref_slice %arg5[%mul3A_73] : memref<1024xi32, #tpu.memory_space<hbm>> -> memref<64xi32, #tpu.memory_space<hbm>>
      %dma_wait3A_88 = arith.constant 0 : i32
      %dma_wait3A_89 = tpu.memref_slice %arg13[%run_scoped3A, %dma_wait3A_88] : memref<32x64xi32, #tpu.memory_space<vmem>> -> memref<1x64xi32, #tpu.memory_space<vmem>>
      %dma_wait3A_90 = tpu.memref_squeeze %dma_wait3A_89 : memref<1x64xi32, #tpu.memory_space<vmem>> -> memref<64xi32, #tpu.memory_space<vmem>>
      %dma_wait3A_91 = tpu.memref_slice %arg5[%mul3A_73] : memref<1024xi32, #tpu.memory_space<hbm>> -> memref<64xi32, #tpu.memory_space<hbm>>
      tpu.wait_dma2 semaphore(%run_scoped3A_77 : memref<!tpu.dma_semaphore, #tpu.memory_space<semaphore_mem>>) src(%dma_wait3A_91 : memref<64xi32, #tpu.memory_space<hbm>>) dst(%dma_wait3A_90 : memref<64xi32, #tpu.memory_space<vmem>>)
      tpu.yield
    }) : () -> ()
    %run_scoped3A_74 = arith.constant 0 : i32
    "tpu.region"() ({
      %run_scoped3A_77 = tpu.sem_alloc : memref<!tpu.dma_semaphore, #tpu.memory_space<semaphore_mem>>
      %dma_start3A = arith.constant 0 : i32
      %dma_start3A_78 = tpu.memref_slice %arg13[%run_scoped3A_74, %dma_start3A] : memref<32x64xi32, #tpu.memory_space<vmem>> -> memref<1x64xi32, #tpu.memory_space<vmem>>
      %dma_start3A_79 = tpu.memref_squeeze %dma_start3A_78 : memref<1x64xi32, #tpu.memory_space<vmem>> -> memref<64xi32, #tpu.memory_space<vmem>>
      %dma_start3A_80 = arith.constant 0 : i32
      %dma_start3A_81 = arith.constant 0 : i32
      %dma_start3A_82 = tpu.memref_slice %arg9[%dma_start3A_80, %dma_start3A_81] : memref<10240x64xf32, #tpu.memory_space<vmem_shared>> -> memref<10240x64xf32, #tpu.memory_space<vmem_shared>>
      tpu.enqueue_indirect_dma source(%dma_start3A_82 : memref<10240x64xf32, #tpu.memory_space<vmem_shared>>) target(%arg16 : memref<64x64xf32, #tpu.memory_space<vmem>>) offsets(%dma_start3A_79 : memref<64xi32, #tpu.memory_space<vmem>>) semaphore(%run_scoped3A_77 : memref<!tpu.dma_semaphore, #tpu.memory_space<semaphore_mem>>)
      %dma_wait3A = arith.constant 0 : i32
      %dma_wait3A_83 = tpu.memref_slice %arg13[%run_scoped3A_74, %dma_wait3A] : memref<32x64xi32, #tpu.memory_space<vmem>> -> memref<1x64xi32, #tpu.memory_space<vmem>>
      %dma_wait3A_84 = tpu.memref_squeeze %dma_wait3A_83 : memref<1x64xi32, #tpu.memory_space<vmem>> -> memref<64xi32, #tpu.memory_space<vmem>>
      %dma_wait3A_85 = arith.constant 0 : i32
      %dma_wait3A_86 = arith.constant 0 : i32
      %dma_wait3A_87 = tpu.memref_slice %arg9[%dma_wait3A_85, %dma_wait3A_86] : memref<10240x64xf32, #tpu.memory_space<vmem_shared>> -> memref<10240x64xf32, #tpu.memory_space<vmem_shared>>
      tpu.wait_indirect_dma semaphore(%run_scoped3A_77 : memref<!tpu.dma_semaphore, #tpu.memory_space<semaphore_mem>>) src(%dma_wait3A_87 : memref<10240x64xf32, #tpu.memory_space<vmem_shared>>) dst(%arg16 : memref<64x64xf32, #tpu.memory_space<vmem>>)
      tpu.yield
    }) : () -> ()
    %mul3A_75 = arith.constant 64 : i32
    %mul3A_76 = arith.muli %arg1, %mul3A_75 : i32
    "tpu.region"() ({
      %run_scoped3A_77 = tpu.sem_alloc : memref<!tpu.dma_semaphore, #tpu.memory_space<semaphore_mem>>
      %dma_start3A = arith.constant 0 : i32
      %dma_start3A_78 = tpu.memref_slice %arg8[%arg0, %mul3A_76, %dma_start3A] : memref<2x1024x64xf32, #tpu.memory_space<hbm>> -> memref<1x64x64xf32, #tpu.memory_space<hbm>>
      %dma_start3A_79 = tpu.memref_squeeze %dma_start3A_78 : memref<1x64x64xf32, #tpu.memory_space<hbm>> -> memref<64x64xf32, #tpu.memory_space<hbm>>
      %dma_start3A_80 = arith.constant 0 : i32
      %dma_start3A_81 = tpu.memref_slice %arg8[%arg0, %mul3A_76, %dma_start3A_80] : memref<2x1024x64xf32, #tpu.memory_space<hbm>> -> memref<1x64x64xf32, #tpu.memory_space<hbm>>
      %dma_start3A_82 = tpu.memref_squeeze %dma_start3A_81 : memref<1x64x64xf32, #tpu.memory_space<hbm>> -> memref<64x64xf32, #tpu.memory_space<hbm>>
      tpu.enqueue_dma source(%arg16 : memref<64x64xf32, #tpu.memory_space<vmem>>) target(%dma_start3A_82 : memref<64x64xf32, #tpu.memory_space<hbm>>) target_semaphore(%run_scoped3A_77 : memref<!tpu.dma_semaphore, #tpu.memory_space<semaphore_mem>>)
      %dma_wait3A = arith.constant 0 : i32
      %dma_wait3A_83 = tpu.memref_slice %arg8[%arg0, %mul3A_76, %dma_wait3A] : memref<2x1024x64xf32, #tpu.memory_space<hbm>> -> memref<1x64x64xf32, #tpu.memory_space<hbm>>
      %dma_wait3A_84 = tpu.memref_squeeze %dma_wait3A_83 : memref<1x64x64xf32, #tpu.memory_space<hbm>> -> memref<64x64xf32, #tpu.memory_space<hbm>>
      %dma_wait3A_85 = arith.constant 0 : i32
      %dma_wait3A_86 = tpu.memref_slice %arg8[%arg0, %mul3A_76, %dma_wait3A_85] : memref<2x1024x64xf32, #tpu.memory_space<hbm>> -> memref<1x64x64xf32, #tpu.memory_space<hbm>>
      %dma_wait3A_87 = tpu.memref_squeeze %dma_wait3A_86 : memref<1x64x64xf32, #tpu.memory_space<hbm>> -> memref<64x64xf32, #tpu.memory_space<hbm>>
      tpu.wait_dma2 semaphore(%run_scoped3A_77 : memref<!tpu.dma_semaphore, #tpu.memory_space<semaphore_mem>>) src(%arg16 : memref<64x64xf32, #tpu.memory_space<vmem>>) dst(%dma_wait3A_87 : memref<64x64xf32, #tpu.memory_space<hbm>>)
      tpu.yield
    }) : () -> ()
    return
  }
}

module attributes {stable_mosaic.version = 14 : i64} {
  func.func @_mm_body(%arg0: i32, %arg1: memref<1x8000x64xf32, #tpu.memory_space<vmem>>, %arg2: memref<1x8000x64xf32, #tpu.memory_space<vmem>>, %arg3: memref<1x128x64xf32, #tpu.memory_space<vmem>>, %arg4: memref<1x128x64xf32, #tpu.memory_space<vmem>>, %arg5: memref<128x8000xf32, #tpu.memory_space<vmem>>) attributes {dimension_semantics = [#tpu.dimension_semantics<arbitrary>], iteration_bounds = array<i64: 8>, scalar_prefetch = 0 : i64, scratch_operands = 0 : i64, tpu.core_type = #tpu.core_type<tc>, window_params = [{transform_indices = @transform_0, window_bounds = array<i64: 1, 8000, 64>}, {transform_indices = @transform_1, window_bounds = array<i64: 1, 8000, 64>}, {transform_indices = @transform_2, window_bounds = array<i64: 1, 128, 64>}, {transform_indices = @transform_3, window_bounds = array<i64: 1, 128, 64>}, {transform_indices = @transform_4, window_bounds = array<i64: 128, 8000>}]} {
    %get3A = arith.constant 0 : index
    %get3A_0 = arith.constant 0 : index
    %get3A_1 = arith.constant 0 : index
    %get3A_2 = vector.load %arg3[%get3A, %get3A_0, %get3A_1] : memref<1x128x64xf32, #tpu.memory_space<vmem>>, vector<1x128x64xf32>
    %get3A_3 = vector.shape_cast %get3A_2 : vector<1x128x64xf32> to vector<128x64xf32>
    %get3A_4 = arith.constant 0 : index
    %get3A_5 = arith.constant 0 : index
    %get3A_6 = arith.constant 0 : index
    %get3A_7 = vector.load %arg1[%get3A_4, %get3A_5, %get3A_6] : memref<1x8000x64xf32, #tpu.memory_space<vmem>>, vector<1x8000x64xf32>
    %get3A_8 = vector.shape_cast %get3A_7 : vector<1x8000x64xf32> to vector<8000x64xf32>
    %dot_general3A = arith.constant dense<0.000000e+00> : vector<128x8000xf32>
    %dot_general3A_9 = tpu.matmul %get3A_3, %get3A_8, %dot_general3A {dimension_numbers = #tpu.dot_dimension_numbers<[1], [1], [0], [0], [0, 0, 1, 0], [], []>, transpose_lhs_hint = false} : vector<128x64xf32>, vector<8000x64xf32>, vector<128x8000xf32> -> vector<128x8000xf32>
    %get3A_10 = arith.constant 0 : index
    %get3A_11 = arith.constant 0 : index
    %get3A_12 = arith.constant 0 : index
    %get3A_13 = vector.load %arg4[%get3A_10, %get3A_11, %get3A_12] : memref<1x128x64xf32, #tpu.memory_space<vmem>>, vector<1x128x64xf32>
    %get3A_14 = vector.shape_cast %get3A_13 : vector<1x128x64xf32> to vector<128x64xf32>
    %get3A_15 = arith.constant 0 : index
    %get3A_16 = arith.constant 0 : index
    %get3A_17 = arith.constant 0 : index
    %get3A_18 = vector.load %arg2[%get3A_15, %get3A_16, %get3A_17] : memref<1x8000x64xf32, #tpu.memory_space<vmem>>, vector<1x8000x64xf32>
    %get3A_19 = vector.shape_cast %get3A_18 : vector<1x8000x64xf32> to vector<8000x64xf32>
    %dot_general3A_20 = arith.constant dense<0.000000e+00> : vector<128x8000xf32>
    %dot_general3A_21 = tpu.matmul %get3A_14, %get3A_19, %dot_general3A_20 {dimension_numbers = #tpu.dot_dimension_numbers<[1], [1], [0], [0], [0, 0, 1, 0], [], []>, transpose_lhs_hint = false} : vector<128x64xf32>, vector<8000x64xf32>, vector<128x8000xf32> -> vector<128x8000xf32>
    %add3A = arith.addf %dot_general3A_9, %dot_general3A_21 : vector<128x8000xf32>
    %swap3A = arith.constant 0 : index
    %swap3A_22 = arith.constant 0 : index
    %swap3A_23 = vector.load %arg5[%swap3A, %swap3A_22] : memref<128x8000xf32, #tpu.memory_space<vmem>>, vector<128x8000xf32>
    tpu.vector_store %arg5[%swap3A, %swap3A_22], %add3A {strides = array<i32>} : memref<128x8000xf32, #tpu.memory_space<vmem>>, vector<128x8000xf32>,
    return
  }
  func.func @transform_0(%arg0: i32) -> (i32, i32, i32) {
    %c0_i32 = arith.constant 0 : i32
    %c0_i32_0 = arith.constant 0 : i32
    %c0_i32_1 = arith.constant 0 : i32
    %c0_i32_2 = arith.constant 0 : i32
    return %c0_i32, %c0_i32_0, %c0_i32_1 : i32, i32, i32
  }
  func.func @transform_1(%arg0: i32) -> (i32, i32, i32) {
    %c1_i32 = arith.constant 1 : i32
    %c0_i32 = arith.constant 0 : i32
    %c0_i32_0 = arith.constant 0 : i32
    %c0_i32_1 = arith.constant 0 : i32
    return %c1_i32, %c0_i32, %c0_i32_0 : i32, i32, i32
  }
  func.func @transform_2(%arg0: i32) -> (i32, i32, i32) {
    %c0_i32 = arith.constant 0 : i32
    %c0_i32_0 = arith.constant 0 : i32
    %c0_i32_1 = arith.constant 0 : i32
    return %c0_i32, %arg0, %c0_i32_0 : i32, i32, i32
  }
  func.func @transform_3(%arg0: i32) -> (i32, i32, i32) {
    %c1_i32 = arith.constant 1 : i32
    %c0_i32 = arith.constant 0 : i32
    %c0_i32_0 = arith.constant 0 : i32
    return %c1_i32, %arg0, %c0_i32 : i32, i32, i32
  }
  func.func @transform_4(%arg0: i32) -> (i32, i32) {
    %c0_i32 = arith.constant 0 : i32
    %c0_i32_0 = arith.constant 0 : i32
    return %arg0, %c0_i32 : i32, i32
  }
}

</mosaic_0001>

<sc_bundles>
// kernel: kernel.4.cloned.1.call-start
scs
__scs_entry_jumppad:
0x0: {  	(pc) =	sbr.rel $0x88, $3  }
0x1: {  	(tag) =	ssettag $0x0;
	lr =	simm.s32 $0x1  }
0x2: {  	[smem:$0x3F9E] =	sst lr;
	_ =	strace $0xD0000000  }
0x3: {  	_ = 	snop  }
0x4: {  	_ = 	snop  }
0x5: {  	_ = 	snop  }
0x6: {  	_ = 	snop  }
0x7: {  	_ = 	snop  }
__scs_overlays_trampoline_lowered:
0x8: {  	[smem:$0x3FAD] =	sst s0  }
0x9: {  	[smem:$0x3FAE] =	sst s1  }
0xa: {  	[smem:$0x3FAF] =	sst s2  }
0xb: {  	[smem:$0x3FB0] =	sst s3  }
0xc: {  	[smem:$0x3FB1] =	sst s4  }
0xd: {  	[smem:$0x3FB2] =	sst s5  }
0xe: {  	[smem:$0x3FB3] =	sst s6  }
0xf: {  	[smem:$0x3FB4] =	sst s7  }
0x10: {  	[smem:$0x3FB5] =	sst s8  }
0x11: {  	[smem:$0x3FB6] =	sst s9;
	s0 =	simm.s32 @!p0 $0x0  }
0x12: {  	s1 =	sld [smem:$0x3F9C];
	s0 =	simm.s32 @p0 $0x1  }
0x13: {  	[smem:$0x3FB7] =	sst s0;
	s0 =	simm.s32 @!p1 $0x0  }
0x14: {  	s2 =	sld [smem:$0x3F9B];
	s0 =	simm.s32 @p1 $0x1  }
0x15: {  	[smem:$0x3FB8] =	sst s0;
	s0 =	simm.s32 @!p2 $0x0  }
0x16: {  	s3 =	sld [smem:$0x3FDB];
	s0 =	simm.s32 @p2 $0x1  }
0x17: {  	s4 =	simm.s32 $0x1BF5;
	[smem:$0x3FBA] =	sst s0  }
0x18: {  	s0 =	sld [smem:$0x3F9D];
	_ =	swait.ge [sflag:s4], $0x0  }
0x19: {  	s7 =	sld [smem:$0x3F9E]  }
0x1a: {  	s8 =	sadd.s32 $0xFFFFE003, lr  }
0x1b: {  	s9 =	sadd.s32 $0xFFFFFEF7, lr;
	s5 =	simm.s32 $0xFFFFFFFF;
	p2 =	slt.u32 s8, $0xFFFFF086  }
0x1c: {  	p1 =	slt.u32 s9, $0xF7A;
	s5 =	simm.s32 @!p2 $0x0  }
0x1d: {  	s5 =	simm.s32 @p1 $0x1;
	p0 =	seq.s32 s7, s2  }
0x1e: {  	s7 =	smul.u32 @!p0 $0xF7A, s2;
	p2 =	seq.s32 @!p0 s5, $0x0  }
0x1f: {  	s9 =	smul.u32 $0xF7A, s1;
	s8 =	simm.s32 @!p0 $0x1BF5;
	p2 =	por !p2, p0  }
0x20: {  	[sflag:s8] =	ssyncset.s32 @!p0 $0xFFFFF086;
	s6 =	sadd.s32 @!p0 s3, s7;
	s7 =	simm.s32 @!p0 $0x108  }
0x21: {  	s3 =	sadd.s32 s3, s9;
	s6 =	sadd.s32 @!p0 $0x88, s6;
	s7 =	simm.s32 @p2 $0x1082  }
0x22: {  	[simem:s7], [sflag:s8] =	dma.local @!p0 [hbm:s6], $0xF7A  }
0x23: {  	s9 =	sor.u32 $0xD0000000, s2;
	s6 =	simm.s32 $0x108;
	_ =	swait.ge @!p0 [sflag:s8], $0x0  }
0x24: {  	s3 =	sadd.s32 $0x88, s3;
	s6 =	simm.s32 @!p1 $0x1082;
	[sflag:s4] =	ssyncset.s32 $0xFFFFF086  }
0x25: {  	[simem:s6], [sflag:s4] =	dma.local [hbm:s3], $0xF7A  }
0x26: {  	[smem:$0x3F9E] =	sst s1;
	(tag) =	ssettag s2;
	_ =	strace s9  }
0x27: {  	s1 =	sld [smem:$0x3FAE]  }
0x28: {  	s2 =	sld [smem:$0x3FAF]  }
0x29: {  	s4 =	sld [smem:$0x3FB1]  }
0x2a: {  	p0 =	seq.s32 s5, $0x0;
	s5 =	sld [smem:$0x3FB2]  }
0x2b: {  	s6 =	sld [smem:$0x3FB3]  }
0x2c: {  	s7 =	sld [smem:$0x3FB4]  }
0x2d: {  	s3 =	simm.s32 $0x108;
	s8 =	sld [smem:$0x3FB5]  }
0x2e: {  	s3 =	simm.s32 @!p0 $0x1082;
	s9 =	sld [smem:$0x3FB6]  }
0x2f: {  	lr =	sadd.s32 s0, s3;
	s0 =	sld [smem:$0x3FAD]  }
0x30: {  	s3 =	sld [smem:$0x3FB0]  }
0x31: {  	[smem:$0x3FB9] =	sst s10  }
0x32: {  	s10 =	sld [smem:$0x3FB7];
	_ =	sdelay $0x3  }
0x33: {  	p0 =	seq.s32 s10, $0x1;
	s10 =	sld [smem:$0x3FB9];
	_ =	sdelay $0x3  }
0x34: {  	[smem:$0x3FB9] =	sst s10  }
0x35: {  	s10 =	sld [smem:$0x3FB8];
	_ =	sdelay $0x3  }
0x36: {  	p1 =	seq.s32 s10, $0x1;
	s10 =	sld [smem:$0x3FB9];
	_ =	sdelay $0x3  }
0x37: {  	[smem:$0x3FB9] =	sst s10  }
0x38: {  	s10 =	sld [smem:$0x3FBA]  }
0x39: {  	_ = 	snop;
	(pc) =	sbr.ind lr, $3  }
0x3a: {  	_ = 	snop  }
0x3b: {  	_ = 	snop  }
0x3c: {  	p2 =	seq.s32 s10, $0x1;
	s10 =	sld [smem:$0x3FB9]  }
0x3d: {  	_ =	shalt  }
0x3e: {  	_ =	shalt  }
0x3f: {  	_ =	shalt  }
0x40: {  	_ =	shalt  }
0x41: {  	_ =	shalt  }
0x42: {  	_ =	shalt  }
0x43: {  	_ =	shalt  }
0x44: {  	_ =	shalt  }
0x45: {  	_ =	shalt  }
0x46: {  	_ =	shalt  }
0x47: {  	_ =	shalt  }
0x48: {  	_ =	shalt  }
0x49: {  	_ =	shalt  }
0x4a: {  	_ =	shalt  }
0x4b: {  	_ =	shalt  }
0x4c: {  	_ =	shalt  }
0x4d: {  	_ =	shalt  }
0x4e: {  	_ =	shalt  }
0x4f: {  	_ =	shalt  }
0x50: {  	_ =	shalt  }
0x51: {  	_ =	shalt  }
0x52: {  	_ =	shalt  }
0x53: {  	_ =	shalt  }
0x54: {  	_ =	shalt  }
0x55: {  	_ =	shalt  }
0x56: {  	_ =	shalt  }
0x57: {  	_ =	shalt  }
0x58: {  	_ =	shalt  }
0x59: {  	_ =	shalt  }
0x5a: {  	_ =	shalt  }
0x5b: {  	_ =	shalt  }
0x5c: {  	_ =	shalt  }
0x5d: {  	_ =	shalt  }
0x5e: {  	_ =	shalt  }
0x5f: {  	_ =	shalt  }
0x60: {  	_ =	shalt  }
0x61: {  	_ =	shalt  }
0x62: {  	_ =	shalt  }
0x63: {  	_ =	shalt  }
0x64: {  	_ =	shalt  }
0x65: {  	_ =	shalt  }
0x66: {  	_ =	shalt  }
0x67: {  	_ =	shalt  }
0x68: {  	_ =	shalt  }
0x69: {  	_ =	shalt  }
0x6a: {  	_ =	shalt  }
0x6b: {  	_ =	shalt  }
0x6c: {  	_ =	shalt  }
0x6d: {  	_ =	shalt  }
0x6e: {  	_ =	shalt  }
0x6f: {  	_ =	shalt  }
0x70: {  	_ =	shalt  }
0x71: {  	_ =	shalt  }
0x72: {  	_ =	shalt  }
0x73: {  	_ =	shalt  }
0x74: {  	_ =	shalt  }
0x75: {  	_ =	shalt  }
0x76: {  	_ =	shalt  }
0x77: {  	_ =	shalt  }
0x78: {  	_ =	shalt  }
0x79: {  	_ =	shalt  }
0x7a: {  	_ =	shalt  }
0x7b: {  	_ =	shalt  }
0x7c: {  	_ =	shalt  }
0x7d: {  	_ =	shalt  }
0x7e: {  	_ =	shalt  }
0x7f: {  	_ =	shalt  }
0x80: {  	_ =	shalt  }
0x81: {  	_ =	shalt  }
0x82: {  	_ =	shalt  }
0x83: {  	_ =	shalt  }
0x84: {  	_ =	shalt  }
0x85: {  	_ =	shalt  }
0x86: {  	_ =	shalt  }
0x87: {  	_ =	shalt  }
.Lfunc_end0:
.L_simem_size_0:
called_computation_lowered:
.L_overlay_start_0:
0x88: {  	s2 =	sld [smem:$0x3FD9]  }
0x89: {  	s3 =	sld [smem:$0x3FFE];
	_ =	sdelay $0x1  }
0x8a: {  	s1 =	srdreg.scid  }
0x8b: {  	s0 =	sand.u32 $0x1, s1  }
0x8c: {  	s17 =	sshll.u32 s0, $0xA;
	s2 =	sadd.s32 s3, s2  }
0x8d: {  	s3 =	sadd.s32 s2, s17  }
0x8e: {  	[smem:$0x3FC5] =	sst s3  }
0x8f: {  	_ = 	snop  }
0x90: {  	s3 =	sld [smem:$0x3FC8]  }
0x91: {  	s4 =	sld [smem:$0x3FD0];
	(tm) =	ssettm $0x1  }
0x92: {  	s5 =	sld [smem:$0x3FFB];
	_ =	sdelay $0x3  }
0x93: {  	_ =	strace s5  }
0x94: {  	s5 =	sld [smem:$0x3FFC];
	_ =	sdelay $0x3  }
0x95: {  	_ =	strace s5  }
0x96: {  	s5 =	sld [smem:$0x3FFD];
	_ =	sdelay $0x3  }
0x97: {  	_ =	strace s5  }
0x98: {  	_ =	strace $0x8FFFFFFF  }
0x99: {  	s18 =	sld [smem:$0x3FDB];
	_ =	sdelay $0x1  }
0x9a: {  	s6 =	simm.s32 $_scs_section_size  }
0x9b: {  	s7 =	simm.s32 $_size__tile_overlayer_lowered;
	s8 =	simm.s32 $_tile_overlayer_lowered  }
0x9c: {  	s21 =	simm.s32 $0x1BFF;
	s20 =	sshll.u32 s8, $0x1;
	s5 =	sadd.s32 s6, s18  }
0x9d: {  	s9 =	simm.s32 $0x0;
	s19 =	sshll.u32 s7, $0x1;
	s7 =	sadd.s32 s20, s5  }
0x9e: {  	[timem:s9], [sflag:s21] =	dma.local [hbm:s7], s19  }
0x9f: {  	_ =	swait.ge [sflag:s21], s19  }
0xa0: {  	s6 =	ssub.s32 $0x0, s19;
	[sflag:s21] =	ssyncset.done $0x0  }
0xa1: {  	[sflag:s21] =	ssyncadd.s32 s6;
	_ =	sdelay $0x1  }
0xa2: {  	s22 =	simm.s32 $0x1B8B  }
0xa3: {  	_ =	swait.ge [sflag:s22], $0x1  }
0xa4: {  	[sflag:s22] =	ssyncset.done $0x0  }
0xa5: {  	s24 =	simm.s32 $0x1B8E;
	s23 =	sld [smem:$0x3FFE];
	[sflag:s22] =	ssyncadd.s32 $0xFFFFFFFF  }
0xa6: {  	s25 =	simm.s32 $execute0_lowered;
	[smem:$0x3FD2] =	sst s24  }
0xa7: {  	s7 =	sshll.u32 s25, $0x1;
	_ =	strace $0x80000046;
	[dreg:$0x1] =	wrdreg $0xFFFFFFFF  }
0xa8: {  	s26 =	simm.s32 $_size_execute0_lowered;
	s5 =	sadd.s32 s5, s7;
	[dreg:$0x0] =	wrdreg $0x0  }
0xa9: {  	s7 =	sshll.u32 s26, $0x1;
	[dreg:$0x2] =	wrdreg s5  }
0xaa: {  	[dreg:$0x3] =	wrdreg s7  }
0xab: {  	[dreg:$0x4] =	wrdreg $0xC0  }
0xac: {  	_ =	task [dreg:s9], $0x5FFFF  }
0xad: {  	[dreg:$0x1] =	wrdreg $0xFFFFFFFF  }
0xae: {  	[dreg:$0x0] =	wrdreg $0x60  }
0xaf: {  	[dreg:$0x2] =	wrdreg s23  }
0xb0: {  	[dreg:$0x3] =	wrdreg s4  }
0xb1: {  	[dreg:$0x4] =	wrdreg s3  }
0xb2: {  	[dreg:$0x5] =	wrdreg $0x0  }
0xb3: {  	s28 =	sadd.s32 $0x800, s2;
	[dreg:$0x6] =	wrdreg $0xA0000  }
0xb4: {  	s2 =	sadd.s32 $0x50800, s2;
	[dreg:$0x7] =	wrdreg s28  }
0xb5: {  	[dreg:$0x8] =	wrdreg s2  }
0xb6: {  	[dreg:$0x9] =	wrdreg $0x9  }
0xb7: {  	_ =	task.clear_ibuf [dreg:s9], $0xAFFFF;
	_ =	strace $0x90000046  }
0xb8: {  	s29 =	simm.s32 $0x9;
	_ =	strace $0x80000051  }
0xb9: {  	_ =	swait.ge [sflag:s29], $0x1  }
0xba: {  	[sflag:s29] =	ssyncadd.s32 $0xFFFFFFFF  }
0xbb: {  	_ =	strace $0x90000051  }
0xbc: {  	_ =	sfence  }
0xbd: {  	s30 =	sld [smem:$0x0];
	_ =	sdelay $0x2  }
0xbe: {  	s31 =	sshll.u32 s1, $0xD;
	s1 =	sshrl.u32 s1, $0x2  }
0xbf: {  	s3 =	sand.u32 $0x4000, s31;
	s1 =	sadd.s32 s1, s30  }
0xc0: {  	s0 =	sor.u32 s3, s0;
	s1 =	sshll.u32 s1, $0x11  }
0xc1: {  	s0 =	sor.u32 s1, s0  }
0xc2: {  	s0 =	sadd.s32 $0x8F2B, s0  }
0xc3: {  	[sflag:s0] =	ssyncadd.remote.s32 $0x1  }
0xc4: {  	_ =	sfence.sel $0xFFFF  }
0xc5: {  	[dreg:$0x0] =	wrdreg $0xFFFFFFFF;
	(pc) =	sbr.abs _section_cstart, $3  }
0xc6: {  	[dreg:$0x1] =	wrdreg $0xFFFFFFFF  }
0xc7: {  	_ =	task.clear_ibuf [dreg:s9], $0x2FFFF;
	_ =	strace $0x9FFFFFFF  }
0xc8: {  	(tm) =	ssettm $0x7FFFFFFF  }
0xc9: {  	_ =	shalt  }
tec
execute0_lowered:
.L_overlay_start_1:
0x0: {  	(tag) =	ssettag $0x1  }
0x1: {  	s0 =	rddreg [dreg:$0x0]  }
0x2: {  	s1 =	rddreg [dreg:$0x2]  }
0x3: {  	s2 =	rddreg [dreg:$0x3]  }
0x4: {  	s3 =	rddreg [dreg:$0x4]  }
0x5: {  	s6 =	simm.s32 $0x0;
	s20 =	srdreg.scid;
	s10 =	stileid.u32  }
0x6: {  	s12 =	simm.s32 $0x15200;
	s13 =	simm.s32 $0x15280;
	s14 =	simm.s32 $0x15300  }
0x7: {  	s18 =	simm.s32 $0x15380;
	s28 =	simm.s32 $0x1C000;
	s29 =	simm.s32 $0x2  }
0x8: {  	s30 =	simm.s32 $0x3;
	s31 =	simm.s32 $0x4;
	[smem:$0x7FF] =	sst s6  }
0x9: {  	s15 =	sadd.s32 $0xC00, s0;
	s4 =	sadd.s32 $0x28C00, s0;
	s5 =	sadd.s32 $0x2B400, s0  }
0xa: {  	s8 =	smul.u32 $0x50000, s10;
	_ =	strace $0x80000047;
	[dreg:$0x15] =	wrdreg s4  }
0xb: {  	s16 =	sadd.s32 $0x14C00, s0;
	s9 =	smul.u32 $0xA000, s10;
	[dreg:$0x16] =	wrdreg s5  }
0xc: {  	s21 =	sshll.u32 s10, $0xA;
	s24 =	smul.u32 $0x1400, s10;
	[dreg:$0x9] =	wrdreg s12  }
0xd: {  	s25 =	smul.u32 $0x14000, s10;
	s26 =	sshll.u32 s10, $0x3;
	[dreg:$0xa] =	wrdreg s13  }
0xe: {  	s19 =	sshll.u32 s10, $0x6;
	s4 =	sand.u32 $0x1, s20;
	[dreg:$0xb] =	wrdreg s14  }
0xf: {  	s0 =	sadd.s32 s21, s0;
	s1 =	sadd.s32 s1, s26;
	[dreg:$0xc] =	wrdreg s18  }
0x10: {  	s20 =	simm.s32 $0x15400;
	s21 =	simm.s32 $0x15480;
	[dreg:$0x13] =	wrdreg s15  }
0x11: {  	s26 =	simm.s32 $0x15680;
	s18 =	simm.s32 $0x15800;
	[dreg:$0x14] =	wrdreg s16  }
0x12: {  	s12 =	simm.s32 $0x1;
	s13 =	simm.s32 $0x18000;
	[dreg:$0x17] =	wrdreg s9  }
0x13: {  	s14 =	simm.s32 $0x1A000;
	s7 =	ssub.s32 $0x2, s4;
	[dreg:$0x18] =	wrdreg s25  }
0x14: {  	s23 =	sshrl.u32 s8, $0x2;
	s11 =	smul.u32 $0x140000, s4;
	[dreg:$0x1a] =	wrdreg s1  }
0x15: {  	s4 =	sshll.u32 s4, $0xE;
	s1 =	sor.u32 $0x1C05, s19;
	[dreg:$0xd] =	wrdreg s20  }
0x16: {  	[dreg:$0xe] =	wrdreg s21;
	s20 =	simm.s32 $0x5;
	s25 =	simm.s32 $0x15600  }
0x17: {  	[dreg:$0x12] =	wrdreg s26;
	s8 =	simm.s32 $0x0;
	s26 =	simm.s32 $0x15100  }
0x18: {  	s22 =	sshrl.u32 s7, $0x1;
	s0 =	sadd.s32 s4, s0;
	[dreg:$0x1d] =	wrdreg s1  }
0x19: {  	[dreg:$0x11] =	wrdreg s25;
	s1 =	simm.s32 $0x15080;
	s4 =	simm.s32 $0x15100  }
0x1a: {  	s25 =	simm.s32 $0x15080;
	[dreg:$0x19] =	wrdreg s11;
	s11 =	sadd.s32 s24, s16  }
0x1b: {  	s5 =	ssub.s32 s7, s22;
	s0 =	sadd.s32 $0x7B400, s0;
	[dreg:$0x8] =	wrdreg s11  }
0x1c: {  	s7 =	sadd.s32 s23, s3;
	s23 =	simm.s32 $0x15500;
	[dreg:$0x1b] =	wrdreg s0  }
0x1d: {  	s24 =	simm.s32 $0x15580;
	s17 =	smax.u32 s5, $0x1;
	[dreg:$0xf] =	wrdreg s23  }
0x1e: {  	s22 =	sshrl.u32 s7, $0x3;
	s7 =	simm.s32 $0x15000;
	[dreg:$0x10] =	wrdreg s24  }
0x1f: {  	s23 =	simm.s32 $0x16000;
	s5 =	simm.s32 $0x15180;
	[dreg:$0x1c] =	wrdreg s17  }
0x20: {  	v0 =	vimm.f32 $1.000000000e+00;
	[dreg:$0x1e] =	wrdreg s22;
	s22 =	simm.s32 $0x40;
	s17 =	simm.s32 $0x15700  }
.LBB2_1:
0x21: {  	[dreg:$0x1f] =	wrdreg s8  }
0x22: {  	_ =	strace $0x80000048  }
0x23: {  	s0 =	rddreg [dreg:$0x15]  }
0x24: {  	s24 =	rddreg [dreg:$0x1d]  }
0x25: {  	s10 =	rddreg [dreg:$0x1e]  }
0x26: {  	[spmem:s10], [sflag:s24] =	dma.local [hbm:s0], $0x2800  }
0x27: {  	_ =	swait.ge [sflag:s20], $0x2800  }
0x28: {  	[sflag:s20] =	ssyncset.done $0x0  }
0x29: {  	s8 =	simm.s32 $0x200;
	s0 =	simm.s32 $0x0;
	[sflag:s20] =	ssyncadd.s32 $0xFFFFD800  }
.LBB2_2:
0x2a: {  	p0 =	sne.s32 s8, $0x7E00;
	[tilespmem:s0+$0x16030] =	vst v0;
	s10 =	smov.u32 s8;
	s8 =	sadd.s32 $0x200, s8  }
.Ltmp0:
0x2b: {  	[tilespmem:s0+$0x16020] =	vst v0;
	(pc) =	sbr.rel @p0 .LBB2_2-.Ltmp0, $3  }
0x2c: {  	[tilespmem:s0+$0x16000] =	vst v0  }
0x2d: {  	[tilespmem:s0+$0x16010] =	vst v0;
	_ =	sdelay $0x1  }
0x2e: {  	s0 =	sshra.s32 s10, $0x2  }
0x2f: {  	[tilespmem:s0+$0x16030] =	vst v0  }
0x30: {  	[tilespmem:s0+$0x16020] =	vst v0  }
0x31: {  	[tilespmem:s0+$0x16000] =	vst v0  }
0x32: {  	[tilespmem:s0+$0x16010] =	vst v0  }
0x33: {  	[bflag:$0x0] =	sbarrier.arrive $0xFFFF  }
0x34: {  	_ =	strace $0x90000048  }
0x35: {  	_ =	strace $0x80000049  }
0x36: {  	s8 =	rddreg [dreg:$0x8]  }
0x37: {  	s0 =	sadd.s32 $0x0, s8  }
0x38: {  	[tilespmem:s7], [sflag:$0x5] =	stream.linear.gather [hbm4b:s0+s6], $0x1000, $0x200038;
	v63 =	vld [tilespmem:$0x0]  }
0x39: {  	_ =	swait.ge [sflag:s20], $0x1000  }
0x3a: {  	[sflag:s20] =	ssyncset.done $0x0  }
0x3b: {  	[sflag:s20] =	ssyncadd.s32 $0xFFFFF000  }
0x3c: {  	[spmem:s3] =	stream.indirect.scatter.add.f32 [tilespmem:s23], [sflag:$0x1], $0x40, s7, s22, $0x2000b8;
	v63 =	vld [tilespmem:$0x0]  }
0x3d: {  	_ = 	snop  }
0x3e: {  	[spmem:s3] =	stream.indirect.scatter.add.f32 [tilespmem:s23], [sflag:$0x1], $0x40, s1, s22, $0x2000b8;
	v63 =	vld [tilespmem:$0x0]  }
0x3f: {  	_ = 	snop  }
0x40: {  	[spmem:s3] =	stream.indirect.scatter.add.f32 [tilespmem:s23], [sflag:$0x1], $0x40, s4, s22, $0x2000b8;
	v63 =	vld [tilespmem:$0x0]  }
0x41: {  	_ = 	snop  }
0x42: {  	[spmem:s3] =	stream.indirect.scatter.add.f32 [tilespmem:s23], [sflag:$0x1], $0x40, s5, s22, $0x2000b8;
	v63 =	vld [tilespmem:$0x0]  }
0x43: {  	s9 =	rddreg [dreg:$0x9]  }
0x44: {  	[spmem:s3] =	stream.indirect.scatter.add.f32 [tilespmem:s23], [sflag:$0x1], $0x40, s9, s22, $0x2000b8;
	v63 =	vld [tilespmem:$0x0]  }
0x45: {  	s8 =	rddreg [dreg:$0xa]  }
0x46: {  	[spmem:s3] =	stream.indirect.scatter.add.f32 [tilespmem:s23], [sflag:$0x1], $0x40, s8, s22, $0x2000b8;
	v63 =	vld [tilespmem:$0x0]  }
0x47: {  	s10 =	rddreg [dreg:$0xb]  }
0x48: {  	[spmem:s3] =	stream.indirect.scatter.add.f32 [tilespmem:s23], [sflag:$0x1], $0x40, s10, s22, $0x2000b8;
	v63 =	vld [tilespmem:$0x0]  }
0x49: {  	s11 =	rddreg [dreg:$0xc]  }
0x4a: {  	[spmem:s3] =	stream.indirect.scatter.add.f32 [tilespmem:s23], [sflag:$0x1], $0x40, s11, s22, $0x2000b8;
	v63 =	vld [tilespmem:$0x0]  }
0x4b: {  	s15 =	rddreg [dreg:$0xd]  }
0x4c: {  	[spmem:s3] =	stream.indirect.scatter.add.f32 [tilespmem:s23], [sflag:$0x1], $0x40, s15, s22, $0x2000b8;
	v63 =	vld [tilespmem:$0x0]  }
0x4d: {  	s16 =	rddreg [dreg:$0xe]  }
0x4e: {  	[spmem:s3] =	stream.indirect.scatter.add.f32 [tilespmem:s23], [sflag:$0x1], $0x40, s16, s22, $0x2000b8;
	v63 =	vld [tilespmem:$0x0]  }
0x4f: {  	s19 =	rddreg [dreg:$0xf]  }
0x50: {  	[spmem:s3] =	stream.indirect.scatter.add.f32 [tilespmem:s23], [sflag:$0x1], $0x40, s19, s22, $0x2000b8;
	v63 =	vld [tilespmem:$0x0]  }
0x51: {  	s21 =	rddreg [dreg:$0x10]  }
0x52: {  	[spmem:s3] =	stream.indirect.scatter.add.f32 [tilespmem:s23], [sflag:$0x1], $0x40, s21, s22, $0x2000b8;
	v63 =	vld [tilespmem:$0x0]  }
0x53: {  	s24 =	rddreg [dreg:$0x11]  }
0x54: {  	[spmem:s3] =	stream.indirect.scatter.add.f32 [tilespmem:s23], [sflag:$0x1], $0x40, s24, s22, $0x2000b8;
	v63 =	vld [tilespmem:$0x0]  }
0x55: {  	s1 =	rddreg [dreg:$0x12]  }
0x56: {  	[spmem:s3] =	stream.indirect.scatter.add.f32 [tilespmem:s23], [sflag:$0x1], $0x40, s1, s22, $0x2000b8;
	v63 =	vld [tilespmem:$0x0]  }
0x57: {  	_ = 	snop  }
0x58: {  	[spmem:s3] =	stream.indirect.scatter.add.f32 [tilespmem:s23], [sflag:$0x1], $0x40, s17, s22, $0x2000b8;
	v63 =	vld [tilespmem:$0x0]  }
0x59: {  	s4 =	simm.s32 $0x15780  }
0x5a: {  	[spmem:s3] =	stream.indirect.scatter.add.f32 [tilespmem:s23], [sflag:$0x1], $0x40, s4, s22, $0x2000b8;
	v63 =	vld [tilespmem:$0x0]  }
0x5b: {  	_ = 	snop  }
0x5c: {  	[spmem:s3] =	stream.indirect.scatter.add.f32 [tilespmem:s23], [sflag:$0x1], $0x40, s18, s22, $0x2000b8;
	v63 =	vld [tilespmem:$0x0]  }
0x5d: {  	s5 =	simm.s32 $0x15880  }
0x5e: {  	[spmem:s3] =	stream.indirect.scatter.add.f32 [tilespmem:s23], [sflag:$0x1], $0x40, s5, s22, $0x2000b8;
	v63 =	vld [tilespmem:$0x0]  }
0x5f: {  	s19 =	simm.s32 $0x15900  }
0x60: {  	[spmem:s3] =	stream.indirect.scatter.add.f32 [tilespmem:s23], [sflag:$0x1], $0x40, s19, s22, $0x2000b8;
	v63 =	vld [tilespmem:$0x0]  }
0x61: {  	s6 =	simm.s32 $0x15980  }
0x62: {  	[spmem:s3] =	stream.indirect.scatter.add.f32 [tilespmem:s23], [sflag:$0x1], $0x40, s6, s22, $0x2000b8;
	v63 =	vld [tilespmem:$0x0]  }
0x63: {  	s7 =	simm.s32 $0x15A00  }
0x64: {  	[spmem:s3] =	stream.indirect.scatter.add.f32 [tilespmem:s23], [sflag:$0x1], $0x40, s7, s22, $0x2000b8;
	v63 =	vld [tilespmem:$0x0]  }
0x65: {  	s8 =	simm.s32 $0x15A80  }
0x66: {  	[spmem:s3] =	stream.indirect.scatter.add.f32 [tilespmem:s23], [sflag:$0x1], $0x40, s8, s22, $0x2000b8;
	v63 =	vld [tilespmem:$0x0]  }
0x67: {  	s9 =	simm.s32 $0x15B00  }
0x68: {  	[spmem:s3] =	stream.indirect.scatter.add.f32 [tilespmem:s23], [sflag:$0x1], $0x40, s9, s22, $0x2000b8;
	v63 =	vld [tilespmem:$0x0]  }
0x69: {  	s10 =	simm.s32 $0x15B80  }
0x6a: {  	[spmem:s3] =	stream.indirect.scatter.add.f32 [tilespmem:s23], [sflag:$0x1], $0x40, s10, s22, $0x2000b8;
	v63 =	vld [tilespmem:$0x0]  }
0x6b: {  	s11 =	simm.s32 $0x15C00  }
0x6c: {  	[spmem:s3] =	stream.indirect.scatter.add.f32 [tilespmem:s23], [sflag:$0x1], $0x40, s11, s22, $0x2000b8;
	v63 =	vld [tilespmem:$0x0]  }
0x6d: {  	s15 =	simm.s32 $0x15C80  }
0x6e: {  	[spmem:s3] =	stream.indirect.scatter.add.f32 [tilespmem:s23], [sflag:$0x1], $0x40, s15, s22, $0x2000b8;
	v63 =	vld [tilespmem:$0x0]  }
0x6f: {  	s4 =	simm.s32 $0x15D00  }
0x70: {  	[spmem:s3] =	stream.indirect.scatter.add.f32 [tilespmem:s23], [sflag:$0x1], $0x40, s4, s22, $0x2000b8;
	v63 =	vld [tilespmem:$0x0]  }
0x71: {  	s5 =	simm.s32 $0x15D80  }
0x72: {  	[spmem:s3] =	stream.indirect.scatter.add.f32 [tilespmem:s23], [sflag:$0x1], $0x40, s5, s22, $0x2000b8;
	v63 =	vld [tilespmem:$0x0]  }
0x73: {  	s6 =	simm.s32 $0x15E00  }
0x74: {  	[spmem:s3] =	stream.indirect.scatter.add.f32 [tilespmem:s23], [sflag:$0x1], $0x40, s6, s22, $0x2000b8;
	v63 =	vld [tilespmem:$0x0]  }
0x75: {  	s7 =	simm.s32 $0x15E80  }
0x76: {  	[spmem:s3] =	stream.indirect.scatter.add.f32 [tilespmem:s23], [sflag:$0x1], $0x40, s7, s22, $0x2000b8;
	v63 =	vld [tilespmem:$0x0]  }
0x77: {  	s9 =	simm.s32 $0x15F00  }
0x78: {  	[spmem:s3] =	stream.indirect.scatter.add.f32 [tilespmem:s23], [sflag:$0x1], $0x40, s9, s22, $0x2000b8;
	v63 =	vld [tilespmem:$0x0]  }
0x79: {  	s11 =	simm.s32 $0x15F80  }
0x7a: {  	[spmem:s3] =	stream.indirect.scatter.add.f32 [tilespmem:s23], [sflag:$0x1], $0x40, s11, s22, $0x2000b8;
	v63 =	vld [tilespmem:$0x0]  }
0x7b: {  	_ =	swait.ge [sflag:s12], $0x1000  }
0x7c: {  	[sflag:s12] =	ssyncset.done $0x0  }
0x7d: {  	[sflag:s12] =	ssyncadd.s32 $0xFFFFF000  }
0x7e: {  	_ =	swait.ge [sflag:s12], $0x1000  }
0x7f: {  	[sflag:s12] =	ssyncset.done $0x0  }
0x80: {  	[sflag:s12] =	ssyncadd.s32 $0xFFFFF000  }
0x81: {  	_ =	swait.ge [sflag:s12], $0x1000  }
0x82: {  	[sflag:s12] =	ssyncset.done $0x0  }
0x83: {  	[sflag:s12] =	ssyncadd.s32 $0xFFFFF000  }
0x84: {  	_ =	swait.ge [sflag:s12], $0x1000  }
0x85: {  	[sflag:s12] =	ssyncset.done $0x0  }
0x86: {  	[sflag:s12] =	ssyncadd.s32 $0xFFFFF000  }
0x87: {  	_ =	swait.ge [sflag:s12], $0x1000  }
0x88: {  	[sflag:s12] =	ssyncset.done $0x0  }
0x89: {  	[sflag:s12] =	ssyncadd.s32 $0xFFFFF000  }
0x8a: {  	_ =	swait.ge [sflag:s12], $0x1000  }
0x8b: {  	[sflag:s12] =	ssyncset.done $0x0  }
0x8c: {  	[sflag:s12] =	ssyncadd.s32 $0xFFFFF000  }
0x8d: {  	_ =	swait.ge [sflag:s12], $0x1000  }
0x8e: {  	[sflag:s12] =	ssyncset.done $0x0  }
0x8f: {  	[sflag:s12] =	ssyncadd.s32 $0xFFFFF000  }
0x90: {  	_ =	swait.ge [sflag:s12], $0x1000  }
0x91: {  	[sflag:s12] =	ssyncset.done $0x0  }
0x92: {  	[sflag:s12] =	ssyncadd.s32 $0xFFFFF000  }
0x93: {  	_ =	swait.ge [sflag:s12], $0x1000  }
0x94: {  	[sflag:s12] =	ssyncset.done $0x0  }
0x95: {  	[sflag:s12] =	ssyncadd.s32 $0xFFFFF000  }
0x96: {  	_ =	swait.ge [sflag:s12], $0x1000  }
0x97: {  	[sflag:s12] =	ssyncset.done $0x0  }
0x98: {  	[sflag:s12] =	ssyncadd.s32 $0xFFFFF000  }
0x99: {  	_ =	swait.ge [sflag:s12], $0x1000  }
0x9a: {  	[sflag:s12] =	ssyncset.done $0x0  }
0x9b: {  	[sflag:s12] =	ssyncadd.s32 $0xFFFFF000  }
0x9c: {  	_ =	swait.ge [sflag:s12], $0x1000  }
0x9d: {  	[sflag:s12] =	ssyncset.done $0x0  }
0x9e: {  	[sflag:s12] =	ssyncadd.s32 $0xFFFFF000  }
0x9f: {  	_ =	swait.ge [sflag:s12], $0x1000  }
0xa0: {  	[sflag:s12] =	ssyncset.done $0x0  }
0xa1: {  	[sflag:s12] =	ssyncadd.s32 $0xFFFFF000  }
0xa2: {  	_ =	swait.ge [sflag:s12], $0x1000  }
0xa3: {  	[sflag:s12] =	ssyncset.done $0x0  }
0xa4: {  	[sflag:s12] =	ssyncadd.s32 $0xFFFFF000  }
0xa5: {  	_ =	swait.ge [sflag:s12], $0x1000  }
0xa6: {  	[sflag:s12] =	ssyncset.done $0x0  }
0xa7: {  	[sflag:s12] =	ssyncadd.s32 $0xFFFFF000  }
0xa8: {  	_ =	swait.ge [sflag:s12], $0x1000  }
0xa9: {  	[sflag:s12] =	ssyncset.done $0x0  }
0xaa: {  	[sflag:s12] =	ssyncadd.s32 $0xFFFFF000  }
0xab: {  	_ =	swait.ge [sflag:s12], $0x1000  }
0xac: {  	[sflag:s12] =	ssyncset.done $0x0  }
0xad: {  	[sflag:s12] =	ssyncadd.s32 $0xFFFFF000  }
0xae: {  	_ =	swait.ge [sflag:s12], $0x1000  }
0xaf: {  	[sflag:s12] =	ssyncset.done $0x0  }
0xb0: {  	[sflag:s12] =	ssyncadd.s32 $0xFFFFF000  }
0xb1: {  	_ =	swait.ge [sflag:s12], $0x1000  }
0xb2: {  	[sflag:s12] =	ssyncset.done $0x0  }
0xb3: {  	[sflag:s12] =	ssyncadd.s32 $0xFFFFF000  }
0xb4: {  	_ =	swait.ge [sflag:s12], $0x1000  }
0xb5: {  	[sflag:s12] =	ssyncset.done $0x0  }
0xb6: {  	[sflag:s12] =	ssyncadd.s32 $0xFFFFF000  }
0xb7: {  	_ =	swait.ge [sflag:s12], $0x1000  }
0xb8: {  	[sflag:s12] =	ssyncset.done $0x0  }
0xb9: {  	[sflag:s12] =	ssyncadd.s32 $0xFFFFF000  }
0xba: {  	_ =	swait.ge [sflag:s12], $0x1000  }
0xbb: {  	[sflag:s12] =	ssyncset.done $0x0  }
0xbc: {  	[sflag:s12] =	ssyncadd.s32 $0xFFFFF000  }
0xbd: {  	_ =	swait.ge [sflag:s12], $0x1000  }
0xbe: {  	[sflag:s12] =	ssyncset.done $0x0  }
0xbf: {  	[sflag:s12] =	ssyncadd.s32 $0xFFFFF000  }
0xc0: {  	_ =	swait.ge [sflag:s12], $0x1000  }
0xc1: {  	[sflag:s12] =	ssyncset.done $0x0  }
0xc2: {  	[sflag:s12] =	ssyncadd.s32 $0xFFFFF000  }
0xc3: {  	_ =	swait.ge [sflag:s12], $0x1000  }
0xc4: {  	[sflag:s12] =	ssyncset.done $0x0  }
0xc5: {  	[sflag:s12] =	ssyncadd.s32 $0xFFFFF000  }
0xc6: {  	_ =	swait.ge [sflag:s12], $0x1000  }
0xc7: {  	[sflag:s12] =	ssyncset.done $0x0  }
0xc8: {  	[sflag:s12] =	ssyncadd.s32 $0xFFFFF000  }
0xc9: {  	_ =	swait.ge [sflag:s12], $0x1000  }
0xca: {  	[sflag:s12] =	ssyncset.done $0x0  }
0xcb: {  	[sflag:s12] =	ssyncadd.s32 $0xFFFFF000  }
0xcc: {  	_ =	swait.ge [sflag:s12], $0x1000  }
0xcd: {  	[sflag:s12] =	ssyncset.done $0x0  }
0xce: {  	[sflag:s12] =	ssyncadd.s32 $0xFFFFF000  }
0xcf: {  	_ =	swait.ge [sflag:s12], $0x1000  }
0xd0: {  	[sflag:s12] =	ssyncset.done $0x0  }
0xd1: {  	[sflag:s12] =	ssyncadd.s32 $0xFFFFF000  }
0xd2: {  	_ =	swait.ge [sflag:s12], $0x1000  }
0xd3: {  	[sflag:s12] =	ssyncset.done $0x0  }
0xd4: {  	[sflag:s12] =	ssyncadd.s32 $0xFFFFF000  }
0xd5: {  	_ =	swait.ge [sflag:s12], $0x1000  }
0xd6: {  	s0 =	simm.s32 $0x200;
	[sflag:s12] =	ssyncset.done $0x0  }
0xd7: {  	s16 =	simm.s32 $0x15C80;
	s21 =	simm.s32 $0x15180;
	[sflag:s12] =	ssyncadd.s32 $0xFFFFF000  }
0xd8: {  	s24 =	simm.s32 $0x0;
	s1 =	simm.s32 $0x15000;
	_ =	swait.ge [sflag:s12], $0x1000  }
0xd9: {  	s8 =	simm.s32 $0x400;
	s10 =	rddreg [dreg:$0x8];
	[sflag:s12] =	ssyncset.done $0x0  }
.LBB2_4:
0xda: {  	[sflag:s12] =	ssyncadd.s32 $0xFFFFF000;
	s10 =	sadd.s32 s0, s10  }
0xdb: {  	[tilespmem:s1], [sflag:$0x5] =	stream.linear.gather [hbm4b:s10+s24], $0x1000, $0x200038;
	v63 =	vld [tilespmem:$0x0]  }
0xdc: {  	_ =	swait.ge [sflag:s20], $0x1000  }
0xdd: {  	[sflag:s20] =	ssyncset.done $0x0  }
0xde: {  	[sflag:s20] =	ssyncadd.s32 $0xFFFFF000  }
0xdf: {  	[spmem:s3] =	stream.indirect.scatter.add.f32 [tilespmem:s23], [sflag:$0x1], $0x40, s1, s22, $0x2000b8;
	v63 =	vld [tilespmem:$0x0]  }
0xe0: {  	_ = 	snop  }
0xe1: {  	[spmem:s3] =	stream.indirect.scatter.add.f32 [tilespmem:s23], [sflag:$0x1], $0x40, s25, s22, $0x2000b8;
	v63 =	vld [tilespmem:$0x0]  }
0xe2: {  	_ = 	snop  }
0xe3: {  	[spmem:s3] =	stream.indirect.scatter.add.f32 [tilespmem:s23], [sflag:$0x1], $0x40, s26, s22, $0x2000b8;
	v63 =	vld [tilespmem:$0x0]  }
0xe4: {  	_ = 	snop  }
0xe5: {  	[spmem:s3] =	stream.indirect.scatter.add.f32 [tilespmem:s23], [sflag:$0x1], $0x40, s21, s22, $0x2000b8;
	v63 =	vld [tilespmem:$0x0]  }
0xe6: {  	s15 =	smov.u32 s8;
	s10 =	rddreg [dreg:$0x9]  }
0xe7: {  	[spmem:s3] =	stream.indirect.scatter.add.f32 [tilespmem:s23], [sflag:$0x1], $0x40, s10, s22, $0x2000b8;
	v63 =	vld [tilespmem:$0x0]  }
0xe8: {  	s0 =	smov.u32 s15;
	s15 =	rddreg [dreg:$0xa]  }
0xe9: {  	[spmem:s3] =	stream.indirect.scatter.add.f32 [tilespmem:s23], [sflag:$0x1], $0x40, s15, s22, $0x2000b8;
	v63 =	vld [tilespmem:$0x0]  }
0xea: {  	s10 =	rddreg [dreg:$0xb]  }
0xeb: {  	[spmem:s3] =	stream.indirect.scatter.add.f32 [tilespmem:s23], [sflag:$0x1], $0x40, s10, s22, $0x2000b8;
	v63 =	vld [tilespmem:$0x0]  }
0xec: {  	s15 =	rddreg [dreg:$0xc]  }
0xed: {  	[spmem:s3] =	stream.indirect.scatter.add.f32 [tilespmem:s23], [sflag:$0x1], $0x40, s15, s22, $0x2000b8;
	v63 =	vld [tilespmem:$0x0]  }
0xee: {  	s10 =	rddreg [dreg:$0xd]  }
0xef: {  	[spmem:s3] =	stream.indirect.scatter.add.f32 [tilespmem:s23], [sflag:$0x1], $0x40, s10, s22, $0x2000b8;
	v63 =	vld [tilespmem:$0x0]  }
0xf0: {  	s15 =	rddreg [dreg:$0xe]  }
0xf1: {  	[spmem:s3] =	stream.indirect.scatter.add.f32 [tilespmem:s23], [sflag:$0x1], $0x40, s15, s22, $0x2000b8;
	v63 =	vld [tilespmem:$0x0]  }
0xf2: {  	s10 =	rddreg [dreg:$0xf]  }
0xf3: {  	[spmem:s3] =	stream.indirect.scatter.add.f32 [tilespmem:s23], [sflag:$0x1], $0x40, s10, s22, $0x2000b8;
	v63 =	vld [tilespmem:$0x0]  }
0xf4: {  	s15 =	rddreg [dreg:$0x10]  }
0xf5: {  	[spmem:s3] =	stream.indirect.scatter.add.f32 [tilespmem:s23], [sflag:$0x1], $0x40, s15, s22, $0x2000b8;
	v63 =	vld [tilespmem:$0x0]  }
0xf6: {  	s10 =	rddreg [dreg:$0x11]  }
0xf7: {  	[spmem:s3] =	stream.indirect.scatter.add.f32 [tilespmem:s23], [sflag:$0x1], $0x40, s10, s22, $0x2000b8;
	v63 =	vld [tilespmem:$0x0]  }
0xf8: {  	s15 =	rddreg [dreg:$0x12]  }
0xf9: {  	[spmem:s3] =	stream.indirect.scatter.add.f32 [tilespmem:s23], [sflag:$0x1], $0x40, s15, s22, $0x2000b8;
	v63 =	vld [tilespmem:$0x0]  }
0xfa: {  	_ = 	snop  }
0xfb: {  	[spmem:s3] =	stream.indirect.scatter.add.f32 [tilespmem:s23], [sflag:$0x1], $0x40, s17, s22, $0x2000b8;
	v63 =	vld [tilespmem:$0x0]  }
0xfc: {  	s10 =	simm.s32 $0x15780  }
0xfd: {  	[spmem:s3] =	stream.indirect.scatter.add.f32 [tilespmem:s23], [sflag:$0x1], $0x40, s10, s22, $0x2000b8;
	v63 =	vld [tilespmem:$0x0]  }
0xfe: {  	_ = 	snop  }
0xff: {  	[spmem:s3] =	stream.indirect.scatter.add.f32 [tilespmem:s23], [sflag:$0x1], $0x40, s18, s22, $0x2000b8;
	v63 =	vld [tilespmem:$0x0]  }
0x100: {  	s15 =	simm.s32 $0x15880  }
0x101: {  	[spmem:s3] =	stream.indirect.scatter.add.f32 [tilespmem:s23], [sflag:$0x1], $0x40, s15, s22, $0x2000b8;
	v63 =	vld [tilespmem:$0x0]  }
0x102: {  	_ = 	snop  }
0x103: {  	[spmem:s3] =	stream.indirect.scatter.add.f32 [tilespmem:s23], [sflag:$0x1], $0x40, s19, s22, $0x2000b8;
	v63 =	vld [tilespmem:$0x0]  }
0x104: {  	s10 =	simm.s32 $0x15980  }
0x105: {  	[spmem:s3] =	stream.indirect.scatter.add.f32 [tilespmem:s23], [sflag:$0x1], $0x40, s10, s22, $0x2000b8;
	v63 =	vld [tilespmem:$0x0]  }
0x106: {  	s10 =	simm.s32 $0x15A00  }
0x107: {  	[spmem:s3] =	stream.indirect.scatter.add.f32 [tilespmem:s23], [sflag:$0x1], $0x40, s10, s22, $0x2000b8;
	v63 =	vld [tilespmem:$0x0]  }
0x108: {  	s10 =	simm.s32 $0x15A80  }
0x109: {  	[spmem:s3] =	stream.indirect.scatter.add.f32 [tilespmem:s23], [sflag:$0x1], $0x40, s10, s22, $0x2000b8;
	v63 =	vld [tilespmem:$0x0]  }
0x10a: {  	s10 =	simm.s32 $0x15B00  }
0x10b: {  	[spmem:s3] =	stream.indirect.scatter.add.f32 [tilespmem:s23], [sflag:$0x1], $0x40, s10, s22, $0x2000b8;
	v63 =	vld [tilespmem:$0x0]  }
0x10c: {  	s10 =	simm.s32 $0x15B80  }
0x10d: {  	[spmem:s3] =	stream.indirect.scatter.add.f32 [tilespmem:s23], [sflag:$0x1], $0x40, s10, s22, $0x2000b8;
	v63 =	vld [tilespmem:$0x0]  }
0x10e: {  	s10 =	simm.s32 $0x15C00  }
0x10f: {  	[spmem:s3] =	stream.indirect.scatter.add.f32 [tilespmem:s23], [sflag:$0x1], $0x40, s10, s22, $0x2000b8;
	v63 =	vld [tilespmem:$0x0]  }
0x110: {  	_ = 	snop  }
0x111: {  	[spmem:s3] =	stream.indirect.scatter.add.f32 [tilespmem:s23], [sflag:$0x1], $0x40, s16, s22, $0x2000b8;
	v63 =	vld [tilespmem:$0x0]  }
0x112: {  	_ = 	snop  }
0x113: {  	[spmem:s3] =	stream.indirect.scatter.add.f32 [tilespmem:s23], [sflag:$0x1], $0x40, s4, s22, $0x2000b8;
	v63 =	vld [tilespmem:$0x0]  }
0x114: {  	_ = 	snop  }
0x115: {  	[spmem:s3] =	stream.indirect.scatter.add.f32 [tilespmem:s23], [sflag:$0x1], $0x40, s5, s22, $0x2000b8;
	v63 =	vld [tilespmem:$0x0]  }
0x116: {  	_ = 	snop  }
0x117: {  	[spmem:s3] =	stream.indirect.scatter.add.f32 [tilespmem:s23], [sflag:$0x1], $0x40, s6, s22, $0x2000b8;
	v63 =	vld [tilespmem:$0x0]  }
0x118: {  	_ = 	snop  }
0x119: {  	[spmem:s3] =	stream.indirect.scatter.add.f32 [tilespmem:s23], [sflag:$0x1], $0x40, s7, s22, $0x2000b8;
	v63 =	vld [tilespmem:$0x0]  }
0x11a: {  	_ = 	snop  }
0x11b: {  	[spmem:s3] =	stream.indirect.scatter.add.f32 [tilespmem:s23], [sflag:$0x1], $0x40, s9, s22, $0x2000b8;
	v63 =	vld [tilespmem:$0x0]  }
0x11c: {  	_ = 	snop  }
0x11d: {  	[spmem:s3] =	stream.indirect.scatter.add.f32 [tilespmem:s23], [sflag:$0x1], $0x40, s11, s22, $0x2000b8;
	v63 =	vld [tilespmem:$0x0]  }
0x11e: {  	_ =	swait.ge [sflag:s12], $0x1000  }
0x11f: {  	[sflag:s12] =	ssyncset.done $0x0  }
0x120: {  	[sflag:s12] =	ssyncadd.s32 $0xFFFFF000  }
0x121: {  	_ =	swait.ge [sflag:s12], $0x1000  }
0x122: {  	[sflag:s12] =	ssyncset.done $0x0  }
0x123: {  	[sflag:s12] =	ssyncadd.s32 $0xFFFFF000  }
0x124: {  	_ =	swait.ge [sflag:s12], $0x1000  }
0x125: {  	[sflag:s12] =	ssyncset.done $0x0  }
0x126: {  	[sflag:s12] =	ssyncadd.s32 $0xFFFFF000  }
0x127: {  	_ =	swait.ge [sflag:s12], $0x1000  }
0x128: {  	[sflag:s12] =	ssyncset.done $0x0  }
0x129: {  	[sflag:s12] =	ssyncadd.s32 $0xFFFFF000  }
0x12a: {  	_ =	swait.ge [sflag:s12], $0x1000  }
0x12b: {  	[sflag:s12] =	ssyncset.done $0x0  }
0x12c: {  	[sflag:s12] =	ssyncadd.s32 $0xFFFFF000  }
0x12d: {  	_ =	swait.ge [sflag:s12], $0x1000  }
0x12e: {  	[sflag:s12] =	ssyncset.done $0x0  }
0x12f: {  	[sflag:s12] =	ssyncadd.s32 $0xFFFFF000  }
0x130: {  	_ =	swait.ge [sflag:s12], $0x1000  }
0x131: {  	[sflag:s12] =	ssyncset.done $0x0  }
0x132: {  	[sflag:s12] =	ssyncadd.s32 $0xFFFFF000  }
0x133: {  	_ =	swait.ge [sflag:s12], $0x1000  }
0x134: {  	[sflag:s12] =	ssyncset.done $0x0  }
0x135: {  	[sflag:s12] =	ssyncadd.s32 $0xFFFFF000  }
0x136: {  	_ =	swait.ge [sflag:s12], $0x1000  }
0x137: {  	[sflag:s12] =	ssyncset.done $0x0  }
0x138: {  	[sflag:s12] =	ssyncadd.s32 $0xFFFFF000  }
0x139: {  	_ =	swait.ge [sflag:s12], $0x1000  }
0x13a: {  	[sflag:s12] =	ssyncset.done $0x0  }
0x13b: {  	[sflag:s12] =	ssyncadd.s32 $0xFFFFF000  }
0x13c: {  	_ =	swait.ge [sflag:s12], $0x1000  }
0x13d: {  	[sflag:s12] =	ssyncset.done $0x0  }
0x13e: {  	[sflag:s12] =	ssyncadd.s32 $0xFFFFF000  }
0x13f: {  	_ =	swait.ge [sflag:s12], $0x1000  }
0x140: {  	[sflag:s12] =	ssyncset.done $0x0  }
0x141: {  	[sflag:s12] =	ssyncadd.s32 $0xFFFFF000  }
0x142: {  	_ =	swait.ge [sflag:s12], $0x1000  }
0x143: {  	[sflag:s12] =	ssyncset.done $0x0  }
0x144: {  	[sflag:s12] =	ssyncadd.s32 $0xFFFFF000  }
0x145: {  	_ =	swait.ge [sflag:s12], $0x1000  }
0x146: {  	[sflag:s12] =	ssyncset.done $0x0  }
0x147: {  	[sflag:s12] =	ssyncadd.s32 $0xFFFFF000  }
0x148: {  	_ =	swait.ge [sflag:s12], $0x1000  }
0x149: {  	[sflag:s12] =	ssyncset.done $0x0  }
0x14a: {  	[sflag:s12] =	ssyncadd.s32 $0xFFFFF000  }
0x14b: {  	_ =	swait.ge [sflag:s12], $0x1000  }
0x14c: {  	[sflag:s12] =	ssyncset.done $0x0  }
0x14d: {  	[sflag:s12] =	ssyncadd.s32 $0xFFFFF000  }
0x14e: {  	_ =	swait.ge [sflag:s12], $0x1000  }
0x14f: {  	[sflag:s12] =	ssyncset.done $0x0  }
0x150: {  	[sflag:s12] =	ssyncadd.s32 $0xFFFFF000  }
0x151: {  	_ =	swait.ge [sflag:s12], $0x1000  }
0x152: {  	[sflag:s12] =	ssyncset.done $0x0  }
0x153: {  	[sflag:s12] =	ssyncadd.s32 $0xFFFFF000  }
0x154: {  	_ =	swait.ge [sflag:s12], $0x1000  }
0x155: {  	[sflag:s12] =	ssyncset.done $0x0  }
0x156: {  	[sflag:s12] =	ssyncadd.s32 $0xFFFFF000  }
0x157: {  	_ =	swait.ge [sflag:s12], $0x1000  }
0x158: {  	[sflag:s12] =	ssyncset.done $0x0  }
0x159: {  	[sflag:s12] =	ssyncadd.s32 $0xFFFFF000  }
0x15a: {  	_ =	swait.ge [sflag:s12], $0x1000  }
0x15b: {  	[sflag:s12] =	ssyncset.done $0x0  }
0x15c: {  	[sflag:s12] =	ssyncadd.s32 $0xFFFFF000  }
0x15d: {  	_ =	swait.ge [sflag:s12], $0x1000  }
0x15e: {  	[sflag:s12] =	ssyncset.done $0x0  }
0x15f: {  	[sflag:s12] =	ssyncadd.s32 $0xFFFFF000  }
0x160: {  	_ =	swait.ge [sflag:s12], $0x1000  }
0x161: {  	[sflag:s12] =	ssyncset.done $0x0  }
0x162: {  	[sflag:s12] =	ssyncadd.s32 $0xFFFFF000  }
0x163: {  	_ =	swait.ge [sflag:s12], $0x1000  }
0x164: {  	[sflag:s12] =	ssyncset.done $0x0  }
0x165: {  	[sflag:s12] =	ssyncadd.s32 $0xFFFFF000  }
0x166: {  	_ =	swait.ge [sflag:s12], $0x1000  }
0x167: {  	[sflag:s12] =	ssyncset.done $0x0  }
0x168: {  	[sflag:s12] =	ssyncadd.s32 $0xFFFFF000  }
0x169: {  	_ =	swait.ge [sflag:s12], $0x1000  }
0x16a: {  	[sflag:s12] =	ssyncset.done $0x0  }
0x16b: {  	[sflag:s12] =	ssyncadd.s32 $0xFFFFF000  }
0x16c: {  	_ =	swait.ge [sflag:s12], $0x1000  }
0x16d: {  	[sflag:s12] =	ssyncset.done $0x0  }
0x16e: {  	[sflag:s12] =	ssyncadd.s32 $0xFFFFF000  }
0x16f: {  	_ =	swait.ge [sflag:s12], $0x1000  }
0x170: {  	[sflag:s12] =	ssyncset.done $0x0  }
0x171: {  	[sflag:s12] =	ssyncadd.s32 $0xFFFFF000  }
0x172: {  	_ =	swait.ge [sflag:s12], $0x1000  }
0x173: {  	[sflag:s12] =	ssyncset.done $0x0  }
0x174: {  	[sflag:s12] =	ssyncadd.s32 $0xFFFFF000  }
0x175: {  	_ =	swait.ge [sflag:s12], $0x1000  }
0x176: {  	[sflag:s12] =	ssyncset.done $0x0  }
0x177: {  	p0 =	sne.s32 s8, $0x1200;
	[sflag:s12] =	ssyncadd.s32 $0xFFFFF000  }
.Ltmp1:
0x178: {  	_ =	swait.ge [sflag:s12], $0x1000;
	(pc) =	sbr.rel @p0 .LBB2_4-.Ltmp1, $4  }
0x179: {  	[sflag:s12] =	ssyncset.done $0x0  }
0x17a: {  	[sflag:s12] =	ssyncadd.s32 $0xFFFFF000  }
0x17b: {  	_ =	swait.ge [sflag:s12], $0x1000  }
0x17c: {  	s8 =	sadd.s32 $0x200, s8;
	s10 =	rddreg [dreg:$0x8];
	[sflag:s12] =	ssyncset.done $0x0  }
0x17d: {  	[sflag:s12] =	ssyncadd.s32 $0xFFFFF000;
	s0 =	sadd.s32 s0, s10  }
0x17e: {  	[tilespmem:s1], [sflag:$0x5] =	stream.linear.gather [hbm4b:s0+s24], $0x1000, $0x200038;
	v63 =	vld [tilespmem:$0x0]  }
0x17f: {  	_ =	swait.ge [sflag:s20], $0x1000  }
0x180: {  	[sflag:s20] =	ssyncset.done $0x0  }
0x181: {  	[sflag:s20] =	ssyncadd.s32 $0xFFFFF000  }
0x182: {  	[spmem:s3] =	stream.indirect.scatter.add.f32 [tilespmem:s23], [sflag:$0x1], $0x40, s1, s22, $0x2000b8;
	v63 =	vld [tilespmem:$0x0]  }
0x183: {  	_ = 	snop  }
0x184: {  	[spmem:s3] =	stream.indirect.scatter.add.f32 [tilespmem:s23], [sflag:$0x1], $0x40, s25, s22, $0x2000b8;
	v63 =	vld [tilespmem:$0x0]  }
0x185: {  	_ = 	snop  }
0x186: {  	[spmem:s3] =	stream.indirect.scatter.add.f32 [tilespmem:s23], [sflag:$0x1], $0x40, s26, s22, $0x2000b8;
	v63 =	vld [tilespmem:$0x0]  }
0x187: {  	_ = 	snop  }
0x188: {  	[spmem:s3] =	stream.indirect.scatter.add.f32 [tilespmem:s23], [sflag:$0x1], $0x40, s21, s22, $0x2000b8;
	v63 =	vld [tilespmem:$0x0]  }
0x189: {  	s1 =	rddreg [dreg:$0x9]  }
0x18a: {  	[spmem:s3] =	stream.indirect.scatter.add.f32 [tilespmem:s23], [sflag:$0x1], $0x40, s1, s22, $0x2000b8;
	v63 =	vld [tilespmem:$0x0]  }
0x18b: {  	s8 =	rddreg [dreg:$0xa]  }
0x18c: {  	[spmem:s3] =	stream.indirect.scatter.add.f32 [tilespmem:s23], [sflag:$0x1], $0x40, s8, s22, $0x2000b8;
	v63 =	vld [tilespmem:$0x0]  }
0x18d: {  	s10 =	rddreg [dreg:$0xb]  }
0x18e: {  	[spmem:s3] =	stream.indirect.scatter.add.f32 [tilespmem:s23], [sflag:$0x1], $0x40, s10, s22, $0x2000b8;
	v63 =	vld [tilespmem:$0x0]  }
0x18f: {  	s21 =	rddreg [dreg:$0xc]  }
0x190: {  	[spmem:s3] =	stream.indirect.scatter.add.f32 [tilespmem:s23], [sflag:$0x1], $0x40, s21, s22, $0x2000b8;
	v63 =	vld [tilespmem:$0x0]  }
0x191: {  	s24 =	rddreg [dreg:$0xd]  }
0x192: {  	[spmem:s3] =	stream.indirect.scatter.add.f32 [tilespmem:s23], [sflag:$0x1], $0x40, s24, s22, $0x2000b8;
	v63 =	vld [tilespmem:$0x0]  }
0x193: {  	s1 =	rddreg [dreg:$0xe]  }
0x194: {  	[spmem:s3] =	stream.indirect.scatter.add.f32 [tilespmem:s23], [sflag:$0x1], $0x40, s1, s22, $0x2000b8;
	v63 =	vld [tilespmem:$0x0]  }
0x195: {  	s10 =	rddreg [dreg:$0xf]  }
0x196: {  	[spmem:s3] =	stream.indirect.scatter.add.f32 [tilespmem:s23], [sflag:$0x1], $0x40, s10, s22, $0x2000b8;
	v63 =	vld [tilespmem:$0x0]  }
0x197: {  	s21 =	rddreg [dreg:$0x10]  }
0x198: {  	[spmem:s3] =	stream.indirect.scatter.add.f32 [tilespmem:s23], [sflag:$0x1], $0x40, s21, s22, $0x2000b8;
	v63 =	vld [tilespmem:$0x0]  }
0x199: {  	s24 =	rddreg [dreg:$0x11]  }
0x19a: {  	[spmem:s3] =	stream.indirect.scatter.add.f32 [tilespmem:s23], [sflag:$0x1], $0x40, s24, s22, $0x2000b8;
	v63 =	vld [tilespmem:$0x0]  }
0x19b: {  	s1 =	rddreg [dreg:$0x12]  }
0x19c: {  	[spmem:s3] =	stream.indirect.scatter.add.f32 [tilespmem:s23], [sflag:$0x1], $0x40, s1, s22, $0x2000b8;
	v63 =	vld [tilespmem:$0x0]  }
0x19d: {  	_ = 	snop  }
0x19e: {  	[spmem:s3] =	stream.indirect.scatter.add.f32 [tilespmem:s23], [sflag:$0x1], $0x40, s17, s22, $0x2000b8;
	v63 =	vld [tilespmem:$0x0]  }
0x19f: {  	s10 =	simm.s32 $0x15780  }
0x1a0: {  	[spmem:s3] =	stream.indirect.scatter.add.f32 [tilespmem:s23], [sflag:$0x1], $0x40, s10, s22, $0x2000b8;
	v63 =	vld [tilespmem:$0x0]  }
0x1a1: {  	_ = 	snop  }
0x1a2: {  	[spmem:s3] =	stream.indirect.scatter.add.f32 [tilespmem:s23], [sflag:$0x1], $0x40, s18, s22, $0x2000b8;
	v63 =	vld [tilespmem:$0x0]  }
0x1a3: {  	_ = 	snop  }
0x1a4: {  	[spmem:s3] =	stream.indirect.scatter.add.f32 [tilespmem:s23], [sflag:$0x1], $0x40, s15, s22, $0x2000b8;
	v63 =	vld [tilespmem:$0x0]  }
0x1a5: {  	_ = 	snop  }
0x1a6: {  	[spmem:s3] =	stream.indirect.scatter.add.f32 [tilespmem:s23], [sflag:$0x1], $0x40, s19, s22, $0x2000b8;
	v63 =	vld [tilespmem:$0x0]  }
0x1a7: {  	s15 =	simm.s32 $0x15980  }
0x1a8: {  	[spmem:s3] =	stream.indirect.scatter.add.f32 [tilespmem:s23], [sflag:$0x1], $0x40, s15, s22, $0x2000b8;
	v63 =	vld [tilespmem:$0x0]  }
0x1a9: {  	s17 =	simm.s32 $0x15A00  }
0x1aa: {  	[spmem:s3] =	stream.indirect.scatter.add.f32 [tilespmem:s23], [sflag:$0x1], $0x40, s17, s22, $0x2000b8;
	v63 =	vld [tilespmem:$0x0]  }
0x1ab: {  	s18 =	simm.s32 $0x15A80  }
0x1ac: {  	[spmem:s3] =	stream.indirect.scatter.add.f32 [tilespmem:s23], [sflag:$0x1], $0x40, s18, s22, $0x2000b8;
	v63 =	vld [tilespmem:$0x0]  }
0x1ad: {  	s19 =	simm.s32 $0x15B00  }
0x1ae: {  	[spmem:s3] =	stream.indirect.scatter.add.f32 [tilespmem:s23], [sflag:$0x1], $0x40, s19, s22, $0x2000b8;
	v63 =	vld [tilespmem:$0x0]  }
0x1af: {  	s21 =	simm.s32 $0x15B80  }
0x1b0: {  	[spmem:s3] =	stream.indirect.scatter.add.f32 [tilespmem:s23], [sflag:$0x1], $0x40, s21, s22, $0x2000b8;
	v63 =	vld [tilespmem:$0x0]  }
0x1b1: {  	s24 =	simm.s32 $0x15C00  }
0x1b2: {  	[spmem:s3] =	stream.indirect.scatter.add.f32 [tilespmem:s23], [sflag:$0x1], $0x40, s24, s22, $0x2000b8;
	v63 =	vld [tilespmem:$0x0]  }
0x1b3: {  	_ = 	snop  }
0x1b4: {  	[spmem:s3] =	stream.indirect.scatter.add.f32 [tilespmem:s23], [sflag:$0x1], $0x40, s16, s22, $0x2000b8;
	v63 =	vld [tilespmem:$0x0]  }
0x1b5: {  	_ = 	snop  }
0x1b6: {  	[spmem:s3] =	stream.indirect.scatter.add.f32 [tilespmem:s23], [sflag:$0x1], $0x40, s4, s22, $0x2000b8;
	v63 =	vld [tilespmem:$0x0]  }
0x1b7: {  	_ = 	snop  }
0x1b8: {  	[spmem:s3] =	stream.indirect.scatter.add.f32 [tilespmem:s23], [sflag:$0x1], $0x40, s5, s22, $0x2000b8;
	v63 =	vld [tilespmem:$0x0]  }
0x1b9: {  	_ = 	snop  }
0x1ba: {  	[spmem:s3] =	stream.indirect.scatter.add.f32 [tilespmem:s23], [sflag:$0x1], $0x40, s6, s22, $0x2000b8;
	v63 =	vld [tilespmem:$0x0]  }
0x1bb: {  	_ = 	snop  }
0x1bc: {  	[spmem:s3] =	stream.indirect.scatter.add.f32 [tilespmem:s23], [sflag:$0x1], $0x40, s7, s22, $0x2000b8;
	v63 =	vld [tilespmem:$0x0]  }
0x1bd: {  	_ = 	snop  }
0x1be: {  	[spmem:s3] =	stream.indirect.scatter.add.f32 [tilespmem:s23], [sflag:$0x1], $0x40, s9, s22, $0x2000b8;
	v63 =	vld [tilespmem:$0x0]  }
0x1bf: {  	_ = 	snop  }
0x1c0: {  	[spmem:s3] =	stream.indirect.scatter.add.f32 [tilespmem:s23], [sflag:$0x1], $0x40, s11, s22, $0x2000b8;
	v63 =	vld [tilespmem:$0x0]  }
0x1c1: {  	_ =	swait.ge [sflag:s12], $0x1000  }
0x1c2: {  	[sflag:s12] =	ssyncset.done $0x0  }
0x1c3: {  	[sflag:s12] =	ssyncadd.s32 $0xFFFFF000  }
0x1c4: {  	_ =	swait.ge [sflag:s12], $0x1000  }
0x1c5: {  	[sflag:s12] =	ssyncset.done $0x0  }
0x1c6: {  	[sflag:s12] =	ssyncadd.s32 $0xFFFFF000  }
0x1c7: {  	_ =	swait.ge [sflag:s12], $0x1000  }
0x1c8: {  	[sflag:s12] =	ssyncset.done $0x0  }
0x1c9: {  	[sflag:s12] =	ssyncadd.s32 $0xFFFFF000  }
0x1ca: {  	_ =	swait.ge [sflag:s12], $0x1000  }
0x1cb: {  	[sflag:s12] =	ssyncset.done $0x0  }
0x1cc: {  	[sflag:s12] =	ssyncadd.s32 $0xFFFFF000  }
0x1cd: {  	_ =	swait.ge [sflag:s12], $0x1000  }
0x1ce: {  	[sflag:s12] =	ssyncset.done $0x0  }
0x1cf: {  	[sflag:s12] =	ssyncadd.s32 $0xFFFFF000  }
0x1d0: {  	_ =	swait.ge [sflag:s12], $0x1000  }
0x1d1: {  	[sflag:s12] =	ssyncset.done $0x0  }
0x1d2: {  	[sflag:s12] =	ssyncadd.s32 $0xFFFFF000  }
0x1d3: {  	_ =	swait.ge [sflag:s12], $0x1000  }
0x1d4: {  	[sflag:s12] =	ssyncset.done $0x0  }
0x1d5: {  	[sflag:s12] =	ssyncadd.s32 $0xFFFFF000  }
0x1d6: {  	_ =	swait.ge [sflag:s12], $0x1000  }
0x1d7: {  	[sflag:s12] =	ssyncset.done $0x0  }
0x1d8: {  	[sflag:s12] =	ssyncadd.s32 $0xFFFFF000  }
0x1d9: {  	_ =	swait.ge [sflag:s12], $0x1000  }
0x1da: {  	[sflag:s12] =	ssyncset.done $0x0  }
0x1db: {  	[sflag:s12] =	ssyncadd.s32 $0xFFFFF000  }
0x1dc: {  	_ =	swait.ge [sflag:s12], $0x1000  }
0x1dd: {  	[sflag:s12] =	ssyncset.done $0x0  }
0x1de: {  	[sflag:s12] =	ssyncadd.s32 $0xFFFFF000  }
0x1df: {  	_ =	swait.ge [sflag:s12], $0x1000  }
0x1e0: {  	[sflag:s12] =	ssyncset.done $0x0  }
0x1e1: {  	[sflag:s12] =	ssyncadd.s32 $0xFFFFF000  }
0x1e2: {  	_ =	swait.ge [sflag:s12], $0x1000  }
0x1e3: {  	[sflag:s12] =	ssyncset.done $0x0  }
0x1e4: {  	[sflag:s12] =	ssyncadd.s32 $0xFFFFF000  }
0x1e5: {  	_ =	swait.ge [sflag:s12], $0x1000  }
0x1e6: {  	[sflag:s12] =	ssyncset.done $0x0  }
0x1e7: {  	[sflag:s12] =	ssyncadd.s32 $0xFFFFF000  }
0x1e8: {  	_ =	swait.ge [sflag:s12], $0x1000  }
0x1e9: {  	[sflag:s12] =	ssyncset.done $0x0  }
0x1ea: {  	[sflag:s12] =	ssyncadd.s32 $0xFFFFF000  }
0x1eb: {  	_ =	swait.ge [sflag:s12], $0x1000  }
0x1ec: {  	[sflag:s12] =	ssyncset.done $0x0  }
0x1ed: {  	[sflag:s12] =	ssyncadd.s32 $0xFFFFF000  }
0x1ee: {  	_ =	swait.ge [sflag:s12], $0x1000  }
0x1ef: {  	[sflag:s12] =	ssyncset.done $0x0  }
0x1f0: {  	[sflag:s12] =	ssyncadd.s32 $0xFFFFF000  }
0x1f1: {  	_ =	swait.ge [sflag:s12], $0x1000  }
0x1f2: {  	[sflag:s12] =	ssyncset.done $0x0  }
0x1f3: {  	[sflag:s12] =	ssyncadd.s32 $0xFFFFF000  }
0x1f4: {  	_ =	swait.ge [sflag:s12], $0x1000  }
0x1f5: {  	[sflag:s12] =	ssyncset.done $0x0  }
0x1f6: {  	[sflag:s12] =	ssyncadd.s32 $0xFFFFF000  }
0x1f7: {  	_ =	swait.ge [sflag:s12], $0x1000  }
0x1f8: {  	[sflag:s12] =	ssyncset.done $0x0  }
0x1f9: {  	[sflag:s12] =	ssyncadd.s32 $0xFFFFF000  }
0x1fa: {  	_ =	swait.ge [sflag:s12], $0x1000  }
0x1fb: {  	[sflag:s12] =	ssyncset.done $0x0  }
0x1fc: {  	[sflag:s12] =	ssyncadd.s32 $0xFFFFF000  }
0x1fd: {  	_ =	swait.ge [sflag:s12], $0x1000  }
0x1fe: {  	[sflag:s12] =	ssyncset.done $0x0  }
0x1ff: {  	[sflag:s12] =	ssyncadd.s32 $0xFFFFF000  }
0x200: {  	_ =	swait.ge [sflag:s12], $0x1000  }
0x201: {  	[sflag:s12] =	ssyncset.done $0x0  }
0x202: {  	[sflag:s12] =	ssyncadd.s32 $0xFFFFF000  }
0x203: {  	_ =	swait.ge [sflag:s12], $0x1000  }
0x204: {  	[sflag:s12] =	ssyncset.done $0x0  }
0x205: {  	[sflag:s12] =	ssyncadd.s32 $0xFFFFF000  }
0x206: {  	_ =	swait.ge [sflag:s12], $0x1000  }
0x207: {  	[sflag:s12] =	ssyncset.done $0x0  }
0x208: {  	[sflag:s12] =	ssyncadd.s32 $0xFFFFF000  }
0x209: {  	_ =	swait.ge [sflag:s12], $0x1000  }
0x20a: {  	[sflag:s12] =	ssyncset.done $0x0  }
0x20b: {  	[sflag:s12] =	ssyncadd.s32 $0xFFFFF000  }
0x20c: {  	_ =	swait.ge [sflag:s12], $0x1000  }
0x20d: {  	[sflag:s12] =	ssyncset.done $0x0  }
0x20e: {  	[sflag:s12] =	ssyncadd.s32 $0xFFFFF000  }
0x20f: {  	_ =	swait.ge [sflag:s12], $0x1000  }
0x210: {  	[sflag:s12] =	ssyncset.done $0x0  }
0x211: {  	[sflag:s12] =	ssyncadd.s32 $0xFFFFF000  }
0x212: {  	_ =	swait.ge [sflag:s12], $0x1000  }
0x213: {  	[sflag:s12] =	ssyncset.done $0x0  }
0x214: {  	[sflag:s12] =	ssyncadd.s32 $0xFFFFF000  }
0x215: {  	_ =	swait.ge [sflag:s12], $0x1000  }
0x216: {  	[sflag:s12] =	ssyncset.done $0x0  }
0x217: {  	[sflag:s12] =	ssyncadd.s32 $0xFFFFF000  }
0x218: {  	_ =	swait.ge [sflag:s12], $0x1000  }
0x219: {  	[sflag:s12] =	ssyncset.done $0x0  }
0x21a: {  	[sflag:s12] =	ssyncadd.s32 $0xFFFFF000  }
0x21b: {  	_ =	swait.ge [sflag:s12], $0x1000  }
0x21c: {  	[sflag:s12] =	ssyncset.done $0x0  }
0x21d: {  	[sflag:s12] =	ssyncadd.s32 $0xFFFFF000  }
0x21e: {  	_ =	swait.ge [sflag:s12], $0x1000  }
0x21f: {  	s0 =	simm.s32 $0x0;
	s1 =	simm.s32 $0x15080;
	[sflag:s12] =	ssyncset.done $0x0  }
0x220: {  	s19 =	simm.s32 $0x14080;
	s21 =	simm.s32 $0x14100;
	[sflag:s12] =	ssyncadd.s32 $0xFFFFF000  }
0x221: {  	s24 =	simm.s32 $0x14180;
	s4 =	simm.s32 $0x15100;
	[bflag:$0x0] =	sbarrier.arrive $0xFFFF  }
0x222: {  	s5 =	simm.s32 $0x15180;
	s7 =	simm.s32 $0x15000;
	_ =	strace $0x90000049  }
0x223: {  	s9 =	simm.s32 $0x1E000;
	s11 =	simm.s32 $0x14000;
	_ =	strace $0x8000004A  }
.LBB2_6:
0x224: {  	s8 =	sshll.u32 s0, $0xD;
	s10 =	rddreg [dreg:$0x18]  }
0x225: {  	s8 =	sadd.s32 s10, s8  }
0x226: {  	s10 =	sadd.s32 s8, s3  }
0x227: {  	[tilespmem:s13], [sflag:$0x5] =	stream.linear.gather [spmem:s10], $0x2000, $0x200038;
	v63 =	vld [tilespmem:$0x0]  }
0x228: {  	_ =	swait.ge [sflag:s20], $0x2000  }
0x229: {  	[sflag:s20] =	ssyncset.done $0x0  }
0x22a: {  	s15 =	simm.s32 $0x0;
	[sflag:s20] =	ssyncadd.s32 $0xFFFFE000  }
0x22b: {  	v2 =	vld [tilespmem:s15+$0x18000]  }
0x22c: {  	v16 =	vld [tilespmem:s15+$0x18080];
	_ =	sdelay $0x3  }
0x22d: {  	v1 =	vshrl.u32 v2, $0x1;
	v10 =	vmul.f32 $5.000000000e-01, v2  }
0x22e: {  	v11 =	vmul.f32 $5.000000000e-01, v16;
	v4 =	vsub.s32 $0x5F3759DF, v1;
	v1 =	vshrl.u32 v16, $0x1  }
0x22f: {  	v3 =	vmul.f32 v4, v10;
	v5 =	vsub.s32 $0x5F3759DF, v1  }
0x230: {  	v1 =	vmul.f32 v5, v11  }
0x231: {  	s16 =	simm.s32 $0x100;
	v6 =	vmul.f32 v4, v3  }
0x232: {  	v3 =	vld [tilespmem:s16+$0x18080];
	v7 =	vmul.f32 v5, v1  }
0x233: {  	v1 =	vld [tilespmem:s16+$0x18000];
	v6 =	vsub.f32 $1.500000000e+00, v6  }
0x234: {  	v7 =	vsub.f32 $1.500000000e+00, v7  }
0x235: {  	v8 =	vmul.f32 v4, v6  }
0x236: {  	v5 =	vmul.f32 v5, v7  }
0x237: {  	v7 =	vmul.f32 $5.000000000e-01, v3;
	v9 =	vmul.f32 v8, v10  }
0x238: {  	v4 =	vshrl.u32 v1, $0x1;
	v6 =	vmul.f32 $5.000000000e-01, v1;
	v12 =	vmul.f32 v5, v11  }
0x239: {  	v13 =	vshrl.u32 v3, $0x1;
	v14 =	vsub.s32 $0x5F3759DF, v4;
	v9 =	vmul.f32 v9, v8  }
0x23a: {  	v13 =	vsub.s32 $0x5F3759DF, v13;
	v15 =	vmul.f32 v14, v6;
	v4 =	vmul.f32 v12, v5  }
0x23b: {  	v12 =	vmul.f32 v13, v7;
	v9 =	vsub.f32 $1.500000000e+00, v9  }
0x23c: {  	s17 =	simm.s32 $0x200;
	v15 =	vmul.f32 v14, v15;
	v17 =	vsub.f32 $1.500000000e+00, v4  }
0x23d: {  	v12 =	vmul.f32 v13, v12;
	v4 =	vld [tilespmem:s17+$0x18000];
	v8 =	vmul.f32 v9, v8  }
0x23e: {  	v15 =	vsub.f32 $1.500000000e+00, v15;
	v9 =	vmul.f32 v17, v5  }
0x23f: {  	v5 =	vld [tilespmem:s17+$0x18080];
	v12 =	vsub.f32 $1.500000000e+00, v12;
	v10 =	vmul.f32 v8, v10  }
0x240: {  	v14 =	vmul.f32 v14, v15;
	v17 =	vmul.f32 v9, v11  }
0x241: {  	vm0 =	vgt.f32 v16, $5.000000000e-01;
	v12 =	vmul.f32 v13, v12;
	v13 =	vmul.f32 v10, v8  }
0x242: {  	v11 =	vshrl.u32 v4, $0x1;
	v10 =	vmul.f32 $5.000000000e-01, v4;
	v19 =	vmul.f32 v14, v6  }
0x243: {  	v18 =	vmul.f32 v12, v7;
	v15 =	vsub.s32 $0x5F3759DF, v11;
	v21 =	vmul.f32 v17, v9  }
0x244: {  	v11 =	vmul.f32 $5.000000000e-01, v5;
	v20 =	vmul.f32 v15, v10;
	v16 =	vshrl.u32 v5, $0x1  }
0x245: {  	v19 =	vmul.f32 v19, v14;
	v22 =	vmul.f32 v18, v12;
	v16 =	vsub.s32 $0x5F3759DF, v16  }
0x246: {  	v18 =	vsub.f32 $1.500000000e+00, v21;
	v21 =	vmul.f32 v16, v11  }
0x247: {  	s10 =	simm.s32 $0xC00;
	v17 =	vmul.f32 v15, v20;
	v19 =	vsub.f32 $1.500000000e+00, v19;
	v20 =	vsub.f32 $1.500000000e+00, v22  }
.LBB2_7:
0x248: {  	s18 =	sshra.s32 s10, $0x2;
	p0 =	sne.s32 s10, $0x7C00;
	s10 =	sadd.s32 $0x400, s10;
	v21 =	vmul.f32 v16, v21;
	v13 =	vsub.f32 $1.500000000e+00, v13;
	v18 =	vmul.f32 v18, v9  }
0x249: {  	vm1 =	vgt.f32 v2, $5.000000000e-01;
	v2 =	vmovc v1;
	v1 =	vmovc v4;
	v14 =	vmul.f32 v19, v14;
	v9 =	vmul.f32 v20, v12;
	v4 =	vld [tilespmem:s18+$0x18000]  }
0x24a: {  	v19 =	vld [tilespmem:s18+$0x18080];
	v12 =	vsub.f32 $1.500000000e+00, v21;
	v13 =	vmul.f32 v13, v8;
	v21 =	vnsel vm0, $0x0, v18  }
0x24b: {  	v17 =	vsub.f32 $1.500000000e+00, v17;
	v18 =	vmul.f32 v14, v6;
	v20 =	vmul.f32 v9, v7;
	[tilespmem:s15+$0x1E080] =	vst v21;
	v8 =	vmovc v14  }
0x24c: {  	v6 =	vmovc v10;
	v7 =	vmov v11;
	v12 =	vmul.f32 v16, v12;
	v16 =	vnsel vm1, $0x0, v13  }
0x24d: {  	vm0 =	vgt.f32 v3, $5.000000000e-01;
	v3 =	vmovc v5;
	v14 =	vmul.f32 v15, v17;
	v13 =	vmul.f32 v18, v8;
	[tilespmem:s15+$0x1E000] =	vst v16;
	s15 =	smov.u32 s16;
	s16 =	smov.u32 s17;
	s17 =	smov.u32 s18  }
0x24e: {  	v16 =	vshrl.u32 v4, $0x1;
	v10 =	vmul.f32 $5.000000000e-01, v4;
	v17 =	vmul.f32 v12, v7  }
.Ltmp2:
0x24f: {  	v18 =	vmul.f32 v14, v6;
	v15 =	vsub.s32 $0x5F3759DF, v16;
	v11 =	vmul.f32 $5.000000000e-01, v19;
	v5 =	vmovc v19;
	(pc) =	sbr.rel @p0 .LBB2_7-.Ltmp2, $4  }
0x250: {  	v20 =	vmul.f32 v20, v9;
	v19 =	vmul.f32 v15, v10;
	v16 =	vshrl.u32 v5, $0x1  }
0x251: {  	v22 =	vmul.f32 v18, v14;
	v23 =	vmul.f32 v17, v12;
	v16 =	vsub.s32 $0x5F3759DF, v16  }
0x252: {  	v18 =	vsub.f32 $1.500000000e+00, v20;
	v17 =	vmul.f32 v15, v19;
	v21 =	vmul.f32 v16, v11  }
0x253: {  	v19 =	vsub.f32 $1.500000000e+00, v22;
	v20 =	vsub.f32 $1.500000000e+00, v23  }
0x254: {  	v21 =	vmul.f32 v16, v21;
	_ =	sdelay $0x1  }
0x255: {  	v21 =	vsub.f32 $1.500000000e+00, v21  }
0x256: {  	v17 =	vsub.f32 $1.500000000e+00, v17  }
0x257: {  	v59 =	vmul.f32 v16, v21  }
0x258: {  	v15 =	vmul.f32 v15, v17  }
0x259: {  	v60 =	vmul.f32 v59, v11  }
0x25a: {  	v61 =	vmul.f32 v15, v10  }
0x25b: {  	v17 =	vmul.f32 v60, v59  }
0x25c: {  	v21 =	vmul.f32 v61, v15  }
0x25d: {  	v12 =	vmul.f32 v20, v12;
	v17 =	vsub.f32 $1.500000000e+00, v17  }
0x25e: {  	v9 =	vmul.f32 v18, v9;
	v14 =	vmul.f32 v19, v14;
	v62 =	vsub.f32 $1.500000000e+00, v21  }
0x25f: {  	v7 =	vmul.f32 v12, v7;
	v16 =	vmul.f32 v17, v59  }
0x260: {  	v6 =	vmul.f32 v14, v6;
	v15 =	vmul.f32 v62, v15  }
0x261: {  	v13 =	vsub.f32 $1.500000000e+00, v13;
	v7 =	vmul.f32 v7, v12;
	v11 =	vmul.f32 v16, v11  }
0x262: {  	vm1 =	vgt.f32 v2, $5.000000000e-01;
	v2 =	vmul.f32 v6, v14;
	v6 =	vmul.f32 v15, v10  }
0x263: {  	vm12 =	vgt.f32 v3, $5.000000000e-01;
	v7 =	vsub.f32 $1.500000000e+00, v7;
	v10 =	vmul.f32 v11, v16  }
0x264: {  	v8 =	vmul.f32 v13, v8;
	v2 =	vsub.f32 $1.500000000e+00, v2;
	v6 =	vmul.f32 v6, v15  }
0x265: {  	v9 =	vnsel vm0, $0x0, v9;
	v7 =	vmul.f32 v7, v12;
	v10 =	vsub.f32 $1.500000000e+00, v10  }
0x266: {  	[tilespmem:s15+$0x1E080] =	vst v9;
	v8 =	vnsel vm1, $0x0, v8;
	v2 =	vmul.f32 v2, v14;
	v3 =	vsub.f32 $1.500000000e+00, v6  }
0x267: {  	vm13 =	vgt.f32 v1, $5.000000000e-01;
	[tilespmem:s15+$0x1E000] =	vst v8;
	v1 =	vnsel vm12, $0x0, v7;
	v6 =	vmul.f32 v10, v16  }
0x268: {  	vm14 =	vgt.f32 v5, $5.000000000e-01;
	s10 =	rddreg [dreg:$0x19];
	[tilespmem:s16+$0x1E080] =	vst v1;
	v1 =	vnsel vm13, $0x0, v2;
	v2 =	vmul.f32 v3, v15  }
0x269: {  	vm15 =	vgt.f32 v4, $5.000000000e-01;
	s10 =	sadd.s32 s10, s8;
	[tilespmem:s16+$0x1E000] =	vst v1;
	v1 =	vnsel vm14, $0x0, v6  }
0x26a: {  	s10 =	sshrl.u32 s10, $0x3;
	s16 =	rddreg [dreg:$0x6];
	[tilespmem:s17+$0x1E080] =	vst v1;
	v1 =	vnsel vm15, $0x0, v2  }
0x26b: {  	s15 =	sadd.s32 s10, s16;
	[tilespmem:s17+$0x1E000] =	vst v1;
	s17 =	simm.s32 $0x0  }
0x26c: {  	[hbm4b:s15+s17] =	stream.linear.scatter [tilespmem:s9], [sflag:$0x5], $0x2000, $0x200038;
	v63 =	vld [tilespmem:$0x0]  }
0x26d: {  	_ =	swait.ge [sflag:s20], $0x2000  }
0x26e: {  	[sflag:s20] =	ssyncset.done $0x0  }
0x26f: {  	[sflag:s20] =	ssyncadd.s32 $0xFFFFE000  }
0x270: {  	s18 =	rddreg [dreg:$0x1]  }
0x271: {  	s10 =	sadd.s32 s18, s10  }
0x272: {  	[tilespmem:s13], [sflag:$0x5] =	stream.linear.gather [hbm4b:s10+s17], $0x2000, $0x200038;
	v63 =	vld [tilespmem:$0x0]  }
0x273: {  	_ =	swait.ge [sflag:s20], $0x2000  }
0x274: {  	[sflag:s20] =	ssyncset.done $0x0  }
0x275: {  	s15 =	simm.s32 $0x0;
	[sflag:s20] =	ssyncadd.s32 $0xFFFFE000  }
0x276: {  	v2 =	vld [tilespmem:s15+$0x1E000]  }
0x277: {  	v1 =	vld [tilespmem:s15+$0x1E080]  }
0x278: {  	v5 =	vld [tilespmem:s15+$0x18000]  }
0x279: {  	v8 =	vld [tilespmem:s15+$0x18010]  }
0x27a: {  	v7 =	vld [tilespmem:s15+$0x18020]  }
0x27b: {  	v6 =	vld [tilespmem:s15+$0x18030]  }
0x27c: {  	v3 =	vld [tilespmem:s15+$0x18080]  }
0x27d: {  	v4 =	vld [tilespmem:s15+$0x18090];
	v9 =	vmul.f32 v5, v2  }
0x27e: {  	s10 =	simm.s32 $0x400;
	v8 =	vmul.f32 v8, v2;
	v5 =	vld [tilespmem:s15+$0x180A0]  }
.LBB2_9:
0x27f: {  	s16 =	sshra.s32 s10, $0x2;
	p0 =	sne.s32 s10, $0x7C00;
	[tilespmem:s15+$0x18000] =	vst v9;
	v7 =	vmul.f32 v7, v2;
	v9 =	vld [tilespmem:s15+$0x180B0]  }
0x280: {  	[tilespmem:s15+$0x18010] =	vst v8;
	v6 =	vmul.f32 v6, v2;
	v2 =	vld [tilespmem:s16+$0x1E000]  }
0x281: {  	v8 =	vld [tilespmem:s16+$0x1E080];
	[tilespmem:s15+$0x18020] =	vst v7;
	v3 =	vmul.f32 v3, v1  }
0x282: {  	v10 =	vld [tilespmem:s16+$0x18000];
	[tilespmem:s15+$0x18030] =	vst v6;
	v4 =	vmul.f32 v4, v1  }
0x283: {  	v11 =	vld [tilespmem:s16+$0x18010];
	[tilespmem:s15+$0x18080] =	vst v3;
	v3 =	vmul.f32 v5, v1  }
.Ltmp3:
0x284: {  	v7 =	vld [tilespmem:s16+$0x18020];
	[tilespmem:s15+$0x18090] =	vst v4;
	v4 =	vmul.f32 v9, v1;
	(pc) =	sbr.rel @p0 .LBB2_9-.Ltmp3, $4  }
0x285: {  	v6 =	vld [tilespmem:s16+$0x18030];
	[tilespmem:s15+$0x180A0] =	vst v3  }
0x286: {  	v3 =	vld [tilespmem:s16+$0x18080];
	[tilespmem:s15+$0x180B0] =	vst v4;
	v1 =	vmov v8;
	s15 =	smov.u32 s16  }
0x287: {  	v9 =	vmul.f32 v10, v2;
	v4 =	vld [tilespmem:s15+$0x18090]  }
0x288: {  	s10 =	sadd.s32 $0x400, s10;
	v8 =	vmul.f32 v11, v2;
	v5 =	vld [tilespmem:s15+$0x180A0]  }
0x289: {  	[tilespmem:s15+$0x18000] =	vst v9;
	v7 =	vmul.f32 v7, v2;
	v62 =	vld [tilespmem:s15+$0x180B0]  }
0x28a: {  	[tilespmem:s15+$0x18010] =	vst v8;
	v2 =	vmul.f32 v6, v2  }
0x28b: {  	[tilespmem:s15+$0x18020] =	vst v7;
	v3 =	vmul.f32 v3, v1  }
0x28c: {  	[tilespmem:s15+$0x18030] =	vst v2;
	v2 =	vmul.f32 v4, v1  }
0x28d: {  	[tilespmem:s15+$0x18080] =	vst v3;
	v3 =	vmul.f32 v5, v1  }
0x28e: {  	s0 =	sadd.s32 $0x1, s0;
	[tilespmem:s15+$0x18090] =	vst v2;
	v1 =	vmul.f32 v62, v1  }
0x28f: {  	p0 =	sne.s32 s0, $0xA;
	[tilespmem:s15+$0x180A0] =	vst v3  }
.Ltmp4:
0x290: {  	s8 =	sadd.s32 s8, s2;
	[tilespmem:s15+$0x180B0] =	vst v1;
	(pc) =	sbr.rel @p0 .LBB2_6-.Ltmp4, $4  }
0x291: {  	[spmem:s8] =	stream.linear.scatter [tilespmem:s13], [sflag:$0x5], $0x2000, $0x200038;
	v63 =	vld [tilespmem:$0x0]  }
0x292: {  	_ =	swait.ge [sflag:s20], $0x2000  }
0x293: {  	[sflag:s20] =	ssyncset.done $0x0  }
0x294: {  	[sflag:s20] =	ssyncadd.s32 $0xFFFFE000  }
0x295: {  	s0 =	rddreg [dreg:$0x15]  }
0x296: {  	s8 =	rddreg [dreg:$0x1d]  }
0x297: {  	s10 =	rddreg [dreg:$0x1e]  }
0x298: {  	[spmem:s10], [sflag:s8] =	dma.local [hbm:s0], $0x2800  }
0x299: {  	_ =	swait.ge [sflag:s20], $0x2800  }
0x29a: {  	[sflag:s20] =	ssyncset.done $0x0  }
0x29b: {  	[sflag:s20] =	ssyncadd.s32 $0xFFFFD800  }
0x29c: {  	[bflag:$0x0] =	sbarrier.arrive $0xFFFF  }
0x29d: {  	_ =	strace $0x9000004A  }
0x29e: {  	_ =	strace $0x8000004B  }
0x29f: {  	s6 =	simm.s32 $0x0;
	s18 =	rddreg [dreg:$0x13]  }
0x2a0: {  	s0 =	simm.s32 $0x0;
	s8 =	simm.s32 $0x0;
	s17 =	rddreg [dreg:$0x14]  }
.LBB2_12:
0x2a1: {  	s10 =	sshll.u32 s8, $0xC;
	s15 =	rddreg [dreg:$0x17]  }
0x2a2: {  	s10 =	sadd.s32 s15, s10  }
0x2a3: {  	s10 =	sshrl.u32 s10, $0x3  }
0x2a4: {  	s16 =	sadd.s32 s18, s10  }
0x2a5: {  	[tilespmem:s11], [sflag:$0x5] =	stream.linear.gather [hbm4b:s16+s0], $0x1000, $0x200038;
	v63 =	vld [tilespmem:$0x0]  }
0x2a6: {  	_ =	swait.ge [sflag:s20], $0x1000  }
0x2a7: {  	[sflag:s20] =	ssyncset.done $0x0  }
0x2a8: {  	s10 =	sadd.s32 s17, s10;
	[sflag:s20] =	ssyncadd.s32 $0xFFFFF000  }
0x2a9: {  	[tilespmem:s7], [sflag:$0x5] =	stream.linear.gather [hbm4b:s10+s0], $0x1000, $0x200038;
	v63 =	vld [tilespmem:$0x0]  }
0x2aa: {  	_ =	swait.ge [sflag:s20], $0x1000  }
0x2ab: {  	[sflag:s20] =	ssyncset.done $0x0  }
0x2ac: {  	[sflag:s20] =	ssyncadd.s32 $0xFFFFF000  }
0x2ad: {  	[tilespmem:s23], [sflag:$0x5] =	stream.indirect.gather [spmem:s2], $0x40, s11, s22, $0x2000b8;
	v63 =	vld [tilespmem:$0x0]  }
0x2ae: {  	_ =	swait.ge [sflag:s20], $0x1000  }
0x2af: {  	[sflag:s20] =	ssyncset.done $0x0  }
0x2b0: {  	[sflag:s20] =	ssyncadd.s32 $0xFFFFF000  }
0x2b1: {  	[spmem:s3] =	stream.indirect.scatter.add.f32 [tilespmem:s23], [sflag:$0x1], $0x40, s7, s22, $0x2000b8;
	v63 =	vld [tilespmem:$0x0]  }
0x2b2: {  	_ = 	snop  }
0x2b3: {  	[tilespmem:s13], [sflag:$0x5] =	stream.indirect.gather [spmem:s2], $0x40, s19, s22, $0x2000b8;
	v63 =	vld [tilespmem:$0x0]  }
0x2b4: {  	_ =	swait.ge [sflag:s20], $0x1000  }
0x2b5: {  	[sflag:s20] =	ssyncset.done $0x0  }
0x2b6: {  	[sflag:s20] =	ssyncadd.s32 $0xFFFFF000  }
0x2b7: {  	[spmem:s3] =	stream.indirect.scatter.add.f32 [tilespmem:s13], [sflag:$0x2], $0x40, s1, s22, $0x2000b8;
	v63 =	vld [tilespmem:$0x0]  }
0x2b8: {  	_ = 	snop  }
0x2b9: {  	[tilespmem:s14], [sflag:$0x5] =	stream.indirect.gather [spmem:s2], $0x40, s21, s22, $0x2000b8;
	v63 =	vld [tilespmem:$0x0]  }
0x2ba: {  	_ =	swait.ge [sflag:s20], $0x1000  }
0x2bb: {  	[sflag:s20] =	ssyncset.done $0x0  }
0x2bc: {  	[sflag:s20] =	ssyncadd.s32 $0xFFFFF000  }
0x2bd: {  	[spmem:s3] =	stream.indirect.scatter.add.f32 [tilespmem:s14], [sflag:$0x3], $0x40, s4, s22, $0x2000b8;
	v63 =	vld [tilespmem:$0x0]  }
0x2be: {  	_ = 	snop  }
0x2bf: {  	[tilespmem:s28], [sflag:$0x5] =	stream.indirect.gather [spmem:s2], $0x40, s24, s22, $0x2000b8;
	v63 =	vld [tilespmem:$0x0]  }
0x2c0: {  	_ =	swait.ge [sflag:s20], $0x1000  }
0x2c1: {  	[sflag:s20] =	ssyncset.done $0x0  }
0x2c2: {  	[sflag:s20] =	ssyncadd.s32 $0xFFFFF000  }
0x2c3: {  	[spmem:s3] =	stream.indirect.scatter.add.f32 [tilespmem:s28], [sflag:$0x4], $0x40, s5, s22, $0x2000b8;
	v63 =	vld [tilespmem:$0x0]  }
0x2c4: {  	_ =	swait.ge [sflag:s12], $0x1000  }
0x2c5: {  	[sflag:s12] =	ssyncset.done $0x0  }
0x2c6: {  	s16 =	simm.s32 $0x14200;
	[sflag:s12] =	ssyncadd.s32 $0xFFFFF000  }
0x2c7: {  	[tilespmem:s23], [sflag:$0x5] =	stream.indirect.gather [spmem:s2], $0x40, s16, s22, $0x2000b8;
	v63 =	vld [tilespmem:$0x0]  }
0x2c8: {  	_ =	swait.ge [sflag:s20], $0x1000  }
0x2c9: {  	[sflag:s20] =	ssyncset.done $0x0  }
0x2ca: {  	s15 =	simm.s32 $0x15200;
	[sflag:s20] =	ssyncadd.s32 $0xFFFFF000  }
0x2cb: {  	[spmem:s3] =	stream.indirect.scatter.add.f32 [tilespmem:s23], [sflag:$0x1], $0x40, s15, s22, $0x2000b8;
	v63 =	vld [tilespmem:$0x0]  }
0x2cc: {  	_ =	swait.ge [sflag:s29], $0x1000  }
0x2cd: {  	[sflag:s29] =	ssyncset.done $0x0  }
0x2ce: {  	s16 =	simm.s32 $0x14280;
	[sflag:s29] =	ssyncadd.s32 $0xFFFFF000  }
0x2cf: {  	[tilespmem:s13], [sflag:$0x5] =	stream.indirect.gather [spmem:s2], $0x40, s16, s22, $0x2000b8;
	v63 =	vld [tilespmem:$0x0]  }
0x2d0: {  	_ =	swait.ge [sflag:s20], $0x1000  }
0x2d1: {  	[sflag:s20] =	ssyncset.done $0x0  }
0x2d2: {  	s15 =	simm.s32 $0x15280;
	[sflag:s20] =	ssyncadd.s32 $0xFFFFF000  }
0x2d3: {  	[spmem:s3] =	stream.indirect.scatter.add.f32 [tilespmem:s13], [sflag:$0x2], $0x40, s15, s22, $0x2000b8;
	v63 =	vld [tilespmem:$0x0]  }
0x2d4: {  	_ =	swait.ge [sflag:s30], $0x1000  }
0x2d5: {  	[sflag:s30] =	ssyncset.done $0x0  }
0x2d6: {  	s16 =	simm.s32 $0x14300;
	[sflag:s30] =	ssyncadd.s32 $0xFFFFF000  }
0x2d7: {  	[tilespmem:s14], [sflag:$0x5] =	stream.indirect.gather [spmem:s2], $0x40, s16, s22, $0x2000b8;
	v63 =	vld [tilespmem:$0x0]  }
0x2d8: {  	_ =	swait.ge [sflag:s20], $0x1000  }
0x2d9: {  	[sflag:s20] =	ssyncset.done $0x0  }
0x2da: {  	s15 =	simm.s32 $0x15300;
	[sflag:s20] =	ssyncadd.s32 $0xFFFFF000  }
0x2db: {  	[spmem:s3] =	stream.indirect.scatter.add.f32 [tilespmem:s14], [sflag:$0x3], $0x40, s15, s22, $0x2000b8;
	v63 =	vld [tilespmem:$0x0]  }
0x2dc: {  	_ =	swait.ge [sflag:s31], $0x1000  }
0x2dd: {  	[sflag:s31] =	ssyncset.done $0x0  }
0x2de: {  	s16 =	simm.s32 $0x14380;
	[sflag:s31] =	ssyncadd.s32 $0xFFFFF000  }
0x2df: {  	[tilespmem:s28], [sflag:$0x5] =	stream.indirect.gather [spmem:s2], $0x40, s16, s22, $0x2000b8;
	v63 =	vld [tilespmem:$0x0]  }
0x2e0: {  	_ =	swait.ge [sflag:s20], $0x1000  }
0x2e1: {  	[sflag:s20] =	ssyncset.done $0x0  }
0x2e2: {  	s10 =	simm.s32 $0x15380;
	s15 =	simm.s32 $0x800;
	[sflag:s20] =	ssyncadd.s32 $0xFFFFF000  }
.LBB2_13:
0x2e3: {  	[spmem:s3] =	stream.indirect.scatter.add.f32 [tilespmem:s28], [sflag:$0x4], $0x40, s10, s22, $0x2000b8;
	v63 =	vld [tilespmem:$0x0]  }
0x2e4: {  	s10 =	smov.u32 s15  }
0x2e5: {  	p0 =	sne.s32 s15, $0x3000;
	s15 =	sadd.s32 $0x800, s15;
	_ =	swait.ge [sflag:s12], $0x1000  }
0x2e6: {  	s10 =	sshra.s32 s10, $0x2;
	[sflag:s12] =	ssyncset.done $0x0  }
0x2e7: {  	s16 =	sadd.s32 $0x14200, s10;
	[sflag:s12] =	ssyncadd.s32 $0xFFFFF000  }
0x2e8: {  	[tilespmem:s23], [sflag:$0x5] =	stream.indirect.gather [spmem:s2], $0x40, s16, s22, $0x2000b8;
	v63 =	vld [tilespmem:$0x0]  }
0x2e9: {  	_ =	swait.ge [sflag:s20], $0x1000  }
0x2ea: {  	[sflag:s20] =	ssyncset.done $0x0  }
0x2eb: {  	s16 =	sadd.s32 $0x15200, s10;
	[sflag:s20] =	ssyncadd.s32 $0xFFFFF000  }
0x2ec: {  	[spmem:s3] =	stream.indirect.scatter.add.f32 [tilespmem:s23], [sflag:$0x1], $0x40, s16, s22, $0x2000b8;
	v63 =	vld [tilespmem:$0x0]  }
0x2ed: {  	_ =	swait.ge [sflag:s29], $0x1000  }
0x2ee: {  	[sflag:s29] =	ssyncset.done $0x0  }
0x2ef: {  	s16 =	sadd.s32 $0x14280, s10;
	[sflag:s29] =	ssyncadd.s32 $0xFFFFF000  }
0x2f0: {  	[tilespmem:s13], [sflag:$0x5] =	stream.indirect.gather [spmem:s2], $0x40, s16, s22, $0x2000b8;
	v63 =	vld [tilespmem:$0x0]  }
0x2f1: {  	_ =	swait.ge [sflag:s20], $0x1000  }
0x2f2: {  	[sflag:s20] =	ssyncset.done $0x0  }
0x2f3: {  	s16 =	sadd.s32 $0x15280, s10;
	[sflag:s20] =	ssyncadd.s32 $0xFFFFF000  }
0x2f4: {  	[spmem:s3] =	stream.indirect.scatter.add.f32 [tilespmem:s13], [sflag:$0x2], $0x40, s16, s22, $0x2000b8;
	v63 =	vld [tilespmem:$0x0]  }
0x2f5: {  	_ =	swait.ge [sflag:s30], $0x1000  }
0x2f6: {  	[sflag:s30] =	ssyncset.done $0x0  }
0x2f7: {  	s16 =	sadd.s32 $0x14300, s10;
	[sflag:s30] =	ssyncadd.s32 $0xFFFFF000  }
0x2f8: {  	[tilespmem:s14], [sflag:$0x5] =	stream.indirect.gather [spmem:s2], $0x40, s16, s22, $0x2000b8;
	v63 =	vld [tilespmem:$0x0]  }
0x2f9: {  	_ =	swait.ge [sflag:s20], $0x1000  }
0x2fa: {  	[sflag:s20] =	ssyncset.done $0x0  }
0x2fb: {  	s16 =	sadd.s32 $0x15300, s10;
	[sflag:s20] =	ssyncadd.s32 $0xFFFFF000  }
0x2fc: {  	[spmem:s3] =	stream.indirect.scatter.add.f32 [tilespmem:s14], [sflag:$0x3], $0x40, s16, s22, $0x2000b8;
	v63 =	vld [tilespmem:$0x0]  }
0x2fd: {  	_ =	swait.ge [sflag:s31], $0x1000  }
0x2fe: {  	[sflag:s31] =	ssyncset.done $0x0  }
.Ltmp5:
0x2ff: {  	s16 =	sadd.s32 $0x14380, s10;
	[sflag:s31] =	ssyncadd.s32 $0xFFFFF000;
	(pc) =	sbr.rel @p0 .LBB2_13-.Ltmp5, $4  }
0x300: {  	[tilespmem:s28], [sflag:$0x5] =	stream.indirect.gather [spmem:s2], $0x40, s16, s22, $0x2000b8;
	v63 =	vld [tilespmem:$0x0]  }
0x301: {  	_ =	swait.ge [sflag:s20], $0x1000  }
0x302: {  	[sflag:s20] =	ssyncset.done $0x0  }
0x303: {  	s10 =	sadd.s32 $0x15380, s10;
	[sflag:s20] =	ssyncadd.s32 $0xFFFFF000  }
0x304: {  	[spmem:s3] =	stream.indirect.scatter.add.f32 [tilespmem:s28], [sflag:$0x4], $0x40, s10, s22, $0x2000b8;
	v63 =	vld [tilespmem:$0x0]  }
0x305: {  	_ =	swait.ge [sflag:s12], $0x1000  }
0x306: {  	[sflag:s12] =	ssyncset.done $0x0  }
0x307: {  	[sflag:s12] =	ssyncadd.s32 $0xFFFFF000  }
0x308: {  	_ =	swait.ge [sflag:s29], $0x1000  }
0x309: {  	[sflag:s29] =	ssyncset.done $0x0  }
0x30a: {  	s8 =	sadd.s32 $0x1, s8;
	[sflag:s29] =	ssyncadd.s32 $0xFFFFF000  }
0x30b: {  	p0 =	sne.s32 s8, $0xA;
	_ =	swait.ge [sflag:s30], $0x1000  }
.Ltmp6:
0x30c: {  	[sflag:s30] =	ssyncset.done $0x0;
	(pc) =	sbr.rel @p0 .LBB2_12-.Ltmp6, $4  }
0x30d: {  	[sflag:s30] =	ssyncadd.s32 $0xFFFFF000  }
0x30e: {  	_ =	swait.ge [sflag:s31], $0x1000  }
0x30f: {  	[sflag:s31] =	ssyncset.done $0x0  }
0x310: {  	[sflag:s31] =	ssyncadd.s32 $0xFFFFF000  }
0x311: {  	[bflag:$0x0] =	sbarrier.arrive $0xFFFF  }
0x312: {  	_ =	strace $0x9000004B  }
0x313: {  	s0 =	simm.s32 $0x0;
	s8 =	simm.s32 $0x0;
	_ =	strace $0x8000004C  }
.LBB2_16:
0x314: {  	s10 =	sshll.u32 s8, $0xD;
	s15 =	rddreg [dreg:$0x18]  }
0x315: {  	s15 =	sadd.s32 s15, s10  }
0x316: {  	s10 =	sadd.s32 s15, s3  }
0x317: {  	[tilespmem:s13], [sflag:$0x5] =	stream.linear.gather [spmem:s10], $0x2000, $0x200038;
	v63 =	vld [tilespmem:$0x0]  }
0x318: {  	_ =	swait.ge [sflag:s20], $0x2000  }
0x319: {  	s16 =	rddreg [dreg:$0x19];
	[sflag:s20] =	ssyncset.done $0x0  }
0x31a: {  	s10 =	sadd.s32 s16, s15;
	[sflag:s20] =	ssyncadd.s32 $0xFFFFE000  }
0x31b: {  	s10 =	sshrl.u32 s10, $0x3;
	s16 =	rddreg [dreg:$0x6]  }
0x31c: {  	s16 =	sadd.s32 s10, s16  }
0x31d: {  	[tilespmem:s9], [sflag:$0x5] =	stream.linear.gather [hbm4b:s16+s0], $0x2000, $0x200038;
	v63 =	vld [tilespmem:$0x0]  }
0x31e: {  	_ =	swait.ge [sflag:s20], $0x2000  }
0x31f: {  	[sflag:s20] =	ssyncset.done $0x0  }
0x320: {  	[sflag:s20] =	ssyncadd.s32 $0xFFFFE000  }
0x321: {  	s17 =	rddreg [dreg:$0x5]  }
0x322: {  	s10 =	sadd.s32 s10, s17  }
0x323: {  	[hbm4b:s10+s0] =	stream.linear.scatter [tilespmem:s13], [sflag:$0x5], $0x2000, $0x200038;
	v63 =	vld [tilespmem:$0x0]  }
0x324: {  	_ =	swait.ge [sflag:s20], $0x2000  }
0x325: {  	[sflag:s20] =	ssyncset.done $0x0  }
0x326: {  	s16 =	simm.s32 $0x0;
	[sflag:s20] =	ssyncadd.s32 $0xFFFFE000  }
0x327: {  	v2 =	vld [tilespmem:s16+$0x1E000]  }
0x328: {  	v1 =	vld [tilespmem:s16+$0x1E080]  }
0x329: {  	v7 =	vld [tilespmem:s16+$0x18000]  }
0x32a: {  	v6 =	vld [tilespmem:s16+$0x18010]  }
0x32b: {  	v5 =	vld [tilespmem:s16+$0x18020]  }
0x32c: {  	v4 =	vld [tilespmem:s16+$0x18030];
	v3 =	vmul.f32 v2, v2  }
0x32d: {  	s10 =	simm.s32 $0x400;
	v2 =	vld [tilespmem:s16+$0x18080]  }
.LBB2_17:
0x32e: {  	p0 =	sne.s32 s10, $0x7C00;
	v7 =	vmul.f32 v3, v7;
	v8 =	vld [tilespmem:s16+$0x18090]  }
0x32f: {  	v6 =	vmul.f32 v6, v3;
	v9 =	vld [tilespmem:s16+$0x180A0]  }
0x330: {  	s17 =	sshra.s32 s10, $0x2;
	v10 =	vmul.f32 v1, v1;
	[tilespmem:s16+$0x18000] =	vst v7;
	v5 =	vmul.f32 v5, v3;
	v11 =	vld [tilespmem:s16+$0x180B0]  }
0x331: {  	v12 =	vld [tilespmem:s17+$0x1E000];
	[tilespmem:s16+$0x18010] =	vst v6;
	v3 =	vmul.f32 v4, v3  }
0x332: {  	v1 =	vld [tilespmem:s17+$0x1E080];
	[tilespmem:s16+$0x18020] =	vst v5;
	v2 =	vmul.f32 v10, v2  }
.Ltmp7:
0x333: {  	v7 =	vld [tilespmem:s17+$0x18000];
	[tilespmem:s16+$0x18030] =	vst v3;
	v3 =	vmul.f32 v8, v10;
	(pc) =	sbr.rel @p0 .LBB2_17-.Ltmp7, $4  }
0x334: {  	v6 =	vld [tilespmem:s17+$0x18010];
	[tilespmem:s16+$0x18080] =	vst v2;
	v2 =	vmul.f32 v9, v10  }
0x335: {  	v5 =	vld [tilespmem:s17+$0x18020];
	[tilespmem:s16+$0x18090] =	vst v3;
	v8 =	vmul.f32 v11, v10  }
0x336: {  	v3 =	vmul.f32 v12, v12;
	v4 =	vld [tilespmem:s17+$0x18030];
	[tilespmem:s16+$0x180A0] =	vst v2  }
0x337: {  	s10 =	sadd.s32 $0x400, s10;
	v2 =	vld [tilespmem:s17+$0x18080];
	[tilespmem:s16+$0x180B0] =	vst v8;
	s16 =	smov.u32 s17  }
0x338: {  	v7 =	vmul.f32 v3, v7;
	v8 =	vld [tilespmem:s16+$0x18090]  }
0x339: {  	v9 =	vld [tilespmem:s16+$0x180A0];
	v6 =	vmul.f32 v6, v3  }
0x33a: {  	v1 =	vmul.f32 v1, v1;
	v62 =	vld [tilespmem:s16+$0x180B0];
	[tilespmem:s16+$0x18000] =	vst v7;
	v5 =	vmul.f32 v5, v3  }
0x33b: {  	[tilespmem:s16+$0x18010] =	vst v6;
	v3 =	vmul.f32 v4, v3  }
0x33c: {  	[tilespmem:s16+$0x18020] =	vst v5;
	v2 =	vmul.f32 v1, v2  }
0x33d: {  	[tilespmem:s16+$0x18030] =	vst v3;
	v3 =	vmul.f32 v8, v1  }
0x33e: {  	[tilespmem:s16+$0x18080] =	vst v2;
	v2 =	vmul.f32 v9, v1  }
0x33f: {  	s8 =	sadd.s32 $0x1, s8;
	v1 =	vmul.f32 v62, v1;
	[tilespmem:s16+$0x18090] =	vst v3  }
0x340: {  	p0 =	sne.s32 s8, $0xA;
	[tilespmem:s16+$0x180A0] =	vst v2  }
.Ltmp8:
0x341: {  	s10 =	sadd.s32 s15, s2;
	[tilespmem:s16+$0x180B0] =	vst v1;
	(pc) =	sbr.rel @p0 .LBB2_16-.Ltmp8, $4  }
0x342: {  	[spmem:s10] =	stream.linear.scatter [tilespmem:s13], [sflag:$0x5], $0x2000, $0x200038;
	v63 =	vld [tilespmem:$0x0]  }
0x343: {  	_ =	swait.ge [sflag:s20], $0x2000  }
0x344: {  	[sflag:s20] =	ssyncset.done $0x0  }
0x345: {  	[sflag:s20] =	ssyncadd.s32 $0xFFFFE000  }
0x346: {  	[bflag:$0x0] =	sbarrier.arrive $0xFFFF  }
0x347: {  	_ =	strace $0x9000004C  }
0x348: {  	_ =	strace $0x8000004D  }
0x349: {  	s0 =	simm.s32 $0x0;
	s8 =	simm.s32 $0x0;
	s17 =	rddreg [dreg:$0x14]  }
.LBB2_20:
0x34a: {  	s10 =	sshll.u32 s8, $0xC;
	s15 =	rddreg [dreg:$0x17]  }
0x34b: {  	s10 =	sadd.s32 s15, s10  }
0x34c: {  	s10 =	sshrl.u32 s10, $0x3  }
0x34d: {  	s16 =	sadd.s32 s18, s10  }
0x34e: {  	[tilespmem:s11], [sflag:$0x5] =	stream.linear.gather [hbm4b:s16+s0], $0x1000, $0x200038;
	v63 =	vld [tilespmem:$0x0]  }
0x34f: {  	_ =	swait.ge [sflag:s20], $0x1000  }
0x350: {  	[sflag:s20] =	ssyncset.done $0x0  }
0x351: {  	s10 =	sadd.s32 s17, s10;
	[sflag:s20] =	ssyncadd.s32 $0xFFFFF000  }
0x352: {  	[tilespmem:s7], [sflag:$0x5] =	stream.linear.gather [hbm4b:s10+s0], $0x1000, $0x200038;
	v63 =	vld [tilespmem:$0x0]  }
0x353: {  	_ =	swait.ge [sflag:s20], $0x1000  }
0x354: {  	[sflag:s20] =	ssyncset.done $0x0  }
0x355: {  	[sflag:s20] =	ssyncadd.s32 $0xFFFFF000  }
0x356: {  	[tilespmem:s23], [sflag:$0x5] =	stream.indirect.gather [spmem:s2], $0x40, s11, s22, $0x2000b8;
	v63 =	vld [tilespmem:$0x0]  }
0x357: {  	_ =	swait.ge [sflag:s20], $0x1000  }
0x358: {  	[sflag:s20] =	ssyncset.done $0x0  }
0x359: {  	[sflag:s20] =	ssyncadd.s32 $0xFFFFF000  }
0x35a: {  	[spmem:s3] =	stream.indirect.scatter.add.f32 [tilespmem:s23], [sflag:$0x1], $0x40, s7, s22, $0x2000b8;
	v63 =	vld [tilespmem:$0x0]  }
0x35b: {  	_ = 	snop  }
0x35c: {  	[tilespmem:s13], [sflag:$0x5] =	stream.indirect.gather [spmem:s2], $0x40, s19, s22, $0x2000b8;
	v63 =	vld [tilespmem:$0x0]  }
0x35d: {  	_ =	swait.ge [sflag:s20], $0x1000  }
0x35e: {  	[sflag:s20] =	ssyncset.done $0x0  }
0x35f: {  	[sflag:s20] =	ssyncadd.s32 $0xFFFFF000  }
0x360: {  	[spmem:s3] =	stream.indirect.scatter.add.f32 [tilespmem:s13], [sflag:$0x2], $0x40, s1, s22, $0x2000b8;
	v63 =	vld [tilespmem:$0x0]  }
0x361: {  	_ = 	snop  }
0x362: {  	[tilespmem:s14], [sflag:$0x5] =	stream.indirect.gather [spmem:s2], $0x40, s21, s22, $0x2000b8;
	v63 =	vld [tilespmem:$0x0]  }
0x363: {  	_ =	swait.ge [sflag:s20], $0x1000  }
0x364: {  	[sflag:s20] =	ssyncset.done $0x0  }
0x365: {  	[sflag:s20] =	ssyncadd.s32 $0xFFFFF000  }
0x366: {  	[spmem:s3] =	stream.indirect.scatter.add.f32 [tilespmem:s14], [sflag:$0x3], $0x40, s4, s22, $0x2000b8;
	v63 =	vld [tilespmem:$0x0]  }
0x367: {  	_ = 	snop  }
0x368: {  	[tilespmem:s28], [sflag:$0x5] =	stream.indirect.gather [spmem:s2], $0x40, s24, s22, $0x2000b8;
	v63 =	vld [tilespmem:$0x0]  }
0x369: {  	_ =	swait.ge [sflag:s20], $0x1000  }
0x36a: {  	[sflag:s20] =	ssyncset.done $0x0  }
0x36b: {  	[sflag:s20] =	ssyncadd.s32 $0xFFFFF000  }
0x36c: {  	[spmem:s3] =	stream.indirect.scatter.add.f32 [tilespmem:s28], [sflag:$0x4], $0x40, s5, s22, $0x2000b8;
	v63 =	vld [tilespmem:$0x0]  }
0x36d: {  	_ =	swait.ge [sflag:s12], $0x1000  }
0x36e: {  	[sflag:s12] =	ssyncset.done $0x0  }
0x36f: {  	s16 =	simm.s32 $0x14200;
	[sflag:s12] =	ssyncadd.s32 $0xFFFFF000  }
0x370: {  	[tilespmem:s23], [sflag:$0x5] =	stream.indirect.gather [spmem:s2], $0x40, s16, s22, $0x2000b8;
	v63 =	vld [tilespmem:$0x0]  }
0x371: {  	_ =	swait.ge [sflag:s20], $0x1000  }
0x372: {  	[sflag:s20] =	ssyncset.done $0x0  }
0x373: {  	s15 =	simm.s32 $0x15200;
	[sflag:s20] =	ssyncadd.s32 $0xFFFFF000  }
0x374: {  	[spmem:s3] =	stream.indirect.scatter.add.f32 [tilespmem:s23], [sflag:$0x1], $0x40, s15, s22, $0x2000b8;
	v63 =	vld [tilespmem:$0x0]  }
0x375: {  	_ =	swait.ge [sflag:s29], $0x1000  }
0x376: {  	[sflag:s29] =	ssyncset.done $0x0  }
0x377: {  	s16 =	simm.s32 $0x14280;
	[sflag:s29] =	ssyncadd.s32 $0xFFFFF000  }
0x378: {  	[tilespmem:s13], [sflag:$0x5] =	stream.indirect.gather [spmem:s2], $0x40, s16, s22, $0x2000b8;
	v63 =	vld [tilespmem:$0x0]  }
0x379: {  	_ =	swait.ge [sflag:s20], $0x1000  }
0x37a: {  	[sflag:s20] =	ssyncset.done $0x0  }
0x37b: {  	s15 =	simm.s32 $0x15280;
	[sflag:s20] =	ssyncadd.s32 $0xFFFFF000  }
0x37c: {  	[spmem:s3] =	stream.indirect.scatter.add.f32 [tilespmem:s13], [sflag:$0x2], $0x40, s15, s22, $0x2000b8;
	v63 =	vld [tilespmem:$0x0]  }
0x37d: {  	_ =	swait.ge [sflag:s30], $0x1000  }
0x37e: {  	[sflag:s30] =	ssyncset.done $0x0  }
0x37f: {  	s16 =	simm.s32 $0x14300;
	[sflag:s30] =	ssyncadd.s32 $0xFFFFF000  }
0x380: {  	[tilespmem:s14], [sflag:$0x5] =	stream.indirect.gather [spmem:s2], $0x40, s16, s22, $0x2000b8;
	v63 =	vld [tilespmem:$0x0]  }
0x381: {  	_ =	swait.ge [sflag:s20], $0x1000  }
0x382: {  	[sflag:s20] =	ssyncset.done $0x0  }
0x383: {  	s15 =	simm.s32 $0x15300;
	[sflag:s20] =	ssyncadd.s32 $0xFFFFF000  }
0x384: {  	[spmem:s3] =	stream.indirect.scatter.add.f32 [tilespmem:s14], [sflag:$0x3], $0x40, s15, s22, $0x2000b8;
	v63 =	vld [tilespmem:$0x0]  }
0x385: {  	_ =	swait.ge [sflag:s31], $0x1000  }
0x386: {  	[sflag:s31] =	ssyncset.done $0x0  }
0x387: {  	s16 =	simm.s32 $0x14380;
	[sflag:s31] =	ssyncadd.s32 $0xFFFFF000  }
0x388: {  	[tilespmem:s28], [sflag:$0x5] =	stream.indirect.gather [spmem:s2], $0x40, s16, s22, $0x2000b8;
	v63 =	vld [tilespmem:$0x0]  }
0x389: {  	_ =	swait.ge [sflag:s20], $0x1000  }
0x38a: {  	[sflag:s20] =	ssyncset.done $0x0  }
0x38b: {  	s10 =	simm.s32 $0x15380;
	s15 =	simm.s32 $0x800;
	[sflag:s20] =	ssyncadd.s32 $0xFFFFF000  }
.LBB2_21:
0x38c: {  	[spmem:s3] =	stream.indirect.scatter.add.f32 [tilespmem:s28], [sflag:$0x4], $0x40, s10, s22, $0x2000b8;
	v63 =	vld [tilespmem:$0x0]  }
0x38d: {  	s10 =	smov.u32 s15  }
0x38e: {  	p0 =	sne.s32 s15, $0x3000;
	s15 =	sadd.s32 $0x800, s15;
	_ =	swait.ge [sflag:s12], $0x1000  }
0x38f: {  	s10 =	sshra.s32 s10, $0x2;
	[sflag:s12] =	ssyncset.done $0x0  }
0x390: {  	s16 =	sadd.s32 $0x14200, s10;
	[sflag:s12] =	ssyncadd.s32 $0xFFFFF000  }
0x391: {  	[tilespmem:s23], [sflag:$0x5] =	stream.indirect.gather [spmem:s2], $0x40, s16, s22, $0x2000b8;
	v63 =	vld [tilespmem:$0x0]  }
0x392: {  	_ =	swait.ge [sflag:s20], $0x1000  }
0x393: {  	[sflag:s20] =	ssyncset.done $0x0  }
0x394: {  	s16 =	sadd.s32 $0x15200, s10;
	[sflag:s20] =	ssyncadd.s32 $0xFFFFF000  }
0x395: {  	[spmem:s3] =	stream.indirect.scatter.add.f32 [tilespmem:s23], [sflag:$0x1], $0x40, s16, s22, $0x2000b8;
	v63 =	vld [tilespmem:$0x0]  }
0x396: {  	_ =	swait.ge [sflag:s29], $0x1000  }
0x397: {  	[sflag:s29] =	ssyncset.done $0x0  }
0x398: {  	s16 =	sadd.s32 $0x14280, s10;
	[sflag:s29] =	ssyncadd.s32 $0xFFFFF000  }
0x399: {  	[tilespmem:s13], [sflag:$0x5] =	stream.indirect.gather [spmem:s2], $0x40, s16, s22, $0x2000b8;
	v63 =	vld [tilespmem:$0x0]  }
0x39a: {  	_ =	swait.ge [sflag:s20], $0x1000  }
0x39b: {  	[sflag:s20] =	ssyncset.done $0x0  }
0x39c: {  	s16 =	sadd.s32 $0x15280, s10;
	[sflag:s20] =	ssyncadd.s32 $0xFFFFF000  }
0x39d: {  	[spmem:s3] =	stream.indirect.scatter.add.f32 [tilespmem:s13], [sflag:$0x2], $0x40, s16, s22, $0x2000b8;
	v63 =	vld [tilespmem:$0x0]  }
0x39e: {  	_ =	swait.ge [sflag:s30], $0x1000  }
0x39f: {  	[sflag:s30] =	ssyncset.done $0x0  }
0x3a0: {  	s16 =	sadd.s32 $0x14300, s10;
	[sflag:s30] =	ssyncadd.s32 $0xFFFFF000  }
0x3a1: {  	[tilespmem:s14], [sflag:$0x5] =	stream.indirect.gather [spmem:s2], $0x40, s16, s22, $0x2000b8;
	v63 =	vld [tilespmem:$0x0]  }
0x3a2: {  	_ =	swait.ge [sflag:s20], $0x1000  }
0x3a3: {  	[sflag:s20] =	ssyncset.done $0x0  }
0x3a4: {  	s16 =	sadd.s32 $0x15300, s10;
	[sflag:s20] =	ssyncadd.s32 $0xFFFFF000  }
0x3a5: {  	[spmem:s3] =	stream.indirect.scatter.add.f32 [tilespmem:s14], [sflag:$0x3], $0x40, s16, s22, $0x2000b8;
	v63 =	vld [tilespmem:$0x0]  }
0x3a6: {  	_ =	swait.ge [sflag:s31], $0x1000  }
0x3a7: {  	[sflag:s31] =	ssyncset.done $0x0  }
.Ltmp9:
0x3a8: {  	s16 =	sadd.s32 $0x14380, s10;
	[sflag:s31] =	ssyncadd.s32 $0xFFFFF000;
	(pc) =	sbr.rel @p0 .LBB2_21-.Ltmp9, $4  }
0x3a9: {  	[tilespmem:s28], [sflag:$0x5] =	stream.indirect.gather [spmem:s2], $0x40, s16, s22, $0x2000b8;
	v63 =	vld [tilespmem:$0x0]  }
0x3aa: {  	_ =	swait.ge [sflag:s20], $0x1000  }
0x3ab: {  	[sflag:s20] =	ssyncset.done $0x0  }
0x3ac: {  	s10 =	sadd.s32 $0x15380, s10;
	[sflag:s20] =	ssyncadd.s32 $0xFFFFF000  }
0x3ad: {  	[spmem:s3] =	stream.indirect.scatter.add.f32 [tilespmem:s28], [sflag:$0x4], $0x40, s10, s22, $0x2000b8;
	v63 =	vld [tilespmem:$0x0]  }
0x3ae: {  	_ =	swait.ge [sflag:s12], $0x1000  }
0x3af: {  	[sflag:s12] =	ssyncset.done $0x0  }
0x3b0: {  	[sflag:s12] =	ssyncadd.s32 $0xFFFFF000  }
0x3b1: {  	_ =	swait.ge [sflag:s29], $0x1000  }
0x3b2: {  	[sflag:s29] =	ssyncset.done $0x0  }
0x3b3: {  	s8 =	sadd.s32 $0x1, s8;
	[sflag:s29] =	ssyncadd.s32 $0xFFFFF000  }
0x3b4: {  	p0 =	sne.s32 s8, $0xA;
	_ =	swait.ge [sflag:s30], $0x1000  }
.Ltmp10:
0x3b5: {  	[sflag:s30] =	ssyncset.done $0x0;
	(pc) =	sbr.rel @p0 .LBB2_20-.Ltmp10, $4  }
0x3b6: {  	[sflag:s30] =	ssyncadd.s32 $0xFFFFF000  }
0x3b7: {  	_ =	swait.ge [sflag:s31], $0x1000  }
0x3b8: {  	[sflag:s31] =	ssyncset.done $0x0  }
0x3b9: {  	[sflag:s31] =	ssyncadd.s32 $0xFFFFF000  }
0x3ba: {  	[bflag:$0x0] =	sbarrier.arrive $0xFFFF  }
0x3bb: {  	_ =	strace $0x9000004D  }
0x3bc: {  	s0 =	simm.s32 $0x0;
	s8 =	simm.s32 $0x0;
	_ =	strace $0x8000004E  }
.LBB2_24:
0x3bd: {  	s10 =	sshll.u32 s8, $0xD;
	s15 =	rddreg [dreg:$0x18]  }
0x3be: {  	s15 =	sadd.s32 s15, s10  }
0x3bf: {  	s10 =	sadd.s32 s15, s3  }
0x3c0: {  	[tilespmem:s13], [sflag:$0x5] =	stream.linear.gather [spmem:s10], $0x2000, $0x200038;
	v63 =	vld [tilespmem:$0x0]  }
0x3c1: {  	_ =	swait.ge [sflag:s20], $0x2000  }
0x3c2: {  	s17 =	rddreg [dreg:$0x19];
	[sflag:s20] =	ssyncset.done $0x0  }
0x3c3: {  	s10 =	sadd.s32 s17, s15;
	[sflag:s20] =	ssyncadd.s32 $0xFFFFE000  }
0x3c4: {  	s10 =	sshrl.u32 s10, $0x3;
	s16 =	rddreg [dreg:$0x6]  }
0x3c5: {  	s16 =	sadd.s32 s10, s16  }
0x3c6: {  	[tilespmem:s9], [sflag:$0x5] =	stream.linear.gather [hbm4b:s16+s0], $0x2000, $0x200038;
	v63 =	vld [tilespmem:$0x0]  }
0x3c7: {  	_ =	swait.ge [sflag:s20], $0x2000  }
0x3c8: {  	[sflag:s20] =	ssyncset.done $0x0  }
0x3c9: {  	[sflag:s20] =	ssyncadd.s32 $0xFFFFE000  }
0x3ca: {  	s18 =	rddreg [dreg:$0x5]  }
0x3cb: {  	s16 =	sadd.s32 s10, s18  }
0x3cc: {  	[tilespmem:s23], [sflag:$0x5] =	stream.linear.gather [hbm4b:s16+s0], $0x2000, $0x200038;
	v63 =	vld [tilespmem:$0x0]  }
0x3cd: {  	_ =	swait.ge [sflag:s20], $0x2000  }
0x3ce: {  	[sflag:s20] =	ssyncset.done $0x0  }
0x3cf: {  	s17 =	simm.s32 $0x0;
	[sflag:s20] =	ssyncadd.s32 $0xFFFFE000  }
0x3d0: {  	v8 =	vld [tilespmem:s17+$0x1E000]  }
0x3d1: {  	v10 =	vld [tilespmem:s17+$0x18000]  }
0x3d2: {  	v14 =	vld [tilespmem:s17+$0x18010]  }
0x3d3: {  	v7 =	vld [tilespmem:s17+$0x18020]  }
0x3d4: {  	v5 =	vld [tilespmem:s17+$0x18030]  }
0x3d5: {  	v3 =	vld [tilespmem:s17+$0x1E080]  }
0x3d6: {  	v6 =	vld [tilespmem:s17+$0x18080]  }
0x3d7: {  	v4 =	vld [tilespmem:s17+$0x18090]  }
0x3d8: {  	v2 =	vld [tilespmem:s17+$0x180A0]  }
0x3d9: {  	v1 =	vld [tilespmem:s17+$0x180B0]  }
0x3da: {  	v15 =	vld [tilespmem:s17+$0x16000]  }
0x3db: {  	v16 =	vld [tilespmem:s17+$0x16010]  }
0x3dc: {  	v13 =	vld [tilespmem:s17+$0x16020]  }
0x3dd: {  	v12 =	vld [tilespmem:s17+$0x16030]  }
0x3de: {  	v11 =	vld [tilespmem:s17+$0x16080]  }
0x3df: {  	v9 =	vld [tilespmem:s17+$0x16090];
	v15 =	vsub.f32 v10, v15;
	v10 =	vmul.f32 v8, v8  }
0x3e0: {  	s10 =	simm.s32 $0x400;
	v14 =	vsub.f32 v14, v16;
	v8 =	vld [tilespmem:s17+$0x160A0]  }
.LBB2_25:
0x3e1: {  	s18 =	sshra.s32 s10, $0x2;
	p0 =	sne.s32 s10, $0x7C00;
	v15 =	vmul.f32 v15, v10;
	v7 =	vsub.f32 v7, v13;
	v13 =	vld [tilespmem:s17+$0x160B0]  }
0x3e2: {  	v16 =	vld [tilespmem:s18+$0x1E000];
	v14 =	vmul.f32 v14, v10;
	v5 =	vsub.f32 v5, v12  }
0x3e3: {  	v17 =	vld [tilespmem:s18+$0x18000];
	[tilespmem:s17+$0x16000] =	vst v15;
	v12 =	vmul.f32 v7, v10;
	v15 =	vmul.f32 v3, v3;
	v3 =	vsub.f32 v6, v11  }
0x3e4: {  	v18 =	vld [tilespmem:s18+$0x18010];
	[tilespmem:s17+$0x16010] =	vst v14;
	v6 =	vmul.f32 v5, v10;
	v4 =	vsub.f32 v4, v9  }
0x3e5: {  	v7 =	vld [tilespmem:s18+$0x18020];
	[tilespmem:s17+$0x16020] =	vst v12;
	v9 =	vmul.f32 v3, v15;
	v2 =	vsub.f32 v2, v8  }
0x3e6: {  	v5 =	vld [tilespmem:s18+$0x18030];
	[tilespmem:s17+$0x16030] =	vst v6;
	v4 =	vmul.f32 v4, v15;
	v1 =	vsub.f32 v1, v13  }
0x3e7: {  	v3 =	vld [tilespmem:s18+$0x1E080];
	[tilespmem:s17+$0x16080] =	vst v9;
	v2 =	vmul.f32 v2, v15  }
0x3e8: {  	v6 =	vld [tilespmem:s18+$0x18080];
	[tilespmem:s17+$0x16090] =	vst v4;
	v1 =	vmul.f32 v1, v15  }
0x3e9: {  	v4 =	vld [tilespmem:s18+$0x18090];
	[tilespmem:s17+$0x160A0] =	vst v2  }
0x3ea: {  	v2 =	vld [tilespmem:s18+$0x180A0];
	[tilespmem:s17+$0x160B0] =	vst v1;
	s17 =	smov.u32 s18  }
0x3eb: {  	v1 =	vld [tilespmem:s17+$0x180B0]  }
0x3ec: {  	v8 =	vld [tilespmem:s17+$0x16000]  }
0x3ed: {  	v14 =	vld [tilespmem:s17+$0x16010]  }
.Ltmp11:
0x3ee: {  	v13 =	vld [tilespmem:s17+$0x16020];
	(pc) =	sbr.rel @p0 .LBB2_25-.Ltmp11, $4  }
0x3ef: {  	v12 =	vld [tilespmem:s17+$0x16030]  }
0x3f0: {  	v11 =	vld [tilespmem:s17+$0x16080]  }
0x3f1: {  	v10 =	vmul.f32 v16, v16;
	v15 =	vsub.f32 v17, v8;
	v9 =	vld [tilespmem:s17+$0x16090]  }
0x3f2: {  	s10 =	sadd.s32 $0x400, s10;
	v14 =	vsub.f32 v18, v14;
	v8 =	vld [tilespmem:s17+$0x160A0]  }
0x3f3: {  	v15 =	vmul.f32 v15, v10;
	v7 =	vsub.f32 v7, v13;
	v62 =	vld [tilespmem:s17+$0x160B0]  }
0x3f4: {  	v14 =	vmul.f32 v14, v10;
	v5 =	vsub.f32 v5, v12  }
0x3f5: {  	v3 =	vmul.f32 v3, v3;
	[tilespmem:s17+$0x16000] =	vst v15;
	v7 =	vmul.f32 v7, v10;
	v6 =	vsub.f32 v6, v11  }
0x3f6: {  	[tilespmem:s17+$0x16010] =	vst v14;
	v5 =	vmul.f32 v5, v10;
	v4 =	vsub.f32 v4, v9  }
0x3f7: {  	[tilespmem:s17+$0x16020] =	vst v7;
	v6 =	vmul.f32 v6, v3;
	v2 =	vsub.f32 v2, v8  }
0x3f8: {  	[tilespmem:s17+$0x16030] =	vst v5;
	v4 =	vmul.f32 v4, v3;
	v1 =	vsub.f32 v1, v62  }
0x3f9: {  	[tilespmem:s17+$0x16080] =	vst v6;
	v2 =	vmul.f32 v2, v3  }
0x3fa: {  	[tilespmem:s17+$0x16090] =	vst v4;
	v1 =	vmul.f32 v1, v3  }
0x3fb: {  	[tilespmem:s17+$0x160A0] =	vst v2  }
0x3fc: {  	s10 =	sadd.s32 s15, s2;
	[tilespmem:s17+$0x160B0] =	vst v1  }
0x3fd: {  	[spmem:s10] =	stream.linear.scatter [tilespmem:s23], [sflag:$0x5], $0x2000, $0x200038;
	v63 =	vld [tilespmem:$0x0]  }
0x3fe: {  	s8 =	sadd.s32 $0x1, s8;
	_ =	swait.ge [sflag:s20], $0x2000  }
0x3ff: {  	p0 =	sne.s32 s8, $0xA;
	[sflag:s20] =	ssyncset.done $0x0  }
.Ltmp12:
0x400: {  	[sflag:s20] =	ssyncadd.s32 $0xFFFFE000;
	(pc) =	sbr.rel @p0 .LBB2_24-.Ltmp12, $4  }
0x401: {  	[hbm4b:s16+s6] =	stream.linear.scatter [tilespmem:s13], [sflag:$0x5], $0x2000, $0x200038;
	v63 =	vld [tilespmem:$0x0]  }
0x402: {  	_ =	swait.ge [sflag:s20], $0x2000  }
0x403: {  	[sflag:s20] =	ssyncset.done $0x0  }
0x404: {  	[sflag:s20] =	ssyncadd.s32 $0xFFFFE000  }
0x405: {  	[bflag:$0x0] =	sbarrier.arrive $0xFFFF  }
0x406: {  	_ =	strace $0x9000004E  }
0x407: {  	_ =	strace $0x8000004F  }
0x408: {  	s0 =	simm.s32 $0x0;
	s8 =	simm.s32 $0x0;
	s17 =	rddreg [dreg:$0x13]  }
.LBB2_28:
0x409: {  	s10 =	sshll.u32 s8, $0xC;
	s15 =	rddreg [dreg:$0x17]  }
0x40a: {  	s10 =	sadd.s32 s15, s10  }
0x40b: {  	s10 =	sshrl.u32 s10, $0x3  }
0x40c: {  	s18 =	sadd.s32 s17, s10  }
0x40d: {  	[tilespmem:s11], [sflag:$0x5] =	stream.linear.gather [hbm4b:s18+s0], $0x1000, $0x200038;
	v63 =	vld [tilespmem:$0x0]  }
0x40e: {  	_ =	swait.ge [sflag:s20], $0x1000  }
0x40f: {  	[sflag:s20] =	ssyncset.done $0x0;
	s16 =	rddreg [dreg:$0x14]  }
0x410: {  	[sflag:s20] =	ssyncadd.s32 $0xFFFFF000;
	s10 =	sadd.s32 s16, s10  }
0x411: {  	[tilespmem:s7], [sflag:$0x5] =	stream.linear.gather [hbm4b:s10+s0], $0x1000, $0x200038;
	v63 =	vld [tilespmem:$0x0]  }
0x412: {  	_ =	swait.ge [sflag:s20], $0x1000  }
0x413: {  	[sflag:s20] =	ssyncset.done $0x0  }
0x414: {  	[sflag:s20] =	ssyncadd.s32 $0xFFFFF000  }
0x415: {  	[tilespmem:s23], [sflag:$0x5] =	stream.indirect.gather [spmem:s2], $0x40, s11, s22, $0x2000b8;
	v63 =	vld [tilespmem:$0x0]  }
0x416: {  	_ =	swait.ge [sflag:s20], $0x1000  }
0x417: {  	[sflag:s20] =	ssyncset.done $0x0  }
0x418: {  	[sflag:s20] =	ssyncadd.s32 $0xFFFFF000  }
0x419: {  	[spmem:s3] =	stream.indirect.scatter.add.f32 [tilespmem:s23], [sflag:$0x1], $0x40, s7, s22, $0x2000b8;
	v63 =	vld [tilespmem:$0x0]  }
0x41a: {  	_ = 	snop  }
0x41b: {  	[tilespmem:s13], [sflag:$0x5] =	stream.indirect.gather [spmem:s2], $0x40, s19, s22, $0x2000b8;
	v63 =	vld [tilespmem:$0x0]  }
0x41c: {  	_ =	swait.ge [sflag:s20], $0x1000  }
0x41d: {  	[sflag:s20] =	ssyncset.done $0x0  }
0x41e: {  	[sflag:s20] =	ssyncadd.s32 $0xFFFFF000  }
0x41f: {  	[spmem:s3] =	stream.indirect.scatter.add.f32 [tilespmem:s13], [sflag:$0x2], $0x40, s1, s22, $0x2000b8;
	v63 =	vld [tilespmem:$0x0]  }
0x420: {  	_ = 	snop  }
0x421: {  	[tilespmem:s14], [sflag:$0x5] =	stream.indirect.gather [spmem:s2], $0x40, s21, s22, $0x2000b8;
	v63 =	vld [tilespmem:$0x0]  }
0x422: {  	_ =	swait.ge [sflag:s20], $0x1000  }
0x423: {  	[sflag:s20] =	ssyncset.done $0x0  }
0x424: {  	[sflag:s20] =	ssyncadd.s32 $0xFFFFF000  }
0x425: {  	[spmem:s3] =	stream.indirect.scatter.add.f32 [tilespmem:s14], [sflag:$0x3], $0x40, s4, s22, $0x2000b8;
	v63 =	vld [tilespmem:$0x0]  }
0x426: {  	_ = 	snop  }
0x427: {  	[tilespmem:s28], [sflag:$0x5] =	stream.indirect.gather [spmem:s2], $0x40, s24, s22, $0x2000b8;
	v63 =	vld [tilespmem:$0x0]  }
0x428: {  	_ =	swait.ge [sflag:s20], $0x1000  }
0x429: {  	[sflag:s20] =	ssyncset.done $0x0  }
0x42a: {  	[sflag:s20] =	ssyncadd.s32 $0xFFFFF000  }
0x42b: {  	[spmem:s3] =	stream.indirect.scatter.add.f32 [tilespmem:s28], [sflag:$0x4], $0x40, s5, s22, $0x2000b8;
	v63 =	vld [tilespmem:$0x0]  }
0x42c: {  	_ =	swait.ge [sflag:s12], $0x1000  }
0x42d: {  	[sflag:s12] =	ssyncset.done $0x0  }
0x42e: {  	s18 =	simm.s32 $0x14200;
	[sflag:s12] =	ssyncadd.s32 $0xFFFFF000  }
0x42f: {  	[tilespmem:s23], [sflag:$0x5] =	stream.indirect.gather [spmem:s2], $0x40, s18, s22, $0x2000b8;
	v63 =	vld [tilespmem:$0x0]  }
0x430: {  	_ =	swait.ge [sflag:s20], $0x1000  }
0x431: {  	[sflag:s20] =	ssyncset.done $0x0  }
0x432: {  	s15 =	simm.s32 $0x15200;
	[sflag:s20] =	ssyncadd.s32 $0xFFFFF000  }
0x433: {  	[spmem:s3] =	stream.indirect.scatter.add.f32 [tilespmem:s23], [sflag:$0x1], $0x40, s15, s22, $0x2000b8;
	v63 =	vld [tilespmem:$0x0]  }
0x434: {  	_ =	swait.ge [sflag:s29], $0x1000  }
0x435: {  	[sflag:s29] =	ssyncset.done $0x0  }
0x436: {  	s16 =	simm.s32 $0x14280;
	[sflag:s29] =	ssyncadd.s32 $0xFFFFF000  }
0x437: {  	[tilespmem:s13], [sflag:$0x5] =	stream.indirect.gather [spmem:s2], $0x40, s16, s22, $0x2000b8;
	v63 =	vld [tilespmem:$0x0]  }
0x438: {  	_ =	swait.ge [sflag:s20], $0x1000  }
0x439: {  	[sflag:s20] =	ssyncset.done $0x0  }
0x43a: {  	s18 =	simm.s32 $0x15280;
	[sflag:s20] =	ssyncadd.s32 $0xFFFFF000  }
0x43b: {  	[spmem:s3] =	stream.indirect.scatter.add.f32 [tilespmem:s13], [sflag:$0x2], $0x40, s18, s22, $0x2000b8;
	v63 =	vld [tilespmem:$0x0]  }
0x43c: {  	_ =	swait.ge [sflag:s30], $0x1000  }
0x43d: {  	[sflag:s30] =	ssyncset.done $0x0  }
0x43e: {  	s15 =	simm.s32 $0x14300;
	[sflag:s30] =	ssyncadd.s32 $0xFFFFF000  }
0x43f: {  	[tilespmem:s14], [sflag:$0x5] =	stream.indirect.gather [spmem:s2], $0x40, s15, s22, $0x2000b8;
	v63 =	vld [tilespmem:$0x0]  }
0x440: {  	_ =	swait.ge [sflag:s20], $0x1000  }
0x441: {  	[sflag:s20] =	ssyncset.done $0x0  }
0x442: {  	s16 =	simm.s32 $0x15300;
	[sflag:s20] =	ssyncadd.s32 $0xFFFFF000  }
0x443: {  	[spmem:s3] =	stream.indirect.scatter.add.f32 [tilespmem:s14], [sflag:$0x3], $0x40, s16, s22, $0x2000b8;
	v63 =	vld [tilespmem:$0x0]  }
0x444: {  	_ =	swait.ge [sflag:s31], $0x1000  }
0x445: {  	[sflag:s31] =	ssyncset.done $0x0  }
0x446: {  	s18 =	simm.s32 $0x14380;
	[sflag:s31] =	ssyncadd.s32 $0xFFFFF000  }
0x447: {  	[tilespmem:s28], [sflag:$0x5] =	stream.indirect.gather [spmem:s2], $0x40, s18, s22, $0x2000b8;
	v63 =	vld [tilespmem:$0x0]  }
0x448: {  	_ =	swait.ge [sflag:s20], $0x1000  }
0x449: {  	[sflag:s20] =	ssyncset.done $0x0  }
0x44a: {  	s10 =	simm.s32 $0x15380;
	s15 =	simm.s32 $0x800;
	[sflag:s20] =	ssyncadd.s32 $0xFFFFF000  }
.LBB2_29:
0x44b: {  	[spmem:s3] =	stream.indirect.scatter.add.f32 [tilespmem:s28], [sflag:$0x4], $0x40, s10, s22, $0x2000b8;
	v63 =	vld [tilespmem:$0x0]  }
0x44c: {  	s10 =	smov.u32 s15  }
0x44d: {  	p0 =	sne.s32 s15, $0x3000;
	s15 =	sadd.s32 $0x800, s15;
	_ =	swait.ge [sflag:s12], $0x1000  }
0x44e: {  	s10 =	sshra.s32 s10, $0x2;
	[sflag:s12] =	ssyncset.done $0x0  }
0x44f: {  	s16 =	sadd.s32 $0x14200, s10;
	[sflag:s12] =	ssyncadd.s32 $0xFFFFF000  }
0x450: {  	[tilespmem:s23], [sflag:$0x5] =	stream.indirect.gather [spmem:s2], $0x40, s16, s22, $0x2000b8;
	v63 =	vld [tilespmem:$0x0]  }
0x451: {  	_ =	swait.ge [sflag:s20], $0x1000  }
0x452: {  	[sflag:s20] =	ssyncset.done $0x0  }
0x453: {  	s16 =	sadd.s32 $0x15200, s10;
	[sflag:s20] =	ssyncadd.s32 $0xFFFFF000  }
0x454: {  	[spmem:s3] =	stream.indirect.scatter.add.f32 [tilespmem:s23], [sflag:$0x1], $0x40, s16, s22, $0x2000b8;
	v63 =	vld [tilespmem:$0x0]  }
0x455: {  	_ =	swait.ge [sflag:s29], $0x1000  }
0x456: {  	[sflag:s29] =	ssyncset.done $0x0  }
0x457: {  	s16 =	sadd.s32 $0x14280, s10;
	[sflag:s29] =	ssyncadd.s32 $0xFFFFF000  }
0x458: {  	[tilespmem:s13], [sflag:$0x5] =	stream.indirect.gather [spmem:s2], $0x40, s16, s22, $0x2000b8;
	v63 =	vld [tilespmem:$0x0]  }
0x459: {  	_ =	swait.ge [sflag:s20], $0x1000  }
0x45a: {  	[sflag:s20] =	ssyncset.done $0x0  }
0x45b: {  	s16 =	sadd.s32 $0x15280, s10;
	[sflag:s20] =	ssyncadd.s32 $0xFFFFF000  }
0x45c: {  	[spmem:s3] =	stream.indirect.scatter.add.f32 [tilespmem:s13], [sflag:$0x2], $0x40, s16, s22, $0x2000b8;
	v63 =	vld [tilespmem:$0x0]  }
0x45d: {  	_ =	swait.ge [sflag:s30], $0x1000  }
0x45e: {  	[sflag:s30] =	ssyncset.done $0x0  }
0x45f: {  	s16 =	sadd.s32 $0x14300, s10;
	[sflag:s30] =	ssyncadd.s32 $0xFFFFF000  }
0x460: {  	[tilespmem:s14], [sflag:$0x5] =	stream.indirect.gather [spmem:s2], $0x40, s16, s22, $0x2000b8;
	v63 =	vld [tilespmem:$0x0]  }
0x461: {  	_ =	swait.ge [sflag:s20], $0x1000  }
0x462: {  	[sflag:s20] =	ssyncset.done $0x0  }
0x463: {  	s16 =	sadd.s32 $0x15300, s10;
	[sflag:s20] =	ssyncadd.s32 $0xFFFFF000  }
0x464: {  	[spmem:s3] =	stream.indirect.scatter.add.f32 [tilespmem:s14], [sflag:$0x3], $0x40, s16, s22, $0x2000b8;
	v63 =	vld [tilespmem:$0x0]  }
0x465: {  	_ =	swait.ge [sflag:s31], $0x1000  }
0x466: {  	[sflag:s31] =	ssyncset.done $0x0  }
.Ltmp13:
0x467: {  	s16 =	sadd.s32 $0x14380, s10;
	[sflag:s31] =	ssyncadd.s32 $0xFFFFF000;
	(pc) =	sbr.rel @p0 .LBB2_29-.Ltmp13, $4  }
0x468: {  	[tilespmem:s28], [sflag:$0x5] =	stream.indirect.gather [spmem:s2], $0x40, s16, s22, $0x2000b8;
	v63 =	vld [tilespmem:$0x0]  }
0x469: {  	_ =	swait.ge [sflag:s20], $0x1000  }
0x46a: {  	[sflag:s20] =	ssyncset.done $0x0  }
0x46b: {  	s10 =	sadd.s32 $0x15380, s10;
	[sflag:s20] =	ssyncadd.s32 $0xFFFFF000  }
0x46c: {  	[spmem:s3] =	stream.indirect.scatter.add.f32 [tilespmem:s28], [sflag:$0x4], $0x40, s10, s22, $0x2000b8;
	v63 =	vld [tilespmem:$0x0]  }
0x46d: {  	_ =	swait.ge [sflag:s12], $0x1000  }
0x46e: {  	[sflag:s12] =	ssyncset.done $0x0  }
0x46f: {  	[sflag:s12] =	ssyncadd.s32 $0xFFFFF000  }
0x470: {  	_ =	swait.ge [sflag:s29], $0x1000  }
0x471: {  	[sflag:s29] =	ssyncset.done $0x0  }
0x472: {  	s8 =	sadd.s32 $0x1, s8;
	[sflag:s29] =	ssyncadd.s32 $0xFFFFF000  }
0x473: {  	p0 =	sne.s32 s8, $0xA;
	_ =	swait.ge [sflag:s30], $0x1000  }
.Ltmp14:
0x474: {  	[sflag:s30] =	ssyncset.done $0x0;
	(pc) =	sbr.rel @p0 .LBB2_28-.Ltmp14, $4  }
0x475: {  	[sflag:s30] =	ssyncadd.s32 $0xFFFFF000  }
0x476: {  	_ =	swait.ge [sflag:s31], $0x1000  }
0x477: {  	[sflag:s31] =	ssyncset.done $0x0  }
0x478: {  	[sflag:s31] =	ssyncadd.s32 $0xFFFFF000  }
0x479: {  	[bflag:$0x0] =	sbarrier.arrive $0xFFFF  }
0x47a: {  	_ =	strace $0x9000004F  }
0x47b: {  	s0 =	simm.s32 $0x0;
	s8 =	simm.s32 $0x0;
	_ =	strace $0x80000050  }
.LBB2_32:
0x47c: {  	s10 =	sshll.u32 s8, $0xD;
	s15 =	rddreg [dreg:$0x18]  }
0x47d: {  	s15 =	sadd.s32 s15, s10  }
0x47e: {  	s10 =	sadd.s32 s15, s3  }
0x47f: {  	[tilespmem:s13], [sflag:$0x5] =	stream.linear.gather [spmem:s10], $0x2000, $0x200038;
	v63 =	vld [tilespmem:$0x0]  }
0x480: {  	_ =	swait.ge [sflag:s20], $0x2000  }
0x481: {  	s19 =	rddreg [dreg:$0x19];
	[sflag:s20] =	ssyncset.done $0x0  }
0x482: {  	s10 =	sadd.s32 s19, s15;
	[sflag:s20] =	ssyncadd.s32 $0xFFFFE000  }
0x483: {  	s16 =	sshrl.u32 s10, $0x3;
	s21 =	rddreg [dreg:$0x6]  }
0x484: {  	s10 =	sadd.s32 s16, s21  }
0x485: {  	[tilespmem:s9], [sflag:$0x5] =	stream.linear.gather [hbm4b:s10+s0], $0x2000, $0x200038;
	v63 =	vld [tilespmem:$0x0]  }
0x486: {  	_ =	swait.ge [sflag:s20], $0x2000  }
0x487: {  	[sflag:s20] =	ssyncset.done $0x0  }
0x488: {  	[sflag:s20] =	ssyncadd.s32 $0xFFFFE000  }
0x489: {  	s24 =	rddreg [dreg:$0x1]  }
0x48a: {  	s10 =	sadd.s32 s24, s16  }
0x48b: {  	[tilespmem:s23], [sflag:$0x5] =	stream.linear.gather [hbm4b:s10+s0], $0x2000, $0x200038;
	v63 =	vld [tilespmem:$0x0]  }
0x48c: {  	_ =	swait.ge [sflag:s20], $0x2000  }
0x48d: {  	[sflag:s20] =	ssyncset.done $0x0  }
0x48e: {  	s17 =	simm.s32 $0x0;
	[sflag:s20] =	ssyncadd.s32 $0xFFFFE000  }
0x48f: {  	v7 =	vld [tilespmem:s17+$0x16000]  }
0x490: {  	v6 =	vld [tilespmem:s17+$0x16010]  }
0x491: {  	v5 =	vld [tilespmem:s17+$0x16020]  }
0x492: {  	v3 =	vld [tilespmem:s17+$0x16030]  }
0x493: {  	v2 =	vld [tilespmem:s17+$0x16080]  }
0x494: {  	v1 =	vld [tilespmem:s17+$0x16090]  }
0x495: {  	v8 =	vld [tilespmem:s17+$0x1E000]  }
0x496: {  	v4 =	vld [tilespmem:s17+$0x1E080]  }
0x497: {  	v9 =	vld [tilespmem:s17+$0x18000]  }
0x498: {  	v14 =	vld [tilespmem:s17+$0x18010]  }
0x499: {  	v13 =	vld [tilespmem:s17+$0x18020]  }
0x49a: {  	v12 =	vld [tilespmem:s17+$0x18030]  }
0x49b: {  	v11 =	vld [tilespmem:s17+$0x18080]  }
0x49c: {  	v10 =	vld [tilespmem:s17+$0x18090];
	v15 =	vmul.f32 v9, v8  }
0x49d: {  	s10 =	simm.s32 $0x400;
	v14 =	vmul.f32 v14, v8;
	v9 =	vld [tilespmem:s17+$0x180A0]  }
.LBB2_33:
0x49e: {  	p0 =	sne.s32 s10, $0x7C00;
	v7 =	vadd.f32 v15, v7;
	v13 =	vmul.f32 v13, v8;
	v15 =	vld [tilespmem:s17+$0x180B0]  }
0x49f: {  	v6 =	vadd.f32 v14, v6;
	v8 =	vmul.f32 v12, v8;
	v12 =	vld [tilespmem:s17+$0x160A0]  }
0x4a0: {  	s18 =	sshra.s32 s10, $0x2;
	[tilespmem:s17+$0x18000] =	vst v7;
	v5 =	vadd.f32 v13, v5;
	v11 =	vmul.f32 v11, v4;
	v13 =	vld [tilespmem:s17+$0x160B0]  }
0x4a1: {  	v7 =	vld [tilespmem:s18+$0x16000];
	[tilespmem:s17+$0x18010] =	vst v6;
	v3 =	vadd.f32 v8, v3;
	v8 =	vmul.f32 v10, v4  }
0x4a2: {  	v6 =	vld [tilespmem:s18+$0x16010];
	[tilespmem:s17+$0x18020] =	vst v5;
	v2 =	vadd.f32 v11, v2;
	v9 =	vmul.f32 v9, v4  }
0x4a3: {  	v5 =	vld [tilespmem:s18+$0x16020];
	[tilespmem:s17+$0x18030] =	vst v3;
	v1 =	vadd.f32 v8, v1;
	v4 =	vmul.f32 v15, v4  }
0x4a4: {  	v3 =	vld [tilespmem:s18+$0x16030];
	[tilespmem:s17+$0x18080] =	vst v2;
	v8 =	vadd.f32 v9, v12  }
0x4a5: {  	v2 =	vld [tilespmem:s18+$0x16080];
	[tilespmem:s17+$0x18090] =	vst v1;
	v4 =	vadd.f32 v4, v13  }
0x4a6: {  	v1 =	vld [tilespmem:s18+$0x16090];
	[tilespmem:s17+$0x180A0] =	vst v8  }
0x4a7: {  	v8 =	vld [tilespmem:s18+$0x1E000];
	[tilespmem:s17+$0x180B0] =	vst v4;
	s17 =	smov.u32 s18  }
0x4a8: {  	v4 =	vld [tilespmem:s17+$0x1E080]  }
0x4a9: {  	v9 =	vld [tilespmem:s17+$0x18000]  }
0x4aa: {  	v14 =	vld [tilespmem:s17+$0x18010]  }
.Ltmp15:
0x4ab: {  	v13 =	vld [tilespmem:s17+$0x18020];
	(pc) =	sbr.rel @p0 .LBB2_33-.Ltmp15, $4  }
0x4ac: {  	v12 =	vld [tilespmem:s17+$0x18030]  }
0x4ad: {  	v11 =	vld [tilespmem:s17+$0x18080]  }
0x4ae: {  	v15 =	vmul.f32 v9, v8;
	v10 =	vld [tilespmem:s17+$0x18090]  }
0x4af: {  	s10 =	sadd.s32 $0x400, s10;
	v14 =	vmul.f32 v14, v8;
	v9 =	vld [tilespmem:s17+$0x180A0]  }
0x4b0: {  	v7 =	vadd.f32 v15, v7;
	v57 =	vld [tilespmem:s17+$0x180B0];
	v13 =	vmul.f32 v13, v8  }
0x4b1: {  	v16 =	vld [tilespmem:s17+$0x160A0];
	v6 =	vadd.f32 v14, v6;
	v58 =	vmul.f32 v12, v8  }
0x4b2: {  	v60 =	vld [tilespmem:s17+$0x160B0];
	[tilespmem:s17+$0x18000] =	vst v7;
	v5 =	vadd.f32 v13, v5;
	v59 =	vmul.f32 v11, v4  }
0x4b3: {  	[tilespmem:s17+$0x18010] =	vst v6;
	v3 =	vadd.f32 v58, v3;
	v61 =	vmul.f32 v10, v4  }
0x4b4: {  	[tilespmem:s17+$0x18020] =	vst v5;
	v2 =	vadd.f32 v59, v2;
	v62 =	vmul.f32 v9, v4  }
0x4b5: {  	[tilespmem:s17+$0x18030] =	vst v3;
	v1 =	vadd.f32 v61, v1;
	v3 =	vmul.f32 v57, v4  }
0x4b6: {  	[tilespmem:s17+$0x18080] =	vst v2;
	v2 =	vadd.f32 v62, v16  }
0x4b7: {  	[tilespmem:s17+$0x18090] =	vst v1;
	v1 =	vadd.f32 v3, v60  }
0x4b8: {  	s10 =	rddreg [dreg:$0x16];
	[tilespmem:s17+$0x180A0] =	vst v2  }
0x4b9: {  	s10 =	sadd.s32 s10, s16;
	[tilespmem:s17+$0x180B0] =	vst v1  }
0x4ba: {  	[hbm4b:s10+s6] =	stream.linear.scatter [tilespmem:s13], [sflag:$0x5], $0x2000, $0x200038;
	v63 =	vld [tilespmem:$0x0]  }
0x4bb: {  	s8 =	sadd.s32 $0x1, s8;
	_ =	swait.ge [sflag:s20], $0x2000  }
0x4bc: {  	p0 =	sne.s32 s8, $0xA;
	[sflag:s20] =	ssyncset.done $0x0  }
.Ltmp16:
0x4bd: {  	s24 =	sadd.s32 s15, s2;
	[sflag:s20] =	ssyncadd.s32 $0xFFFFE000;
	(pc) =	sbr.rel @p0 .LBB2_32-.Ltmp16, $4  }
0x4be: {  	[spmem:s24] =	stream.linear.scatter [tilespmem:s13], [sflag:$0x5], $0x2000, $0x200038;
	v63 =	vld [tilespmem:$0x0]  }
0x4bf: {  	_ =	swait.ge [sflag:s20], $0x2000  }
0x4c0: {  	[sflag:s20] =	ssyncset.done $0x0  }
0x4c1: {  	[sflag:s20] =	ssyncadd.s32 $0xFFFFE000  }
0x4c2: {  	[bflag:$0x0] =	sbarrier.arrive $0xFFFF  }
0x4c3: {  	_ =	strace $0x90000050  }
0x4c4: {  	s0 =	rddreg [dreg:$0x1a]  }
0x4c5: {  	[tilespmem:s11], [sflag:$0x5] =	stream.linear.gather [hbm4b:s0+s6], $0x40, $0x38;
	v63 =	vld [tilespmem:$0x0]  }
0x4c6: {  	_ =	swait.ge [sflag:s20], $0x40  }
0x4c7: {  	[sflag:s20] =	ssyncset.done $0x0  }
0x4c8: {  	[sflag:s20] =	ssyncadd.s32 $0xFFFFFFC0  }
0x4c9: {  	[tilespmem:s13], [sflag:$0x5] =	stream.indirect.gather [spmem:s2], $0x40, s11, s22, $0xb8;
	v63 =	vld [tilespmem:$0x0]  }
0x4ca: {  	_ =	swait.ge [sflag:s20], $0x1000  }
0x4cb: {  	[sflag:s20] =	ssyncset.done $0x0  }
0x4cc: {  	s21 =	rddreg [dreg:$0x1b];
	[sflag:s20] =	ssyncadd.s32 $0xFFFFF000  }
0x4cd: {  	[hbm4b:s21+s6] =	stream.linear.scatter [tilespmem:s13], [sflag:$0x5], $0x2000, $0x38;
	v63 =	vld [tilespmem:$0x0]  }
0x4ce: {  	_ =	swait.ge [sflag:s20], $0x2000  }
0x4cf: {  	s8 =	rddreg [dreg:$0x1f]  }
0x4d0: {  	s24 =	rddreg [dreg:$0x1c];
	s8 =	sadd.s32 $0x1, s8  }
0x4d1: {  	p0 =	sne.s32 s8, s24  }
.Ltmp17:
0x4d2: {  	_ = 	snop;
	(pc) =	sbr.rel @p0 .LBB2_1-.Ltmp17, $3  }
0x4d3: {  	_ =	sdelay $0x1  }
0x4d4: {  	[sflag:s20] =	ssyncset.done $0x0  }
0x4d5: {  	s17 =	simm.s32 $0x15700;
	s18 =	simm.s32 $0x15800;
	[sflag:s20] =	ssyncadd.s32 $0xFFFFE000  }
0x4d6: {  	_ =	sfence.sel $0x180000  }
0x4d7: {  	[bflag:$0x0] =	sbarrier.arrive $0xFFFF  }
0x4d8: {  	_ =	strace $0x90000047  }
0x4d9: {  	s0 =	stileid.u32;
	[bflag:$0x2] =	sbarrier.arrive $0xFFFF  }
0x4da: {  	p0 =	sne.s32 s0, $0x0;
	s0 =	rddreg [dreg:$0x7]  }
0x4db: {  	s0 =	sadd.s32 @!p0 $0x100000, s0  }
0x4dc: {  	[sflag:s0] =	ssyncadd.tile.s32 @!p0 $0x1;
	_ =	shalt  }
.Lfunc_end2:
_tile_overlayer_lowered:
.L_overlay_start_2:
0x4dd: {  	(tag) =	ssettag $0x2  }
0x4de: {  	s0 =	rddreg [dreg:$0x0];
	s2 =	stileid.u32  }
0x4df: {  	s1 =	rddreg [dreg:$0x1];
	p0 =	sne.s32 s2, $0x0  }
0x4e0: {  	s3 =	rddreg [dreg:$0x2];
	[bflag:$0x3] =	sbarrier.arrive $0xFFFF;
	s2 =	simm.s32 @!p0 $0x1C05  }
0x4e1: {  	[timem:s3], [sflag:s2] =	dma.local @!p0 [hbm:s0], s1  }
0x4e2: {  	s0 =	simm.s32 @!p0 $0x5  }
0x4e3: {  	_ =	swait.ge @!p0 [sflag:s0], s1  }
0x4e4: {  	s1 =	ssub.s32 @!p0 $0x0, s1;
	[sflag:s0] =	ssyncset.done @!p0 $0x0  }
0x4e5: {  	[sflag:s0] =	ssyncadd.s32 @!p0 s1  }
0x4e6: {  	[bflag:$0x3] =	sbarrier.arrive $0xFFFF  }
0x4e7: {  	_ =	shalt  }

</sc_bundles>
